<compile_context>
chip_gen: v7x
topology: tpu7x:2x2x1
jax: 0.10.2.dev20260603
libtpu: 0.0.44.dev20260713+nightly
codegen_flags: <defaults>
</compile_context>

<pallas_src>
import functools

import jax
import jax.numpy as jnp
from jax import lax
from jax.experimental import pallas as pl
from jax.experimental.pallas import tpu as pltpu
from jax.experimental.pallas import tpu_sc as plsc

f32 = jnp.float32
i32 = jnp.int32

NP = 10000
NL = 128
D = 128
DO = 64
EC = 320000
EI = 10000

NCORE = 2
NSUB = 16
NW = NCORE * NSUB
NP_PAD = 10240
STRIPE = NP_PAD // NSUB
K = 128
NCH = 80
PW_EC = NCH * K
EC_PAD = PW_EC * NW
NBUF = 2
NGRP = NCH // NBUF
DH = D // 2
NCH2 = EC_PAD // (NSUB * K)
IRING = 4
NGRP4 = NCH2 // IRING
KI = 112
NCH_EI = 3
PW_EI = KI * NCH_EI
EI_PAD = PW_EI * NW
BFLAT = NP_PAD * D
BSTRIPE = BFLAT // NSUB
DUMMY_DST = NP_PAD - 1
DUMMY_ISP = 10200
RB = 1024
NBLK = NP_PAD // RB

_mesh = plsc.VectorSubcoreMesh(core_axis_name="core", subcore_axis_name="subcore")


@functools.partial(
    pl.kernel,
    mesh=_mesh,
    out_type=(
        jax.ShapeDtypeStruct((NCORE, NP_PAD), f32),
        jax.ShapeDtypeStruct((NCORE, BFLAT), f32),
    ),
    scratch_types=[
        pltpu.VMEM_SHARED((NP_PAD,), f32),
        pltpu.VMEM_SHARED((BFLAT,), f32),
        pltpu.VMEM((NCH, K), i32),
        pltpu.VMEM((NCH_EI, KI), i32),
        pltpu.VMEM((NCH_EI, KI), i32),
        pltpu.VMEM((NCH_EI, KI), i32),
        pltpu.VMEM((NCH, K), f32),
        pltpu.VMEM((NCH_EI, KI), f32),
        pltpu.SemaphoreType.DMA,
    ],
)
def _sc_prep(dst3_hbm, isrc3_hbm, idst3_hbm, onesa_hbm, onesb_hbm, z_hbm,
             deg_out, b_out, deg_sh, b_sh, idxd2, src2, dstl2, flat2,
             onesa_v, onesb_v, dsem):
    c = lax.axis_index("core")
    s = lax.axis_index("subcore")
    w = c * NSUB + s
    pltpu.sync_copy(z_hbm.at[pl.ds(s * BSTRIPE, BSTRIPE)],
                    b_sh.at[pl.ds(s * BSTRIPE, BSTRIPE)])
    pltpu.sync_copy(z_hbm.at[pl.ds(s * STRIPE, STRIPE)],
                    deg_sh.at[pl.ds(s * STRIPE, STRIPE)])
    pltpu.sync_copy(dst3_hbm.at[w], idxd2)
    pltpu.sync_copy(isrc3_hbm.at[w], src2)
    pltpu.sync_copy(idst3_hbm.at[w], dstl2)
    pltpu.sync_copy(onesa_hbm, onesa_v)
    pltpu.sync_copy(onesb_hbm, onesb_v)
    plsc.subcore_barrier()

    @pl.loop(0, NCH)
    def _deg_chunk(g):
        pltpu.async_copy(onesa_v.at[g], deg_sh.at[idxd2.at[g]], dsem, add=True)

    for q in range(NCH_EI):
        for j in range(KI // 16):
            sl = pl.ds(j * 16, 16)
            flat2[q, sl] = src2[q, sl] * D + dstl2[q, sl]
        pltpu.async_copy(onesb_v.at[q], b_sh.at[flat2.at[q]], dsem, add=True)

    @pl.loop(0, NCH)
    def _deg_drain(g):
        pltpu.make_async_copy(onesa_v.at[g], deg_sh.at[idxd2.at[g]], dsem).wait()
    for q in range(NCH_EI):
        pltpu.make_async_copy(onesb_v.at[q], b_sh.at[flat2.at[q]], dsem).wait()

    plsc.subcore_barrier()
    pltpu.sync_copy(deg_sh.at[pl.ds(s * STRIPE, STRIPE)],
                    deg_out.at[c, pl.ds(s * STRIPE, STRIPE)])
    pltpu.sync_copy(b_sh.at[pl.ds(s * BSTRIPE, BSTRIPE)],
                    b_out.at[c, pl.ds(s * BSTRIPE, BSTRIPE)])


@functools.partial(
    pl.kernel,
    mesh=_mesh,
    out_type=jax.ShapeDtypeStruct((NP_PAD, D), f32),
    compiler_params=pltpu.CompilerParams(use_tc_tiling_on_sc=False),
    scratch_types=[
        pltpu.VMEM_SHARED((NP_PAD, DH), f32),
        pltpu.VMEM_SHARED((NP_PAD, DH), f32),
        pltpu.VMEM((IRING, K), i32),
        pltpu.VMEM((IRING, K), i32),
        pltpu.VMEM((NBUF, K, DH), f32),
        pltpu.SemaphoreType.DMA,
        pltpu.SemaphoreType.DMA,
    ],
)
def _sc_spmm(x2_hbm, src3_hbm, dst3_hbm, zh_hbm, s_out,
             x_sh, acc_sh, idxs_rv, idxd_rv, rows_v, gsem, isem):
    c = lax.axis_index("core")
    s = lax.axis_index("subcore")
    r0 = s * STRIPE
    col0 = pl.multiple_of(c * DH, DH)
    pltpu.sync_copy(x2_hbm.at[pl.ds(r0, STRIPE), pl.ds(col0, DH)],
                    x_sh.at[pl.ds(r0, STRIPE)])
    pltpu.sync_copy(zh_hbm.at[pl.ds(r0, STRIPE)], acc_sh.at[pl.ds(r0, STRIPE)])
    plsc.subcore_barrier()

    def _wait_idx(g, t):
        pltpu.make_async_copy(src3_hbm.at[s, g], idxs_rv.at[t], isem).wait()
        pltpu.make_async_copy(dst3_hbm.at[s, g], idxd_rv.at[t], isem).wait()

    def _body(g, j, last, refill=True):
        if not last:
            _wait_idx(g + 1, (j + 1) % IRING)
            pltpu.async_copy(x_sh.at[idxs_rv.at[(j + 1) % IRING]],
                             rows_v.at[(j + 1) % 2], gsem)
        pltpu.make_async_copy(x_sh.at[idxs_rv.at[j]],
                              rows_v.at[j % 2], gsem).wait()
        pltpu.sync_copy(rows_v.at[j % 2], acc_sh.at[idxd_rv.at[j]], add=True)
        if refill:
            pltpu.async_copy(src3_hbm.at[s, g + IRING], idxs_rv.at[j], isem)
            pltpu.async_copy(dst3_hbm.at[s, g + IRING], idxd_rv.at[j], isem)

    for t in range(IRING):
        pltpu.async_copy(src3_hbm.at[s, t], idxs_rv.at[t], isem)
        pltpu.async_copy(dst3_hbm.at[s, t], idxd_rv.at[t], isem)
    _wait_idx(0, 0)
    pltpu.async_copy(x_sh.at[idxs_rv.at[0]], rows_v.at[0], gsem)

    @pl.loop(0, NGRP4 - 1)
    def _grp(q):
        g0 = q * IRING
        for j in range(IRING):
            _body(g0 + j, j, last=False)

    g0t = (NGRP4 - 1) * IRING
    for j in range(IRING):
        _body(g0t + j, j, last=(j == IRING - 1), refill=False)

    plsc.subcore_barrier()
    pltpu.sync_copy(acc_sh.at[pl.ds(r0, STRIPE)],
                    s_out.at[pl.ds(r0, STRIPE), pl.ds(col0, DH)])


def _dis_from_deg(degt):
    deg = degt[:, 0:1] + degt[:, 1:2] + 1.0
    return lax.rsqrt(deg)


def _tc_scale_body(degt_ref, xp_ref, xs_ref):
    xs_ref[...] = xp_ref[...] * _dis_from_deg(degt_ref[...])


_tc_scale = pl.pallas_call(
    _tc_scale_body,
    grid=(NBLK,),
    in_specs=[
        pl.BlockSpec((RB, 2), lambda i: (i, 0)),
        pl.BlockSpec((RB, D), lambda i: (i, 0)),
    ],
    out_specs=pl.BlockSpec((RB, D), lambda i: (i, 0)),
    out_shape=jax.ShapeDtypeStruct((NP_PAD, D), f32),
)


def _tc_layer1_body(sp_ref, degt_ref, xp_ref, bp_ref, xl_ref,
                    wg_ref, bg_ref, wrr_ref, brr_ref, wrt_ref,
                    wir_ref, bir_ref, wit_ref,
                    hp_ref, hps_ref, hl_ref, acc_ref):
    i = pl.program_id(0)
    sagg = sp_ref[...]
    dis = _dis_from_deg(degt_ref[...])
    xp = xp_ref[...]
    barr = bp_ref[...]
    b = barr[0] + barr[1]
    xl = xl_ref[...]

    ax = dis * sagg + (dis * dis) * xp
    gcn = jnp.dot(ax, wg_ref[...], preferred_element_type=f32) + bg_ref[...]
    rev_agg = jnp.dot(b, xl, preferred_element_type=f32)
    rev = (jnp.dot(rev_agg, wrr_ref[...], preferred_element_type=f32)
           + brr_ref[...]
           + jnp.dot(xp, wrt_ref[...], preferred_element_type=f32))
    hp = jnp.maximum(0.5 * (gcn + rev), 0.0)
    rows = lax.broadcasted_iota(i32, (RB, 1), 0) + i * RB
    hp = jnp.where(rows < NP, hp, 0.0)
    hp_ref[...] = hp
    hps_ref[...] = hp * dis

    @pl.when(i == 0)
    def _():
        acc_ref[...] = jnp.zeros_like(acc_ref)

    acc_ref[...] += lax.dot_general(b, xp, (((0,), (0,)), ((), ())),
                                    preferred_element_type=f32)

    @pl.when(i == NBLK - 1)
    def _():
        hl_ref[...] = jnp.maximum(
            jnp.dot(acc_ref[...], wir_ref[...], preferred_element_type=f32)
            + bir_ref[...]
            + jnp.dot(xl, wit_ref[...], preferred_element_type=f32), 0.0)


_tc_layer1 = pl.pallas_call(
    _tc_layer1_body,
    grid=(NBLK,),
    in_specs=[
        pl.BlockSpec((RB, D), lambda i: (i, 0)),
        pl.BlockSpec((RB, 2), lambda i: (i, 0)),
        pl.BlockSpec((RB, D), lambda i: (i, 0)),
        pl.BlockSpec((NCORE, RB, D), lambda i: (0, i, 0)),
        pl.BlockSpec((NL, D), lambda i: (0, 0)),
        pl.BlockSpec((D, D), lambda i: (0, 0)),
        pl.BlockSpec((1, D), lambda i: (0, 0)),
        pl.BlockSpec((D, D), lambda i: (0, 0)),
        pl.BlockSpec((1, D), lambda i: (0, 0)),
        pl.BlockSpec((D, D), lambda i: (0, 0)),
        pl.BlockSpec((D, D), lambda i: (0, 0)),
        pl.BlockSpec((1, D), lambda i: (0, 0)),
        pl.BlockSpec((D, D), lambda i: (0, 0)),
    ],
    out_specs=[
        pl.BlockSpec((RB, D), lambda i: (i, 0)),
        pl.BlockSpec((RB, D), lambda i: (i, 0)),
        pl.BlockSpec((NL, D), lambda i: (0, 0)),
    ],
    out_shape=(
        jax.ShapeDtypeStruct((NP_PAD, D), f32),
        jax.ShapeDtypeStruct((NP_PAD, D), f32),
        jax.ShapeDtypeStruct((NL, D), f32),
    ),
    scratch_shapes=[pltpu.VMEM((NL, D), f32)],
)


def _tc_layer2_body(sp_ref, degt_ref, hp_ref, bp_ref, hl_ref,
                    wg_ref, bg_ref, wrr_ref, brr_ref, wrt_ref,
                    wir_ref, bir_ref, wit_ref,
                    op_ref, ol_ref, acc_ref):
    i = pl.program_id(0)
    sagg = sp_ref[...]
    dis = _dis_from_deg(degt_ref[...])
    hp = hp_ref[...]
    barr = bp_ref[...]
    b = barr[0] + barr[1]
    hl = hl_ref[...]

    ax = dis * sagg + (dis * dis) * hp
    gcn = jnp.dot(ax, wg_ref[...], preferred_element_type=f32) + bg_ref[...]
    rev_agg = jnp.dot(b, hl, preferred_element_type=f32)
    rev = (jnp.dot(rev_agg, wrr_ref[...], preferred_element_type=f32)
           + brr_ref[...]
           + jnp.dot(hp, wrt_ref[...], preferred_element_type=f32))
    op_ref[...] = 0.5 * (gcn + rev)

    @pl.when(i == 0)
    def _():
        acc_ref[...] = jnp.zeros_like(acc_ref)

    acc_ref[...] += lax.dot_general(b, hp, (((0,), (0,)), ((), ())),
                                    preferred_element_type=f32)

    @pl.when(i == NBLK - 1)
    def _():
        ol_ref[...] = (
            jnp.dot(acc_ref[...], wir_ref[...], preferred_element_type=f32)
            + bir_ref[...]
            + jnp.dot(hl, wit_ref[...], preferred_element_type=f32))


_tc_layer2 = pl.pallas_call(
    _tc_layer2_body,
    grid=(NBLK,),
    in_specs=[
        pl.BlockSpec((RB, D), lambda i: (i, 0)),
        pl.BlockSpec((RB, 2), lambda i: (i, 0)),
        pl.BlockSpec((RB, D), lambda i: (i, 0)),
        pl.BlockSpec((NCORE, RB, D), lambda i: (0, i, 0)),
        pl.BlockSpec((NL, D), lambda i: (0, 0)),
        pl.BlockSpec((D, DO), lambda i: (0, 0)),
        pl.BlockSpec((1, DO), lambda i: (0, 0)),
        pl.BlockSpec((D, DO), lambda i: (0, 0)),
        pl.BlockSpec((1, DO), lambda i: (0, 0)),
        pl.BlockSpec((D, DO), lambda i: (0, 0)),
        pl.BlockSpec((D, DO), lambda i: (0, 0)),
        pl.BlockSpec((1, DO), lambda i: (0, 0)),
        pl.BlockSpec((D, DO), lambda i: (0, 0)),
    ],
    out_specs=[
        pl.BlockSpec((RB, DO), lambda i: (i, 0)),
        pl.BlockSpec((NL, DO), lambda i: (0, 0)),
    ],
    out_shape=(
        jax.ShapeDtypeStruct((NP_PAD, DO), f32),
        jax.ShapeDtypeStruct((NL, DO), f32),
    ),
    scratch_shapes=[pltpu.VMEM((NL, D), f32)],
)


def kernel(x_paper, x_label, edge_cites, edge_is_src, edge_is_dst,
           l1_gcn_W, l1_gcn_b, l1_is_Wrel, l1_is_brel, l1_is_Wroot,
           l1_rev_Wrel, l1_rev_brel, l1_rev_Wroot,
           l2_gcn_W, l2_gcn_b, l2_is_Wrel, l2_is_brel, l2_is_Wroot,
           l2_rev_Wrel, l2_rev_brel, l2_rev_Wroot):
    src = edge_cites[0]
    dst = edge_cites[1]
    pad_ec = EC_PAD - EC
    src_p = jnp.concatenate([src, jnp.zeros((pad_ec,), i32)]).reshape(NW, NCH, K)
    dst_p = jnp.concatenate([dst, jnp.full((pad_ec,), DUMMY_DST, i32)]
                            ).reshape(NW, NCH, K)
    pad_ei = EI_PAD - EI
    isrc_p = jnp.concatenate([edge_is_src, jnp.full((pad_ei,), DUMMY_ISP, i32)]
                             ).reshape(NW, NCH_EI, KI)
    idst_p = jnp.concatenate([edge_is_dst, jnp.zeros((pad_ei,), i32)]
                             ).reshape(NW, NCH_EI, KI)
    xp_pad = jnp.concatenate([x_paper, jnp.zeros((NP_PAD - NP, D), f32)])
    zeros_flat = jnp.zeros((BFLAT,), f32)
    zeros_h = jnp.zeros((NP_PAD, DH), f32)
    ones_a = jnp.ones((NCH, K), f32)
    ones_b = jnp.ones((NCH_EI, KI), f32)
    src_s = src_p.reshape(NSUB, NCH2, K)
    dst_s = dst_p.reshape(NSUB, NCH2, K)

    deg_part, b_flat = _sc_prep(dst_p, isrc_p, idst_p, ones_a, ones_b, zeros_flat)
    deg_t = deg_part.T
    b_part = b_flat.reshape(NCORE, NP_PAD, D)

    xs = _tc_scale(deg_t, xp_pad)
    s1 = _sc_spmm(xs, src_s, dst_s, zeros_h)
    hp, hps, hl = _tc_layer1(
        s1, deg_t, xp_pad, b_part, x_label,
        l1_gcn_W, l1_gcn_b.reshape(1, D),
        l1_rev_Wrel, l1_rev_brel.reshape(1, D), l1_rev_Wroot,
        l1_is_Wrel, l1_is_brel.reshape(1, D), l1_is_Wroot)
    s2 = _sc_spmm(hps, src_s, dst_s, zeros_h)
    op, ol = _tc_layer2(
        s2, deg_t, hp, b_part, hl,
        l2_gcn_W, l2_gcn_b.reshape(1, DO),
        l2_rev_Wrel, l2_rev_brel.reshape(1, DO), l2_rev_Wroot,
        l2_is_Wrel, l2_is_brel.reshape(1, DO), l2_is_Wroot)
    return op[:NP], ol

# --- scband reference (transcript-rebuilt; emitter-appended) ---
"""Pipeline reference for scband-hetero-gcn-6622839570445 (READ-ONLY COPY).

The authoritative reference and input builder live on the scoring server;
editing this copy changes nothing except your own understanding.
"""

import jax, jax.numpy as jnp
import numpy as np

N_PAPER = 10000
N_LABEL = 128
E_CITES = 320000
E_IS = 10000
D_IN = 128
H = 128
D_OUT = 64


def _glorot(key, fan_in, fan_out):
    return (jax.random.normal(key, (fan_in, fan_out), dtype=jnp.float32) / np.sqrt(fan_in)).astype(jnp.float32)


def gcn_conv(x, src, dst, W, b):
    # PyG GCNConv: add self-loops, symmetric normalization, then X W and scatter-add
    n = x.shape[0]
    loop = jnp.arange(n, dtype=src.dtype)
    s = jnp.concatenate([src, loop])
    d = jnp.concatenate([dst, loop])
    w = jnp.ones(s.shape[0], dtype=x.dtype)
    deg = jnp.zeros((n,), dtype=x.dtype).at[d].add(w)
    dis = jnp.where(deg > 0, jax.lax.rsqrt(jnp.where(deg > 0, deg, 1.0)), 0.0)
    norm = dis[s] * dis[d]
    h = x @ W
    out = jnp.zeros((n, W.shape[1]), dtype=x.dtype).at[d].add(h[s] * norm[:, None])
    return out + b


def graph_conv(x_src, x_dst, src, dst, Wrel, brel, Wroot):
    # PyG GraphConv (aggr='add'): lin_rel(sum_j x_j) + lin_root(x_i)
    n_dst = x_dst.shape[0]
    agg = jnp.zeros((n_dst, x_src.shape[1]), dtype=x_src.dtype).at[dst].add(x_src[src])
    return agg @ Wrel + brel + x_dst @ Wroot


def hetero_layer(xp, xl, ec_src, ec_dst, is_src, is_dst, p):
    # HeteroConv(aggr='mean'): paper receives from 'cites' (GCNConv) and 'rev_is' (GraphConv)
    out_p_gcn = gcn_conv(xp, ec_src, ec_dst, p[0], p[1])
    out_l = graph_conv(xp, xl, is_src, is_dst, p[2], p[3], p[4])
    out_p_rev = graph_conv(xl, xp, is_dst, is_src, p[5], p[6], p[7])
    out_p = (out_p_gcn + out_p_rev) * 0.5
    return out_p, out_l


def setup_inputs(seed: int = 0):
    key = jax.random.key(seed)
    ks = jax.random.split(key, 24)
    inp = {}
    inp["x_paper"] = jax.random.normal(ks[0], (N_PAPER, D_IN), dtype=jnp.float32)
    inp["x_label"] = jax.random.normal(ks[1], (N_LABEL, D_IN), dtype=jnp.float32)
    inp["edge_cites"] = jax.random.randint(ks[2], (2, E_CITES), 0, N_PAPER, dtype=jnp.int32)
    inp["edge_is_src"] = jax.random.randint(ks[3], (E_IS,), 0, N_PAPER, dtype=jnp.int32)
    inp["edge_is_dst"] = jax.random.randint(ks[4], (E_IS,), 0, N_LABEL, dtype=jnp.int32)
    # layer1 params (in=128 -> hidden=128)
    inp["l1_gcn_W"] = _glorot(ks[5], D_IN, H)
    inp["l1_gcn_b"] = jnp.zeros((H,), dtype=jnp.float32)
    inp["l1_is_Wrel"] = _glorot(ks[6], D_IN, H)
    inp["l1_is_brel"] = jnp.zeros((H,), dtype=jnp.float32)
    inp["l1_is_Wroot"] = _glorot(ks[7], D_IN, H)
    inp["l1_rev_Wrel"] = _glorot(ks[8], D_IN, H)
    inp["l1_rev_brel"] = jnp.zeros((H,), dtype=jnp.float32)
    inp["l1_rev_Wroot"] = _glorot(ks[9], D_IN, H)
    # layer2 params (hidden=128 -> embed=64)
    inp["l2_gcn_W"] = _glorot(ks[10], H, D_OUT)
    inp["l2_gcn_b"] = jnp.zeros((D_OUT,), dtype=jnp.float32)
    inp["l2_is_Wrel"] = _glorot(ks[11], H, D_OUT)
    inp["l2_is_brel"] = jnp.zeros((D_OUT,), dtype=jnp.float32)
    inp["l2_is_Wroot"] = _glorot(ks[12], H, D_OUT)
    inp["l2_rev_Wrel"] = _glorot(ks[13], H, D_OUT)
    inp["l2_rev_brel"] = jnp.zeros((D_OUT,), dtype=jnp.float32)
    inp["l2_rev_Wroot"] = _glorot(ks[14], H, D_OUT)
    return inp


def reference(x_paper, x_label, edge_cites, edge_is_src, edge_is_dst,
              l1_gcn_W, l1_gcn_b, l1_is_Wrel, l1_is_brel, l1_is_Wroot,
              l1_rev_Wrel, l1_rev_brel, l1_rev_Wroot,
              l2_gcn_W, l2_gcn_b, l2_is_Wrel, l2_is_brel, l2_is_Wroot,
              l2_rev_Wrel, l2_rev_brel, l2_rev_Wroot):
    p1 = (l1_gcn_W, l1_gcn_b, l1_is_Wrel, l1_is_brel, l1_is_Wroot, l1_rev_Wrel, l1_rev_brel, l1_rev_Wroot)
    p2 = (l2_gcn_W, l2_gcn_b, l2_is_Wrel, l2_is_brel, l2_is_Wroot, l2_rev_Wrel, l2_rev_brel, l2_rev_Wroot)
    ec_src, ec_dst = edge_cites[0], edge_cites[1]
    hp, hl = hetero_layer(x_paper, x_label, ec_src, ec_dst, edge_is_src, edge_is_dst, p1)
    hp = jax.nn.relu(hp)
    hl = jax.nn.relu(hl)
    op, ol = hetero_layer(hp, hl, ec_src, ec_dst, edge_is_src, edge_is_dst, p2)
    return op, ol

if __name__ == "__main__":
    import jax
    _d = setup_inputs()
    print(jax.jit(kernel)(*tuple(_d.values())))

</pallas_src>

<mosaic_0001>
#map = affine_map<(d0, d1) -> (0, 0, 0)>
#map1 = affine_map<(d0, d1) -> (0, 0)>
#map2 = affine_map<(d0, d1) -> (0)>
module attributes {stable_mosaic.version = 14 : i64} {
  func.func @_sc_prep(%arg0: i32, %arg1: i32, %arg2: memref<32x80x128xi32, #tpu.memory_space<hbm>>, %arg3: memref<32x3x112xi32, #tpu.memory_space<hbm>>, %arg4: memref<32x3x112xi32, #tpu.memory_space<hbm>>, %arg5: memref<80x128xf32, #tpu.memory_space<hbm>>, %arg6: memref<3x112xf32, #tpu.memory_space<hbm>>, %arg7: memref<1310720xf32, #tpu.memory_space<hbm>>, %arg8: memref<2x10240xf32, #tpu.memory_space<hbm>>, %arg9: memref<2x1310720xf32, #tpu.memory_space<hbm>>, %arg10: memref<10240xf32, #tpu.memory_space<vmem_shared>>, %arg11: memref<1310720xf32, #tpu.memory_space<vmem_shared>>, %arg12: memref<80x128xi32, #tpu.memory_space<vmem>>, %arg13: memref<3x112xi32, #tpu.memory_space<vmem>>, %arg14: memref<3x112xi32, #tpu.memory_space<vmem>>, %arg15: memref<3x112xi32, #tpu.memory_space<vmem>>, %arg16: memref<80x128xf32, #tpu.memory_space<vmem>>, %arg17: memref<3x112xf32, #tpu.memory_space<vmem>>, %arg18: memref<!tpu.dma_semaphore, #tpu.memory_space<semaphore_mem>>) attributes {dimension_semantics = [#tpu.dimension_semantics<core_parallel>, #tpu.dimension_semantics<subcore_parallel>], iteration_bounds = array<i64: 2, 16>, scalar_prefetch = 0 : i64, scratch_operands = 9 : i64, tpu.core_type = #tpu.core_type<sc_vector_subcore>, window_params = [{transform_indices = #map}, {transform_indices = #map}, {transform_indices = #map}, {transform_indices = #map1}, {transform_indices = #map1}, {transform_indices = #map2}, {transform_indices = #map1}, {transform_indices = #map1}]} {
    %mul3A = arith.constant 16 : i32
    %mul3A_0 = arith.muli %arg0, %mul3A : i32
    %add3A = arith.addi %mul3A_0, %arg1 : i32
    %mul3A_1 = arith.constant 81920 : i32
    %mul3A_2 = arith.muli %arg1, %mul3A_1 : i32
    %mul3A_3 = arith.constant 81920 : i32
    %mul3A_4 = arith.muli %arg1, %mul3A_3 : i32
    "tpu.region"() ({
      %run_scoped3A = tpu.sem_alloc : memref<!tpu.dma_semaphore, #tpu.memory_space<semaphore_mem>>
      %dma_start3A_503 = tpu.memref_slice %arg11[%mul3A_4] : memref<1310720xf32, #tpu.memory_space<vmem_shared>> -> memref<81920xf32, #tpu.memory_space<vmem_shared>>
      %dma_start3A_504 = tpu.memref_slice %arg7[%mul3A_2] : memref<1310720xf32, #tpu.memory_space<hbm>> -> memref<81920xf32, #tpu.memory_space<hbm>>
      tpu.enqueue_dma source(%dma_start3A_504 : memref<81920xf32, #tpu.memory_space<hbm>>) target(%dma_start3A_503 : memref<81920xf32, #tpu.memory_space<vmem_shared>>) target_semaphore(%run_scoped3A : memref<!tpu.dma_semaphore, #tpu.memory_space<semaphore_mem>>)
      %dma_wait3A_505 = tpu.memref_slice %arg11[%mul3A_4] : memref<1310720xf32, #tpu.memory_space<vmem_shared>> -> memref<81920xf32, #tpu.memory_space<vmem_shared>>
      %dma_wait3A_506 = tpu.memref_slice %arg7[%mul3A_2] : memref<1310720xf32, #tpu.memory_space<hbm>> -> memref<81920xf32, #tpu.memory_space<hbm>>
      tpu.wait_dma2 semaphore(%run_scoped3A : memref<!tpu.dma_semaphore, #tpu.memory_space<semaphore_mem>>) src(%dma_wait3A_506 : memref<81920xf32, #tpu.memory_space<hbm>>) dst(%dma_wait3A_505 : memref<81920xf32, #tpu.memory_space<vmem_shared>>)
      tpu.yield
    }) : () -> ()
    %mul3A_5 = arith.constant 640 : i32
    %mul3A_6 = arith.muli %arg1, %mul3A_5 : i32
    %mul3A_7 = arith.constant 640 : i32
    %mul3A_8 = arith.muli %arg1, %mul3A_7 : i32
    "tpu.region"() ({
      %run_scoped3A = tpu.sem_alloc : memref<!tpu.dma_semaphore, #tpu.memory_space<semaphore_mem>>
      %dma_start3A_503 = tpu.memref_slice %arg10[%mul3A_8] : memref<10240xf32, #tpu.memory_space<vmem_shared>> -> memref<640xf32, #tpu.memory_space<vmem_shared>>
      %dma_start3A_504 = tpu.memref_slice %arg7[%mul3A_6] : memref<1310720xf32, #tpu.memory_space<hbm>> -> memref<640xf32, #tpu.memory_space<hbm>>
      tpu.enqueue_dma source(%dma_start3A_504 : memref<640xf32, #tpu.memory_space<hbm>>) target(%dma_start3A_503 : memref<640xf32, #tpu.memory_space<vmem_shared>>) target_semaphore(%run_scoped3A : memref<!tpu.dma_semaphore, #tpu.memory_space<semaphore_mem>>)
      %dma_wait3A_505 = tpu.memref_slice %arg10[%mul3A_8] : memref<10240xf32, #tpu.memory_space<vmem_shared>> -> memref<640xf32, #tpu.memory_space<vmem_shared>>
      %dma_wait3A_506 = tpu.memref_slice %arg7[%mul3A_6] : memref<1310720xf32, #tpu.memory_space<hbm>> -> memref<640xf32, #tpu.memory_space<hbm>>
      tpu.wait_dma2 semaphore(%run_scoped3A : memref<!tpu.dma_semaphore, #tpu.memory_space<semaphore_mem>>) src(%dma_wait3A_506 : memref<640xf32, #tpu.memory_space<hbm>>) dst(%dma_wait3A_505 : memref<640xf32, #tpu.memory_space<vmem_shared>>)
      tpu.yield
    }) : () -> ()
    "tpu.region"() ({
      %run_scoped3A = tpu.sem_alloc : memref<!tpu.dma_semaphore, #tpu.memory_space<semaphore_mem>>
      %dma_start3A_503 = arith.constant 0 : i32
      %dma_start3A_504 = arith.constant 0 : i32
      %dma_start3A_505 = tpu.memref_slice %arg2[%add3A, %dma_start3A_503, %dma_start3A_504] : memref<32x80x128xi32, #tpu.memory_space<hbm>> -> memref<1x80x128xi32, #tpu.memory_space<hbm>>
      %dma_start3A_506 = tpu.memref_squeeze %dma_start3A_505 : memref<1x80x128xi32, #tpu.memory_space<hbm>> -> memref<80x128xi32, #tpu.memory_space<hbm>>
      %dma_start3A_507 = arith.constant 0 : i32
      %dma_start3A_508 = arith.constant 0 : i32
      %dma_start3A_509 = tpu.memref_slice %arg2[%add3A, %dma_start3A_507, %dma_start3A_508] : memref<32x80x128xi32, #tpu.memory_space<hbm>> -> memref<1x80x128xi32, #tpu.memory_space<hbm>>
      %dma_start3A_510 = tpu.memref_squeeze %dma_start3A_509 : memref<1x80x128xi32, #tpu.memory_space<hbm>> -> memref<80x128xi32, #tpu.memory_space<hbm>>
      tpu.enqueue_dma source(%dma_start3A_510 : memref<80x128xi32, #tpu.memory_space<hbm>>) target(%arg12 : memref<80x128xi32, #tpu.memory_space<vmem>>) target_semaphore(%run_scoped3A : memref<!tpu.dma_semaphore, #tpu.memory_space<semaphore_mem>>)
      %dma_wait3A_511 = arith.constant 0 : i32
      %dma_wait3A_512 = arith.constant 0 : i32
      %dma_wait3A_513 = tpu.memref_slice %arg2[%add3A, %dma_wait3A_511, %dma_wait3A_512] : memref<32x80x128xi32, #tpu.memory_space<hbm>> -> memref<1x80x128xi32, #tpu.memory_space<hbm>>
      %dma_wait3A_514 = tpu.memref_squeeze %dma_wait3A_513 : memref<1x80x128xi32, #tpu.memory_space<hbm>> -> memref<80x128xi32, #tpu.memory_space<hbm>>
      %dma_wait3A_515 = arith.constant 0 : i32
      %dma_wait3A_516 = arith.constant 0 : i32
      %dma_wait3A_517 = tpu.memref_slice %arg2[%add3A, %dma_wait3A_515, %dma_wait3A_516] : memref<32x80x128xi32, #tpu.memory_space<hbm>> -> memref<1x80x128xi32, #tpu.memory_space<hbm>>
      %dma_wait3A_518 = tpu.memref_squeeze %dma_wait3A_517 : memref<1x80x128xi32, #tpu.memory_space<hbm>> -> memref<80x128xi32, #tpu.memory_space<hbm>>
      tpu.wait_dma2 semaphore(%run_scoped3A : memref<!tpu.dma_semaphore, #tpu.memory_space<semaphore_mem>>) src(%dma_wait3A_518 : memref<80x128xi32, #tpu.memory_space<hbm>>) dst(%arg12 : memref<80x128xi32, #tpu.memory_space<vmem>>)
      tpu.yield
    }) : () -> ()
    "tpu.region"() ({
      %run_scoped3A = tpu.sem_alloc : memref<!tpu.dma_semaphore, #tpu.memory_space<semaphore_mem>>
      %dma_start3A_503 = arith.constant 0 : i32
      %dma_start3A_504 = arith.constant 0 : i32
      %dma_start3A_505 = tpu.memref_slice %arg3[%add3A, %dma_start3A_503, %dma_start3A_504] : memref<32x3x112xi32, #tpu.memory_space<hbm>> -> memref<1x3x112xi32, #tpu.memory_space<hbm>>
      %dma_start3A_506 = tpu.memref_squeeze %dma_start3A_505 : memref<1x3x112xi32, #tpu.memory_space<hbm>> -> memref<3x112xi32, #tpu.memory_space<hbm>>
      %dma_start3A_507 = arith.constant 0 : i32
      %dma_start3A_508 = arith.constant 0 : i32
      %dma_start3A_509 = tpu.memref_slice %arg3[%add3A, %dma_start3A_507, %dma_start3A_508] : memref<32x3x112xi32, #tpu.memory_space<hbm>> -> memref<1x3x112xi32, #tpu.memory_space<hbm>>
      %dma_start3A_510 = tpu.memref_squeeze %dma_start3A_509 : memref<1x3x112xi32, #tpu.memory_space<hbm>> -> memref<3x112xi32, #tpu.memory_space<hbm>>
      tpu.enqueue_dma source(%dma_start3A_510 : memref<3x112xi32, #tpu.memory_space<hbm>>) target(%arg13 : memref<3x112xi32, #tpu.memory_space<vmem>>) target_semaphore(%run_scoped3A : memref<!tpu.dma_semaphore, #tpu.memory_space<semaphore_mem>>)
      %dma_wait3A_511 = arith.constant 0 : i32
      %dma_wait3A_512 = arith.constant 0 : i32
      %dma_wait3A_513 = tpu.memref_slice %arg3[%add3A, %dma_wait3A_511, %dma_wait3A_512] : memref<32x3x112xi32, #tpu.memory_space<hbm>> -> memref<1x3x112xi32, #tpu.memory_space<hbm>>
      %dma_wait3A_514 = tpu.memref_squeeze %dma_wait3A_513 : memref<1x3x112xi32, #tpu.memory_space<hbm>> -> memref<3x112xi32, #tpu.memory_space<hbm>>
      %dma_wait3A_515 = arith.constant 0 : i32
      %dma_wait3A_516 = arith.constant 0 : i32
      %dma_wait3A_517 = tpu.memref_slice %arg3[%add3A, %dma_wait3A_515, %dma_wait3A_516] : memref<32x3x112xi32, #tpu.memory_space<hbm>> -> memref<1x3x112xi32, #tpu.memory_space<hbm>>
      %dma_wait3A_518 = tpu.memref_squeeze %dma_wait3A_517 : memref<1x3x112xi32, #tpu.memory_space<hbm>> -> memref<3x112xi32, #tpu.memory_space<hbm>>
      tpu.wait_dma2 semaphore(%run_scoped3A : memref<!tpu.dma_semaphore, #tpu.memory_space<semaphore_mem>>) src(%dma_wait3A_518 : memref<3x112xi32, #tpu.memory_space<hbm>>) dst(%arg13 : memref<3x112xi32, #tpu.memory_space<vmem>>)
      tpu.yield
    }) : () -> ()
    "tpu.region"() ({
      %run_scoped3A = tpu.sem_alloc : memref<!tpu.dma_semaphore, #tpu.memory_space<semaphore_mem>>
      %dma_start3A_503 = arith.constant 0 : i32
      %dma_start3A_504 = arith.constant 0 : i32
      %dma_start3A_505 = tpu.memref_slice %arg4[%add3A, %dma_start3A_503, %dma_start3A_504] : memref<32x3x112xi32, #tpu.memory_space<hbm>> -> memref<1x3x112xi32, #tpu.memory_space<hbm>>
      %dma_start3A_506 = tpu.memref_squeeze %dma_start3A_505 : memref<1x3x112xi32, #tpu.memory_space<hbm>> -> memref<3x112xi32, #tpu.memory_space<hbm>>
      %dma_start3A_507 = arith.constant 0 : i32
      %dma_start3A_508 = arith.constant 0 : i32
      %dma_start3A_509 = tpu.memref_slice %arg4[%add3A, %dma_start3A_507, %dma_start3A_508] : memref<32x3x112xi32, #tpu.memory_space<hbm>> -> memref<1x3x112xi32, #tpu.memory_space<hbm>>
      %dma_start3A_510 = tpu.memref_squeeze %dma_start3A_509 : memref<1x3x112xi32, #tpu.memory_space<hbm>> -> memref<3x112xi32, #tpu.memory_space<hbm>>
      tpu.enqueue_dma source(%dma_start3A_510 : memref<3x112xi32, #tpu.memory_space<hbm>>) target(%arg14 : memref<3x112xi32, #tpu.memory_space<vmem>>) target_semaphore(%run_scoped3A : memref<!tpu.dma_semaphore, #tpu.memory_space<semaphore_mem>>)
      %dma_wait3A_511 = arith.constant 0 : i32
      %dma_wait3A_512 = arith.constant 0 : i32
      %dma_wait3A_513 = tpu.memref_slice %arg4[%add3A, %dma_wait3A_511, %dma_wait3A_512] : memref<32x3x112xi32, #tpu.memory_space<hbm>> -> memref<1x3x112xi32, #tpu.memory_space<hbm>>
      %dma_wait3A_514 = tpu.memref_squeeze %dma_wait3A_513 : memref<1x3x112xi32, #tpu.memory_space<hbm>> -> memref<3x112xi32, #tpu.memory_space<hbm>>
      %dma_wait3A_515 = arith.constant 0 : i32
      %dma_wait3A_516 = arith.constant 0 : i32
      %dma_wait3A_517 = tpu.memref_slice %arg4[%add3A, %dma_wait3A_515, %dma_wait3A_516] : memref<32x3x112xi32, #tpu.memory_space<hbm>> -> memref<1x3x112xi32, #tpu.memory_space<hbm>>
      %dma_wait3A_518 = tpu.memref_squeeze %dma_wait3A_517 : memref<1x3x112xi32, #tpu.memory_space<hbm>> -> memref<3x112xi32, #tpu.memory_space<hbm>>
      tpu.wait_dma2 semaphore(%run_scoped3A : memref<!tpu.dma_semaphore, #tpu.memory_space<semaphore_mem>>) src(%dma_wait3A_518 : memref<3x112xi32, #tpu.memory_space<hbm>>) dst(%arg14 : memref<3x112xi32, #tpu.memory_space<vmem>>)
      tpu.yield
    }) : () -> ()
    "tpu.region"() ({
      %run_scoped3A = tpu.sem_alloc : memref<!tpu.dma_semaphore, #tpu.memory_space<semaphore_mem>>
      tpu.enqueue_dma source(%arg5 : memref<80x128xf32, #tpu.memory_space<hbm>>) target(%arg16 : memref<80x128xf32, #tpu.memory_space<vmem>>) target_semaphore(%run_scoped3A : memref<!tpu.dma_semaphore, #tpu.memory_space<semaphore_mem>>)
      tpu.wait_dma2 semaphore(%run_scoped3A : memref<!tpu.dma_semaphore, #tpu.memory_space<semaphore_mem>>) src(%arg5 : memref<80x128xf32, #tpu.memory_space<hbm>>) dst(%arg16 : memref<80x128xf32, #tpu.memory_space<vmem>>)
      tpu.yield
    }) : () -> ()
    "tpu.region"() ({
      %run_scoped3A = tpu.sem_alloc : memref<!tpu.dma_semaphore, #tpu.memory_space<semaphore_mem>>
      tpu.enqueue_dma source(%arg6 : memref<3x112xf32, #tpu.memory_space<hbm>>) target(%arg17 : memref<3x112xf32, #tpu.memory_space<vmem>>) target_semaphore(%run_scoped3A : memref<!tpu.dma_semaphore, #tpu.memory_space<semaphore_mem>>)
      tpu.wait_dma2 semaphore(%run_scoped3A : memref<!tpu.dma_semaphore, #tpu.memory_space<semaphore_mem>>) src(%arg6 : memref<3x112xf32, #tpu.memory_space<hbm>>) dst(%arg17 : memref<3x112xf32, #tpu.memory_space<vmem>>)
      tpu.yield
    }) : () -> ()
    %barrier3A = arith.constant 0 : index
    tpu.barrier barrier_id(%barrier3A)
    %scan3A = arith.constant 0 : i32
    %scan3A_9 = arith.constant 80 : i32
    %scan3A_10 = arith.addi %scan3A, %scan3A_9 : i32
    %scan3A_11 = arith.constant 1 : i32
    scf.for %scan3A_503 = %scan3A to %scan3A_10 step %scan3A_11  : i32 {
      %mul3A_504 = arith.constant 1 : i32
      %mul3A_505 = arith.muli %scan3A_503, %mul3A_504 : i32
      %add3A_506 = arith.constant 0 : i32
      %add3A_507 = arith.addi %add3A_506, %mul3A_505 : i32
      %dma_start3A_508 = arith.constant 0 : i32
      %dma_start3A_509 = tpu.memref_slice %arg16[%add3A_507, %dma_start3A_508] : memref<80x128xf32, #tpu.memory_space<vmem>> -> memref<1x128xf32, #tpu.memory_space<vmem>>
      %dma_start3A_510 = tpu.memref_squeeze %dma_start3A_509 : memref<1x128xf32, #tpu.memory_space<vmem>> -> memref<128xf32, #tpu.memory_space<vmem>>
      %dma_start3A_511 = arith.constant 0 : i32
      %dma_start3A_512 = tpu.memref_slice %arg12[%add3A_507, %dma_start3A_511] : memref<80x128xi32, #tpu.memory_space<vmem>> -> memref<1x128xi32, #tpu.memory_space<vmem>>
      %dma_start3A_513 = tpu.memref_squeeze %dma_start3A_512 : memref<1x128xi32, #tpu.memory_space<vmem>> -> memref<128xi32, #tpu.memory_space<vmem>>
      %dma_start3A_514 = arith.constant 0 : i32
      %dma_start3A_515 = tpu.memref_slice %arg10[%dma_start3A_514] : memref<10240xf32, #tpu.memory_space<vmem_shared>> -> memref<10240xf32, #tpu.memory_space<vmem_shared>>
      tpu.enqueue_indirect_dma source(%dma_start3A_510 : memref<128xf32, #tpu.memory_space<vmem>>) target(%dma_start3A_515 : memref<10240xf32, #tpu.memory_space<vmem_shared>>) offsets(%dma_start3A_513 : memref<128xi32, #tpu.memory_space<vmem>>) semaphore(%arg18 : memref<!tpu.dma_semaphore, #tpu.memory_space<semaphore_mem>>) {add = true}
    }
    %scan3A_12 = arith.constant 80 : i32
    %get3A = arith.constant 0 : i32
    %get3A_13 = arith.index_cast %get3A : i32 to index
    %get3A_14 = arith.constant 0 : index
    %get3A_15 = tpu.vector_load %arg13[%get3A_13, %get3A_14] {strides = array<i32>} : memref<3x112xi32, #tpu.memory_space<vmem>>, vector<1x16xi32>,
    %get3A_16 = vector.shape_cast %get3A_15 : vector<1x16xi32> to vector<16xi32>
    %mul3A_17 = arith.constant 128 : i32
    %mul3A_18 = vector.broadcast %mul3A_17 : i32 to vector<16xi32>
    %mul3A_19 = arith.muli %get3A_16, %mul3A_18 : vector<16xi32>
    %get3A_20 = arith.constant 0 : i32
    %get3A_21 = arith.index_cast %get3A_20 : i32 to index
    %get3A_22 = arith.constant 0 : index
    %get3A_23 = tpu.vector_load %arg14[%get3A_21, %get3A_22] {strides = array<i32>} : memref<3x112xi32, #tpu.memory_space<vmem>>, vector<1x16xi32>,
    %get3A_24 = vector.shape_cast %get3A_23 : vector<1x16xi32> to vector<16xi32>
    %add3A_25 = arith.addi %mul3A_19, %get3A_24 : vector<16xi32>
    %swap3A = arith.constant 0 : i32
    %swap3A_26 = arith.index_cast %swap3A : i32 to index
    %swap3A_27 = arith.constant 0 : index
    %swap3A_28 = tpu.vector_load %arg15[%swap3A_26, %swap3A_27] {strides = array<i32>} : memref<3x112xi32, #tpu.memory_space<vmem>>, vector<1x16xi32>,
    %swap3A_29 = vector.shape_cast %swap3A_28 : vector<1x16xi32> to vector<16xi32>
    %swap3A_30 = vector.shape_cast %add3A_25 : vector<16xi32> to vector<1x16xi32>
    tpu.vector_store %arg15[%swap3A_26, %swap3A_27], %swap3A_30 {strides = array<i32>} : memref<3x112xi32, #tpu.memory_space<vmem>>, vector<1x16xi32>,
    %get3A_31 = arith.constant 0 : i32
    %get3A_32 = arith.index_cast %get3A_31 : i32 to index
    %get3A_33 = arith.constant 16 : index
    %get3A_34 = tpu.vector_load %arg13[%get3A_32, %get3A_33] {strides = array<i32>} : memref<3x112xi32, #tpu.memory_space<vmem>>, vector<1x16xi32>,
    %get3A_35 = vector.shape_cast %get3A_34 : vector<1x16xi32> to vector<16xi32>
    %mul3A_36 = arith.constant 128 : i32
    %mul3A_37 = vector.broadcast %mul3A_36 : i32 to vector<16xi32>
    %mul3A_38 = arith.muli %get3A_35, %mul3A_37 : vector<16xi32>
    %get3A_39 = arith.constant 0 : i32
    %get3A_40 = arith.index_cast %get3A_39 : i32 to index
    %get3A_41 = arith.constant 16 : index
    %get3A_42 = tpu.vector_load %arg14[%get3A_40, %get3A_41] {strides = array<i32>} : memref<3x112xi32, #tpu.memory_space<vmem>>, vector<1x16xi32>,
    %get3A_43 = vector.shape_cast %get3A_42 : vector<1x16xi32> to vector<16xi32>
    %add3A_44 = arith.addi %mul3A_38, %get3A_43 : vector<16xi32>
    %swap3A_45 = arith.constant 0 : i32
    %swap3A_46 = arith.index_cast %swap3A_45 : i32 to index
    %swap3A_47 = arith.constant 16 : index
    %swap3A_48 = tpu.vector_load %arg15[%swap3A_46, %swap3A_47] {strides = array<i32>} : memref<3x112xi32, #tpu.memory_space<vmem>>, vector<1x16xi32>,
    %swap3A_49 = vector.shape_cast %swap3A_48 : vector<1x16xi32> to vector<16xi32>
    %swap3A_50 = vector.shape_cast %add3A_44 : vector<16xi32> to vector<1x16xi32>
    tpu.vector_store %arg15[%swap3A_46, %swap3A_47], %swap3A_50 {strides = array<i32>} : memref<3x112xi32, #tpu.memory_space<vmem>>, vector<1x16xi32>,
    %get3A_51 = arith.constant 0 : i32
    %get3A_52 = arith.index_cast %get3A_51 : i32 to index
    %get3A_53 = arith.constant 32 : index
    %get3A_54 = tpu.vector_load %arg13[%get3A_52, %get3A_53] {strides = array<i32>} : memref<3x112xi32, #tpu.memory_space<vmem>>, vector<1x16xi32>,
    %get3A_55 = vector.shape_cast %get3A_54 : vector<1x16xi32> to vector<16xi32>
    %mul3A_56 = arith.constant 128 : i32
    %mul3A_57 = vector.broadcast %mul3A_56 : i32 to vector<16xi32>
    %mul3A_58 = arith.muli %get3A_55, %mul3A_57 : vector<16xi32>
    %get3A_59 = arith.constant 0 : i32
    %get3A_60 = arith.index_cast %get3A_59 : i32 to index
    %get3A_61 = arith.constant 32 : index
    %get3A_62 = tpu.vector_load %arg14[%get3A_60, %get3A_61] {strides = array<i32>} : memref<3x112xi32, #tpu.memory_space<vmem>>, vector<1x16xi32>,
    %get3A_63 = vector.shape_cast %get3A_62 : vector<1x16xi32> to vector<16xi32>
    %add3A_64 = arith.addi %mul3A_58, %get3A_63 : vector<16xi32>
    %swap3A_65 = arith.constant 0 : i32
    %swap3A_66 = arith.index_cast %swap3A_65 : i32 to index
    %swap3A_67 = arith.constant 32 : index
    %swap3A_68 = tpu.vector_load %arg15[%swap3A_66, %swap3A_67] {strides = array<i32>} : memref<3x112xi32, #tpu.memory_space<vmem>>, vector<1x16xi32>,
    %swap3A_69 = vector.shape_cast %swap3A_68 : vector<1x16xi32> to vector<16xi32>
    %swap3A_70 = vector.shape_cast %add3A_64 : vector<16xi32> to vector<1x16xi32>
    tpu.vector_store %arg15[%swap3A_66, %swap3A_67], %swap3A_70 {strides = array<i32>} : memref<3x112xi32, #tpu.memory_space<vmem>>, vector<1x16xi32>,
    %get3A_71 = arith.constant 0 : i32
    %get3A_72 = arith.index_cast %get3A_71 : i32 to index
    %get3A_73 = arith.constant 48 : index
    %get3A_74 = tpu.vector_load %arg13[%get3A_72, %get3A_73] {strides = array<i32>} : memref<3x112xi32, #tpu.memory_space<vmem>>, vector<1x16xi32>,
    %get3A_75 = vector.shape_cast %get3A_74 : vector<1x16xi32> to vector<16xi32>
    %mul3A_76 = arith.constant 128 : i32
    %mul3A_77 = vector.broadcast %mul3A_76 : i32 to vector<16xi32>
    %mul3A_78 = arith.muli %get3A_75, %mul3A_77 : vector<16xi32>
    %get3A_79 = arith.constant 0 : i32
    %get3A_80 = arith.index_cast %get3A_79 : i32 to index
    %get3A_81 = arith.constant 48 : index
    %get3A_82 = tpu.vector_load %arg14[%get3A_80, %get3A_81] {strides = array<i32>} : memref<3x112xi32, #tpu.memory_space<vmem>>, vector<1x16xi32>,
    %get3A_83 = vector.shape_cast %get3A_82 : vector<1x16xi32> to vector<16xi32>
    %add3A_84 = arith.addi %mul3A_78, %get3A_83 : vector<16xi32>
    %swap3A_85 = arith.constant 0 : i32
    %swap3A_86 = arith.index_cast %swap3A_85 : i32 to index
    %swap3A_87 = arith.constant 48 : index
    %swap3A_88 = tpu.vector_load %arg15[%swap3A_86, %swap3A_87] {strides = array<i32>} : memref<3x112xi32, #tpu.memory_space<vmem>>, vector<1x16xi32>,
    %swap3A_89 = vector.shape_cast %swap3A_88 : vector<1x16xi32> to vector<16xi32>
    %swap3A_90 = vector.shape_cast %add3A_84 : vector<16xi32> to vector<1x16xi32>
    tpu.vector_store %arg15[%swap3A_86, %swap3A_87], %swap3A_90 {strides = array<i32>} : memref<3x112xi32, #tpu.memory_space<vmem>>, vector<1x16xi32>,
    %get3A_91 = arith.constant 0 : i32
    %get3A_92 = arith.index_cast %get3A_91 : i32 to index
    %get3A_93 = arith.constant 64 : index
    %get3A_94 = tpu.vector_load %arg13[%get3A_92, %get3A_93] {strides = array<i32>} : memref<3x112xi32, #tpu.memory_space<vmem>>, vector<1x16xi32>,
    %get3A_95 = vector.shape_cast %get3A_94 : vector<1x16xi32> to vector<16xi32>
    %mul3A_96 = arith.constant 128 : i32
    %mul3A_97 = vector.broadcast %mul3A_96 : i32 to vector<16xi32>
    %mul3A_98 = arith.muli %get3A_95, %mul3A_97 : vector<16xi32>
    %get3A_99 = arith.constant 0 : i32
    %get3A_100 = arith.index_cast %get3A_99 : i32 to index
    %get3A_101 = arith.constant 64 : index
    %get3A_102 = tpu.vector_load %arg14[%get3A_100, %get3A_101] {strides = array<i32>} : memref<3x112xi32, #tpu.memory_space<vmem>>, vector<1x16xi32>,
    %get3A_103 = vector.shape_cast %get3A_102 : vector<1x16xi32> to vector<16xi32>
    %add3A_104 = arith.addi %mul3A_98, %get3A_103 : vector<16xi32>
    %swap3A_105 = arith.constant 0 : i32
    %swap3A_106 = arith.index_cast %swap3A_105 : i32 to index
    %swap3A_107 = arith.constant 64 : index
    %swap3A_108 = tpu.vector_load %arg15[%swap3A_106, %swap3A_107] {strides = array<i32>} : memref<3x112xi32, #tpu.memory_space<vmem>>, vector<1x16xi32>,
    %swap3A_109 = vector.shape_cast %swap3A_108 : vector<1x16xi32> to vector<16xi32>
    %swap3A_110 = vector.shape_cast %add3A_104 : vector<16xi32> to vector<1x16xi32>
    tpu.vector_store %arg15[%swap3A_106, %swap3A_107], %swap3A_110 {strides = array<i32>} : memref<3x112xi32, #tpu.memory_space<vmem>>, vector<1x16xi32>,
    %get3A_111 = arith.constant 0 : i32
    %get3A_112 = arith.index_cast %get3A_111 : i32 to index
    %get3A_113 = arith.constant 80 : index
    %get3A_114 = tpu.vector_load %arg13[%get3A_112, %get3A_113] {strides = array<i32>} : memref<3x112xi32, #tpu.memory_space<vmem>>, vector<1x16xi32>,
    %get3A_115 = vector.shape_cast %get3A_114 : vector<1x16xi32> to vector<16xi32>
    %mul3A_116 = arith.constant 128 : i32
    %mul3A_117 = vector.broadcast %mul3A_116 : i32 to vector<16xi32>
    %mul3A_118 = arith.muli %get3A_115, %mul3A_117 : vector<16xi32>
    %get3A_119 = arith.constant 0 : i32
    %get3A_120 = arith.index_cast %get3A_119 : i32 to index
    %get3A_121 = arith.constant 80 : index
    %get3A_122 = tpu.vector_load %arg14[%get3A_120, %get3A_121] {strides = array<i32>} : memref<3x112xi32, #tpu.memory_space<vmem>>, vector<1x16xi32>,
    %get3A_123 = vector.shape_cast %get3A_122 : vector<1x16xi32> to vector<16xi32>
    %add3A_124 = arith.addi %mul3A_118, %get3A_123 : vector<16xi32>
    %swap3A_125 = arith.constant 0 : i32
    %swap3A_126 = arith.index_cast %swap3A_125 : i32 to index
    %swap3A_127 = arith.constant 80 : index
    %swap3A_128 = tpu.vector_load %arg15[%swap3A_126, %swap3A_127] {strides = array<i32>} : memref<3x112xi32, #tpu.memory_space<vmem>>, vector<1x16xi32>,
    %swap3A_129 = vector.shape_cast %swap3A_128 : vector<1x16xi32> to vector<16xi32>
    %swap3A_130 = vector.shape_cast %add3A_124 : vector<16xi32> to vector<1x16xi32>
    tpu.vector_store %arg15[%swap3A_126, %swap3A_127], %swap3A_130 {strides = array<i32>} : memref<3x112xi32, #tpu.memory_space<vmem>>, vector<1x16xi32>,
    %get3A_131 = arith.constant 0 : i32
    %get3A_132 = arith.index_cast %get3A_131 : i32 to index
    %get3A_133 = arith.constant 96 : index
    %get3A_134 = tpu.vector_load %arg13[%get3A_132, %get3A_133] {strides = array<i32>} : memref<3x112xi32, #tpu.memory_space<vmem>>, vector<1x16xi32>,
    %get3A_135 = vector.shape_cast %get3A_134 : vector<1x16xi32> to vector<16xi32>
    %mul3A_136 = arith.constant 128 : i32
    %mul3A_137 = vector.broadcast %mul3A_136 : i32 to vector<16xi32>
    %mul3A_138 = arith.muli %get3A_135, %mul3A_137 : vector<16xi32>
    %get3A_139 = arith.constant 0 : i32
    %get3A_140 = arith.index_cast %get3A_139 : i32 to index
    %get3A_141 = arith.constant 96 : index
    %get3A_142 = tpu.vector_load %arg14[%get3A_140, %get3A_141] {strides = array<i32>} : memref<3x112xi32, #tpu.memory_space<vmem>>, vector<1x16xi32>,
    %get3A_143 = vector.shape_cast %get3A_142 : vector<1x16xi32> to vector<16xi32>
    %add3A_144 = arith.addi %mul3A_138, %get3A_143 : vector<16xi32>
    %swap3A_145 = arith.constant 0 : i32
    %swap3A_146 = arith.index_cast %swap3A_145 : i32 to index
    %swap3A_147 = arith.constant 96 : index
    %swap3A_148 = tpu.vector_load %arg15[%swap3A_146, %swap3A_147] {strides = array<i32>} : memref<3x112xi32, #tpu.memory_space<vmem>>, vector<1x16xi32>,
    %swap3A_149 = vector.shape_cast %swap3A_148 : vector<1x16xi32> to vector<16xi32>
    %swap3A_150 = vector.shape_cast %add3A_144 : vector<16xi32> to vector<1x16xi32>
    tpu.vector_store %arg15[%swap3A_146, %swap3A_147], %swap3A_150 {strides = array<i32>} : memref<3x112xi32, #tpu.memory_space<vmem>>, vector<1x16xi32>,
    %dma_start3A = arith.constant 0 : i32
    %dma_start3A_151 = arith.constant 0 : i32
    %dma_start3A_152 = arith.constant 0 : i32
    %dma_start3A_153 = tpu.memref_slice %arg17[%dma_start3A, %dma_start3A_152] : memref<3x112xf32, #tpu.memory_space<vmem>> -> memref<1x112xf32, #tpu.memory_space<vmem>>
    %dma_start3A_154 = tpu.memref_squeeze %dma_start3A_153 : memref<1x112xf32, #tpu.memory_space<vmem>> -> memref<112xf32, #tpu.memory_space<vmem>>
    %dma_start3A_155 = arith.constant 0 : i32
    %dma_start3A_156 = tpu.memref_slice %arg15[%dma_start3A_151, %dma_start3A_155] : memref<3x112xi32, #tpu.memory_space<vmem>> -> memref<1x112xi32, #tpu.memory_space<vmem>>
    %dma_start3A_157 = tpu.memref_squeeze %dma_start3A_156 : memref<1x112xi32, #tpu.memory_space<vmem>> -> memref<112xi32, #tpu.memory_space<vmem>>
    %dma_start3A_158 = arith.constant 0 : i32
    %dma_start3A_159 = tpu.memref_slice %arg11[%dma_start3A_158] : memref<1310720xf32, #tpu.memory_space<vmem_shared>> -> memref<1310720xf32, #tpu.memory_space<vmem_shared>>
    tpu.enqueue_indirect_dma source(%dma_start3A_154 : memref<112xf32, #tpu.memory_space<vmem>>) target(%dma_start3A_159 : memref<1310720xf32, #tpu.memory_space<vmem_shared>>) offsets(%dma_start3A_157 : memref<112xi32, #tpu.memory_space<vmem>>) semaphore(%arg18 : memref<!tpu.dma_semaphore, #tpu.memory_space<semaphore_mem>>) {add = true}
    %get3A_160 = arith.constant 1 : i32
    %get3A_161 = arith.index_cast %get3A_160 : i32 to index
    %get3A_162 = arith.constant 0 : index
    %get3A_163 = tpu.vector_load %arg13[%get3A_161, %get3A_162] {strides = array<i32>} : memref<3x112xi32, #tpu.memory_space<vmem>>, vector<1x16xi32>,
    %get3A_164 = vector.shape_cast %get3A_163 : vector<1x16xi32> to vector<16xi32>
    %mul3A_165 = arith.constant 128 : i32
    %mul3A_166 = vector.broadcast %mul3A_165 : i32 to vector<16xi32>
    %mul3A_167 = arith.muli %get3A_164, %mul3A_166 : vector<16xi32>
    %get3A_168 = arith.constant 1 : i32
    %get3A_169 = arith.index_cast %get3A_168 : i32 to index
    %get3A_170 = arith.constant 0 : index
    %get3A_171 = tpu.vector_load %arg14[%get3A_169, %get3A_170] {strides = array<i32>} : memref<3x112xi32, #tpu.memory_space<vmem>>, vector<1x16xi32>,
    %get3A_172 = vector.shape_cast %get3A_171 : vector<1x16xi32> to vector<16xi32>
    %add3A_173 = arith.addi %mul3A_167, %get3A_172 : vector<16xi32>
    %swap3A_174 = arith.constant 1 : i32
    %swap3A_175 = arith.index_cast %swap3A_174 : i32 to index
    %swap3A_176 = arith.constant 0 : index
    %swap3A_177 = tpu.vector_load %arg15[%swap3A_175, %swap3A_176] {strides = array<i32>} : memref<3x112xi32, #tpu.memory_space<vmem>>, vector<1x16xi32>,
    %swap3A_178 = vector.shape_cast %swap3A_177 : vector<1x16xi32> to vector<16xi32>
    %swap3A_179 = vector.shape_cast %add3A_173 : vector<16xi32> to vector<1x16xi32>
    tpu.vector_store %arg15[%swap3A_175, %swap3A_176], %swap3A_179 {strides = array<i32>} : memref<3x112xi32, #tpu.memory_space<vmem>>, vector<1x16xi32>,
    %get3A_180 = arith.constant 1 : i32
    %get3A_181 = arith.index_cast %get3A_180 : i32 to index
    %get3A_182 = arith.constant 16 : index
    %get3A_183 = tpu.vector_load %arg13[%get3A_181, %get3A_182] {strides = array<i32>} : memref<3x112xi32, #tpu.memory_space<vmem>>, vector<1x16xi32>,
    %get3A_184 = vector.shape_cast %get3A_183 : vector<1x16xi32> to vector<16xi32>
    %mul3A_185 = arith.constant 128 : i32
    %mul3A_186 = vector.broadcast %mul3A_185 : i32 to vector<16xi32>
    %mul3A_187 = arith.muli %get3A_184, %mul3A_186 : vector<16xi32>
    %get3A_188 = arith.constant 1 : i32
    %get3A_189 = arith.index_cast %get3A_188 : i32 to index
    %get3A_190 = arith.constant 16 : index
    %get3A_191 = tpu.vector_load %arg14[%get3A_189, %get3A_190] {strides = array<i32>} : memref<3x112xi32, #tpu.memory_space<vmem>>, vector<1x16xi32>,
    %get3A_192 = vector.shape_cast %get3A_191 : vector<1x16xi32> to vector<16xi32>
    %add3A_193 = arith.addi %mul3A_187, %get3A_192 : vector<16xi32>
    %swap3A_194 = arith.constant 1 : i32
    %swap3A_195 = arith.index_cast %swap3A_194 : i32 to index
    %swap3A_196 = arith.constant 16 : index
    %swap3A_197 = tpu.vector_load %arg15[%swap3A_195, %swap3A_196] {strides = array<i32>} : memref<3x112xi32, #tpu.memory_space<vmem>>, vector<1x16xi32>,
    %swap3A_198 = vector.shape_cast %swap3A_197 : vector<1x16xi32> to vector<16xi32>
    %swap3A_199 = vector.shape_cast %add3A_193 : vector<16xi32> to vector<1x16xi32>
    tpu.vector_store %arg15[%swap3A_195, %swap3A_196], %swap3A_199 {strides = array<i32>} : memref<3x112xi32, #tpu.memory_space<vmem>>, vector<1x16xi32>,
    %get3A_200 = arith.constant 1 : i32
    %get3A_201 = arith.index_cast %get3A_200 : i32 to index
    %get3A_202 = arith.constant 32 : index
    %get3A_203 = tpu.vector_load %arg13[%get3A_201, %get3A_202] {strides = array<i32>} : memref<3x112xi32, #tpu.memory_space<vmem>>, vector<1x16xi32>,
    %get3A_204 = vector.shape_cast %get3A_203 : vector<1x16xi32> to vector<16xi32>
    %mul3A_205 = arith.constant 128 : i32
    %mul3A_206 = vector.broadcast %mul3A_205 : i32 to vector<16xi32>
    %mul3A_207 = arith.muli %get3A_204, %mul3A_206 : vector<16xi32>
    %get3A_208 = arith.constant 1 : i32
    %get3A_209 = arith.index_cast %get3A_208 : i32 to index
    %get3A_210 = arith.constant 32 : index
    %get3A_211 = tpu.vector_load %arg14[%get3A_209, %get3A_210] {strides = array<i32>} : memref<3x112xi32, #tpu.memory_space<vmem>>, vector<1x16xi32>,
    %get3A_212 = vector.shape_cast %get3A_211 : vector<1x16xi32> to vector<16xi32>
    %add3A_213 = arith.addi %mul3A_207, %get3A_212 : vector<16xi32>
    %swap3A_214 = arith.constant 1 : i32
    %swap3A_215 = arith.index_cast %swap3A_214 : i32 to index
    %swap3A_216 = arith.constant 32 : index
    %swap3A_217 = tpu.vector_load %arg15[%swap3A_215, %swap3A_216] {strides = array<i32>} : memref<3x112xi32, #tpu.memory_space<vmem>>, vector<1x16xi32>,
    %swap3A_218 = vector.shape_cast %swap3A_217 : vector<1x16xi32> to vector<16xi32>
    %swap3A_219 = vector.shape_cast %add3A_213 : vector<16xi32> to vector<1x16xi32>
    tpu.vector_store %arg15[%swap3A_215, %swap3A_216], %swap3A_219 {strides = array<i32>} : memref<3x112xi32, #tpu.memory_space<vmem>>, vector<1x16xi32>,
    %get3A_220 = arith.constant 1 : i32
    %get3A_221 = arith.index_cast %get3A_220 : i32 to index
    %get3A_222 = arith.constant 48 : index
    %get3A_223 = tpu.vector_load %arg13[%get3A_221, %get3A_222] {strides = array<i32>} : memref<3x112xi32, #tpu.memory_space<vmem>>, vector<1x16xi32>,
    %get3A_224 = vector.shape_cast %get3A_223 : vector<1x16xi32> to vector<16xi32>
    %mul3A_225 = arith.constant 128 : i32
    %mul3A_226 = vector.broadcast %mul3A_225 : i32 to vector<16xi32>
    %mul3A_227 = arith.muli %get3A_224, %mul3A_226 : vector<16xi32>
    %get3A_228 = arith.constant 1 : i32
    %get3A_229 = arith.index_cast %get3A_228 : i32 to index
    %get3A_230 = arith.constant 48 : index
    %get3A_231 = tpu.vector_load %arg14[%get3A_229, %get3A_230] {strides = array<i32>} : memref<3x112xi32, #tpu.memory_space<vmem>>, vector<1x16xi32>,
    %get3A_232 = vector.shape_cast %get3A_231 : vector<1x16xi32> to vector<16xi32>
    %add3A_233 = arith.addi %mul3A_227, %get3A_232 : vector<16xi32>
    %swap3A_234 = arith.constant 1 : i32
    %swap3A_235 = arith.index_cast %swap3A_234 : i32 to index
    %swap3A_236 = arith.constant 48 : index
    %swap3A_237 = tpu.vector_load %arg15[%swap3A_235, %swap3A_236] {strides = array<i32>} : memref<3x112xi32, #tpu.memory_space<vmem>>, vector<1x16xi32>,
    %swap3A_238 = vector.shape_cast %swap3A_237 : vector<1x16xi32> to vector<16xi32>
    %swap3A_239 = vector.shape_cast %add3A_233 : vector<16xi32> to vector<1x16xi32>
    tpu.vector_store %arg15[%swap3A_235, %swap3A_236], %swap3A_239 {strides = array<i32>} : memref<3x112xi32, #tpu.memory_space<vmem>>, vector<1x16xi32>,
    %get3A_240 = arith.constant 1 : i32
    %get3A_241 = arith.index_cast %get3A_240 : i32 to index
    %get3A_242 = arith.constant 64 : index
    %get3A_243 = tpu.vector_load %arg13[%get3A_241, %get3A_242] {strides = array<i32>} : memref<3x112xi32, #tpu.memory_space<vmem>>, vector<1x16xi32>,
    %get3A_244 = vector.shape_cast %get3A_243 : vector<1x16xi32> to vector<16xi32>
    %mul3A_245 = arith.constant 128 : i32
    %mul3A_246 = vector.broadcast %mul3A_245 : i32 to vector<16xi32>
    %mul3A_247 = arith.muli %get3A_244, %mul3A_246 : vector<16xi32>
    %get3A_248 = arith.constant 1 : i32
    %get3A_249 = arith.index_cast %get3A_248 : i32 to index
    %get3A_250 = arith.constant 64 : index
    %get3A_251 = tpu.vector_load %arg14[%get3A_249, %get3A_250] {strides = array<i32>} : memref<3x112xi32, #tpu.memory_space<vmem>>, vector<1x16xi32>,
    %get3A_252 = vector.shape_cast %get3A_251 : vector<1x16xi32> to vector<16xi32>
    %add3A_253 = arith.addi %mul3A_247, %get3A_252 : vector<16xi32>
    %swap3A_254 = arith.constant 1 : i32
    %swap3A_255 = arith.index_cast %swap3A_254 : i32 to index
    %swap3A_256 = arith.constant 64 : index
    %swap3A_257 = tpu.vector_load %arg15[%swap3A_255, %swap3A_256] {strides = array<i32>} : memref<3x112xi32, #tpu.memory_space<vmem>>, vector<1x16xi32>,
    %swap3A_258 = vector.shape_cast %swap3A_257 : vector<1x16xi32> to vector<16xi32>
    %swap3A_259 = vector.shape_cast %add3A_253 : vector<16xi32> to vector<1x16xi32>
    tpu.vector_store %arg15[%swap3A_255, %swap3A_256], %swap3A_259 {strides = array<i32>} : memref<3x112xi32, #tpu.memory_space<vmem>>, vector<1x16xi32>,
    %get3A_260 = arith.constant 1 : i32
    %get3A_261 = arith.index_cast %get3A_260 : i32 to index
    %get3A_262 = arith.constant 80 : index
    %get3A_263 = tpu.vector_load %arg13[%get3A_261, %get3A_262] {strides = array<i32>} : memref<3x112xi32, #tpu.memory_space<vmem>>, vector<1x16xi32>,
    %get3A_264 = vector.shape_cast %get3A_263 : vector<1x16xi32> to vector<16xi32>
    %mul3A_265 = arith.constant 128 : i32
    %mul3A_266 = vector.broadcast %mul3A_265 : i32 to vector<16xi32>
    %mul3A_267 = arith.muli %get3A_264, %mul3A_266 : vector<16xi32>
    %get3A_268 = arith.constant 1 : i32
    %get3A_269 = arith.index_cast %get3A_268 : i32 to index
    %get3A_270 = arith.constant 80 : index
    %get3A_271 = tpu.vector_load %arg14[%get3A_269, %get3A_270] {strides = array<i32>} : memref<3x112xi32, #tpu.memory_space<vmem>>, vector<1x16xi32>,
    %get3A_272 = vector.shape_cast %get3A_271 : vector<1x16xi32> to vector<16xi32>
    %add3A_273 = arith.addi %mul3A_267, %get3A_272 : vector<16xi32>
    %swap3A_274 = arith.constant 1 : i32
    %swap3A_275 = arith.index_cast %swap3A_274 : i32 to index
    %swap3A_276 = arith.constant 80 : index
    %swap3A_277 = tpu.vector_load %arg15[%swap3A_275, %swap3A_276] {strides = array<i32>} : memref<3x112xi32, #tpu.memory_space<vmem>>, vector<1x16xi32>,
    %swap3A_278 = vector.shape_cast %swap3A_277 : vector<1x16xi32> to vector<16xi32>
    %swap3A_279 = vector.shape_cast %add3A_273 : vector<16xi32> to vector<1x16xi32>
    tpu.vector_store %arg15[%swap3A_275, %swap3A_276], %swap3A_279 {strides = array<i32>} : memref<3x112xi32, #tpu.memory_space<vmem>>, vector<1x16xi32>,
    %get3A_280 = arith.constant 1 : i32
    %get3A_281 = arith.index_cast %get3A_280 : i32 to index
    %get3A_282 = arith.constant 96 : index
    %get3A_283 = tpu.vector_load %arg13[%get3A_281, %get3A_282] {strides = array<i32>} : memref<3x112xi32, #tpu.memory_space<vmem>>, vector<1x16xi32>,
    %get3A_284 = vector.shape_cast %get3A_283 : vector<1x16xi32> to vector<16xi32>
    %mul3A_285 = arith.constant 128 : i32
    %mul3A_286 = vector.broadcast %mul3A_285 : i32 to vector<16xi32>
    %mul3A_287 = arith.muli %get3A_284, %mul3A_286 : vector<16xi32>
    %get3A_288 = arith.constant 1 : i32
    %get3A_289 = arith.index_cast %get3A_288 : i32 to index
    %get3A_290 = arith.constant 96 : index
    %get3A_291 = tpu.vector_load %arg14[%get3A_289, %get3A_290] {strides = array<i32>} : memref<3x112xi32, #tpu.memory_space<vmem>>, vector<1x16xi32>,
    %get3A_292 = vector.shape_cast %get3A_291 : vector<1x16xi32> to vector<16xi32>
    %add3A_293 = arith.addi %mul3A_287, %get3A_292 : vector<16xi32>
    %swap3A_294 = arith.constant 1 : i32
    %swap3A_295 = arith.index_cast %swap3A_294 : i32 to index
    %swap3A_296 = arith.constant 96 : index
    %swap3A_297 = tpu.vector_load %arg15[%swap3A_295, %swap3A_296] {strides = array<i32>} : memref<3x112xi32, #tpu.memory_space<vmem>>, vector<1x16xi32>,
    %swap3A_298 = vector.shape_cast %swap3A_297 : vector<1x16xi32> to vector<16xi32>
    %swap3A_299 = vector.shape_cast %add3A_293 : vector<16xi32> to vector<1x16xi32>
    tpu.vector_store %arg15[%swap3A_295, %swap3A_296], %swap3A_299 {strides = array<i32>} : memref<3x112xi32, #tpu.memory_space<vmem>>, vector<1x16xi32>,
    %dma_start3A_300 = arith.constant 1 : i32
    %dma_start3A_301 = arith.constant 1 : i32
    %dma_start3A_302 = arith.constant 0 : i32
    %dma_start3A_303 = tpu.memref_slice %arg17[%dma_start3A_300, %dma_start3A_302] : memref<3x112xf32, #tpu.memory_space<vmem>> -> memref<1x112xf32, #tpu.memory_space<vmem>>
    %dma_start3A_304 = tpu.memref_squeeze %dma_start3A_303 : memref<1x112xf32, #tpu.memory_space<vmem>> -> memref<112xf32, #tpu.memory_space<vmem>>
    %dma_start3A_305 = arith.constant 0 : i32
    %dma_start3A_306 = tpu.memref_slice %arg15[%dma_start3A_301, %dma_start3A_305] : memref<3x112xi32, #tpu.memory_space<vmem>> -> memref<1x112xi32, #tpu.memory_space<vmem>>
    %dma_start3A_307 = tpu.memref_squeeze %dma_start3A_306 : memref<1x112xi32, #tpu.memory_space<vmem>> -> memref<112xi32, #tpu.memory_space<vmem>>
    %dma_start3A_308 = arith.constant 0 : i32
    %dma_start3A_309 = tpu.memref_slice %arg11[%dma_start3A_308] : memref<1310720xf32, #tpu.memory_space<vmem_shared>> -> memref<1310720xf32, #tpu.memory_space<vmem_shared>>
    tpu.enqueue_indirect_dma source(%dma_start3A_304 : memref<112xf32, #tpu.memory_space<vmem>>) target(%dma_start3A_309 : memref<1310720xf32, #tpu.memory_space<vmem_shared>>) offsets(%dma_start3A_307 : memref<112xi32, #tpu.memory_space<vmem>>) semaphore(%arg18 : memref<!tpu.dma_semaphore, #tpu.memory_space<semaphore_mem>>) {add = true}
    %get3A_310 = arith.constant 2 : i32
    %get3A_311 = arith.index_cast %get3A_310 : i32 to index
    %get3A_312 = arith.constant 0 : index
    %get3A_313 = tpu.vector_load %arg13[%get3A_311, %get3A_312] {strides = array<i32>} : memref<3x112xi32, #tpu.memory_space<vmem>>, vector<1x16xi32>,
    %get3A_314 = vector.shape_cast %get3A_313 : vector<1x16xi32> to vector<16xi32>
    %mul3A_315 = arith.constant 128 : i32
    %mul3A_316 = vector.broadcast %mul3A_315 : i32 to vector<16xi32>
    %mul3A_317 = arith.muli %get3A_314, %mul3A_316 : vector<16xi32>
    %get3A_318 = arith.constant 2 : i32
    %get3A_319 = arith.index_cast %get3A_318 : i32 to index
    %get3A_320 = arith.constant 0 : index
    %get3A_321 = tpu.vector_load %arg14[%get3A_319, %get3A_320] {strides = array<i32>} : memref<3x112xi32, #tpu.memory_space<vmem>>, vector<1x16xi32>,
    %get3A_322 = vector.shape_cast %get3A_321 : vector<1x16xi32> to vector<16xi32>
    %add3A_323 = arith.addi %mul3A_317, %get3A_322 : vector<16xi32>
    %swap3A_324 = arith.constant 2 : i32
    %swap3A_325 = arith.index_cast %swap3A_324 : i32 to index
    %swap3A_326 = arith.constant 0 : index
    %swap3A_327 = tpu.vector_load %arg15[%swap3A_325, %swap3A_326] {strides = array<i32>} : memref<3x112xi32, #tpu.memory_space<vmem>>, vector<1x16xi32>,
    %swap3A_328 = vector.shape_cast %swap3A_327 : vector<1x16xi32> to vector<16xi32>
    %swap3A_329 = vector.shape_cast %add3A_323 : vector<16xi32> to vector<1x16xi32>
    tpu.vector_store %arg15[%swap3A_325, %swap3A_326], %swap3A_329 {strides = array<i32>} : memref<3x112xi32, #tpu.memory_space<vmem>>, vector<1x16xi32>,
    %get3A_330 = arith.constant 2 : i32
    %get3A_331 = arith.index_cast %get3A_330 : i32 to index
    %get3A_332 = arith.constant 16 : index
    %get3A_333 = tpu.vector_load %arg13[%get3A_331, %get3A_332] {strides = array<i32>} : memref<3x112xi32, #tpu.memory_space<vmem>>, vector<1x16xi32>,
    %get3A_334 = vector.shape_cast %get3A_333 : vector<1x16xi32> to vector<16xi32>
    %mul3A_335 = arith.constant 128 : i32
    %mul3A_336 = vector.broadcast %mul3A_335 : i32 to vector<16xi32>
    %mul3A_337 = arith.muli %get3A_334, %mul3A_336 : vector<16xi32>
    %get3A_338 = arith.constant 2 : i32
    %get3A_339 = arith.index_cast %get3A_338 : i32 to index
    %get3A_340 = arith.constant 16 : index
    %get3A_341 = tpu.vector_load %arg14[%get3A_339, %get3A_340] {strides = array<i32>} : memref<3x112xi32, #tpu.memory_space<vmem>>, vector<1x16xi32>,
    %get3A_342 = vector.shape_cast %get3A_341 : vector<1x16xi32> to vector<16xi32>
    %add3A_343 = arith.addi %mul3A_337, %get3A_342 : vector<16xi32>
    %swap3A_344 = arith.constant 2 : i32
    %swap3A_345 = arith.index_cast %swap3A_344 : i32 to index
    %swap3A_346 = arith.constant 16 : index
    %swap3A_347 = tpu.vector_load %arg15[%swap3A_345, %swap3A_346] {strides = array<i32>} : memref<3x112xi32, #tpu.memory_space<vmem>>, vector<1x16xi32>,
    %swap3A_348 = vector.shape_cast %swap3A_347 : vector<1x16xi32> to vector<16xi32>
    %swap3A_349 = vector.shape_cast %add3A_343 : vector<16xi32> to vector<1x16xi32>
    tpu.vector_store %arg15[%swap3A_345, %swap3A_346], %swap3A_349 {strides = array<i32>} : memref<3x112xi32, #tpu.memory_space<vmem>>, vector<1x16xi32>,
    %get3A_350 = arith.constant 2 : i32
    %get3A_351 = arith.index_cast %get3A_350 : i32 to index
    %get3A_352 = arith.constant 32 : index
    %get3A_353 = tpu.vector_load %arg13[%get3A_351, %get3A_352] {strides = array<i32>} : memref<3x112xi32, #tpu.memory_space<vmem>>, vector<1x16xi32>,
    %get3A_354 = vector.shape_cast %get3A_353 : vector<1x16xi32> to vector<16xi32>
    %mul3A_355 = arith.constant 128 : i32
    %mul3A_356 = vector.broadcast %mul3A_355 : i32 to vector<16xi32>
    %mul3A_357 = arith.muli %get3A_354, %mul3A_356 : vector<16xi32>
    %get3A_358 = arith.constant 2 : i32
    %get3A_359 = arith.index_cast %get3A_358 : i32 to index
    %get3A_360 = arith.constant 32 : index
    %get3A_361 = tpu.vector_load %arg14[%get3A_359, %get3A_360] {strides = array<i32>} : memref<3x112xi32, #tpu.memory_space<vmem>>, vector<1x16xi32>,
    %get3A_362 = vector.shape_cast %get3A_361 : vector<1x16xi32> to vector<16xi32>
    %add3A_363 = arith.addi %mul3A_357, %get3A_362 : vector<16xi32>
    %swap3A_364 = arith.constant 2 : i32
    %swap3A_365 = arith.index_cast %swap3A_364 : i32 to index
    %swap3A_366 = arith.constant 32 : index
    %swap3A_367 = tpu.vector_load %arg15[%swap3A_365, %swap3A_366] {strides = array<i32>} : memref<3x112xi32, #tpu.memory_space<vmem>>, vector<1x16xi32>,
    %swap3A_368 = vector.shape_cast %swap3A_367 : vector<1x16xi32> to vector<16xi32>
    %swap3A_369 = vector.shape_cast %add3A_363 : vector<16xi32> to vector<1x16xi32>
    tpu.vector_store %arg15[%swap3A_365, %swap3A_366], %swap3A_369 {strides = array<i32>} : memref<3x112xi32, #tpu.memory_space<vmem>>, vector<1x16xi32>,
    %get3A_370 = arith.constant 2 : i32
    %get3A_371 = arith.index_cast %get3A_370 : i32 to index
    %get3A_372 = arith.constant 48 : index
    %get3A_373 = tpu.vector_load %arg13[%get3A_371, %get3A_372] {strides = array<i32>} : memref<3x112xi32, #tpu.memory_space<vmem>>, vector<1x16xi32>,
    %get3A_374 = vector.shape_cast %get3A_373 : vector<1x16xi32> to vector<16xi32>
    %mul3A_375 = arith.constant 128 : i32
    %mul3A_376 = vector.broadcast %mul3A_375 : i32 to vector<16xi32>
    %mul3A_377 = arith.muli %get3A_374, %mul3A_376 : vector<16xi32>
    %get3A_378 = arith.constant 2 : i32
    %get3A_379 = arith.index_cast %get3A_378 : i32 to index
    %get3A_380 = arith.constant 48 : index
    %get3A_381 = tpu.vector_load %arg14[%get3A_379, %get3A_380] {strides = array<i32>} : memref<3x112xi32, #tpu.memory_space<vmem>>, vector<1x16xi32>,
    %get3A_382 = vector.shape_cast %get3A_381 : vector<1x16xi32> to vector<16xi32>
    %add3A_383 = arith.addi %mul3A_377, %get3A_382 : vector<16xi32>
    %swap3A_384 = arith.constant 2 : i32
    %swap3A_385 = arith.index_cast %swap3A_384 : i32 to index
    %swap3A_386 = arith.constant 48 : index
    %swap3A_387 = tpu.vector_load %arg15[%swap3A_385, %swap3A_386] {strides = array<i32>} : memref<3x112xi32, #tpu.memory_space<vmem>>, vector<1x16xi32>,
    %swap3A_388 = vector.shape_cast %swap3A_387 : vector<1x16xi32> to vector<16xi32>
    %swap3A_389 = vector.shape_cast %add3A_383 : vector<16xi32> to vector<1x16xi32>
    tpu.vector_store %arg15[%swap3A_385, %swap3A_386], %swap3A_389 {strides = array<i32>} : memref<3x112xi32, #tpu.memory_space<vmem>>, vector<1x16xi32>,
    %get3A_390 = arith.constant 2 : i32
    %get3A_391 = arith.index_cast %get3A_390 : i32 to index
    %get3A_392 = arith.constant 64 : index
    %get3A_393 = tpu.vector_load %arg13[%get3A_391, %get3A_392] {strides = array<i32>} : memref<3x112xi32, #tpu.memory_space<vmem>>, vector<1x16xi32>,
    %get3A_394 = vector.shape_cast %get3A_393 : vector<1x16xi32> to vector<16xi32>
    %mul3A_395 = arith.constant 128 : i32
    %mul3A_396 = vector.broadcast %mul3A_395 : i32 to vector<16xi32>
    %mul3A_397 = arith.muli %get3A_394, %mul3A_396 : vector<16xi32>
    %get3A_398 = arith.constant 2 : i32
    %get3A_399 = arith.index_cast %get3A_398 : i32 to index
    %get3A_400 = arith.constant 64 : index
    %get3A_401 = tpu.vector_load %arg14[%get3A_399, %get3A_400] {strides = array<i32>} : memref<3x112xi32, #tpu.memory_space<vmem>>, vector<1x16xi32>,
    %get3A_402 = vector.shape_cast %get3A_401 : vector<1x16xi32> to vector<16xi32>
    %add3A_403 = arith.addi %mul3A_397, %get3A_402 : vector<16xi32>
    %swap3A_404 = arith.constant 2 : i32
    %swap3A_405 = arith.index_cast %swap3A_404 : i32 to index
    %swap3A_406 = arith.constant 64 : index
    %swap3A_407 = tpu.vector_load %arg15[%swap3A_405, %swap3A_406] {strides = array<i32>} : memref<3x112xi32, #tpu.memory_space<vmem>>, vector<1x16xi32>,
    %swap3A_408 = vector.shape_cast %swap3A_407 : vector<1x16xi32> to vector<16xi32>
    %swap3A_409 = vector.shape_cast %add3A_403 : vector<16xi32> to vector<1x16xi32>
    tpu.vector_store %arg15[%swap3A_405, %swap3A_406], %swap3A_409 {strides = array<i32>} : memref<3x112xi32, #tpu.memory_space<vmem>>, vector<1x16xi32>,
    %get3A_410 = arith.constant 2 : i32
    %get3A_411 = arith.index_cast %get3A_410 : i32 to index
    %get3A_412 = arith.constant 80 : index
    %get3A_413 = tpu.vector_load %arg13[%get3A_411, %get3A_412] {strides = array<i32>} : memref<3x112xi32, #tpu.memory_space<vmem>>, vector<1x16xi32>,
    %get3A_414 = vector.shape_cast %get3A_413 : vector<1x16xi32> to vector<16xi32>
    %mul3A_415 = arith.constant 128 : i32
    %mul3A_416 = vector.broadcast %mul3A_415 : i32 to vector<16xi32>
    %mul3A_417 = arith.muli %get3A_414, %mul3A_416 : vector<16xi32>
    %get3A_418 = arith.constant 2 : i32
    %get3A_419 = arith.index_cast %get3A_418 : i32 to index
    %get3A_420 = arith.constant 80 : index
    %get3A_421 = tpu.vector_load %arg14[%get3A_419, %get3A_420] {strides = array<i32>} : memref<3x112xi32, #tpu.memory_space<vmem>>, vector<1x16xi32>,
    %get3A_422 = vector.shape_cast %get3A_421 : vector<1x16xi32> to vector<16xi32>
    %add3A_423 = arith.addi %mul3A_417, %get3A_422 : vector<16xi32>
    %swap3A_424 = arith.constant 2 : i32
    %swap3A_425 = arith.index_cast %swap3A_424 : i32 to index
    %swap3A_426 = arith.constant 80 : index
    %swap3A_427 = tpu.vector_load %arg15[%swap3A_425, %swap3A_426] {strides = array<i32>} : memref<3x112xi32, #tpu.memory_space<vmem>>, vector<1x16xi32>,
    %swap3A_428 = vector.shape_cast %swap3A_427 : vector<1x16xi32> to vector<16xi32>
    %swap3A_429 = vector.shape_cast %add3A_423 : vector<16xi32> to vector<1x16xi32>
    tpu.vector_store %arg15[%swap3A_425, %swap3A_426], %swap3A_429 {strides = array<i32>} : memref<3x112xi32, #tpu.memory_space<vmem>>, vector<1x16xi32>,
    %get3A_430 = arith.constant 2 : i32
    %get3A_431 = arith.index_cast %get3A_430 : i32 to index
    %get3A_432 = arith.constant 96 : index
    %get3A_433 = tpu.vector_load %arg13[%get3A_431, %get3A_432] {strides = array<i32>} : memref<3x112xi32, #tpu.memory_space<vmem>>, vector<1x16xi32>,
    %get3A_434 = vector.shape_cast %get3A_433 : vector<1x16xi32> to vector<16xi32>
    %mul3A_435 = arith.constant 128 : i32
    %mul3A_436 = vector.broadcast %mul3A_435 : i32 to vector<16xi32>
    %mul3A_437 = arith.muli %get3A_434, %mul3A_436 : vector<16xi32>
    %get3A_438 = arith.constant 2 : i32
    %get3A_439 = arith.index_cast %get3A_438 : i32 to index
    %get3A_440 = arith.constant 96 : index
    %get3A_441 = tpu.vector_load %arg14[%get3A_439, %get3A_440] {strides = array<i32>} : memref<3x112xi32, #tpu.memory_space<vmem>>, vector<1x16xi32>,
    %get3A_442 = vector.shape_cast %get3A_441 : vector<1x16xi32> to vector<16xi32>
    %add3A_443 = arith.addi %mul3A_437, %get3A_442 : vector<16xi32>
    %swap3A_444 = arith.constant 2 : i32
    %swap3A_445 = arith.index_cast %swap3A_444 : i32 to index
    %swap3A_446 = arith.constant 96 : index
    %swap3A_447 = tpu.vector_load %arg15[%swap3A_445, %swap3A_446] {strides = array<i32>} : memref<3x112xi32, #tpu.memory_space<vmem>>, vector<1x16xi32>,
    %swap3A_448 = vector.shape_cast %swap3A_447 : vector<1x16xi32> to vector<16xi32>
    %swap3A_449 = vector.shape_cast %add3A_443 : vector<16xi32> to vector<1x16xi32>
    tpu.vector_store %arg15[%swap3A_445, %swap3A_446], %swap3A_449 {strides = array<i32>} : memref<3x112xi32, #tpu.memory_space<vmem>>, vector<1x16xi32>,
    %dma_start3A_450 = arith.constant 2 : i32
    %dma_start3A_451 = arith.constant 2 : i32
    %dma_start3A_452 = arith.constant 0 : i32
    %dma_start3A_453 = tpu.memref_slice %arg17[%dma_start3A_450, %dma_start3A_452] : memref<3x112xf32, #tpu.memory_space<vmem>> -> memref<1x112xf32, #tpu.memory_space<vmem>>
    %dma_start3A_454 = tpu.memref_squeeze %dma_start3A_453 : memref<1x112xf32, #tpu.memory_space<vmem>> -> memref<112xf32, #tpu.memory_space<vmem>>
    %dma_start3A_455 = arith.constant 0 : i32
    %dma_start3A_456 = tpu.memref_slice %arg15[%dma_start3A_451, %dma_start3A_455] : memref<3x112xi32, #tpu.memory_space<vmem>> -> memref<1x112xi32, #tpu.memory_space<vmem>>
    %dma_start3A_457 = tpu.memref_squeeze %dma_start3A_456 : memref<1x112xi32, #tpu.memory_space<vmem>> -> memref<112xi32, #tpu.memory_space<vmem>>
    %dma_start3A_458 = arith.constant 0 : i32
    %dma_start3A_459 = tpu.memref_slice %arg11[%dma_start3A_458] : memref<1310720xf32, #tpu.memory_space<vmem_shared>> -> memref<1310720xf32, #tpu.memory_space<vmem_shared>>
    tpu.enqueue_indirect_dma source(%dma_start3A_454 : memref<112xf32, #tpu.memory_space<vmem>>) target(%dma_start3A_459 : memref<1310720xf32, #tpu.memory_space<vmem_shared>>) offsets(%dma_start3A_457 : memref<112xi32, #tpu.memory_space<vmem>>) semaphore(%arg18 : memref<!tpu.dma_semaphore, #tpu.memory_space<semaphore_mem>>) {add = true}
    %scan3A_460 = arith.constant 0 : i32
    %scan3A_461 = arith.constant 80 : i32
    %scan3A_462 = arith.addi %scan3A_460, %scan3A_461 : i32
    %scan3A_463 = arith.constant 1 : i32
    scf.for %scan3A_503 = %scan3A_460 to %scan3A_462 step %scan3A_463  : i32 {
      %mul3A_504 = arith.constant 1 : i32
      %mul3A_505 = arith.muli %scan3A_503, %mul3A_504 : i32
      %add3A_506 = arith.constant 0 : i32
      %add3A_507 = arith.addi %add3A_506, %mul3A_505 : i32
      %dma_wait3A_508 = arith.constant 0 : i32
      %dma_wait3A_509 = tpu.memref_slice %arg16[%add3A_507, %dma_wait3A_508] : memref<80x128xf32, #tpu.memory_space<vmem>> -> memref<1x128xf32, #tpu.memory_space<vmem>>
      %dma_wait3A_510 = tpu.memref_squeeze %dma_wait3A_509 : memref<1x128xf32, #tpu.memory_space<vmem>> -> memref<128xf32, #tpu.memory_space<vmem>>
      %dma_wait3A_511 = arith.constant 0 : i32
      %dma_wait3A_512 = tpu.memref_slice %arg12[%add3A_507, %dma_wait3A_511] : memref<80x128xi32, #tpu.memory_space<vmem>> -> memref<1x128xi32, #tpu.memory_space<vmem>>
      %dma_wait3A_513 = tpu.memref_squeeze %dma_wait3A_512 : memref<1x128xi32, #tpu.memory_space<vmem>> -> memref<128xi32, #tpu.memory_space<vmem>>
      %dma_wait3A_514 = arith.constant 0 : i32
      %dma_wait3A_515 = tpu.memref_slice %arg10[%dma_wait3A_514] : memref<10240xf32, #tpu.memory_space<vmem_shared>> -> memref<10240xf32, #tpu.memory_space<vmem_shared>>
      tpu.wait_indirect_dma semaphore(%arg18 : memref<!tpu.dma_semaphore, #tpu.memory_space<semaphore_mem>>) src(%dma_wait3A_510 : memref<128xf32, #tpu.memory_space<vmem>>) dst(%dma_wait3A_515 : memref<10240xf32, #tpu.memory_space<vmem_shared>>)
    }
    %scan3A_464 = arith.constant 80 : i32
    %dma_wait3A = arith.constant 0 : i32
    %dma_wait3A_465 = arith.constant 0 : i32
    %dma_wait3A_466 = arith.constant 0 : i32
    %dma_wait3A_467 = tpu.memref_slice %arg17[%dma_wait3A, %dma_wait3A_466] : memref<3x112xf32, #tpu.memory_space<vmem>> -> memref<1x112xf32, #tpu.memory_space<vmem>>
    %dma_wait3A_468 = tpu.memref_squeeze %dma_wait3A_467 : memref<1x112xf32, #tpu.memory_space<vmem>> -> memref<112xf32, #tpu.memory_space<vmem>>
    %dma_wait3A_469 = arith.constant 0 : i32
    %dma_wait3A_470 = tpu.memref_slice %arg15[%dma_wait3A_465, %dma_wait3A_469] : memref<3x112xi32, #tpu.memory_space<vmem>> -> memref<1x112xi32, #tpu.memory_space<vmem>>
    %dma_wait3A_471 = tpu.memref_squeeze %dma_wait3A_470 : memref<1x112xi32, #tpu.memory_space<vmem>> -> memref<112xi32, #tpu.memory_space<vmem>>
    %dma_wait3A_472 = arith.constant 0 : i32
    %dma_wait3A_473 = tpu.memref_slice %arg11[%dma_wait3A_472] : memref<1310720xf32, #tpu.memory_space<vmem_shared>> -> memref<1310720xf32, #tpu.memory_space<vmem_shared>>
    tpu.wait_indirect_dma semaphore(%arg18 : memref<!tpu.dma_semaphore, #tpu.memory_space<semaphore_mem>>) src(%dma_wait3A_468 : memref<112xf32, #tpu.memory_space<vmem>>) dst(%dma_wait3A_473 : memref<1310720xf32, #tpu.memory_space<vmem_shared>>)
    %dma_wait3A_474 = arith.constant 1 : i32
    %dma_wait3A_475 = arith.constant 1 : i32
    %dma_wait3A_476 = arith.constant 0 : i32
    %dma_wait3A_477 = tpu.memref_slice %arg17[%dma_wait3A_474, %dma_wait3A_476] : memref<3x112xf32, #tpu.memory_space<vmem>> -> memref<1x112xf32, #tpu.memory_space<vmem>>
    %dma_wait3A_478 = tpu.memref_squeeze %dma_wait3A_477 : memref<1x112xf32, #tpu.memory_space<vmem>> -> memref<112xf32, #tpu.memory_space<vmem>>
    %dma_wait3A_479 = arith.constant 0 : i32
    %dma_wait3A_480 = tpu.memref_slice %arg15[%dma_wait3A_475, %dma_wait3A_479] : memref<3x112xi32, #tpu.memory_space<vmem>> -> memref<1x112xi32, #tpu.memory_space<vmem>>
    %dma_wait3A_481 = tpu.memref_squeeze %dma_wait3A_480 : memref<1x112xi32, #tpu.memory_space<vmem>> -> memref<112xi32, #tpu.memory_space<vmem>>
    %dma_wait3A_482 = arith.constant 0 : i32
    %dma_wait3A_483 = tpu.memref_slice %arg11[%dma_wait3A_482] : memref<1310720xf32, #tpu.memory_space<vmem_shared>> -> memref<1310720xf32, #tpu.memory_space<vmem_shared>>
    tpu.wait_indirect_dma semaphore(%arg18 : memref<!tpu.dma_semaphore, #tpu.memory_space<semaphore_mem>>) src(%dma_wait3A_478 : memref<112xf32, #tpu.memory_space<vmem>>) dst(%dma_wait3A_483 : memref<1310720xf32, #tpu.memory_space<vmem_shared>>)
    %dma_wait3A_484 = arith.constant 2 : i32
    %dma_wait3A_485 = arith.constant 2 : i32
    %dma_wait3A_486 = arith.constant 0 : i32
    %dma_wait3A_487 = tpu.memref_slice %arg17[%dma_wait3A_484, %dma_wait3A_486] : memref<3x112xf32, #tpu.memory_space<vmem>> -> memref<1x112xf32, #tpu.memory_space<vmem>>
    %dma_wait3A_488 = tpu.memref_squeeze %dma_wait3A_487 : memref<1x112xf32, #tpu.memory_space<vmem>> -> memref<112xf32, #tpu.memory_space<vmem>>
    %dma_wait3A_489 = arith.constant 0 : i32
    %dma_wait3A_490 = tpu.memref_slice %arg15[%dma_wait3A_485, %dma_wait3A_489] : memref<3x112xi32, #tpu.memory_space<vmem>> -> memref<1x112xi32, #tpu.memory_space<vmem>>
    %dma_wait3A_491 = tpu.memref_squeeze %dma_wait3A_490 : memref<1x112xi32, #tpu.memory_space<vmem>> -> memref<112xi32, #tpu.memory_space<vmem>>
    %dma_wait3A_492 = arith.constant 0 : i32
    %dma_wait3A_493 = tpu.memref_slice %arg11[%dma_wait3A_492] : memref<1310720xf32, #tpu.memory_space<vmem_shared>> -> memref<1310720xf32, #tpu.memory_space<vmem_shared>>
    tpu.wait_indirect_dma semaphore(%arg18 : memref<!tpu.dma_semaphore, #tpu.memory_space<semaphore_mem>>) src(%dma_wait3A_488 : memref<112xf32, #tpu.memory_space<vmem>>) dst(%dma_wait3A_493 : memref<1310720xf32, #tpu.memory_space<vmem_shared>>)
    %barrier3A_494 = arith.constant 0 : index
    tpu.barrier barrier_id(%barrier3A_494)
    %mul3A_495 = arith.constant 640 : i32
    %mul3A_496 = arith.muli %arg1, %mul3A_495 : i32
    %mul3A_497 = arith.constant 640 : i32
    %mul3A_498 = arith.muli %arg1, %mul3A_497 : i32
    "tpu.region"() ({
      %run_scoped3A = tpu.sem_alloc : memref<!tpu.dma_semaphore, #tpu.memory_space<semaphore_mem>>
      %dma_start3A_503 = tpu.memref_slice %arg8[%arg0, %mul3A_498] : memref<2x10240xf32, #tpu.memory_space<hbm>> -> memref<1x640xf32, #tpu.memory_space<hbm>>
      %dma_start3A_504 = tpu.memref_squeeze %dma_start3A_503 : memref<1x640xf32, #tpu.memory_space<hbm>> -> memref<640xf32, #tpu.memory_space<hbm>>
      %dma_start3A_505 = tpu.memref_slice %arg10[%mul3A_496] : memref<10240xf32, #tpu.memory_space<vmem_shared>> -> memref<640xf32, #tpu.memory_space<vmem_shared>>
      tpu.enqueue_dma source(%dma_start3A_505 : memref<640xf32, #tpu.memory_space<vmem_shared>>) target(%dma_start3A_504 : memref<640xf32, #tpu.memory_space<hbm>>) target_semaphore(%run_scoped3A : memref<!tpu.dma_semaphore, #tpu.memory_space<semaphore_mem>>)
      %dma_wait3A_506 = tpu.memref_slice %arg8[%arg0, %mul3A_498] : memref<2x10240xf32, #tpu.memory_space<hbm>> -> memref<1x640xf32, #tpu.memory_space<hbm>>
      %dma_wait3A_507 = tpu.memref_squeeze %dma_wait3A_506 : memref<1x640xf32, #tpu.memory_space<hbm>> -> memref<640xf32, #tpu.memory_space<hbm>>
      %dma_wait3A_508 = tpu.memref_slice %arg10[%mul3A_496] : memref<10240xf32, #tpu.memory_space<vmem_shared>> -> memref<640xf32, #tpu.memory_space<vmem_shared>>
      tpu.wait_dma2 semaphore(%run_scoped3A : memref<!tpu.dma_semaphore, #tpu.memory_space<semaphore_mem>>) src(%dma_wait3A_508 : memref<640xf32, #tpu.memory_space<vmem_shared>>) dst(%dma_wait3A_507 : memref<640xf32, #tpu.memory_space<hbm>>)
      tpu.yield
    }) : () -> ()
    %mul3A_499 = arith.constant 81920 : i32
    %mul3A_500 = arith.muli %arg1, %mul3A_499 : i32
    %mul3A_501 = arith.constant 81920 : i32
    %mul3A_502 = arith.muli %arg1, %mul3A_501 : i32
    "tpu.region"() ({
      %run_scoped3A = tpu.sem_alloc : memref<!tpu.dma_semaphore, #tpu.memory_space<semaphore_mem>>
      %dma_start3A_503 = tpu.memref_slice %arg9[%arg0, %mul3A_502] : memref<2x1310720xf32, #tpu.memory_space<hbm>> -> memref<1x81920xf32, #tpu.memory_space<hbm>>
      %dma_start3A_504 = tpu.memref_squeeze %dma_start3A_503 : memref<1x81920xf32, #tpu.memory_space<hbm>> -> memref<81920xf32, #tpu.memory_space<hbm>>
      %dma_start3A_505 = tpu.memref_slice %arg11[%mul3A_500] : memref<1310720xf32, #tpu.memory_space<vmem_shared>> -> memref<81920xf32, #tpu.memory_space<vmem_shared>>
      tpu.enqueue_dma source(%dma_start3A_505 : memref<81920xf32, #tpu.memory_space<vmem_shared>>) target(%dma_start3A_504 : memref<81920xf32, #tpu.memory_space<hbm>>) target_semaphore(%run_scoped3A : memref<!tpu.dma_semaphore, #tpu.memory_space<semaphore_mem>>)
      %dma_wait3A_506 = tpu.memref_slice %arg9[%arg0, %mul3A_502] : memref<2x1310720xf32, #tpu.memory_space<hbm>> -> memref<1x81920xf32, #tpu.memory_space<hbm>>
      %dma_wait3A_507 = tpu.memref_squeeze %dma_wait3A_506 : memref<1x81920xf32, #tpu.memory_space<hbm>> -> memref<81920xf32, #tpu.memory_space<hbm>>
      %dma_wait3A_508 = tpu.memref_slice %arg11[%mul3A_500] : memref<1310720xf32, #tpu.memory_space<vmem_shared>> -> memref<81920xf32, #tpu.memory_space<vmem_shared>>
      tpu.wait_dma2 semaphore(%run_scoped3A : memref<!tpu.dma_semaphore, #tpu.memory_space<semaphore_mem>>) src(%dma_wait3A_508 : memref<81920xf32, #tpu.memory_space<vmem_shared>>) dst(%dma_wait3A_507 : memref<81920xf32, #tpu.memory_space<hbm>>)
      tpu.yield
    }) : () -> ()
    return
  }
}

#map = affine_map<(d0, d1) -> (0, 0)>
#map1 = affine_map<(d0, d1) -> (0, 0, 0)>
module attributes {stable_mosaic.version = 14 : i64} {
  func.func @_sc_spmm(%arg0: i32, %arg1: i32, %arg2: memref<10240x128xf32, #tpu.memory_space<hbm>>, %arg3: memref<16x160x128xi32, #tpu.memory_space<hbm>>, %arg4: memref<16x160x128xi32, #tpu.memory_space<hbm>>, %arg5: memref<10240x64xf32, #tpu.memory_space<hbm>>, %arg6: memref<10240x128xf32, #tpu.memory_space<hbm>>, %arg7: memref<10240x64xf32, #tpu.memory_space<vmem_shared>>, %arg8: memref<10240x64xf32, #tpu.memory_space<vmem_shared>>, %arg9: memref<4x128xi32, #tpu.memory_space<vmem>>, %arg10: memref<4x128xi32, #tpu.memory_space<vmem>>, %arg11: memref<2x128x64xf32, #tpu.memory_space<vmem>>, %arg12: memref<!tpu.dma_semaphore, #tpu.memory_space<semaphore_mem>>, %arg13: memref<!tpu.dma_semaphore, #tpu.memory_space<semaphore_mem>>) attributes {dimension_semantics = [#tpu.dimension_semantics<core_parallel>, #tpu.dimension_semantics<subcore_parallel>], iteration_bounds = array<i64: 2, 16>, scalar_prefetch = 0 : i64, scratch_operands = 7 : i64, tpu.core_type = #tpu.core_type<sc_vector_subcore>, window_params = [{transform_indices = #map}, {transform_indices = #map1}, {transform_indices = #map1}, {transform_indices = #map}, {transform_indices = #map}]} {
    %mul3A = arith.constant 640 : i32
    %mul3A_0 = arith.muli %arg1, %mul3A : i32
    %mul3A_1 = arith.constant 64 : i32
    %mul3A_2 = arith.muli %arg0, %mul3A_1 : i32
    %multiple_of3A = tpu.assume_multiple %mul3A_2, 64 : i32
    "tpu.region"() ({
      %run_scoped3A_333 = tpu.sem_alloc : memref<!tpu.dma_semaphore, #tpu.memory_space<semaphore_mem>>
      %dma_start3A_334 = arith.constant 0 : i32
      %dma_start3A_335 = tpu.memref_slice %arg7[%mul3A_0, %dma_start3A_334] : memref<10240x64xf32, #tpu.memory_space<vmem_shared>> -> memref<640x64xf32, #tpu.memory_space<vmem_shared>>
      %dma_start3A_336 = tpu.memref_slice %arg2[%mul3A_0, %multiple_of3A] : memref<10240x128xf32, #tpu.memory_space<hbm>> -> memref<640x64xf32, #tpu.memory_space<hbm>>
      tpu.enqueue_dma source(%dma_start3A_336 : memref<640x64xf32, #tpu.memory_space<hbm>>) target(%dma_start3A_335 : memref<640x64xf32, #tpu.memory_space<vmem_shared>>) target_semaphore(%run_scoped3A_333 : memref<!tpu.dma_semaphore, #tpu.memory_space<semaphore_mem>>)
      %dma_wait3A_337 = arith.constant 0 : i32
      %dma_wait3A_338 = tpu.memref_slice %arg7[%mul3A_0, %dma_wait3A_337] : memref<10240x64xf32, #tpu.memory_space<vmem_shared>> -> memref<640x64xf32, #tpu.memory_space<vmem_shared>>
      %dma_wait3A_339 = tpu.memref_slice %arg2[%mul3A_0, %multiple_of3A] : memref<10240x128xf32, #tpu.memory_space<hbm>> -> memref<640x64xf32, #tpu.memory_space<hbm>>
      tpu.wait_dma2 semaphore(%run_scoped3A_333 : memref<!tpu.dma_semaphore, #tpu.memory_space<semaphore_mem>>) src(%dma_wait3A_339 : memref<640x64xf32, #tpu.memory_space<hbm>>) dst(%dma_wait3A_338 : memref<640x64xf32, #tpu.memory_space<vmem_shared>>)
      tpu.yield
    }) : () -> ()
    "tpu.region"() ({
      %run_scoped3A_333 = tpu.sem_alloc : memref<!tpu.dma_semaphore, #tpu.memory_space<semaphore_mem>>
      %dma_start3A_334 = arith.constant 0 : i32
      %dma_start3A_335 = tpu.memref_slice %arg8[%mul3A_0, %dma_start3A_334] : memref<10240x64xf32, #tpu.memory_space<vmem_shared>> -> memref<640x64xf32, #tpu.memory_space<vmem_shared>>
      %dma_start3A_336 = arith.constant 0 : i32
      %dma_start3A_337 = tpu.memref_slice %arg5[%mul3A_0, %dma_start3A_336] : memref<10240x64xf32, #tpu.memory_space<hbm>> -> memref<640x64xf32, #tpu.memory_space<hbm>>
      tpu.enqueue_dma source(%dma_start3A_337 : memref<640x64xf32, #tpu.memory_space<hbm>>) target(%dma_start3A_335 : memref<640x64xf32, #tpu.memory_space<vmem_shared>>) target_semaphore(%run_scoped3A_333 : memref<!tpu.dma_semaphore, #tpu.memory_space<semaphore_mem>>)
      %dma_wait3A_338 = arith.constant 0 : i32
      %dma_wait3A_339 = tpu.memref_slice %arg8[%mul3A_0, %dma_wait3A_338] : memref<10240x64xf32, #tpu.memory_space<vmem_shared>> -> memref<640x64xf32, #tpu.memory_space<vmem_shared>>
      %dma_wait3A_340 = arith.constant 0 : i32
      %dma_wait3A_341 = tpu.memref_slice %arg5[%mul3A_0, %dma_wait3A_340] : memref<10240x64xf32, #tpu.memory_space<hbm>> -> memref<640x64xf32, #tpu.memory_space<hbm>>
      tpu.wait_dma2 semaphore(%run_scoped3A_333 : memref<!tpu.dma_semaphore, #tpu.memory_space<semaphore_mem>>) src(%dma_wait3A_341 : memref<640x64xf32, #tpu.memory_space<hbm>>) dst(%dma_wait3A_339 : memref<640x64xf32, #tpu.memory_space<vmem_shared>>)
      tpu.yield
    }) : () -> ()
    %barrier3A = arith.constant 0 : index
    tpu.barrier barrier_id(%barrier3A)
    %dma_start3A = arith.constant 0 : i32
    %dma_start3A_3 = arith.constant 0 : i32
    %dma_start3A_4 = arith.constant 0 : i32
    %dma_start3A_5 = tpu.memref_slice %arg9[%dma_start3A_3, %dma_start3A_4] : memref<4x128xi32, #tpu.memory_space<vmem>> -> memref<1x128xi32, #tpu.memory_space<vmem>>
    %dma_start3A_6 = tpu.memref_squeeze %dma_start3A_5 : memref<1x128xi32, #tpu.memory_space<vmem>> -> memref<128xi32, #tpu.memory_space<vmem>>
    %dma_start3A_7 = arith.constant 0 : i32
    %dma_start3A_8 = tpu.memref_slice %arg3[%arg1, %dma_start3A, %dma_start3A_7] : memref<16x160x128xi32, #tpu.memory_space<hbm>> -> memref<1x1x128xi32, #tpu.memory_space<hbm>>
    %dma_start3A_9 = tpu.memref_squeeze %dma_start3A_8 : memref<1x1x128xi32, #tpu.memory_space<hbm>> -> memref<128xi32, #tpu.memory_space<hbm>>
    %dma_start3A_10 = arith.constant 0 : i32
    %dma_start3A_11 = tpu.memref_slice %arg9[%dma_start3A_3, %dma_start3A_10] : memref<4x128xi32, #tpu.memory_space<vmem>> -> memref<1x128xi32, #tpu.memory_space<vmem>>
    %dma_start3A_12 = tpu.memref_squeeze %dma_start3A_11 : memref<1x128xi32, #tpu.memory_space<vmem>> -> memref<128xi32, #tpu.memory_space<vmem>>
    %dma_start3A_13 = arith.constant 0 : i32
    %dma_start3A_14 = tpu.memref_slice %arg3[%arg1, %dma_start3A, %dma_start3A_13] : memref<16x160x128xi32, #tpu.memory_space<hbm>> -> memref<1x1x128xi32, #tpu.memory_space<hbm>>
    %dma_start3A_15 = tpu.memref_squeeze %dma_start3A_14 : memref<1x1x128xi32, #tpu.memory_space<hbm>> -> memref<128xi32, #tpu.memory_space<hbm>>
    tpu.enqueue_dma source(%dma_start3A_15 : memref<128xi32, #tpu.memory_space<hbm>>) target(%dma_start3A_12 : memref<128xi32, #tpu.memory_space<vmem>>) target_semaphore(%arg13 : memref<!tpu.dma_semaphore, #tpu.memory_space<semaphore_mem>>)
    %dma_start3A_16 = arith.constant 0 : i32
    %dma_start3A_17 = arith.constant 0 : i32
    %dma_start3A_18 = arith.constant 0 : i32
    %dma_start3A_19 = tpu.memref_slice %arg10[%dma_start3A_17, %dma_start3A_18] : memref<4x128xi32, #tpu.memory_space<vmem>> -> memref<1x128xi32, #tpu.memory_space<vmem>>
    %dma_start3A_20 = tpu.memref_squeeze %dma_start3A_19 : memref<1x128xi32, #tpu.memory_space<vmem>> -> memref<128xi32, #tpu.memory_space<vmem>>
    %dma_start3A_21 = arith.constant 0 : i32
    %dma_start3A_22 = tpu.memref_slice %arg4[%arg1, %dma_start3A_16, %dma_start3A_21] : memref<16x160x128xi32, #tpu.memory_space<hbm>> -> memref<1x1x128xi32, #tpu.memory_space<hbm>>
    %dma_start3A_23 = tpu.memref_squeeze %dma_start3A_22 : memref<1x1x128xi32, #tpu.memory_space<hbm>> -> memref<128xi32, #tpu.memory_space<hbm>>
    %dma_start3A_24 = arith.constant 0 : i32
    %dma_start3A_25 = tpu.memref_slice %arg10[%dma_start3A_17, %dma_start3A_24] : memref<4x128xi32, #tpu.memory_space<vmem>> -> memref<1x128xi32, #tpu.memory_space<vmem>>
    %dma_start3A_26 = tpu.memref_squeeze %dma_start3A_25 : memref<1x128xi32, #tpu.memory_space<vmem>> -> memref<128xi32, #tpu.memory_space<vmem>>
    %dma_start3A_27 = arith.constant 0 : i32
    %dma_start3A_28 = tpu.memref_slice %arg4[%arg1, %dma_start3A_16, %dma_start3A_27] : memref<16x160x128xi32, #tpu.memory_space<hbm>> -> memref<1x1x128xi32, #tpu.memory_space<hbm>>
    %dma_start3A_29 = tpu.memref_squeeze %dma_start3A_28 : memref<1x1x128xi32, #tpu.memory_space<hbm>> -> memref<128xi32, #tpu.memory_space<hbm>>
    tpu.enqueue_dma source(%dma_start3A_29 : memref<128xi32, #tpu.memory_space<hbm>>) target(%dma_start3A_26 : memref<128xi32, #tpu.memory_space<vmem>>) target_semaphore(%arg13 : memref<!tpu.dma_semaphore, #tpu.memory_space<semaphore_mem>>)
    %dma_start3A_30 = arith.constant 1 : i32
    %dma_start3A_31 = arith.constant 1 : i32
    %dma_start3A_32 = arith.constant 0 : i32
    %dma_start3A_33 = tpu.memref_slice %arg9[%dma_start3A_31, %dma_start3A_32] : memref<4x128xi32, #tpu.memory_space<vmem>> -> memref<1x128xi32, #tpu.memory_space<vmem>>
    %dma_start3A_34 = tpu.memref_squeeze %dma_start3A_33 : memref<1x128xi32, #tpu.memory_space<vmem>> -> memref<128xi32, #tpu.memory_space<vmem>>
    %dma_start3A_35 = arith.constant 0 : i32
    %dma_start3A_36 = tpu.memref_slice %arg3[%arg1, %dma_start3A_30, %dma_start3A_35] : memref<16x160x128xi32, #tpu.memory_space<hbm>> -> memref<1x1x128xi32, #tpu.memory_space<hbm>>
    %dma_start3A_37 = tpu.memref_squeeze %dma_start3A_36 : memref<1x1x128xi32, #tpu.memory_space<hbm>> -> memref<128xi32, #tpu.memory_space<hbm>>
    %dma_start3A_38 = arith.constant 0 : i32
    %dma_start3A_39 = tpu.memref_slice %arg9[%dma_start3A_31, %dma_start3A_38] : memref<4x128xi32, #tpu.memory_space<vmem>> -> memref<1x128xi32, #tpu.memory_space<vmem>>
    %dma_start3A_40 = tpu.memref_squeeze %dma_start3A_39 : memref<1x128xi32, #tpu.memory_space<vmem>> -> memref<128xi32, #tpu.memory_space<vmem>>
    %dma_start3A_41 = arith.constant 0 : i32
    %dma_start3A_42 = tpu.memref_slice %arg3[%arg1, %dma_start3A_30, %dma_start3A_41] : memref<16x160x128xi32, #tpu.memory_space<hbm>> -> memref<1x1x128xi32, #tpu.memory_space<hbm>>
    %dma_start3A_43 = tpu.memref_squeeze %dma_start3A_42 : memref<1x1x128xi32, #tpu.memory_space<hbm>> -> memref<128xi32, #tpu.memory_space<hbm>>
    tpu.enqueue_dma source(%dma_start3A_43 : memref<128xi32, #tpu.memory_space<hbm>>) target(%dma_start3A_40 : memref<128xi32, #tpu.memory_space<vmem>>) target_semaphore(%arg13 : memref<!tpu.dma_semaphore, #tpu.memory_space<semaphore_mem>>)
    %dma_start3A_44 = arith.constant 1 : i32
    %dma_start3A_45 = arith.constant 1 : i32
    %dma_start3A_46 = arith.constant 0 : i32
    %dma_start3A_47 = tpu.memref_slice %arg10[%dma_start3A_45, %dma_start3A_46] : memref<4x128xi32, #tpu.memory_space<vmem>> -> memref<1x128xi32, #tpu.memory_space<vmem>>
    %dma_start3A_48 = tpu.memref_squeeze %dma_start3A_47 : memref<1x128xi32, #tpu.memory_space<vmem>> -> memref<128xi32, #tpu.memory_space<vmem>>
    %dma_start3A_49 = arith.constant 0 : i32
    %dma_start3A_50 = tpu.memref_slice %arg4[%arg1, %dma_start3A_44, %dma_start3A_49] : memref<16x160x128xi32, #tpu.memory_space<hbm>> -> memref<1x1x128xi32, #tpu.memory_space<hbm>>
    %dma_start3A_51 = tpu.memref_squeeze %dma_start3A_50 : memref<1x1x128xi32, #tpu.memory_space<hbm>> -> memref<128xi32, #tpu.memory_space<hbm>>
    %dma_start3A_52 = arith.constant 0 : i32
    %dma_start3A_53 = tpu.memref_slice %arg10[%dma_start3A_45, %dma_start3A_52] : memref<4x128xi32, #tpu.memory_space<vmem>> -> memref<1x128xi32, #tpu.memory_space<vmem>>
    %dma_start3A_54 = tpu.memref_squeeze %dma_start3A_53 : memref<1x128xi32, #tpu.memory_space<vmem>> -> memref<128xi32, #tpu.memory_space<vmem>>
    %dma_start3A_55 = arith.constant 0 : i32
    %dma_start3A_56 = tpu.memref_slice %arg4[%arg1, %dma_start3A_44, %dma_start3A_55] : memref<16x160x128xi32, #tpu.memory_space<hbm>> -> memref<1x1x128xi32, #tpu.memory_space<hbm>>
    %dma_start3A_57 = tpu.memref_squeeze %dma_start3A_56 : memref<1x1x128xi32, #tpu.memory_space<hbm>> -> memref<128xi32, #tpu.memory_space<hbm>>
    tpu.enqueue_dma source(%dma_start3A_57 : memref<128xi32, #tpu.memory_space<hbm>>) target(%dma_start3A_54 : memref<128xi32, #tpu.memory_space<vmem>>) target_semaphore(%arg13 : memref<!tpu.dma_semaphore, #tpu.memory_space<semaphore_mem>>)
    %dma_start3A_58 = arith.constant 2 : i32
    %dma_start3A_59 = arith.constant 2 : i32
    %dma_start3A_60 = arith.constant 0 : i32
    %dma_start3A_61 = tpu.memref_slice %arg9[%dma_start3A_59, %dma_start3A_60] : memref<4x128xi32, #tpu.memory_space<vmem>> -> memref<1x128xi32, #tpu.memory_space<vmem>>
    %dma_start3A_62 = tpu.memref_squeeze %dma_start3A_61 : memref<1x128xi32, #tpu.memory_space<vmem>> -> memref<128xi32, #tpu.memory_space<vmem>>
    %dma_start3A_63 = arith.constant 0 : i32
    %dma_start3A_64 = tpu.memref_slice %arg3[%arg1, %dma_start3A_58, %dma_start3A_63] : memref<16x160x128xi32, #tpu.memory_space<hbm>> -> memref<1x1x128xi32, #tpu.memory_space<hbm>>
    %dma_start3A_65 = tpu.memref_squeeze %dma_start3A_64 : memref<1x1x128xi32, #tpu.memory_space<hbm>> -> memref<128xi32, #tpu.memory_space<hbm>>
    %dma_start3A_66 = arith.constant 0 : i32
    %dma_start3A_67 = tpu.memref_slice %arg9[%dma_start3A_59, %dma_start3A_66] : memref<4x128xi32, #tpu.memory_space<vmem>> -> memref<1x128xi32, #tpu.memory_space<vmem>>
    %dma_start3A_68 = tpu.memref_squeeze %dma_start3A_67 : memref<1x128xi32, #tpu.memory_space<vmem>> -> memref<128xi32, #tpu.memory_space<vmem>>
    %dma_start3A_69 = arith.constant 0 : i32
    %dma_start3A_70 = tpu.memref_slice %arg3[%arg1, %dma_start3A_58, %dma_start3A_69] : memref<16x160x128xi32, #tpu.memory_space<hbm>> -> memref<1x1x128xi32, #tpu.memory_space<hbm>>
    %dma_start3A_71 = tpu.memref_squeeze %dma_start3A_70 : memref<1x1x128xi32, #tpu.memory_space<hbm>> -> memref<128xi32, #tpu.memory_space<hbm>>
    tpu.enqueue_dma source(%dma_start3A_71 : memref<128xi32, #tpu.memory_space<hbm>>) target(%dma_start3A_68 : memref<128xi32, #tpu.memory_space<vmem>>) target_semaphore(%arg13 : memref<!tpu.dma_semaphore, #tpu.memory_space<semaphore_mem>>)
    %dma_start3A_72 = arith.constant 2 : i32
    %dma_start3A_73 = arith.constant 2 : i32
    %dma_start3A_74 = arith.constant 0 : i32
    %dma_start3A_75 = tpu.memref_slice %arg10[%dma_start3A_73, %dma_start3A_74] : memref<4x128xi32, #tpu.memory_space<vmem>> -> memref<1x128xi32, #tpu.memory_space<vmem>>
    %dma_start3A_76 = tpu.memref_squeeze %dma_start3A_75 : memref<1x128xi32, #tpu.memory_space<vmem>> -> memref<128xi32, #tpu.memory_space<vmem>>
    %dma_start3A_77 = arith.constant 0 : i32
    %dma_start3A_78 = tpu.memref_slice %arg4[%arg1, %dma_start3A_72, %dma_start3A_77] : memref<16x160x128xi32, #tpu.memory_space<hbm>> -> memref<1x1x128xi32, #tpu.memory_space<hbm>>
    %dma_start3A_79 = tpu.memref_squeeze %dma_start3A_78 : memref<1x1x128xi32, #tpu.memory_space<hbm>> -> memref<128xi32, #tpu.memory_space<hbm>>
    %dma_start3A_80 = arith.constant 0 : i32
    %dma_start3A_81 = tpu.memref_slice %arg10[%dma_start3A_73, %dma_start3A_80] : memref<4x128xi32, #tpu.memory_space<vmem>> -> memref<1x128xi32, #tpu.memory_space<vmem>>
    %dma_start3A_82 = tpu.memref_squeeze %dma_start3A_81 : memref<1x128xi32, #tpu.memory_space<vmem>> -> memref<128xi32, #tpu.memory_space<vmem>>
    %dma_start3A_83 = arith.constant 0 : i32
    %dma_start3A_84 = tpu.memref_slice %arg4[%arg1, %dma_start3A_72, %dma_start3A_83] : memref<16x160x128xi32, #tpu.memory_space<hbm>> -> memref<1x1x128xi32, #tpu.memory_space<hbm>>
    %dma_start3A_85 = tpu.memref_squeeze %dma_start3A_84 : memref<1x1x128xi32, #tpu.memory_space<hbm>> -> memref<128xi32, #tpu.memory_space<hbm>>
    tpu.enqueue_dma source(%dma_start3A_85 : memref<128xi32, #tpu.memory_space<hbm>>) target(%dma_start3A_82 : memref<128xi32, #tpu.memory_space<vmem>>) target_semaphore(%arg13 : memref<!tpu.dma_semaphore, #tpu.memory_space<semaphore_mem>>)
    %dma_start3A_86 = arith.constant 3 : i32
    %dma_start3A_87 = arith.constant 3 : i32
    %dma_start3A_88 = arith.constant 0 : i32
    %dma_start3A_89 = tpu.memref_slice %arg9[%dma_start3A_87, %dma_start3A_88] : memref<4x128xi32, #tpu.memory_space<vmem>> -> memref<1x128xi32, #tpu.memory_space<vmem>>
    %dma_start3A_90 = tpu.memref_squeeze %dma_start3A_89 : memref<1x128xi32, #tpu.memory_space<vmem>> -> memref<128xi32, #tpu.memory_space<vmem>>
    %dma_start3A_91 = arith.constant 0 : i32
    %dma_start3A_92 = tpu.memref_slice %arg3[%arg1, %dma_start3A_86, %dma_start3A_91] : memref<16x160x128xi32, #tpu.memory_space<hbm>> -> memref<1x1x128xi32, #tpu.memory_space<hbm>>
    %dma_start3A_93 = tpu.memref_squeeze %dma_start3A_92 : memref<1x1x128xi32, #tpu.memory_space<hbm>> -> memref<128xi32, #tpu.memory_space<hbm>>
    %dma_start3A_94 = arith.constant 0 : i32
    %dma_start3A_95 = tpu.memref_slice %arg9[%dma_start3A_87, %dma_start3A_94] : memref<4x128xi32, #tpu.memory_space<vmem>> -> memref<1x128xi32, #tpu.memory_space<vmem>>
    %dma_start3A_96 = tpu.memref_squeeze %dma_start3A_95 : memref<1x128xi32, #tpu.memory_space<vmem>> -> memref<128xi32, #tpu.memory_space<vmem>>
    %dma_start3A_97 = arith.constant 0 : i32
    %dma_start3A_98 = tpu.memref_slice %arg3[%arg1, %dma_start3A_86, %dma_start3A_97] : memref<16x160x128xi32, #tpu.memory_space<hbm>> -> memref<1x1x128xi32, #tpu.memory_space<hbm>>
    %dma_start3A_99 = tpu.memref_squeeze %dma_start3A_98 : memref<1x1x128xi32, #tpu.memory_space<hbm>> -> memref<128xi32, #tpu.memory_space<hbm>>
    tpu.enqueue_dma source(%dma_start3A_99 : memref<128xi32, #tpu.memory_space<hbm>>) target(%dma_start3A_96 : memref<128xi32, #tpu.memory_space<vmem>>) target_semaphore(%arg13 : memref<!tpu.dma_semaphore, #tpu.memory_space<semaphore_mem>>)
    %dma_start3A_100 = arith.constant 3 : i32
    %dma_start3A_101 = arith.constant 3 : i32
    %dma_start3A_102 = arith.constant 0 : i32
    %dma_start3A_103 = tpu.memref_slice %arg10[%dma_start3A_101, %dma_start3A_102] : memref<4x128xi32, #tpu.memory_space<vmem>> -> memref<1x128xi32, #tpu.memory_space<vmem>>
    %dma_start3A_104 = tpu.memref_squeeze %dma_start3A_103 : memref<1x128xi32, #tpu.memory_space<vmem>> -> memref<128xi32, #tpu.memory_space<vmem>>
    %dma_start3A_105 = arith.constant 0 : i32
    %dma_start3A_106 = tpu.memref_slice %arg4[%arg1, %dma_start3A_100, %dma_start3A_105] : memref<16x160x128xi32, #tpu.memory_space<hbm>> -> memref<1x1x128xi32, #tpu.memory_space<hbm>>
    %dma_start3A_107 = tpu.memref_squeeze %dma_start3A_106 : memref<1x1x128xi32, #tpu.memory_space<hbm>> -> memref<128xi32, #tpu.memory_space<hbm>>
    %dma_start3A_108 = arith.constant 0 : i32
    %dma_start3A_109 = tpu.memref_slice %arg10[%dma_start3A_101, %dma_start3A_108] : memref<4x128xi32, #tpu.memory_space<vmem>> -> memref<1x128xi32, #tpu.memory_space<vmem>>
    %dma_start3A_110 = tpu.memref_squeeze %dma_start3A_109 : memref<1x128xi32, #tpu.memory_space<vmem>> -> memref<128xi32, #tpu.memory_space<vmem>>
    %dma_start3A_111 = arith.constant 0 : i32
    %dma_start3A_112 = tpu.memref_slice %arg4[%arg1, %dma_start3A_100, %dma_start3A_111] : memref<16x160x128xi32, #tpu.memory_space<hbm>> -> memref<1x1x128xi32, #tpu.memory_space<hbm>>
    %dma_start3A_113 = tpu.memref_squeeze %dma_start3A_112 : memref<1x1x128xi32, #tpu.memory_space<hbm>> -> memref<128xi32, #tpu.memory_space<hbm>>
    tpu.enqueue_dma source(%dma_start3A_113 : memref<128xi32, #tpu.memory_space<hbm>>) target(%dma_start3A_110 : memref<128xi32, #tpu.memory_space<vmem>>) target_semaphore(%arg13 : memref<!tpu.dma_semaphore, #tpu.memory_space<semaphore_mem>>)
    %dma_wait3A = arith.constant 0 : i32
    %dma_wait3A_114 = arith.constant 0 : i32
    %dma_wait3A_115 = arith.constant 0 : i32
    %dma_wait3A_116 = tpu.memref_slice %arg9[%dma_wait3A_114, %dma_wait3A_115] : memref<4x128xi32, #tpu.memory_space<vmem>> -> memref<1x128xi32, #tpu.memory_space<vmem>>
    %dma_wait3A_117 = tpu.memref_squeeze %dma_wait3A_116 : memref<1x128xi32, #tpu.memory_space<vmem>> -> memref<128xi32, #tpu.memory_space<vmem>>
    %dma_wait3A_118 = arith.constant 0 : i32
    %dma_wait3A_119 = tpu.memref_slice %arg3[%arg1, %dma_wait3A, %dma_wait3A_118] : memref<16x160x128xi32, #tpu.memory_space<hbm>> -> memref<1x1x128xi32, #tpu.memory_space<hbm>>
    %dma_wait3A_120 = tpu.memref_squeeze %dma_wait3A_119 : memref<1x1x128xi32, #tpu.memory_space<hbm>> -> memref<128xi32, #tpu.memory_space<hbm>>
    %dma_wait3A_121 = arith.constant 0 : i32
    %dma_wait3A_122 = tpu.memref_slice %arg9[%dma_wait3A_114, %dma_wait3A_121] : memref<4x128xi32, #tpu.memory_space<vmem>> -> memref<1x128xi32, #tpu.memory_space<vmem>>
    %dma_wait3A_123 = tpu.memref_squeeze %dma_wait3A_122 : memref<1x128xi32, #tpu.memory_space<vmem>> -> memref<128xi32, #tpu.memory_space<vmem>>
    %dma_wait3A_124 = arith.constant 0 : i32
    %dma_wait3A_125 = tpu.memref_slice %arg3[%arg1, %dma_wait3A, %dma_wait3A_124] : memref<16x160x128xi32, #tpu.memory_space<hbm>> -> memref<1x1x128xi32, #tpu.memory_space<hbm>>
    %dma_wait3A_126 = tpu.memref_squeeze %dma_wait3A_125 : memref<1x1x128xi32, #tpu.memory_space<hbm>> -> memref<128xi32, #tpu.memory_space<hbm>>
    tpu.wait_dma2 semaphore(%arg13 : memref<!tpu.dma_semaphore, #tpu.memory_space<semaphore_mem>>) src(%dma_wait3A_126 : memref<128xi32, #tpu.memory_space<hbm>>) dst(%dma_wait3A_123 : memref<128xi32, #tpu.memory_space<vmem>>)
    %dma_wait3A_127 = arith.constant 0 : i32
    %dma_wait3A_128 = arith.constant 0 : i32
    %dma_wait3A_129 = arith.constant 0 : i32
    %dma_wait3A_130 = tpu.memref_slice %arg10[%dma_wait3A_128, %dma_wait3A_129] : memref<4x128xi32, #tpu.memory_space<vmem>> -> memref<1x128xi32, #tpu.memory_space<vmem>>
    %dma_wait3A_131 = tpu.memref_squeeze %dma_wait3A_130 : memref<1x128xi32, #tpu.memory_space<vmem>> -> memref<128xi32, #tpu.memory_space<vmem>>
    %dma_wait3A_132 = arith.constant 0 : i32
    %dma_wait3A_133 = tpu.memref_slice %arg4[%arg1, %dma_wait3A_127, %dma_wait3A_132] : memref<16x160x128xi32, #tpu.memory_space<hbm>> -> memref<1x1x128xi32, #tpu.memory_space<hbm>>
    %dma_wait3A_134 = tpu.memref_squeeze %dma_wait3A_133 : memref<1x1x128xi32, #tpu.memory_space<hbm>> -> memref<128xi32, #tpu.memory_space<hbm>>
    %dma_wait3A_135 = arith.constant 0 : i32
    %dma_wait3A_136 = tpu.memref_slice %arg10[%dma_wait3A_128, %dma_wait3A_135] : memref<4x128xi32, #tpu.memory_space<vmem>> -> memref<1x128xi32, #tpu.memory_space<vmem>>
    %dma_wait3A_137 = tpu.memref_squeeze %dma_wait3A_136 : memref<1x128xi32, #tpu.memory_space<vmem>> -> memref<128xi32, #tpu.memory_space<vmem>>
    %dma_wait3A_138 = arith.constant 0 : i32
    %dma_wait3A_139 = tpu.memref_slice %arg4[%arg1, %dma_wait3A_127, %dma_wait3A_138] : memref<16x160x128xi32, #tpu.memory_space<hbm>> -> memref<1x1x128xi32, #tpu.memory_space<hbm>>
    %dma_wait3A_140 = tpu.memref_squeeze %dma_wait3A_139 : memref<1x1x128xi32, #tpu.memory_space<hbm>> -> memref<128xi32, #tpu.memory_space<hbm>>
    tpu.wait_dma2 semaphore(%arg13 : memref<!tpu.dma_semaphore, #tpu.memory_space<semaphore_mem>>) src(%dma_wait3A_140 : memref<128xi32, #tpu.memory_space<hbm>>) dst(%dma_wait3A_137 : memref<128xi32, #tpu.memory_space<vmem>>)
    %dma_start3A_141 = arith.constant 0 : i32
    %dma_start3A_142 = arith.constant 0 : i32
    %dma_start3A_143 = arith.constant 0 : i32
    %dma_start3A_144 = arith.constant 0 : i32
    %dma_start3A_145 = tpu.memref_slice %arg11[%dma_start3A_142, %dma_start3A_143, %dma_start3A_144] : memref<2x128x64xf32, #tpu.memory_space<vmem>> -> memref<1x128x64xf32, #tpu.memory_space<vmem>>
    %dma_start3A_146 = tpu.memref_squeeze %dma_start3A_145 : memref<1x128x64xf32, #tpu.memory_space<vmem>> -> memref<128x64xf32, #tpu.memory_space<vmem>>
    %dma_start3A_147 = arith.constant 0 : i32
    %dma_start3A_148 = tpu.memref_slice %arg9[%dma_start3A_141, %dma_start3A_147] : memref<4x128xi32, #tpu.memory_space<vmem>> -> memref<1x128xi32, #tpu.memory_space<vmem>>
    %dma_start3A_149 = tpu.memref_squeeze %dma_start3A_148 : memref<1x128xi32, #tpu.memory_space<vmem>> -> memref<128xi32, #tpu.memory_space<vmem>>
    %dma_start3A_150 = arith.constant 0 : i32
    %dma_start3A_151 = arith.constant 0 : i32
    %dma_start3A_152 = tpu.memref_slice %arg7[%dma_start3A_150, %dma_start3A_151] : memref<10240x64xf32, #tpu.memory_space<vmem_shared>> -> memref<10240x64xf32, #tpu.memory_space<vmem_shared>>
    tpu.enqueue_indirect_dma source(%dma_start3A_152 : memref<10240x64xf32, #tpu.memory_space<vmem_shared>>) target(%dma_start3A_146 : memref<128x64xf32, #tpu.memory_space<vmem>>) offsets(%dma_start3A_149 : memref<128xi32, #tpu.memory_space<vmem>>) semaphore(%arg12 : memref<!tpu.dma_semaphore, #tpu.memory_space<semaphore_mem>>)
    %scan3A = arith.constant 0 : i32
    %scan3A_153 = arith.constant 39 : i32
    %scan3A_154 = arith.addi %scan3A, %scan3A_153 : i32
    %scan3A_155 = arith.constant 1 : i32
    scf.for %scan3A_333 = %scan3A to %scan3A_154 step %scan3A_155  : i32 {
      %mul3A_334 = arith.constant 1 : i32
      %mul3A_335 = arith.muli %scan3A_333, %mul3A_334 : i32
      %add3A = arith.constant 0 : i32
      %add3A_336 = arith.addi %add3A, %mul3A_335 : i32
      %mul3A_337 = arith.constant 4 : i32
      %mul3A_338 = arith.muli %add3A_336, %mul3A_337 : i32
      %add3A_339 = arith.constant 0 : i32
      %add3A_340 = arith.addi %mul3A_338, %add3A_339 : i32
      %add3A_341 = arith.constant 1 : i32
      %add3A_342 = arith.addi %add3A_340, %add3A_341 : i32
      %dma_wait3A_343 = arith.constant 1 : i32
      %dma_wait3A_344 = arith.constant 0 : i32
      %dma_wait3A_345 = tpu.memref_slice %arg9[%dma_wait3A_343, %dma_wait3A_344] : memref<4x128xi32, #tpu.memory_space<vmem>> -> memref<1x128xi32, #tpu.memory_space<vmem>>
      %dma_wait3A_346 = tpu.memref_squeeze %dma_wait3A_345 : memref<1x128xi32, #tpu.memory_space<vmem>> -> memref<128xi32, #tpu.memory_space<vmem>>
      %dma_wait3A_347 = arith.constant 0 : i32
      %dma_wait3A_348 = tpu.memref_slice %arg3[%arg1, %add3A_342, %dma_wait3A_347] : memref<16x160x128xi32, #tpu.memory_space<hbm>> -> memref<1x1x128xi32, #tpu.memory_space<hbm>>
      %dma_wait3A_349 = tpu.memref_squeeze %dma_wait3A_348 : memref<1x1x128xi32, #tpu.memory_space<hbm>> -> memref<128xi32, #tpu.memory_space<hbm>>
      %dma_wait3A_350 = arith.constant 0 : i32
      %dma_wait3A_351 = tpu.memref_slice %arg9[%dma_wait3A_343, %dma_wait3A_350] : memref<4x128xi32, #tpu.memory_space<vmem>> -> memref<1x128xi32, #tpu.memory_space<vmem>>
      %dma_wait3A_352 = tpu.memref_squeeze %dma_wait3A_351 : memref<1x128xi32, #tpu.memory_space<vmem>> -> memref<128xi32, #tpu.memory_space<vmem>>
      %dma_wait3A_353 = arith.constant 0 : i32
      %dma_wait3A_354 = tpu.memref_slice %arg3[%arg1, %add3A_342, %dma_wait3A_353] : memref<16x160x128xi32, #tpu.memory_space<hbm>> -> memref<1x1x128xi32, #tpu.memory_space<hbm>>
      %dma_wait3A_355 = tpu.memref_squeeze %dma_wait3A_354 : memref<1x1x128xi32, #tpu.memory_space<hbm>> -> memref<128xi32, #tpu.memory_space<hbm>>
      tpu.wait_dma2 semaphore(%arg13 : memref<!tpu.dma_semaphore, #tpu.memory_space<semaphore_mem>>) src(%dma_wait3A_355 : memref<128xi32, #tpu.memory_space<hbm>>) dst(%dma_wait3A_352 : memref<128xi32, #tpu.memory_space<vmem>>)
      %dma_wait3A_356 = arith.constant 1 : i32
      %dma_wait3A_357 = arith.constant 0 : i32
      %dma_wait3A_358 = tpu.memref_slice %arg10[%dma_wait3A_356, %dma_wait3A_357] : memref<4x128xi32, #tpu.memory_space<vmem>> -> memref<1x128xi32, #tpu.memory_space<vmem>>
      %dma_wait3A_359 = tpu.memref_squeeze %dma_wait3A_358 : memref<1x128xi32, #tpu.memory_space<vmem>> -> memref<128xi32, #tpu.memory_space<vmem>>
      %dma_wait3A_360 = arith.constant 0 : i32
      %dma_wait3A_361 = tpu.memref_slice %arg4[%arg1, %add3A_342, %dma_wait3A_360] : memref<16x160x128xi32, #tpu.memory_space<hbm>> -> memref<1x1x128xi32, #tpu.memory_space<hbm>>
      %dma_wait3A_362 = tpu.memref_squeeze %dma_wait3A_361 : memref<1x1x128xi32, #tpu.memory_space<hbm>> -> memref<128xi32, #tpu.memory_space<hbm>>
      %dma_wait3A_363 = arith.constant 0 : i32
      %dma_wait3A_364 = tpu.memref_slice %arg10[%dma_wait3A_356, %dma_wait3A_363] : memref<4x128xi32, #tpu.memory_space<vmem>> -> memref<1x128xi32, #tpu.memory_space<vmem>>
      %dma_wait3A_365 = tpu.memref_squeeze %dma_wait3A_364 : memref<1x128xi32, #tpu.memory_space<vmem>> -> memref<128xi32, #tpu.memory_space<vmem>>
      %dma_wait3A_366 = arith.constant 0 : i32
      %dma_wait3A_367 = tpu.memref_slice %arg4[%arg1, %add3A_342, %dma_wait3A_366] : memref<16x160x128xi32, #tpu.memory_space<hbm>> -> memref<1x1x128xi32, #tpu.memory_space<hbm>>
      %dma_wait3A_368 = tpu.memref_squeeze %dma_wait3A_367 : memref<1x1x128xi32, #tpu.memory_space<hbm>> -> memref<128xi32, #tpu.memory_space<hbm>>
      tpu.wait_dma2 semaphore(%arg13 : memref<!tpu.dma_semaphore, #tpu.memory_space<semaphore_mem>>) src(%dma_wait3A_368 : memref<128xi32, #tpu.memory_space<hbm>>) dst(%dma_wait3A_365 : memref<128xi32, #tpu.memory_space<vmem>>)
      %dma_start3A_369 = arith.constant 1 : i32
      %dma_start3A_370 = arith.constant 1 : i32
      %dma_start3A_371 = arith.constant 0 : i32
      %dma_start3A_372 = arith.constant 0 : i32
      %dma_start3A_373 = tpu.memref_slice %arg11[%dma_start3A_370, %dma_start3A_371, %dma_start3A_372] : memref<2x128x64xf32, #tpu.memory_space<vmem>> -> memref<1x128x64xf32, #tpu.memory_space<vmem>>
      %dma_start3A_374 = tpu.memref_squeeze %dma_start3A_373 : memref<1x128x64xf32, #tpu.memory_space<vmem>> -> memref<128x64xf32, #tpu.memory_space<vmem>>
      %dma_start3A_375 = arith.constant 0 : i32
      %dma_start3A_376 = tpu.memref_slice %arg9[%dma_start3A_369, %dma_start3A_375] : memref<4x128xi32, #tpu.memory_space<vmem>> -> memref<1x128xi32, #tpu.memory_space<vmem>>
      %dma_start3A_377 = tpu.memref_squeeze %dma_start3A_376 : memref<1x128xi32, #tpu.memory_space<vmem>> -> memref<128xi32, #tpu.memory_space<vmem>>
      %dma_start3A_378 = arith.constant 0 : i32
      %dma_start3A_379 = arith.constant 0 : i32
      %dma_start3A_380 = tpu.memref_slice %arg7[%dma_start3A_378, %dma_start3A_379] : memref<10240x64xf32, #tpu.memory_space<vmem_shared>> -> memref<10240x64xf32, #tpu.memory_space<vmem_shared>>
      tpu.enqueue_indirect_dma source(%dma_start3A_380 : memref<10240x64xf32, #tpu.memory_space<vmem_shared>>) target(%dma_start3A_374 : memref<128x64xf32, #tpu.memory_space<vmem>>) offsets(%dma_start3A_377 : memref<128xi32, #tpu.memory_space<vmem>>) semaphore(%arg12 : memref<!tpu.dma_semaphore, #tpu.memory_space<semaphore_mem>>)
      %dma_wait3A_381 = arith.constant 0 : i32
      %dma_wait3A_382 = arith.constant 0 : i32
      %dma_wait3A_383 = arith.constant 0 : i32
      %dma_wait3A_384 = arith.constant 0 : i32
      %dma_wait3A_385 = tpu.memref_slice %arg11[%dma_wait3A_382, %dma_wait3A_383, %dma_wait3A_384] : memref<2x128x64xf32, #tpu.memory_space<vmem>> -> memref<1x128x64xf32, #tpu.memory_space<vmem>>
      %dma_wait3A_386 = tpu.memref_squeeze %dma_wait3A_385 : memref<1x128x64xf32, #tpu.memory_space<vmem>> -> memref<128x64xf32, #tpu.memory_space<vmem>>
      %dma_wait3A_387 = arith.constant 0 : i32
      %dma_wait3A_388 = tpu.memref_slice %arg9[%dma_wait3A_381, %dma_wait3A_387] : memref<4x128xi32, #tpu.memory_space<vmem>> -> memref<1x128xi32, #tpu.memory_space<vmem>>
      %dma_wait3A_389 = tpu.memref_squeeze %dma_wait3A_388 : memref<1x128xi32, #tpu.memory_space<vmem>> -> memref<128xi32, #tpu.memory_space<vmem>>
      %dma_wait3A_390 = arith.constant 0 : i32
      %dma_wait3A_391 = arith.constant 0 : i32
      %dma_wait3A_392 = tpu.memref_slice %arg7[%dma_wait3A_390, %dma_wait3A_391] : memref<10240x64xf32, #tpu.memory_space<vmem_shared>> -> memref<10240x64xf32, #tpu.memory_space<vmem_shared>>
      tpu.wait_indirect_dma semaphore(%arg12 : memref<!tpu.dma_semaphore, #tpu.memory_space<semaphore_mem>>) src(%dma_wait3A_392 : memref<10240x64xf32, #tpu.memory_space<vmem_shared>>) dst(%dma_wait3A_386 : memref<128x64xf32, #tpu.memory_space<vmem>>)
      %run_scoped3A_393 = arith.constant 0 : i32
      %run_scoped3A_394 = arith.constant 0 : i32
      "tpu.region"() ({
        %run_scoped3A_683 = tpu.sem_alloc : memref<!tpu.dma_semaphore, #tpu.memory_space<semaphore_mem>>
        %dma_start3A_684 = arith.constant 0 : i32
        %dma_start3A_685 = arith.constant 0 : i32
        %dma_start3A_686 = tpu.memref_slice %arg11[%run_scoped3A_393, %dma_start3A_684, %dma_start3A_685] : memref<2x128x64xf32, #tpu.memory_space<vmem>> -> memref<1x128x64xf32, #tpu.memory_space<vmem>>
        %dma_start3A_687 = tpu.memref_squeeze %dma_start3A_686 : memref<1x128x64xf32, #tpu.memory_space<vmem>> -> memref<128x64xf32, #tpu.memory_space<vmem>>
        %dma_start3A_688 = arith.constant 0 : i32
        %dma_start3A_689 = tpu.memref_slice %arg10[%run_scoped3A_394, %dma_start3A_688] : memref<4x128xi32, #tpu.memory_space<vmem>> -> memref<1x128xi32, #tpu.memory_space<vmem>>
        %dma_start3A_690 = tpu.memref_squeeze %dma_start3A_689 : memref<1x128xi32, #tpu.memory_space<vmem>> -> memref<128xi32, #tpu.memory_space<vmem>>
        %dma_start3A_691 = arith.constant 0 : i32
        %dma_start3A_692 = arith.constant 0 : i32
        %dma_start3A_693 = tpu.memref_slice %arg8[%dma_start3A_691, %dma_start3A_692] : memref<10240x64xf32, #tpu.memory_space<vmem_shared>> -> memref<10240x64xf32, #tpu.memory_space<vmem_shared>>
        tpu.enqueue_indirect_dma source(%dma_start3A_687 : memref<128x64xf32, #tpu.memory_space<vmem>>) target(%dma_start3A_693 : memref<10240x64xf32, #tpu.memory_space<vmem_shared>>) offsets(%dma_start3A_690 : memref<128xi32, #tpu.memory_space<vmem>>) semaphore(%run_scoped3A_683 : memref<!tpu.dma_semaphore, #tpu.memory_space<semaphore_mem>>) {add = true}
        %dma_wait3A_694 = arith.constant 0 : i32
        %dma_wait3A_695 = arith.constant 0 : i32
        %dma_wait3A_696 = tpu.memref_slice %arg11[%run_scoped3A_393, %dma_wait3A_694, %dma_wait3A_695] : memref<2x128x64xf32, #tpu.memory_space<vmem>> -> memref<1x128x64xf32, #tpu.memory_space<vmem>>
        %dma_wait3A_697 = tpu.memref_squeeze %dma_wait3A_696 : memref<1x128x64xf32, #tpu.memory_space<vmem>> -> memref<128x64xf32, #tpu.memory_space<vmem>>
        %dma_wait3A_698 = arith.constant 0 : i32
        %dma_wait3A_699 = tpu.memref_slice %arg10[%run_scoped3A_394, %dma_wait3A_698] : memref<4x128xi32, #tpu.memory_space<vmem>> -> memref<1x128xi32, #tpu.memory_space<vmem>>
        %dma_wait3A_700 = tpu.memref_squeeze %dma_wait3A_699 : memref<1x128xi32, #tpu.memory_space<vmem>> -> memref<128xi32, #tpu.memory_space<vmem>>
        %dma_wait3A_701 = arith.constant 0 : i32
        %dma_wait3A_702 = arith.constant 0 : i32
        %dma_wait3A_703 = tpu.memref_slice %arg8[%dma_wait3A_701, %dma_wait3A_702] : memref<10240x64xf32, #tpu.memory_space<vmem_shared>> -> memref<10240x64xf32, #tpu.memory_space<vmem_shared>>
        tpu.wait_indirect_dma semaphore(%run_scoped3A_683 : memref<!tpu.dma_semaphore, #tpu.memory_space<semaphore_mem>>) src(%dma_wait3A_697 : memref<128x64xf32, #tpu.memory_space<vmem>>) dst(%dma_wait3A_703 : memref<10240x64xf32, #tpu.memory_space<vmem_shared>>)
        tpu.yield
      }) : () -> ()
      %add3A_395 = arith.constant 4 : i32
      %add3A_396 = arith.addi %add3A_340, %add3A_395 : i32
      %dma_start3A_397 = arith.constant 0 : i32
      %dma_start3A_398 = arith.constant 0 : i32
      %dma_start3A_399 = tpu.memref_slice %arg9[%dma_start3A_397, %dma_start3A_398] : memref<4x128xi32, #tpu.memory_space<vmem>> -> memref<1x128xi32, #tpu.memory_space<vmem>>
      %dma_start3A_400 = tpu.memref_squeeze %dma_start3A_399 : memref<1x128xi32, #tpu.memory_space<vmem>> -> memref<128xi32, #tpu.memory_space<vmem>>
      %dma_start3A_401 = arith.constant 0 : i32
      %dma_start3A_402 = tpu.memref_slice %arg3[%arg1, %add3A_396, %dma_start3A_401] : memref<16x160x128xi32, #tpu.memory_space<hbm>> -> memref<1x1x128xi32, #tpu.memory_space<hbm>>
      %dma_start3A_403 = tpu.memref_squeeze %dma_start3A_402 : memref<1x1x128xi32, #tpu.memory_space<hbm>> -> memref<128xi32, #tpu.memory_space<hbm>>
      %dma_start3A_404 = arith.constant 0 : i32
      %dma_start3A_405 = tpu.memref_slice %arg9[%dma_start3A_397, %dma_start3A_404] : memref<4x128xi32, #tpu.memory_space<vmem>> -> memref<1x128xi32, #tpu.memory_space<vmem>>
      %dma_start3A_406 = tpu.memref_squeeze %dma_start3A_405 : memref<1x128xi32, #tpu.memory_space<vmem>> -> memref<128xi32, #tpu.memory_space<vmem>>
      %dma_start3A_407 = arith.constant 0 : i32
      %dma_start3A_408 = tpu.memref_slice %arg3[%arg1, %add3A_396, %dma_start3A_407] : memref<16x160x128xi32, #tpu.memory_space<hbm>> -> memref<1x1x128xi32, #tpu.memory_space<hbm>>
      %dma_start3A_409 = tpu.memref_squeeze %dma_start3A_408 : memref<1x1x128xi32, #tpu.memory_space<hbm>> -> memref<128xi32, #tpu.memory_space<hbm>>
      tpu.enqueue_dma source(%dma_start3A_409 : memref<128xi32, #tpu.memory_space<hbm>>) target(%dma_start3A_406 : memref<128xi32, #tpu.memory_space<vmem>>) target_semaphore(%arg13 : memref<!tpu.dma_semaphore, #tpu.memory_space<semaphore_mem>>)
      %add3A_410 = arith.constant 4 : i32
      %add3A_411 = arith.addi %add3A_340, %add3A_410 : i32
      %dma_start3A_412 = arith.constant 0 : i32
      %dma_start3A_413 = arith.constant 0 : i32
      %dma_start3A_414 = tpu.memref_slice %arg10[%dma_start3A_412, %dma_start3A_413] : memref<4x128xi32, #tpu.memory_space<vmem>> -> memref<1x128xi32, #tpu.memory_space<vmem>>
      %dma_start3A_415 = tpu.memref_squeeze %dma_start3A_414 : memref<1x128xi32, #tpu.memory_space<vmem>> -> memref<128xi32, #tpu.memory_space<vmem>>
      %dma_start3A_416 = arith.constant 0 : i32
      %dma_start3A_417 = tpu.memref_slice %arg4[%arg1, %add3A_411, %dma_start3A_416] : memref<16x160x128xi32, #tpu.memory_space<hbm>> -> memref<1x1x128xi32, #tpu.memory_space<hbm>>
      %dma_start3A_418 = tpu.memref_squeeze %dma_start3A_417 : memref<1x1x128xi32, #tpu.memory_space<hbm>> -> memref<128xi32, #tpu.memory_space<hbm>>
      %dma_start3A_419 = arith.constant 0 : i32
      %dma_start3A_420 = tpu.memref_slice %arg10[%dma_start3A_412, %dma_start3A_419] : memref<4x128xi32, #tpu.memory_space<vmem>> -> memref<1x128xi32, #tpu.memory_space<vmem>>
      %dma_start3A_421 = tpu.memref_squeeze %dma_start3A_420 : memref<1x128xi32, #tpu.memory_space<vmem>> -> memref<128xi32, #tpu.memory_space<vmem>>
      %dma_start3A_422 = arith.constant 0 : i32
      %dma_start3A_423 = tpu.memref_slice %arg4[%arg1, %add3A_411, %dma_start3A_422] : memref<16x160x128xi32, #tpu.memory_space<hbm>> -> memref<1x1x128xi32, #tpu.memory_space<hbm>>
      %dma_start3A_424 = tpu.memref_squeeze %dma_start3A_423 : memref<1x1x128xi32, #tpu.memory_space<hbm>> -> memref<128xi32, #tpu.memory_space<hbm>>
      tpu.enqueue_dma source(%dma_start3A_424 : memref<128xi32, #tpu.memory_space<hbm>>) target(%dma_start3A_421 : memref<128xi32, #tpu.memory_space<vmem>>) target_semaphore(%arg13 : memref<!tpu.dma_semaphore, #tpu.memory_space<semaphore_mem>>)
      %add3A_425 = arith.constant 1 : i32
      %add3A_426 = arith.addi %mul3A_338, %add3A_425 : i32
      %add3A_427 = arith.constant 1 : i32
      %add3A_428 = arith.addi %add3A_426, %add3A_427 : i32
      %dma_wait3A_429 = arith.constant 2 : i32
      %dma_wait3A_430 = arith.constant 0 : i32
      %dma_wait3A_431 = tpu.memref_slice %arg9[%dma_wait3A_429, %dma_wait3A_430] : memref<4x128xi32, #tpu.memory_space<vmem>> -> memref<1x128xi32, #tpu.memory_space<vmem>>
      %dma_wait3A_432 = tpu.memref_squeeze %dma_wait3A_431 : memref<1x128xi32, #tpu.memory_space<vmem>> -> memref<128xi32, #tpu.memory_space<vmem>>
      %dma_wait3A_433 = arith.constant 0 : i32
      %dma_wait3A_434 = tpu.memref_slice %arg3[%arg1, %add3A_428, %dma_wait3A_433] : memref<16x160x128xi32, #tpu.memory_space<hbm>> -> memref<1x1x128xi32, #tpu.memory_space<hbm>>
      %dma_wait3A_435 = tpu.memref_squeeze %dma_wait3A_434 : memref<1x1x128xi32, #tpu.memory_space<hbm>> -> memref<128xi32, #tpu.memory_space<hbm>>
      %dma_wait3A_436 = arith.constant 0 : i32
      %dma_wait3A_437 = tpu.memref_slice %arg9[%dma_wait3A_429, %dma_wait3A_436] : memref<4x128xi32, #tpu.memory_space<vmem>> -> memref<1x128xi32, #tpu.memory_space<vmem>>
      %dma_wait3A_438 = tpu.memref_squeeze %dma_wait3A_437 : memref<1x128xi32, #tpu.memory_space<vmem>> -> memref<128xi32, #tpu.memory_space<vmem>>
      %dma_wait3A_439 = arith.constant 0 : i32
      %dma_wait3A_440 = tpu.memref_slice %arg3[%arg1, %add3A_428, %dma_wait3A_439] : memref<16x160x128xi32, #tpu.memory_space<hbm>> -> memref<1x1x128xi32, #tpu.memory_space<hbm>>
      %dma_wait3A_441 = tpu.memref_squeeze %dma_wait3A_440 : memref<1x1x128xi32, #tpu.memory_space<hbm>> -> memref<128xi32, #tpu.memory_space<hbm>>
      tpu.wait_dma2 semaphore(%arg13 : memref<!tpu.dma_semaphore, #tpu.memory_space<semaphore_mem>>) src(%dma_wait3A_441 : memref<128xi32, #tpu.memory_space<hbm>>) dst(%dma_wait3A_438 : memref<128xi32, #tpu.memory_space<vmem>>)
      %dma_wait3A_442 = arith.constant 2 : i32
      %dma_wait3A_443 = arith.constant 0 : i32
      %dma_wait3A_444 = tpu.memref_slice %arg10[%dma_wait3A_442, %dma_wait3A_443] : memref<4x128xi32, #tpu.memory_space<vmem>> -> memref<1x128xi32, #tpu.memory_space<vmem>>
      %dma_wait3A_445 = tpu.memref_squeeze %dma_wait3A_444 : memref<1x128xi32, #tpu.memory_space<vmem>> -> memref<128xi32, #tpu.memory_space<vmem>>
      %dma_wait3A_446 = arith.constant 0 : i32
      %dma_wait3A_447 = tpu.memref_slice %arg4[%arg1, %add3A_428, %dma_wait3A_446] : memref<16x160x128xi32, #tpu.memory_space<hbm>> -> memref<1x1x128xi32, #tpu.memory_space<hbm>>
      %dma_wait3A_448 = tpu.memref_squeeze %dma_wait3A_447 : memref<1x1x128xi32, #tpu.memory_space<hbm>> -> memref<128xi32, #tpu.memory_space<hbm>>
      %dma_wait3A_449 = arith.constant 0 : i32
      %dma_wait3A_450 = tpu.memref_slice %arg10[%dma_wait3A_442, %dma_wait3A_449] : memref<4x128xi32, #tpu.memory_space<vmem>> -> memref<1x128xi32, #tpu.memory_space<vmem>>
      %dma_wait3A_451 = tpu.memref_squeeze %dma_wait3A_450 : memref<1x128xi32, #tpu.memory_space<vmem>> -> memref<128xi32, #tpu.memory_space<vmem>>
      %dma_wait3A_452 = arith.constant 0 : i32
      %dma_wait3A_453 = tpu.memref_slice %arg4[%arg1, %add3A_428, %dma_wait3A_452] : memref<16x160x128xi32, #tpu.memory_space<hbm>> -> memref<1x1x128xi32, #tpu.memory_space<hbm>>
      %dma_wait3A_454 = tpu.memref_squeeze %dma_wait3A_453 : memref<1x1x128xi32, #tpu.memory_space<hbm>> -> memref<128xi32, #tpu.memory_space<hbm>>
      tpu.wait_dma2 semaphore(%arg13 : memref<!tpu.dma_semaphore, #tpu.memory_space<semaphore_mem>>) src(%dma_wait3A_454 : memref<128xi32, #tpu.memory_space<hbm>>) dst(%dma_wait3A_451 : memref<128xi32, #tpu.memory_space<vmem>>)
      %dma_start3A_455 = arith.constant 2 : i32
      %dma_start3A_456 = arith.constant 0 : i32
      %dma_start3A_457 = arith.constant 0 : i32
      %dma_start3A_458 = arith.constant 0 : i32
      %dma_start3A_459 = tpu.memref_slice %arg11[%dma_start3A_456, %dma_start3A_457, %dma_start3A_458] : memref<2x128x64xf32, #tpu.memory_space<vmem>> -> memref<1x128x64xf32, #tpu.memory_space<vmem>>
      %dma_start3A_460 = tpu.memref_squeeze %dma_start3A_459 : memref<1x128x64xf32, #tpu.memory_space<vmem>> -> memref<128x64xf32, #tpu.memory_space<vmem>>
      %dma_start3A_461 = arith.constant 0 : i32
      %dma_start3A_462 = tpu.memref_slice %arg9[%dma_start3A_455, %dma_start3A_461] : memref<4x128xi32, #tpu.memory_space<vmem>> -> memref<1x128xi32, #tpu.memory_space<vmem>>
      %dma_start3A_463 = tpu.memref_squeeze %dma_start3A_462 : memref<1x128xi32, #tpu.memory_space<vmem>> -> memref<128xi32, #tpu.memory_space<vmem>>
      %dma_start3A_464 = arith.constant 0 : i32
      %dma_start3A_465 = arith.constant 0 : i32
      %dma_start3A_466 = tpu.memref_slice %arg7[%dma_start3A_464, %dma_start3A_465] : memref<10240x64xf32, #tpu.memory_space<vmem_shared>> -> memref<10240x64xf32, #tpu.memory_space<vmem_shared>>
      tpu.enqueue_indirect_dma source(%dma_start3A_466 : memref<10240x64xf32, #tpu.memory_space<vmem_shared>>) target(%dma_start3A_460 : memref<128x64xf32, #tpu.memory_space<vmem>>) offsets(%dma_start3A_463 : memref<128xi32, #tpu.memory_space<vmem>>) semaphore(%arg12 : memref<!tpu.dma_semaphore, #tpu.memory_space<semaphore_mem>>)
      %dma_wait3A_467 = arith.constant 1 : i32
      %dma_wait3A_468 = arith.constant 1 : i32
      %dma_wait3A_469 = arith.constant 0 : i32
      %dma_wait3A_470 = arith.constant 0 : i32
      %dma_wait3A_471 = tpu.memref_slice %arg11[%dma_wait3A_468, %dma_wait3A_469, %dma_wait3A_470] : memref<2x128x64xf32, #tpu.memory_space<vmem>> -> memref<1x128x64xf32, #tpu.memory_space<vmem>>
      %dma_wait3A_472 = tpu.memref_squeeze %dma_wait3A_471 : memref<1x128x64xf32, #tpu.memory_space<vmem>> -> memref<128x64xf32, #tpu.memory_space<vmem>>
      %dma_wait3A_473 = arith.constant 0 : i32
      %dma_wait3A_474 = tpu.memref_slice %arg9[%dma_wait3A_467, %dma_wait3A_473] : memref<4x128xi32, #tpu.memory_space<vmem>> -> memref<1x128xi32, #tpu.memory_space<vmem>>
      %dma_wait3A_475 = tpu.memref_squeeze %dma_wait3A_474 : memref<1x128xi32, #tpu.memory_space<vmem>> -> memref<128xi32, #tpu.memory_space<vmem>>
      %dma_wait3A_476 = arith.constant 0 : i32
      %dma_wait3A_477 = arith.constant 0 : i32
      %dma_wait3A_478 = tpu.memref_slice %arg7[%dma_wait3A_476, %dma_wait3A_477] : memref<10240x64xf32, #tpu.memory_space<vmem_shared>> -> memref<10240x64xf32, #tpu.memory_space<vmem_shared>>
      tpu.wait_indirect_dma semaphore(%arg12 : memref<!tpu.dma_semaphore, #tpu.memory_space<semaphore_mem>>) src(%dma_wait3A_478 : memref<10240x64xf32, #tpu.memory_space<vmem_shared>>) dst(%dma_wait3A_472 : memref<128x64xf32, #tpu.memory_space<vmem>>)
      %run_scoped3A_479 = arith.constant 1 : i32
      %run_scoped3A_480 = arith.constant 1 : i32
      "tpu.region"() ({
        %run_scoped3A_683 = tpu.sem_alloc : memref<!tpu.dma_semaphore, #tpu.memory_space<semaphore_mem>>
        %dma_start3A_684 = arith.constant 0 : i32
        %dma_start3A_685 = arith.constant 0 : i32
        %dma_start3A_686 = tpu.memref_slice %arg11[%run_scoped3A_479, %dma_start3A_684, %dma_start3A_685] : memref<2x128x64xf32, #tpu.memory_space<vmem>> -> memref<1x128x64xf32, #tpu.memory_space<vmem>>
        %dma_start3A_687 = tpu.memref_squeeze %dma_start3A_686 : memref<1x128x64xf32, #tpu.memory_space<vmem>> -> memref<128x64xf32, #tpu.memory_space<vmem>>
        %dma_start3A_688 = arith.constant 0 : i32
        %dma_start3A_689 = tpu.memref_slice %arg10[%run_scoped3A_480, %dma_start3A_688] : memref<4x128xi32, #tpu.memory_space<vmem>> -> memref<1x128xi32, #tpu.memory_space<vmem>>
        %dma_start3A_690 = tpu.memref_squeeze %dma_start3A_689 : memref<1x128xi32, #tpu.memory_space<vmem>> -> memref<128xi32, #tpu.memory_space<vmem>>
        %dma_start3A_691 = arith.constant 0 : i32
        %dma_start3A_692 = arith.constant 0 : i32
        %dma_start3A_693 = tpu.memref_slice %arg8[%dma_start3A_691, %dma_start3A_692] : memref<10240x64xf32, #tpu.memory_space<vmem_shared>> -> memref<10240x64xf32, #tpu.memory_space<vmem_shared>>
        tpu.enqueue_indirect_dma source(%dma_start3A_687 : memref<128x64xf32, #tpu.memory_space<vmem>>) target(%dma_start3A_693 : memref<10240x64xf32, #tpu.memory_space<vmem_shared>>) offsets(%dma_start3A_690 : memref<128xi32, #tpu.memory_space<vmem>>) semaphore(%run_scoped3A_683 : memref<!tpu.dma_semaphore, #tpu.memory_space<semaphore_mem>>) {add = true}
        %dma_wait3A_694 = arith.constant 0 : i32
        %dma_wait3A_695 = arith.constant 0 : i32
        %dma_wait3A_696 = tpu.memref_slice %arg11[%run_scoped3A_479, %dma_wait3A_694, %dma_wait3A_695] : memref<2x128x64xf32, #tpu.memory_space<vmem>> -> memref<1x128x64xf32, #tpu.memory_space<vmem>>
        %dma_wait3A_697 = tpu.memref_squeeze %dma_wait3A_696 : memref<1x128x64xf32, #tpu.memory_space<vmem>> -> memref<128x64xf32, #tpu.memory_space<vmem>>
        %dma_wait3A_698 = arith.constant 0 : i32
        %dma_wait3A_699 = tpu.memref_slice %arg10[%run_scoped3A_480, %dma_wait3A_698] : memref<4x128xi32, #tpu.memory_space<vmem>> -> memref<1x128xi32, #tpu.memory_space<vmem>>
        %dma_wait3A_700 = tpu.memref_squeeze %dma_wait3A_699 : memref<1x128xi32, #tpu.memory_space<vmem>> -> memref<128xi32, #tpu.memory_space<vmem>>
        %dma_wait3A_701 = arith.constant 0 : i32
        %dma_wait3A_702 = arith.constant 0 : i32
        %dma_wait3A_703 = tpu.memref_slice %arg8[%dma_wait3A_701, %dma_wait3A_702] : memref<10240x64xf32, #tpu.memory_space<vmem_shared>> -> memref<10240x64xf32, #tpu.memory_space<vmem_shared>>
        tpu.wait_indirect_dma semaphore(%run_scoped3A_683 : memref<!tpu.dma_semaphore, #tpu.memory_space<semaphore_mem>>) src(%dma_wait3A_697 : memref<128x64xf32, #tpu.memory_space<vmem>>) dst(%dma_wait3A_703 : memref<10240x64xf32, #tpu.memory_space<vmem_shared>>)
        tpu.yield
      }) : () -> ()
      %add3A_481 = arith.constant 4 : i32
      %add3A_482 = arith.addi %add3A_426, %add3A_481 : i32
      %dma_start3A_483 = arith.constant 1 : i32
      %dma_start3A_484 = arith.constant 0 : i32
      %dma_start3A_485 = tpu.memref_slice %arg9[%dma_start3A_483, %dma_start3A_484] : memref<4x128xi32, #tpu.memory_space<vmem>> -> memref<1x128xi32, #tpu.memory_space<vmem>>
      %dma_start3A_486 = tpu.memref_squeeze %dma_start3A_485 : memref<1x128xi32, #tpu.memory_space<vmem>> -> memref<128xi32, #tpu.memory_space<vmem>>
      %dma_start3A_487 = arith.constant 0 : i32
      %dma_start3A_488 = tpu.memref_slice %arg3[%arg1, %add3A_482, %dma_start3A_487] : memref<16x160x128xi32, #tpu.memory_space<hbm>> -> memref<1x1x128xi32, #tpu.memory_space<hbm>>
      %dma_start3A_489 = tpu.memref_squeeze %dma_start3A_488 : memref<1x1x128xi32, #tpu.memory_space<hbm>> -> memref<128xi32, #tpu.memory_space<hbm>>
      %dma_start3A_490 = arith.constant 0 : i32
      %dma_start3A_491 = tpu.memref_slice %arg9[%dma_start3A_483, %dma_start3A_490] : memref<4x128xi32, #tpu.memory_space<vmem>> -> memref<1x128xi32, #tpu.memory_space<vmem>>
      %dma_start3A_492 = tpu.memref_squeeze %dma_start3A_491 : memref<1x128xi32, #tpu.memory_space<vmem>> -> memref<128xi32, #tpu.memory_space<vmem>>
      %dma_start3A_493 = arith.constant 0 : i32
      %dma_start3A_494 = tpu.memref_slice %arg3[%arg1, %add3A_482, %dma_start3A_493] : memref<16x160x128xi32, #tpu.memory_space<hbm>> -> memref<1x1x128xi32, #tpu.memory_space<hbm>>
      %dma_start3A_495 = tpu.memref_squeeze %dma_start3A_494 : memref<1x1x128xi32, #tpu.memory_space<hbm>> -> memref<128xi32, #tpu.memory_space<hbm>>
      tpu.enqueue_dma source(%dma_start3A_495 : memref<128xi32, #tpu.memory_space<hbm>>) target(%dma_start3A_492 : memref<128xi32, #tpu.memory_space<vmem>>) target_semaphore(%arg13 : memref<!tpu.dma_semaphore, #tpu.memory_space<semaphore_mem>>)
      %add3A_496 = arith.constant 4 : i32
      %add3A_497 = arith.addi %add3A_426, %add3A_496 : i32
      %dma_start3A_498 = arith.constant 1 : i32
      %dma_start3A_499 = arith.constant 0 : i32
      %dma_start3A_500 = tpu.memref_slice %arg10[%dma_start3A_498, %dma_start3A_499] : memref<4x128xi32, #tpu.memory_space<vmem>> -> memref<1x128xi32, #tpu.memory_space<vmem>>
      %dma_start3A_501 = tpu.memref_squeeze %dma_start3A_500 : memref<1x128xi32, #tpu.memory_space<vmem>> -> memref<128xi32, #tpu.memory_space<vmem>>
      %dma_start3A_502 = arith.constant 0 : i32
      %dma_start3A_503 = tpu.memref_slice %arg4[%arg1, %add3A_497, %dma_start3A_502] : memref<16x160x128xi32, #tpu.memory_space<hbm>> -> memref<1x1x128xi32, #tpu.memory_space<hbm>>
      %dma_start3A_504 = tpu.memref_squeeze %dma_start3A_503 : memref<1x1x128xi32, #tpu.memory_space<hbm>> -> memref<128xi32, #tpu.memory_space<hbm>>
      %dma_start3A_505 = arith.constant 0 : i32
      %dma_start3A_506 = tpu.memref_slice %arg10[%dma_start3A_498, %dma_start3A_505] : memref<4x128xi32, #tpu.memory_space<vmem>> -> memref<1x128xi32, #tpu.memory_space<vmem>>
      %dma_start3A_507 = tpu.memref_squeeze %dma_start3A_506 : memref<1x128xi32, #tpu.memory_space<vmem>> -> memref<128xi32, #tpu.memory_space<vmem>>
      %dma_start3A_508 = arith.constant 0 : i32
      %dma_start3A_509 = tpu.memref_slice %arg4[%arg1, %add3A_497, %dma_start3A_508] : memref<16x160x128xi32, #tpu.memory_space<hbm>> -> memref<1x1x128xi32, #tpu.memory_space<hbm>>
      %dma_start3A_510 = tpu.memref_squeeze %dma_start3A_509 : memref<1x1x128xi32, #tpu.memory_space<hbm>> -> memref<128xi32, #tpu.memory_space<hbm>>
      tpu.enqueue_dma source(%dma_start3A_510 : memref<128xi32, #tpu.memory_space<hbm>>) target(%dma_start3A_507 : memref<128xi32, #tpu.memory_space<vmem>>) target_semaphore(%arg13 : memref<!tpu.dma_semaphore, #tpu.memory_space<semaphore_mem>>)
      %add3A_511 = arith.constant 2 : i32
      %add3A_512 = arith.addi %mul3A_338, %add3A_511 : i32
      %add3A_513 = arith.constant 1 : i32
      %add3A_514 = arith.addi %add3A_512, %add3A_513 : i32
      %dma_wait3A_515 = arith.constant 3 : i32
      %dma_wait3A_516 = arith.constant 0 : i32
      %dma_wait3A_517 = tpu.memref_slice %arg9[%dma_wait3A_515, %dma_wait3A_516] : memref<4x128xi32, #tpu.memory_space<vmem>> -> memref<1x128xi32, #tpu.memory_space<vmem>>
      %dma_wait3A_518 = tpu.memref_squeeze %dma_wait3A_517 : memref<1x128xi32, #tpu.memory_space<vmem>> -> memref<128xi32, #tpu.memory_space<vmem>>
      %dma_wait3A_519 = arith.constant 0 : i32
      %dma_wait3A_520 = tpu.memref_slice %arg3[%arg1, %add3A_514, %dma_wait3A_519] : memref<16x160x128xi32, #tpu.memory_space<hbm>> -> memref<1x1x128xi32, #tpu.memory_space<hbm>>
      %dma_wait3A_521 = tpu.memref_squeeze %dma_wait3A_520 : memref<1x1x128xi32, #tpu.memory_space<hbm>> -> memref<128xi32, #tpu.memory_space<hbm>>
      %dma_wait3A_522 = arith.constant 0 : i32
      %dma_wait3A_523 = tpu.memref_slice %arg9[%dma_wait3A_515, %dma_wait3A_522] : memref<4x128xi32, #tpu.memory_space<vmem>> -> memref<1x128xi32, #tpu.memory_space<vmem>>
      %dma_wait3A_524 = tpu.memref_squeeze %dma_wait3A_523 : memref<1x128xi32, #tpu.memory_space<vmem>> -> memref<128xi32, #tpu.memory_space<vmem>>
      %dma_wait3A_525 = arith.constant 0 : i32
      %dma_wait3A_526 = tpu.memref_slice %arg3[%arg1, %add3A_514, %dma_wait3A_525] : memref<16x160x128xi32, #tpu.memory_space<hbm>> -> memref<1x1x128xi32, #tpu.memory_space<hbm>>
      %dma_wait3A_527 = tpu.memref_squeeze %dma_wait3A_526 : memref<1x1x128xi32, #tpu.memory_space<hbm>> -> memref<128xi32, #tpu.memory_space<hbm>>
      tpu.wait_dma2 semaphore(%arg13 : memref<!tpu.dma_semaphore, #tpu.memory_space<semaphore_mem>>) src(%dma_wait3A_527 : memref<128xi32, #tpu.memory_space<hbm>>) dst(%dma_wait3A_524 : memref<128xi32, #tpu.memory_space<vmem>>)
      %dma_wait3A_528 = arith.constant 3 : i32
      %dma_wait3A_529 = arith.constant 0 : i32
      %dma_wait3A_530 = tpu.memref_slice %arg10[%dma_wait3A_528, %dma_wait3A_529] : memref<4x128xi32, #tpu.memory_space<vmem>> -> memref<1x128xi32, #tpu.memory_space<vmem>>
      %dma_wait3A_531 = tpu.memref_squeeze %dma_wait3A_530 : memref<1x128xi32, #tpu.memory_space<vmem>> -> memref<128xi32, #tpu.memory_space<vmem>>
      %dma_wait3A_532 = arith.constant 0 : i32
      %dma_wait3A_533 = tpu.memref_slice %arg4[%arg1, %add3A_514, %dma_wait3A_532] : memref<16x160x128xi32, #tpu.memory_space<hbm>> -> memref<1x1x128xi32, #tpu.memory_space<hbm>>
      %dma_wait3A_534 = tpu.memref_squeeze %dma_wait3A_533 : memref<1x1x128xi32, #tpu.memory_space<hbm>> -> memref<128xi32, #tpu.memory_space<hbm>>
      %dma_wait3A_535 = arith.constant 0 : i32
      %dma_wait3A_536 = tpu.memref_slice %arg10[%dma_wait3A_528, %dma_wait3A_535] : memref<4x128xi32, #tpu.memory_space<vmem>> -> memref<1x128xi32, #tpu.memory_space<vmem>>
      %dma_wait3A_537 = tpu.memref_squeeze %dma_wait3A_536 : memref<1x128xi32, #tpu.memory_space<vmem>> -> memref<128xi32, #tpu.memory_space<vmem>>
      %dma_wait3A_538 = arith.constant 0 : i32
      %dma_wait3A_539 = tpu.memref_slice %arg4[%arg1, %add3A_514, %dma_wait3A_538] : memref<16x160x128xi32, #tpu.memory_space<hbm>> -> memref<1x1x128xi32, #tpu.memory_space<hbm>>
      %dma_wait3A_540 = tpu.memref_squeeze %dma_wait3A_539 : memref<1x1x128xi32, #tpu.memory_space<hbm>> -> memref<128xi32, #tpu.memory_space<hbm>>
      tpu.wait_dma2 semaphore(%arg13 : memref<!tpu.dma_semaphore, #tpu.memory_space<semaphore_mem>>) src(%dma_wait3A_540 : memref<128xi32, #tpu.memory_space<hbm>>) dst(%dma_wait3A_537 : memref<128xi32, #tpu.memory_space<vmem>>)
      %dma_start3A_541 = arith.constant 3 : i32
      %dma_start3A_542 = arith.constant 1 : i32
      %dma_start3A_543 = arith.constant 0 : i32
      %dma_start3A_544 = arith.constant 0 : i32
      %dma_start3A_545 = tpu.memref_slice %arg11[%dma_start3A_542, %dma_start3A_543, %dma_start3A_544] : memref<2x128x64xf32, #tpu.memory_space<vmem>> -> memref<1x128x64xf32, #tpu.memory_space<vmem>>
      %dma_start3A_546 = tpu.memref_squeeze %dma_start3A_545 : memref<1x128x64xf32, #tpu.memory_space<vmem>> -> memref<128x64xf32, #tpu.memory_space<vmem>>
      %dma_start3A_547 = arith.constant 0 : i32
      %dma_start3A_548 = tpu.memref_slice %arg9[%dma_start3A_541, %dma_start3A_547] : memref<4x128xi32, #tpu.memory_space<vmem>> -> memref<1x128xi32, #tpu.memory_space<vmem>>
      %dma_start3A_549 = tpu.memref_squeeze %dma_start3A_548 : memref<1x128xi32, #tpu.memory_space<vmem>> -> memref<128xi32, #tpu.memory_space<vmem>>
      %dma_start3A_550 = arith.constant 0 : i32
      %dma_start3A_551 = arith.constant 0 : i32
      %dma_start3A_552 = tpu.memref_slice %arg7[%dma_start3A_550, %dma_start3A_551] : memref<10240x64xf32, #tpu.memory_space<vmem_shared>> -> memref<10240x64xf32, #tpu.memory_space<vmem_shared>>
      tpu.enqueue_indirect_dma source(%dma_start3A_552 : memref<10240x64xf32, #tpu.memory_space<vmem_shared>>) target(%dma_start3A_546 : memref<128x64xf32, #tpu.memory_space<vmem>>) offsets(%dma_start3A_549 : memref<128xi32, #tpu.memory_space<vmem>>) semaphore(%arg12 : memref<!tpu.dma_semaphore, #tpu.memory_space<semaphore_mem>>)
      %dma_wait3A_553 = arith.constant 2 : i32
      %dma_wait3A_554 = arith.constant 0 : i32
      %dma_wait3A_555 = arith.constant 0 : i32
      %dma_wait3A_556 = arith.constant 0 : i32
      %dma_wait3A_557 = tpu.memref_slice %arg11[%dma_wait3A_554, %dma_wait3A_555, %dma_wait3A_556] : memref<2x128x64xf32, #tpu.memory_space<vmem>> -> memref<1x128x64xf32, #tpu.memory_space<vmem>>
      %dma_wait3A_558 = tpu.memref_squeeze %dma_wait3A_557 : memref<1x128x64xf32, #tpu.memory_space<vmem>> -> memref<128x64xf32, #tpu.memory_space<vmem>>
      %dma_wait3A_559 = arith.constant 0 : i32
      %dma_wait3A_560 = tpu.memref_slice %arg9[%dma_wait3A_553, %dma_wait3A_559] : memref<4x128xi32, #tpu.memory_space<vmem>> -> memref<1x128xi32, #tpu.memory_space<vmem>>
      %dma_wait3A_561 = tpu.memref_squeeze %dma_wait3A_560 : memref<1x128xi32, #tpu.memory_space<vmem>> -> memref<128xi32, #tpu.memory_space<vmem>>
      %dma_wait3A_562 = arith.constant 0 : i32
      %dma_wait3A_563 = arith.constant 0 : i32
      %dma_wait3A_564 = tpu.memref_slice %arg7[%dma_wait3A_562, %dma_wait3A_563] : memref<10240x64xf32, #tpu.memory_space<vmem_shared>> -> memref<10240x64xf32, #tpu.memory_space<vmem_shared>>
      tpu.wait_indirect_dma semaphore(%arg12 : memref<!tpu.dma_semaphore, #tpu.memory_space<semaphore_mem>>) src(%dma_wait3A_564 : memref<10240x64xf32, #tpu.memory_space<vmem_shared>>) dst(%dma_wait3A_558 : memref<128x64xf32, #tpu.memory_space<vmem>>)
      %run_scoped3A_565 = arith.constant 0 : i32
      %run_scoped3A_566 = arith.constant 2 : i32
      "tpu.region"() ({
        %run_scoped3A_683 = tpu.sem_alloc : memref<!tpu.dma_semaphore, #tpu.memory_space<semaphore_mem>>
        %dma_start3A_684 = arith.constant 0 : i32
        %dma_start3A_685 = arith.constant 0 : i32
        %dma_start3A_686 = tpu.memref_slice %arg11[%run_scoped3A_565, %dma_start3A_684, %dma_start3A_685] : memref<2x128x64xf32, #tpu.memory_space<vmem>> -> memref<1x128x64xf32, #tpu.memory_space<vmem>>
        %dma_start3A_687 = tpu.memref_squeeze %dma_start3A_686 : memref<1x128x64xf32, #tpu.memory_space<vmem>> -> memref<128x64xf32, #tpu.memory_space<vmem>>
        %dma_start3A_688 = arith.constant 0 : i32
        %dma_start3A_689 = tpu.memref_slice %arg10[%run_scoped3A_566, %dma_start3A_688] : memref<4x128xi32, #tpu.memory_space<vmem>> -> memref<1x128xi32, #tpu.memory_space<vmem>>
        %dma_start3A_690 = tpu.memref_squeeze %dma_start3A_689 : memref<1x128xi32, #tpu.memory_space<vmem>> -> memref<128xi32, #tpu.memory_space<vmem>>
        %dma_start3A_691 = arith.constant 0 : i32
        %dma_start3A_692 = arith.constant 0 : i32
        %dma_start3A_693 = tpu.memref_slice %arg8[%dma_start3A_691, %dma_start3A_692] : memref<10240x64xf32, #tpu.memory_space<vmem_shared>> -> memref<10240x64xf32, #tpu.memory_space<vmem_shared>>
        tpu.enqueue_indirect_dma source(%dma_start3A_687 : memref<128x64xf32, #tpu.memory_space<vmem>>) target(%dma_start3A_693 : memref<10240x64xf32, #tpu.memory_space<vmem_shared>>) offsets(%dma_start3A_690 : memref<128xi32, #tpu.memory_space<vmem>>) semaphore(%run_scoped3A_683 : memref<!tpu.dma_semaphore, #tpu.memory_space<semaphore_mem>>) {add = true}
        %dma_wait3A_694 = arith.constant 0 : i32
        %dma_wait3A_695 = arith.constant 0 : i32
        %dma_wait3A_696 = tpu.memref_slice %arg11[%run_scoped3A_565, %dma_wait3A_694, %dma_wait3A_695] : memref<2x128x64xf32, #tpu.memory_space<vmem>> -> memref<1x128x64xf32, #tpu.memory_space<vmem>>
        %dma_wait3A_697 = tpu.memref_squeeze %dma_wait3A_696 : memref<1x128x64xf32, #tpu.memory_space<vmem>> -> memref<128x64xf32, #tpu.memory_space<vmem>>
        %dma_wait3A_698 = arith.constant 0 : i32
        %dma_wait3A_699 = tpu.memref_slice %arg10[%run_scoped3A_566, %dma_wait3A_698] : memref<4x128xi32, #tpu.memory_space<vmem>> -> memref<1x128xi32, #tpu.memory_space<vmem>>
        %dma_wait3A_700 = tpu.memref_squeeze %dma_wait3A_699 : memref<1x128xi32, #tpu.memory_space<vmem>> -> memref<128xi32, #tpu.memory_space<vmem>>
        %dma_wait3A_701 = arith.constant 0 : i32
        %dma_wait3A_702 = arith.constant 0 : i32
        %dma_wait3A_703 = tpu.memref_slice %arg8[%dma_wait3A_701, %dma_wait3A_702] : memref<10240x64xf32, #tpu.memory_space<vmem_shared>> -> memref<10240x64xf32, #tpu.memory_space<vmem_shared>>
        tpu.wait_indirect_dma semaphore(%run_scoped3A_683 : memref<!tpu.dma_semaphore, #tpu.memory_space<semaphore_mem>>) src(%dma_wait3A_697 : memref<128x64xf32, #tpu.memory_space<vmem>>) dst(%dma_wait3A_703 : memref<10240x64xf32, #tpu.memory_space<vmem_shared>>)
        tpu.yield
      }) : () -> ()
      %add3A_567 = arith.constant 4 : i32
      %add3A_568 = arith.addi %add3A_512, %add3A_567 : i32
      %dma_start3A_569 = arith.constant 2 : i32
      %dma_start3A_570 = arith.constant 0 : i32
      %dma_start3A_571 = tpu.memref_slice %arg9[%dma_start3A_569, %dma_start3A_570] : memref<4x128xi32, #tpu.memory_space<vmem>> -> memref<1x128xi32, #tpu.memory_space<vmem>>
      %dma_start3A_572 = tpu.memref_squeeze %dma_start3A_571 : memref<1x128xi32, #tpu.memory_space<vmem>> -> memref<128xi32, #tpu.memory_space<vmem>>
      %dma_start3A_573 = arith.constant 0 : i32
      %dma_start3A_574 = tpu.memref_slice %arg3[%arg1, %add3A_568, %dma_start3A_573] : memref<16x160x128xi32, #tpu.memory_space<hbm>> -> memref<1x1x128xi32, #tpu.memory_space<hbm>>
      %dma_start3A_575 = tpu.memref_squeeze %dma_start3A_574 : memref<1x1x128xi32, #tpu.memory_space<hbm>> -> memref<128xi32, #tpu.memory_space<hbm>>
      %dma_start3A_576 = arith.constant 0 : i32
      %dma_start3A_577 = tpu.memref_slice %arg9[%dma_start3A_569, %dma_start3A_576] : memref<4x128xi32, #tpu.memory_space<vmem>> -> memref<1x128xi32, #tpu.memory_space<vmem>>
      %dma_start3A_578 = tpu.memref_squeeze %dma_start3A_577 : memref<1x128xi32, #tpu.memory_space<vmem>> -> memref<128xi32, #tpu.memory_space<vmem>>
      %dma_start3A_579 = arith.constant 0 : i32
      %dma_start3A_580 = tpu.memref_slice %arg3[%arg1, %add3A_568, %dma_start3A_579] : memref<16x160x128xi32, #tpu.memory_space<hbm>> -> memref<1x1x128xi32, #tpu.memory_space<hbm>>
      %dma_start3A_581 = tpu.memref_squeeze %dma_start3A_580 : memref<1x1x128xi32, #tpu.memory_space<hbm>> -> memref<128xi32, #tpu.memory_space<hbm>>
      tpu.enqueue_dma source(%dma_start3A_581 : memref<128xi32, #tpu.memory_space<hbm>>) target(%dma_start3A_578 : memref<128xi32, #tpu.memory_space<vmem>>) target_semaphore(%arg13 : memref<!tpu.dma_semaphore, #tpu.memory_space<semaphore_mem>>)
      %add3A_582 = arith.constant 4 : i32
      %add3A_583 = arith.addi %add3A_512, %add3A_582 : i32
      %dma_start3A_584 = arith.constant 2 : i32
      %dma_start3A_585 = arith.constant 0 : i32
      %dma_start3A_586 = tpu.memref_slice %arg10[%dma_start3A_584, %dma_start3A_585] : memref<4x128xi32, #tpu.memory_space<vmem>> -> memref<1x128xi32, #tpu.memory_space<vmem>>
      %dma_start3A_587 = tpu.memref_squeeze %dma_start3A_586 : memref<1x128xi32, #tpu.memory_space<vmem>> -> memref<128xi32, #tpu.memory_space<vmem>>
      %dma_start3A_588 = arith.constant 0 : i32
      %dma_start3A_589 = tpu.memref_slice %arg4[%arg1, %add3A_583, %dma_start3A_588] : memref<16x160x128xi32, #tpu.memory_space<hbm>> -> memref<1x1x128xi32, #tpu.memory_space<hbm>>
      %dma_start3A_590 = tpu.memref_squeeze %dma_start3A_589 : memref<1x1x128xi32, #tpu.memory_space<hbm>> -> memref<128xi32, #tpu.memory_space<hbm>>
      %dma_start3A_591 = arith.constant 0 : i32
      %dma_start3A_592 = tpu.memref_slice %arg10[%dma_start3A_584, %dma_start3A_591] : memref<4x128xi32, #tpu.memory_space<vmem>> -> memref<1x128xi32, #tpu.memory_space<vmem>>
      %dma_start3A_593 = tpu.memref_squeeze %dma_start3A_592 : memref<1x128xi32, #tpu.memory_space<vmem>> -> memref<128xi32, #tpu.memory_space<vmem>>
      %dma_start3A_594 = arith.constant 0 : i32
      %dma_start3A_595 = tpu.memref_slice %arg4[%arg1, %add3A_583, %dma_start3A_594] : memref<16x160x128xi32, #tpu.memory_space<hbm>> -> memref<1x1x128xi32, #tpu.memory_space<hbm>>
      %dma_start3A_596 = tpu.memref_squeeze %dma_start3A_595 : memref<1x1x128xi32, #tpu.memory_space<hbm>> -> memref<128xi32, #tpu.memory_space<hbm>>
      tpu.enqueue_dma source(%dma_start3A_596 : memref<128xi32, #tpu.memory_space<hbm>>) target(%dma_start3A_593 : memref<128xi32, #tpu.memory_space<vmem>>) target_semaphore(%arg13 : memref<!tpu.dma_semaphore, #tpu.memory_space<semaphore_mem>>)
      %add3A_597 = arith.constant 3 : i32
      %add3A_598 = arith.addi %mul3A_338, %add3A_597 : i32
      %add3A_599 = arith.constant 1 : i32
      %add3A_600 = arith.addi %add3A_598, %add3A_599 : i32
      %dma_wait3A_601 = arith.constant 0 : i32
      %dma_wait3A_602 = arith.constant 0 : i32
      %dma_wait3A_603 = tpu.memref_slice %arg9[%dma_wait3A_601, %dma_wait3A_602] : memref<4x128xi32, #tpu.memory_space<vmem>> -> memref<1x128xi32, #tpu.memory_space<vmem>>
      %dma_wait3A_604 = tpu.memref_squeeze %dma_wait3A_603 : memref<1x128xi32, #tpu.memory_space<vmem>> -> memref<128xi32, #tpu.memory_space<vmem>>
      %dma_wait3A_605 = arith.constant 0 : i32
      %dma_wait3A_606 = tpu.memref_slice %arg3[%arg1, %add3A_600, %dma_wait3A_605] : memref<16x160x128xi32, #tpu.memory_space<hbm>> -> memref<1x1x128xi32, #tpu.memory_space<hbm>>
      %dma_wait3A_607 = tpu.memref_squeeze %dma_wait3A_606 : memref<1x1x128xi32, #tpu.memory_space<hbm>> -> memref<128xi32, #tpu.memory_space<hbm>>
      %dma_wait3A_608 = arith.constant 0 : i32
      %dma_wait3A_609 = tpu.memref_slice %arg9[%dma_wait3A_601, %dma_wait3A_608] : memref<4x128xi32, #tpu.memory_space<vmem>> -> memref<1x128xi32, #tpu.memory_space<vmem>>
      %dma_wait3A_610 = tpu.memref_squeeze %dma_wait3A_609 : memref<1x128xi32, #tpu.memory_space<vmem>> -> memref<128xi32, #tpu.memory_space<vmem>>
      %dma_wait3A_611 = arith.constant 0 : i32
      %dma_wait3A_612 = tpu.memref_slice %arg3[%arg1, %add3A_600, %dma_wait3A_611] : memref<16x160x128xi32, #tpu.memory_space<hbm>> -> memref<1x1x128xi32, #tpu.memory_space<hbm>>
      %dma_wait3A_613 = tpu.memref_squeeze %dma_wait3A_612 : memref<1x1x128xi32, #tpu.memory_space<hbm>> -> memref<128xi32, #tpu.memory_space<hbm>>
      tpu.wait_dma2 semaphore(%arg13 : memref<!tpu.dma_semaphore, #tpu.memory_space<semaphore_mem>>) src(%dma_wait3A_613 : memref<128xi32, #tpu.memory_space<hbm>>) dst(%dma_wait3A_610 : memref<128xi32, #tpu.memory_space<vmem>>)
      %dma_wait3A_614 = arith.constant 0 : i32
      %dma_wait3A_615 = arith.constant 0 : i32
      %dma_wait3A_616 = tpu.memref_slice %arg10[%dma_wait3A_614, %dma_wait3A_615] : memref<4x128xi32, #tpu.memory_space<vmem>> -> memref<1x128xi32, #tpu.memory_space<vmem>>
      %dma_wait3A_617 = tpu.memref_squeeze %dma_wait3A_616 : memref<1x128xi32, #tpu.memory_space<vmem>> -> memref<128xi32, #tpu.memory_space<vmem>>
      %dma_wait3A_618 = arith.constant 0 : i32
      %dma_wait3A_619 = tpu.memref_slice %arg4[%arg1, %add3A_600, %dma_wait3A_618] : memref<16x160x128xi32, #tpu.memory_space<hbm>> -> memref<1x1x128xi32, #tpu.memory_space<hbm>>
      %dma_wait3A_620 = tpu.memref_squeeze %dma_wait3A_619 : memref<1x1x128xi32, #tpu.memory_space<hbm>> -> memref<128xi32, #tpu.memory_space<hbm>>
      %dma_wait3A_621 = arith.constant 0 : i32
      %dma_wait3A_622 = tpu.memref_slice %arg10[%dma_wait3A_614, %dma_wait3A_621] : memref<4x128xi32, #tpu.memory_space<vmem>> -> memref<1x128xi32, #tpu.memory_space<vmem>>
      %dma_wait3A_623 = tpu.memref_squeeze %dma_wait3A_622 : memref<1x128xi32, #tpu.memory_space<vmem>> -> memref<128xi32, #tpu.memory_space<vmem>>
      %dma_wait3A_624 = arith.constant 0 : i32
      %dma_wait3A_625 = tpu.memref_slice %arg4[%arg1, %add3A_600, %dma_wait3A_624] : memref<16x160x128xi32, #tpu.memory_space<hbm>> -> memref<1x1x128xi32, #tpu.memory_space<hbm>>
      %dma_wait3A_626 = tpu.memref_squeeze %dma_wait3A_625 : memref<1x1x128xi32, #tpu.memory_space<hbm>> -> memref<128xi32, #tpu.memory_space<hbm>>
      tpu.wait_dma2 semaphore(%arg13 : memref<!tpu.dma_semaphore, #tpu.memory_space<semaphore_mem>>) src(%dma_wait3A_626 : memref<128xi32, #tpu.memory_space<hbm>>) dst(%dma_wait3A_623 : memref<128xi32, #tpu.memory_space<vmem>>)
      %dma_start3A_627 = arith.constant 0 : i32
      %dma_start3A_628 = arith.constant 0 : i32
      %dma_start3A_629 = arith.constant 0 : i32
      %dma_start3A_630 = arith.constant 0 : i32
      %dma_start3A_631 = tpu.memref_slice %arg11[%dma_start3A_628, %dma_start3A_629, %dma_start3A_630] : memref<2x128x64xf32, #tpu.memory_space<vmem>> -> memref<1x128x64xf32, #tpu.memory_space<vmem>>
      %dma_start3A_632 = tpu.memref_squeeze %dma_start3A_631 : memref<1x128x64xf32, #tpu.memory_space<vmem>> -> memref<128x64xf32, #tpu.memory_space<vmem>>
      %dma_start3A_633 = arith.constant 0 : i32
      %dma_start3A_634 = tpu.memref_slice %arg9[%dma_start3A_627, %dma_start3A_633] : memref<4x128xi32, #tpu.memory_space<vmem>> -> memref<1x128xi32, #tpu.memory_space<vmem>>
      %dma_start3A_635 = tpu.memref_squeeze %dma_start3A_634 : memref<1x128xi32, #tpu.memory_space<vmem>> -> memref<128xi32, #tpu.memory_space<vmem>>
      %dma_start3A_636 = arith.constant 0 : i32
      %dma_start3A_637 = arith.constant 0 : i32
      %dma_start3A_638 = tpu.memref_slice %arg7[%dma_start3A_636, %dma_start3A_637] : memref<10240x64xf32, #tpu.memory_space<vmem_shared>> -> memref<10240x64xf32, #tpu.memory_space<vmem_shared>>
      tpu.enqueue_indirect_dma source(%dma_start3A_638 : memref<10240x64xf32, #tpu.memory_space<vmem_shared>>) target(%dma_start3A_632 : memref<128x64xf32, #tpu.memory_space<vmem>>) offsets(%dma_start3A_635 : memref<128xi32, #tpu.memory_space<vmem>>) semaphore(%arg12 : memref<!tpu.dma_semaphore, #tpu.memory_space<semaphore_mem>>)
      %dma_wait3A_639 = arith.constant 3 : i32
      %dma_wait3A_640 = arith.constant 1 : i32
      %dma_wait3A_641 = arith.constant 0 : i32
      %dma_wait3A_642 = arith.constant 0 : i32
      %dma_wait3A_643 = tpu.memref_slice %arg11[%dma_wait3A_640, %dma_wait3A_641, %dma_wait3A_642] : memref<2x128x64xf32, #tpu.memory_space<vmem>> -> memref<1x128x64xf32, #tpu.memory_space<vmem>>
      %dma_wait3A_644 = tpu.memref_squeeze %dma_wait3A_643 : memref<1x128x64xf32, #tpu.memory_space<vmem>> -> memref<128x64xf32, #tpu.memory_space<vmem>>
      %dma_wait3A_645 = arith.constant 0 : i32
      %dma_wait3A_646 = tpu.memref_slice %arg9[%dma_wait3A_639, %dma_wait3A_645] : memref<4x128xi32, #tpu.memory_space<vmem>> -> memref<1x128xi32, #tpu.memory_space<vmem>>
      %dma_wait3A_647 = tpu.memref_squeeze %dma_wait3A_646 : memref<1x128xi32, #tpu.memory_space<vmem>> -> memref<128xi32, #tpu.memory_space<vmem>>
      %dma_wait3A_648 = arith.constant 0 : i32
      %dma_wait3A_649 = arith.constant 0 : i32
      %dma_wait3A_650 = tpu.memref_slice %arg7[%dma_wait3A_648, %dma_wait3A_649] : memref<10240x64xf32, #tpu.memory_space<vmem_shared>> -> memref<10240x64xf32, #tpu.memory_space<vmem_shared>>
      tpu.wait_indirect_dma semaphore(%arg12 : memref<!tpu.dma_semaphore, #tpu.memory_space<semaphore_mem>>) src(%dma_wait3A_650 : memref<10240x64xf32, #tpu.memory_space<vmem_shared>>) dst(%dma_wait3A_644 : memref<128x64xf32, #tpu.memory_space<vmem>>)
      %run_scoped3A_651 = arith.constant 1 : i32
      %run_scoped3A_652 = arith.constant 3 : i32
      "tpu.region"() ({
        %run_scoped3A_683 = tpu.sem_alloc : memref<!tpu.dma_semaphore, #tpu.memory_space<semaphore_mem>>
        %dma_start3A_684 = arith.constant 0 : i32
        %dma_start3A_685 = arith.constant 0 : i32
        %dma_start3A_686 = tpu.memref_slice %arg11[%run_scoped3A_651, %dma_start3A_684, %dma_start3A_685] : memref<2x128x64xf32, #tpu.memory_space<vmem>> -> memref<1x128x64xf32, #tpu.memory_space<vmem>>
        %dma_start3A_687 = tpu.memref_squeeze %dma_start3A_686 : memref<1x128x64xf32, #tpu.memory_space<vmem>> -> memref<128x64xf32, #tpu.memory_space<vmem>>
        %dma_start3A_688 = arith.constant 0 : i32
        %dma_start3A_689 = tpu.memref_slice %arg10[%run_scoped3A_652, %dma_start3A_688] : memref<4x128xi32, #tpu.memory_space<vmem>> -> memref<1x128xi32, #tpu.memory_space<vmem>>
        %dma_start3A_690 = tpu.memref_squeeze %dma_start3A_689 : memref<1x128xi32, #tpu.memory_space<vmem>> -> memref<128xi32, #tpu.memory_space<vmem>>
        %dma_start3A_691 = arith.constant 0 : i32
        %dma_start3A_692 = arith.constant 0 : i32
        %dma_start3A_693 = tpu.memref_slice %arg8[%dma_start3A_691, %dma_start3A_692] : memref<10240x64xf32, #tpu.memory_space<vmem_shared>> -> memref<10240x64xf32, #tpu.memory_space<vmem_shared>>
        tpu.enqueue_indirect_dma source(%dma_start3A_687 : memref<128x64xf32, #tpu.memory_space<vmem>>) target(%dma_start3A_693 : memref<10240x64xf32, #tpu.memory_space<vmem_shared>>) offsets(%dma_start3A_690 : memref<128xi32, #tpu.memory_space<vmem>>) semaphore(%run_scoped3A_683 : memref<!tpu.dma_semaphore, #tpu.memory_space<semaphore_mem>>) {add = true}
        %dma_wait3A_694 = arith.constant 0 : i32
        %dma_wait3A_695 = arith.constant 0 : i32
        %dma_wait3A_696 = tpu.memref_slice %arg11[%run_scoped3A_651, %dma_wait3A_694, %dma_wait3A_695] : memref<2x128x64xf32, #tpu.memory_space<vmem>> -> memref<1x128x64xf32, #tpu.memory_space<vmem>>
        %dma_wait3A_697 = tpu.memref_squeeze %dma_wait3A_696 : memref<1x128x64xf32, #tpu.memory_space<vmem>> -> memref<128x64xf32, #tpu.memory_space<vmem>>
        %dma_wait3A_698 = arith.constant 0 : i32
        %dma_wait3A_699 = tpu.memref_slice %arg10[%run_scoped3A_652, %dma_wait3A_698] : memref<4x128xi32, #tpu.memory_space<vmem>> -> memref<1x128xi32, #tpu.memory_space<vmem>>
        %dma_wait3A_700 = tpu.memref_squeeze %dma_wait3A_699 : memref<1x128xi32, #tpu.memory_space<vmem>> -> memref<128xi32, #tpu.memory_space<vmem>>
        %dma_wait3A_701 = arith.constant 0 : i32
        %dma_wait3A_702 = arith.constant 0 : i32
        %dma_wait3A_703 = tpu.memref_slice %arg8[%dma_wait3A_701, %dma_wait3A_702] : memref<10240x64xf32, #tpu.memory_space<vmem_shared>> -> memref<10240x64xf32, #tpu.memory_space<vmem_shared>>
        tpu.wait_indirect_dma semaphore(%run_scoped3A_683 : memref<!tpu.dma_semaphore, #tpu.memory_space<semaphore_mem>>) src(%dma_wait3A_697 : memref<128x64xf32, #tpu.memory_space<vmem>>) dst(%dma_wait3A_703 : memref<10240x64xf32, #tpu.memory_space<vmem_shared>>)
        tpu.yield
      }) : () -> ()
      %add3A_653 = arith.constant 4 : i32
      %add3A_654 = arith.addi %add3A_598, %add3A_653 : i32
      %dma_start3A_655 = arith.constant 3 : i32
      %dma_start3A_656 = arith.constant 0 : i32
      %dma_start3A_657 = tpu.memref_slice %arg9[%dma_start3A_655, %dma_start3A_656] : memref<4x128xi32, #tpu.memory_space<vmem>> -> memref<1x128xi32, #tpu.memory_space<vmem>>
      %dma_start3A_658 = tpu.memref_squeeze %dma_start3A_657 : memref<1x128xi32, #tpu.memory_space<vmem>> -> memref<128xi32, #tpu.memory_space<vmem>>
      %dma_start3A_659 = arith.constant 0 : i32
      %dma_start3A_660 = tpu.memref_slice %arg3[%arg1, %add3A_654, %dma_start3A_659] : memref<16x160x128xi32, #tpu.memory_space<hbm>> -> memref<1x1x128xi32, #tpu.memory_space<hbm>>
      %dma_start3A_661 = tpu.memref_squeeze %dma_start3A_660 : memref<1x1x128xi32, #tpu.memory_space<hbm>> -> memref<128xi32, #tpu.memory_space<hbm>>
      %dma_start3A_662 = arith.constant 0 : i32
      %dma_start3A_663 = tpu.memref_slice %arg9[%dma_start3A_655, %dma_start3A_662] : memref<4x128xi32, #tpu.memory_space<vmem>> -> memref<1x128xi32, #tpu.memory_space<vmem>>
      %dma_start3A_664 = tpu.memref_squeeze %dma_start3A_663 : memref<1x128xi32, #tpu.memory_space<vmem>> -> memref<128xi32, #tpu.memory_space<vmem>>
      %dma_start3A_665 = arith.constant 0 : i32
      %dma_start3A_666 = tpu.memref_slice %arg3[%arg1, %add3A_654, %dma_start3A_665] : memref<16x160x128xi32, #tpu.memory_space<hbm>> -> memref<1x1x128xi32, #tpu.memory_space<hbm>>
      %dma_start3A_667 = tpu.memref_squeeze %dma_start3A_666 : memref<1x1x128xi32, #tpu.memory_space<hbm>> -> memref<128xi32, #tpu.memory_space<hbm>>
      tpu.enqueue_dma source(%dma_start3A_667 : memref<128xi32, #tpu.memory_space<hbm>>) target(%dma_start3A_664 : memref<128xi32, #tpu.memory_space<vmem>>) target_semaphore(%arg13 : memref<!tpu.dma_semaphore, #tpu.memory_space<semaphore_mem>>)
      %add3A_668 = arith.constant 4 : i32
      %add3A_669 = arith.addi %add3A_598, %add3A_668 : i32
      %dma_start3A_670 = arith.constant 3 : i32
      %dma_start3A_671 = arith.constant 0 : i32
      %dma_start3A_672 = tpu.memref_slice %arg10[%dma_start3A_670, %dma_start3A_671] : memref<4x128xi32, #tpu.memory_space<vmem>> -> memref<1x128xi32, #tpu.memory_space<vmem>>
      %dma_start3A_673 = tpu.memref_squeeze %dma_start3A_672 : memref<1x128xi32, #tpu.memory_space<vmem>> -> memref<128xi32, #tpu.memory_space<vmem>>
      %dma_start3A_674 = arith.constant 0 : i32
      %dma_start3A_675 = tpu.memref_slice %arg4[%arg1, %add3A_669, %dma_start3A_674] : memref<16x160x128xi32, #tpu.memory_space<hbm>> -> memref<1x1x128xi32, #tpu.memory_space<hbm>>
      %dma_start3A_676 = tpu.memref_squeeze %dma_start3A_675 : memref<1x1x128xi32, #tpu.memory_space<hbm>> -> memref<128xi32, #tpu.memory_space<hbm>>
      %dma_start3A_677 = arith.constant 0 : i32
      %dma_start3A_678 = tpu.memref_slice %arg10[%dma_start3A_670, %dma_start3A_677] : memref<4x128xi32, #tpu.memory_space<vmem>> -> memref<1x128xi32, #tpu.memory_space<vmem>>
      %dma_start3A_679 = tpu.memref_squeeze %dma_start3A_678 : memref<1x128xi32, #tpu.memory_space<vmem>> -> memref<128xi32, #tpu.memory_space<vmem>>
      %dma_start3A_680 = arith.constant 0 : i32
      %dma_start3A_681 = tpu.memref_slice %arg4[%arg1, %add3A_669, %dma_start3A_680] : memref<16x160x128xi32, #tpu.memory_space<hbm>> -> memref<1x1x128xi32, #tpu.memory_space<hbm>>
      %dma_start3A_682 = tpu.memref_squeeze %dma_start3A_681 : memref<1x1x128xi32, #tpu.memory_space<hbm>> -> memref<128xi32, #tpu.memory_space<hbm>>
      tpu.enqueue_dma source(%dma_start3A_682 : memref<128xi32, #tpu.memory_space<hbm>>) target(%dma_start3A_679 : memref<128xi32, #tpu.memory_space<vmem>>) target_semaphore(%arg13 : memref<!tpu.dma_semaphore, #tpu.memory_space<semaphore_mem>>)
    }
    %scan3A_156 = arith.constant 39 : i32
    %dma_wait3A_157 = arith.constant 157 : i32
    %dma_wait3A_158 = arith.constant 1 : i32
    %dma_wait3A_159 = arith.constant 0 : i32
    %dma_wait3A_160 = tpu.memref_slice %arg9[%dma_wait3A_158, %dma_wait3A_159] : memref<4x128xi32, #tpu.memory_space<vmem>> -> memref<1x128xi32, #tpu.memory_space<vmem>>
    %dma_wait3A_161 = tpu.memref_squeeze %dma_wait3A_160 : memref<1x128xi32, #tpu.memory_space<vmem>> -> memref<128xi32, #tpu.memory_space<vmem>>
    %dma_wait3A_162 = arith.constant 0 : i32
    %dma_wait3A_163 = tpu.memref_slice %arg3[%arg1, %dma_wait3A_157, %dma_wait3A_162] : memref<16x160x128xi32, #tpu.memory_space<hbm>> -> memref<1x1x128xi32, #tpu.memory_space<hbm>>
    %dma_wait3A_164 = tpu.memref_squeeze %dma_wait3A_163 : memref<1x1x128xi32, #tpu.memory_space<hbm>> -> memref<128xi32, #tpu.memory_space<hbm>>
    %dma_wait3A_165 = arith.constant 0 : i32
    %dma_wait3A_166 = tpu.memref_slice %arg9[%dma_wait3A_158, %dma_wait3A_165] : memref<4x128xi32, #tpu.memory_space<vmem>> -> memref<1x128xi32, #tpu.memory_space<vmem>>
    %dma_wait3A_167 = tpu.memref_squeeze %dma_wait3A_166 : memref<1x128xi32, #tpu.memory_space<vmem>> -> memref<128xi32, #tpu.memory_space<vmem>>
    %dma_wait3A_168 = arith.constant 0 : i32
    %dma_wait3A_169 = tpu.memref_slice %arg3[%arg1, %dma_wait3A_157, %dma_wait3A_168] : memref<16x160x128xi32, #tpu.memory_space<hbm>> -> memref<1x1x128xi32, #tpu.memory_space<hbm>>
    %dma_wait3A_170 = tpu.memref_squeeze %dma_wait3A_169 : memref<1x1x128xi32, #tpu.memory_space<hbm>> -> memref<128xi32, #tpu.memory_space<hbm>>
    tpu.wait_dma2 semaphore(%arg13 : memref<!tpu.dma_semaphore, #tpu.memory_space<semaphore_mem>>) src(%dma_wait3A_170 : memref<128xi32, #tpu.memory_space<hbm>>) dst(%dma_wait3A_167 : memref<128xi32, #tpu.memory_space<vmem>>)
    %dma_wait3A_171 = arith.constant 157 : i32
    %dma_wait3A_172 = arith.constant 1 : i32
    %dma_wait3A_173 = arith.constant 0 : i32
    %dma_wait3A_174 = tpu.memref_slice %arg10[%dma_wait3A_172, %dma_wait3A_173] : memref<4x128xi32, #tpu.memory_space<vmem>> -> memref<1x128xi32, #tpu.memory_space<vmem>>
    %dma_wait3A_175 = tpu.memref_squeeze %dma_wait3A_174 : memref<1x128xi32, #tpu.memory_space<vmem>> -> memref<128xi32, #tpu.memory_space<vmem>>
    %dma_wait3A_176 = arith.constant 0 : i32
    %dma_wait3A_177 = tpu.memref_slice %arg4[%arg1, %dma_wait3A_171, %dma_wait3A_176] : memref<16x160x128xi32, #tpu.memory_space<hbm>> -> memref<1x1x128xi32, #tpu.memory_space<hbm>>
    %dma_wait3A_178 = tpu.memref_squeeze %dma_wait3A_177 : memref<1x1x128xi32, #tpu.memory_space<hbm>> -> memref<128xi32, #tpu.memory_space<hbm>>
    %dma_wait3A_179 = arith.constant 0 : i32
    %dma_wait3A_180 = tpu.memref_slice %arg10[%dma_wait3A_172, %dma_wait3A_179] : memref<4x128xi32, #tpu.memory_space<vmem>> -> memref<1x128xi32, #tpu.memory_space<vmem>>
    %dma_wait3A_181 = tpu.memref_squeeze %dma_wait3A_180 : memref<1x128xi32, #tpu.memory_space<vmem>> -> memref<128xi32, #tpu.memory_space<vmem>>
    %dma_wait3A_182 = arith.constant 0 : i32
    %dma_wait3A_183 = tpu.memref_slice %arg4[%arg1, %dma_wait3A_171, %dma_wait3A_182] : memref<16x160x128xi32, #tpu.memory_space<hbm>> -> memref<1x1x128xi32, #tpu.memory_space<hbm>>
    %dma_wait3A_184 = tpu.memref_squeeze %dma_wait3A_183 : memref<1x1x128xi32, #tpu.memory_space<hbm>> -> memref<128xi32, #tpu.memory_space<hbm>>
    tpu.wait_dma2 semaphore(%arg13 : memref<!tpu.dma_semaphore, #tpu.memory_space<semaphore_mem>>) src(%dma_wait3A_184 : memref<128xi32, #tpu.memory_space<hbm>>) dst(%dma_wait3A_181 : memref<128xi32, #tpu.memory_space<vmem>>)
    %dma_start3A_185 = arith.constant 1 : i32
    %dma_start3A_186 = arith.constant 1 : i32
    %dma_start3A_187 = arith.constant 0 : i32
    %dma_start3A_188 = arith.constant 0 : i32
    %dma_start3A_189 = tpu.memref_slice %arg11[%dma_start3A_186, %dma_start3A_187, %dma_start3A_188] : memref<2x128x64xf32, #tpu.memory_space<vmem>> -> memref<1x128x64xf32, #tpu.memory_space<vmem>>
    %dma_start3A_190 = tpu.memref_squeeze %dma_start3A_189 : memref<1x128x64xf32, #tpu.memory_space<vmem>> -> memref<128x64xf32, #tpu.memory_space<vmem>>
    %dma_start3A_191 = arith.constant 0 : i32
    %dma_start3A_192 = tpu.memref_slice %arg9[%dma_start3A_185, %dma_start3A_191] : memref<4x128xi32, #tpu.memory_space<vmem>> -> memref<1x128xi32, #tpu.memory_space<vmem>>
    %dma_start3A_193 = tpu.memref_squeeze %dma_start3A_192 : memref<1x128xi32, #tpu.memory_space<vmem>> -> memref<128xi32, #tpu.memory_space<vmem>>
    %dma_start3A_194 = arith.constant 0 : i32
    %dma_start3A_195 = arith.constant 0 : i32
    %dma_start3A_196 = tpu.memref_slice %arg7[%dma_start3A_194, %dma_start3A_195] : memref<10240x64xf32, #tpu.memory_space<vmem_shared>> -> memref<10240x64xf32, #tpu.memory_space<vmem_shared>>
    tpu.enqueue_indirect_dma source(%dma_start3A_196 : memref<10240x64xf32, #tpu.memory_space<vmem_shared>>) target(%dma_start3A_190 : memref<128x64xf32, #tpu.memory_space<vmem>>) offsets(%dma_start3A_193 : memref<128xi32, #tpu.memory_space<vmem>>) semaphore(%arg12 : memref<!tpu.dma_semaphore, #tpu.memory_space<semaphore_mem>>)
    %dma_wait3A_197 = arith.constant 0 : i32
    %dma_wait3A_198 = arith.constant 0 : i32
    %dma_wait3A_199 = arith.constant 0 : i32
    %dma_wait3A_200 = arith.constant 0 : i32
    %dma_wait3A_201 = tpu.memref_slice %arg11[%dma_wait3A_198, %dma_wait3A_199, %dma_wait3A_200] : memref<2x128x64xf32, #tpu.memory_space<vmem>> -> memref<1x128x64xf32, #tpu.memory_space<vmem>>
    %dma_wait3A_202 = tpu.memref_squeeze %dma_wait3A_201 : memref<1x128x64xf32, #tpu.memory_space<vmem>> -> memref<128x64xf32, #tpu.memory_space<vmem>>
    %dma_wait3A_203 = arith.constant 0 : i32
    %dma_wait3A_204 = tpu.memref_slice %arg9[%dma_wait3A_197, %dma_wait3A_203] : memref<4x128xi32, #tpu.memory_space<vmem>> -> memref<1x128xi32, #tpu.memory_space<vmem>>
    %dma_wait3A_205 = tpu.memref_squeeze %dma_wait3A_204 : memref<1x128xi32, #tpu.memory_space<vmem>> -> memref<128xi32, #tpu.memory_space<vmem>>
    %dma_wait3A_206 = arith.constant 0 : i32
    %dma_wait3A_207 = arith.constant 0 : i32
    %dma_wait3A_208 = tpu.memref_slice %arg7[%dma_wait3A_206, %dma_wait3A_207] : memref<10240x64xf32, #tpu.memory_space<vmem_shared>> -> memref<10240x64xf32, #tpu.memory_space<vmem_shared>>
    tpu.wait_indirect_dma semaphore(%arg12 : memref<!tpu.dma_semaphore, #tpu.memory_space<semaphore_mem>>) src(%dma_wait3A_208 : memref<10240x64xf32, #tpu.memory_space<vmem_shared>>) dst(%dma_wait3A_202 : memref<128x64xf32, #tpu.memory_space<vmem>>)
    %run_scoped3A = arith.constant 0 : i32
    %run_scoped3A_209 = arith.constant 0 : i32
    "tpu.region"() ({
      %run_scoped3A_333 = tpu.sem_alloc : memref<!tpu.dma_semaphore, #tpu.memory_space<semaphore_mem>>
      %dma_start3A_334 = arith.constant 0 : i32
      %dma_start3A_335 = arith.constant 0 : i32
      %dma_start3A_336 = tpu.memref_slice %arg11[%run_scoped3A, %dma_start3A_334, %dma_start3A_335] : memref<2x128x64xf32, #tpu.memory_space<vmem>> -> memref<1x128x64xf32, #tpu.memory_space<vmem>>
      %dma_start3A_337 = tpu.memref_squeeze %dma_start3A_336 : memref<1x128x64xf32, #tpu.memory_space<vmem>> -> memref<128x64xf32, #tpu.memory_space<vmem>>
      %dma_start3A_338 = arith.constant 0 : i32
      %dma_start3A_339 = tpu.memref_slice %arg10[%run_scoped3A_209, %dma_start3A_338] : memref<4x128xi32, #tpu.memory_space<vmem>> -> memref<1x128xi32, #tpu.memory_space<vmem>>
      %dma_start3A_340 = tpu.memref_squeeze %dma_start3A_339 : memref<1x128xi32, #tpu.memory_space<vmem>> -> memref<128xi32, #tpu.memory_space<vmem>>
      %dma_start3A_341 = arith.constant 0 : i32
      %dma_start3A_342 = arith.constant 0 : i32
      %dma_start3A_343 = tpu.memref_slice %arg8[%dma_start3A_341, %dma_start3A_342] : memref<10240x64xf32, #tpu.memory_space<vmem_shared>> -> memref<10240x64xf32, #tpu.memory_space<vmem_shared>>
      tpu.enqueue_indirect_dma source(%dma_start3A_337 : memref<128x64xf32, #tpu.memory_space<vmem>>) target(%dma_start3A_343 : memref<10240x64xf32, #tpu.memory_space<vmem_shared>>) offsets(%dma_start3A_340 : memref<128xi32, #tpu.memory_space<vmem>>) semaphore(%run_scoped3A_333 : memref<!tpu.dma_semaphore, #tpu.memory_space<semaphore_mem>>) {add = true}
      %dma_wait3A_344 = arith.constant 0 : i32
      %dma_wait3A_345 = arith.constant 0 : i32
      %dma_wait3A_346 = tpu.memref_slice %arg11[%run_scoped3A, %dma_wait3A_344, %dma_wait3A_345] : memref<2x128x64xf32, #tpu.memory_space<vmem>> -> memref<1x128x64xf32, #tpu.memory_space<vmem>>
      %dma_wait3A_347 = tpu.memref_squeeze %dma_wait3A_346 : memref<1x128x64xf32, #tpu.memory_space<vmem>> -> memref<128x64xf32, #tpu.memory_space<vmem>>
      %dma_wait3A_348 = arith.constant 0 : i32
      %dma_wait3A_349 = tpu.memref_slice %arg10[%run_scoped3A_209, %dma_wait3A_348] : memref<4x128xi32, #tpu.memory_space<vmem>> -> memref<1x128xi32, #tpu.memory_space<vmem>>
      %dma_wait3A_350 = tpu.memref_squeeze %dma_wait3A_349 : memref<1x128xi32, #tpu.memory_space<vmem>> -> memref<128xi32, #tpu.memory_space<vmem>>
      %dma_wait3A_351 = arith.constant 0 : i32
      %dma_wait3A_352 = arith.constant 0 : i32
      %dma_wait3A_353 = tpu.memref_slice %arg8[%dma_wait3A_351, %dma_wait3A_352] : memref<10240x64xf32, #tpu.memory_space<vmem_shared>> -> memref<10240x64xf32, #tpu.memory_space<vmem_shared>>
      tpu.wait_indirect_dma semaphore(%run_scoped3A_333 : memref<!tpu.dma_semaphore, #tpu.memory_space<semaphore_mem>>) src(%dma_wait3A_347 : memref<128x64xf32, #tpu.memory_space<vmem>>) dst(%dma_wait3A_353 : memref<10240x64xf32, #tpu.memory_space<vmem_shared>>)
      tpu.yield
    }) : () -> ()
    %dma_wait3A_210 = arith.constant 158 : i32
    %dma_wait3A_211 = arith.constant 2 : i32
    %dma_wait3A_212 = arith.constant 0 : i32
    %dma_wait3A_213 = tpu.memref_slice %arg9[%dma_wait3A_211, %dma_wait3A_212] : memref<4x128xi32, #tpu.memory_space<vmem>> -> memref<1x128xi32, #tpu.memory_space<vmem>>
    %dma_wait3A_214 = tpu.memref_squeeze %dma_wait3A_213 : memref<1x128xi32, #tpu.memory_space<vmem>> -> memref<128xi32, #tpu.memory_space<vmem>>
    %dma_wait3A_215 = arith.constant 0 : i32
    %dma_wait3A_216 = tpu.memref_slice %arg3[%arg1, %dma_wait3A_210, %dma_wait3A_215] : memref<16x160x128xi32, #tpu.memory_space<hbm>> -> memref<1x1x128xi32, #tpu.memory_space<hbm>>
    %dma_wait3A_217 = tpu.memref_squeeze %dma_wait3A_216 : memref<1x1x128xi32, #tpu.memory_space<hbm>> -> memref<128xi32, #tpu.memory_space<hbm>>
    %dma_wait3A_218 = arith.constant 0 : i32
    %dma_wait3A_219 = tpu.memref_slice %arg9[%dma_wait3A_211, %dma_wait3A_218] : memref<4x128xi32, #tpu.memory_space<vmem>> -> memref<1x128xi32, #tpu.memory_space<vmem>>
    %dma_wait3A_220 = tpu.memref_squeeze %dma_wait3A_219 : memref<1x128xi32, #tpu.memory_space<vmem>> -> memref<128xi32, #tpu.memory_space<vmem>>
    %dma_wait3A_221 = arith.constant 0 : i32
    %dma_wait3A_222 = tpu.memref_slice %arg3[%arg1, %dma_wait3A_210, %dma_wait3A_221] : memref<16x160x128xi32, #tpu.memory_space<hbm>> -> memref<1x1x128xi32, #tpu.memory_space<hbm>>
    %dma_wait3A_223 = tpu.memref_squeeze %dma_wait3A_222 : memref<1x1x128xi32, #tpu.memory_space<hbm>> -> memref<128xi32, #tpu.memory_space<hbm>>
    tpu.wait_dma2 semaphore(%arg13 : memref<!tpu.dma_semaphore, #tpu.memory_space<semaphore_mem>>) src(%dma_wait3A_223 : memref<128xi32, #tpu.memory_space<hbm>>) dst(%dma_wait3A_220 : memref<128xi32, #tpu.memory_space<vmem>>)
    %dma_wait3A_224 = arith.constant 158 : i32
    %dma_wait3A_225 = arith.constant 2 : i32
    %dma_wait3A_226 = arith.constant 0 : i32
    %dma_wait3A_227 = tpu.memref_slice %arg10[%dma_wait3A_225, %dma_wait3A_226] : memref<4x128xi32, #tpu.memory_space<vmem>> -> memref<1x128xi32, #tpu.memory_space<vmem>>
    %dma_wait3A_228 = tpu.memref_squeeze %dma_wait3A_227 : memref<1x128xi32, #tpu.memory_space<vmem>> -> memref<128xi32, #tpu.memory_space<vmem>>
    %dma_wait3A_229 = arith.constant 0 : i32
    %dma_wait3A_230 = tpu.memref_slice %arg4[%arg1, %dma_wait3A_224, %dma_wait3A_229] : memref<16x160x128xi32, #tpu.memory_space<hbm>> -> memref<1x1x128xi32, #tpu.memory_space<hbm>>
    %dma_wait3A_231 = tpu.memref_squeeze %dma_wait3A_230 : memref<1x1x128xi32, #tpu.memory_space<hbm>> -> memref<128xi32, #tpu.memory_space<hbm>>
    %dma_wait3A_232 = arith.constant 0 : i32
    %dma_wait3A_233 = tpu.memref_slice %arg10[%dma_wait3A_225, %dma_wait3A_232] : memref<4x128xi32, #tpu.memory_space<vmem>> -> memref<1x128xi32, #tpu.memory_space<vmem>>
    %dma_wait3A_234 = tpu.memref_squeeze %dma_wait3A_233 : memref<1x128xi32, #tpu.memory_space<vmem>> -> memref<128xi32, #tpu.memory_space<vmem>>
    %dma_wait3A_235 = arith.constant 0 : i32
    %dma_wait3A_236 = tpu.memref_slice %arg4[%arg1, %dma_wait3A_224, %dma_wait3A_235] : memref<16x160x128xi32, #tpu.memory_space<hbm>> -> memref<1x1x128xi32, #tpu.memory_space<hbm>>
    %dma_wait3A_237 = tpu.memref_squeeze %dma_wait3A_236 : memref<1x1x128xi32, #tpu.memory_space<hbm>> -> memref<128xi32, #tpu.memory_space<hbm>>
    tpu.wait_dma2 semaphore(%arg13 : memref<!tpu.dma_semaphore, #tpu.memory_space<semaphore_mem>>) src(%dma_wait3A_237 : memref<128xi32, #tpu.memory_space<hbm>>) dst(%dma_wait3A_234 : memref<128xi32, #tpu.memory_space<vmem>>)
    %dma_start3A_238 = arith.constant 2 : i32
    %dma_start3A_239 = arith.constant 0 : i32
    %dma_start3A_240 = arith.constant 0 : i32
    %dma_start3A_241 = arith.constant 0 : i32
    %dma_start3A_242 = tpu.memref_slice %arg11[%dma_start3A_239, %dma_start3A_240, %dma_start3A_241] : memref<2x128x64xf32, #tpu.memory_space<vmem>> -> memref<1x128x64xf32, #tpu.memory_space<vmem>>
    %dma_start3A_243 = tpu.memref_squeeze %dma_start3A_242 : memref<1x128x64xf32, #tpu.memory_space<vmem>> -> memref<128x64xf32, #tpu.memory_space<vmem>>
    %dma_start3A_244 = arith.constant 0 : i32
    %dma_start3A_245 = tpu.memref_slice %arg9[%dma_start3A_238, %dma_start3A_244] : memref<4x128xi32, #tpu.memory_space<vmem>> -> memref<1x128xi32, #tpu.memory_space<vmem>>
    %dma_start3A_246 = tpu.memref_squeeze %dma_start3A_245 : memref<1x128xi32, #tpu.memory_space<vmem>> -> memref<128xi32, #tpu.memory_space<vmem>>
    %dma_start3A_247 = arith.constant 0 : i32
    %dma_start3A_248 = arith.constant 0 : i32
    %dma_start3A_249 = tpu.memref_slice %arg7[%dma_start3A_247, %dma_start3A_248] : memref<10240x64xf32, #tpu.memory_space<vmem_shared>> -> memref<10240x64xf32, #tpu.memory_space<vmem_shared>>
    tpu.enqueue_indirect_dma source(%dma_start3A_249 : memref<10240x64xf32, #tpu.memory_space<vmem_shared>>) target(%dma_start3A_243 : memref<128x64xf32, #tpu.memory_space<vmem>>) offsets(%dma_start3A_246 : memref<128xi32, #tpu.memory_space<vmem>>) semaphore(%arg12 : memref<!tpu.dma_semaphore, #tpu.memory_space<semaphore_mem>>)
    %dma_wait3A_250 = arith.constant 1 : i32
    %dma_wait3A_251 = arith.constant 1 : i32
    %dma_wait3A_252 = arith.constant 0 : i32
    %dma_wait3A_253 = arith.constant 0 : i32
    %dma_wait3A_254 = tpu.memref_slice %arg11[%dma_wait3A_251, %dma_wait3A_252, %dma_wait3A_253] : memref<2x128x64xf32, #tpu.memory_space<vmem>> -> memref<1x128x64xf32, #tpu.memory_space<vmem>>
    %dma_wait3A_255 = tpu.memref_squeeze %dma_wait3A_254 : memref<1x128x64xf32, #tpu.memory_space<vmem>> -> memref<128x64xf32, #tpu.memory_space<vmem>>
    %dma_wait3A_256 = arith.constant 0 : i32
    %dma_wait3A_257 = tpu.memref_slice %arg9[%dma_wait3A_250, %dma_wait3A_256] : memref<4x128xi32, #tpu.memory_space<vmem>> -> memref<1x128xi32, #tpu.memory_space<vmem>>
    %dma_wait3A_258 = tpu.memref_squeeze %dma_wait3A_257 : memref<1x128xi32, #tpu.memory_space<vmem>> -> memref<128xi32, #tpu.memory_space<vmem>>
    %dma_wait3A_259 = arith.constant 0 : i32
    %dma_wait3A_260 = arith.constant 0 : i32
    %dma_wait3A_261 = tpu.memref_slice %arg7[%dma_wait3A_259, %dma_wait3A_260] : memref<10240x64xf32, #tpu.memory_space<vmem_shared>> -> memref<10240x64xf32, #tpu.memory_space<vmem_shared>>
    tpu.wait_indirect_dma semaphore(%arg12 : memref<!tpu.dma_semaphore, #tpu.memory_space<semaphore_mem>>) src(%dma_wait3A_261 : memref<10240x64xf32, #tpu.memory_space<vmem_shared>>) dst(%dma_wait3A_255 : memref<128x64xf32, #tpu.memory_space<vmem>>)
    %run_scoped3A_262 = arith.constant 1 : i32
    %run_scoped3A_263 = arith.constant 1 : i32
    "tpu.region"() ({
      %run_scoped3A_333 = tpu.sem_alloc : memref<!tpu.dma_semaphore, #tpu.memory_space<semaphore_mem>>
      %dma_start3A_334 = arith.constant 0 : i32
      %dma_start3A_335 = arith.constant 0 : i32
      %dma_start3A_336 = tpu.memref_slice %arg11[%run_scoped3A_262, %dma_start3A_334, %dma_start3A_335] : memref<2x128x64xf32, #tpu.memory_space<vmem>> -> memref<1x128x64xf32, #tpu.memory_space<vmem>>
      %dma_start3A_337 = tpu.memref_squeeze %dma_start3A_336 : memref<1x128x64xf32, #tpu.memory_space<vmem>> -> memref<128x64xf32, #tpu.memory_space<vmem>>
      %dma_start3A_338 = arith.constant 0 : i32
      %dma_start3A_339 = tpu.memref_slice %arg10[%run_scoped3A_263, %dma_start3A_338] : memref<4x128xi32, #tpu.memory_space<vmem>> -> memref<1x128xi32, #tpu.memory_space<vmem>>
      %dma_start3A_340 = tpu.memref_squeeze %dma_start3A_339 : memref<1x128xi32, #tpu.memory_space<vmem>> -> memref<128xi32, #tpu.memory_space<vmem>>
      %dma_start3A_341 = arith.constant 0 : i32
      %dma_start3A_342 = arith.constant 0 : i32
      %dma_start3A_343 = tpu.memref_slice %arg8[%dma_start3A_341, %dma_start3A_342] : memref<10240x64xf32, #tpu.memory_space<vmem_shared>> -> memref<10240x64xf32, #tpu.memory_space<vmem_shared>>
      tpu.enqueue_indirect_dma source(%dma_start3A_337 : memref<128x64xf32, #tpu.memory_space<vmem>>) target(%dma_start3A_343 : memref<10240x64xf32, #tpu.memory_space<vmem_shared>>) offsets(%dma_start3A_340 : memref<128xi32, #tpu.memory_space<vmem>>) semaphore(%run_scoped3A_333 : memref<!tpu.dma_semaphore, #tpu.memory_space<semaphore_mem>>) {add = true}
      %dma_wait3A_344 = arith.constant 0 : i32
      %dma_wait3A_345 = arith.constant 0 : i32
      %dma_wait3A_346 = tpu.memref_slice %arg11[%run_scoped3A_262, %dma_wait3A_344, %dma_wait3A_345] : memref<2x128x64xf32, #tpu.memory_space<vmem>> -> memref<1x128x64xf32, #tpu.memory_space<vmem>>
      %dma_wait3A_347 = tpu.memref_squeeze %dma_wait3A_346 : memref<1x128x64xf32, #tpu.memory_space<vmem>> -> memref<128x64xf32, #tpu.memory_space<vmem>>
      %dma_wait3A_348 = arith.constant 0 : i32
      %dma_wait3A_349 = tpu.memref_slice %arg10[%run_scoped3A_263, %dma_wait3A_348] : memref<4x128xi32, #tpu.memory_space<vmem>> -> memref<1x128xi32, #tpu.memory_space<vmem>>
      %dma_wait3A_350 = tpu.memref_squeeze %dma_wait3A_349 : memref<1x128xi32, #tpu.memory_space<vmem>> -> memref<128xi32, #tpu.memory_space<vmem>>
      %dma_wait3A_351 = arith.constant 0 : i32
      %dma_wait3A_352 = arith.constant 0 : i32
      %dma_wait3A_353 = tpu.memref_slice %arg8[%dma_wait3A_351, %dma_wait3A_352] : memref<10240x64xf32, #tpu.memory_space<vmem_shared>> -> memref<10240x64xf32, #tpu.memory_space<vmem_shared>>
      tpu.wait_indirect_dma semaphore(%run_scoped3A_333 : memref<!tpu.dma_semaphore, #tpu.memory_space<semaphore_mem>>) src(%dma_wait3A_347 : memref<128x64xf32, #tpu.memory_space<vmem>>) dst(%dma_wait3A_353 : memref<10240x64xf32, #tpu.memory_space<vmem_shared>>)
      tpu.yield
    }) : () -> ()
    %dma_wait3A_264 = arith.constant 159 : i32
    %dma_wait3A_265 = arith.constant 3 : i32
    %dma_wait3A_266 = arith.constant 0 : i32
    %dma_wait3A_267 = tpu.memref_slice %arg9[%dma_wait3A_265, %dma_wait3A_266] : memref<4x128xi32, #tpu.memory_space<vmem>> -> memref<1x128xi32, #tpu.memory_space<vmem>>
    %dma_wait3A_268 = tpu.memref_squeeze %dma_wait3A_267 : memref<1x128xi32, #tpu.memory_space<vmem>> -> memref<128xi32, #tpu.memory_space<vmem>>
    %dma_wait3A_269 = arith.constant 0 : i32
    %dma_wait3A_270 = tpu.memref_slice %arg3[%arg1, %dma_wait3A_264, %dma_wait3A_269] : memref<16x160x128xi32, #tpu.memory_space<hbm>> -> memref<1x1x128xi32, #tpu.memory_space<hbm>>
    %dma_wait3A_271 = tpu.memref_squeeze %dma_wait3A_270 : memref<1x1x128xi32, #tpu.memory_space<hbm>> -> memref<128xi32, #tpu.memory_space<hbm>>
    %dma_wait3A_272 = arith.constant 0 : i32
    %dma_wait3A_273 = tpu.memref_slice %arg9[%dma_wait3A_265, %dma_wait3A_272] : memref<4x128xi32, #tpu.memory_space<vmem>> -> memref<1x128xi32, #tpu.memory_space<vmem>>
    %dma_wait3A_274 = tpu.memref_squeeze %dma_wait3A_273 : memref<1x128xi32, #tpu.memory_space<vmem>> -> memref<128xi32, #tpu.memory_space<vmem>>
    %dma_wait3A_275 = arith.constant 0 : i32
    %dma_wait3A_276 = tpu.memref_slice %arg3[%arg1, %dma_wait3A_264, %dma_wait3A_275] : memref<16x160x128xi32, #tpu.memory_space<hbm>> -> memref<1x1x128xi32, #tpu.memory_space<hbm>>
    %dma_wait3A_277 = tpu.memref_squeeze %dma_wait3A_276 : memref<1x1x128xi32, #tpu.memory_space<hbm>> -> memref<128xi32, #tpu.memory_space<hbm>>
    tpu.wait_dma2 semaphore(%arg13 : memref<!tpu.dma_semaphore, #tpu.memory_space<semaphore_mem>>) src(%dma_wait3A_277 : memref<128xi32, #tpu.memory_space<hbm>>) dst(%dma_wait3A_274 : memref<128xi32, #tpu.memory_space<vmem>>)
    %dma_wait3A_278 = arith.constant 159 : i32
    %dma_wait3A_279 = arith.constant 3 : i32
    %dma_wait3A_280 = arith.constant 0 : i32
    %dma_wait3A_281 = tpu.memref_slice %arg10[%dma_wait3A_279, %dma_wait3A_280] : memref<4x128xi32, #tpu.memory_space<vmem>> -> memref<1x128xi32, #tpu.memory_space<vmem>>
    %dma_wait3A_282 = tpu.memref_squeeze %dma_wait3A_281 : memref<1x128xi32, #tpu.memory_space<vmem>> -> memref<128xi32, #tpu.memory_space<vmem>>
    %dma_wait3A_283 = arith.constant 0 : i32
    %dma_wait3A_284 = tpu.memref_slice %arg4[%arg1, %dma_wait3A_278, %dma_wait3A_283] : memref<16x160x128xi32, #tpu.memory_space<hbm>> -> memref<1x1x128xi32, #tpu.memory_space<hbm>>
    %dma_wait3A_285 = tpu.memref_squeeze %dma_wait3A_284 : memref<1x1x128xi32, #tpu.memory_space<hbm>> -> memref<128xi32, #tpu.memory_space<hbm>>
    %dma_wait3A_286 = arith.constant 0 : i32
    %dma_wait3A_287 = tpu.memref_slice %arg10[%dma_wait3A_279, %dma_wait3A_286] : memref<4x128xi32, #tpu.memory_space<vmem>> -> memref<1x128xi32, #tpu.memory_space<vmem>>
    %dma_wait3A_288 = tpu.memref_squeeze %dma_wait3A_287 : memref<1x128xi32, #tpu.memory_space<vmem>> -> memref<128xi32, #tpu.memory_space<vmem>>
    %dma_wait3A_289 = arith.constant 0 : i32
    %dma_wait3A_290 = tpu.memref_slice %arg4[%arg1, %dma_wait3A_278, %dma_wait3A_289] : memref<16x160x128xi32, #tpu.memory_space<hbm>> -> memref<1x1x128xi32, #tpu.memory_space<hbm>>
    %dma_wait3A_291 = tpu.memref_squeeze %dma_wait3A_290 : memref<1x1x128xi32, #tpu.memory_space<hbm>> -> memref<128xi32, #tpu.memory_space<hbm>>
    tpu.wait_dma2 semaphore(%arg13 : memref<!tpu.dma_semaphore, #tpu.memory_space<semaphore_mem>>) src(%dma_wait3A_291 : memref<128xi32, #tpu.memory_space<hbm>>) dst(%dma_wait3A_288 : memref<128xi32, #tpu.memory_space<vmem>>)
    %dma_start3A_292 = arith.constant 3 : i32
    %dma_start3A_293 = arith.constant 1 : i32
    %dma_start3A_294 = arith.constant 0 : i32
    %dma_start3A_295 = arith.constant 0 : i32
    %dma_start3A_296 = tpu.memref_slice %arg11[%dma_start3A_293, %dma_start3A_294, %dma_start3A_295] : memref<2x128x64xf32, #tpu.memory_space<vmem>> -> memref<1x128x64xf32, #tpu.memory_space<vmem>>
    %dma_start3A_297 = tpu.memref_squeeze %dma_start3A_296 : memref<1x128x64xf32, #tpu.memory_space<vmem>> -> memref<128x64xf32, #tpu.memory_space<vmem>>
    %dma_start3A_298 = arith.constant 0 : i32
    %dma_start3A_299 = tpu.memref_slice %arg9[%dma_start3A_292, %dma_start3A_298] : memref<4x128xi32, #tpu.memory_space<vmem>> -> memref<1x128xi32, #tpu.memory_space<vmem>>
    %dma_start3A_300 = tpu.memref_squeeze %dma_start3A_299 : memref<1x128xi32, #tpu.memory_space<vmem>> -> memref<128xi32, #tpu.memory_space<vmem>>
    %dma_start3A_301 = arith.constant 0 : i32
    %dma_start3A_302 = arith.constant 0 : i32
    %dma_start3A_303 = tpu.memref_slice %arg7[%dma_start3A_301, %dma_start3A_302] : memref<10240x64xf32, #tpu.memory_space<vmem_shared>> -> memref<10240x64xf32, #tpu.memory_space<vmem_shared>>
    tpu.enqueue_indirect_dma source(%dma_start3A_303 : memref<10240x64xf32, #tpu.memory_space<vmem_shared>>) target(%dma_start3A_297 : memref<128x64xf32, #tpu.memory_space<vmem>>) offsets(%dma_start3A_300 : memref<128xi32, #tpu.memory_space<vmem>>) semaphore(%arg12 : memref<!tpu.dma_semaphore, #tpu.memory_space<semaphore_mem>>)
    %dma_wait3A_304 = arith.constant 2 : i32
    %dma_wait3A_305 = arith.constant 0 : i32
    %dma_wait3A_306 = arith.constant 0 : i32
    %dma_wait3A_307 = arith.constant 0 : i32
    %dma_wait3A_308 = tpu.memref_slice %arg11[%dma_wait3A_305, %dma_wait3A_306, %dma_wait3A_307] : memref<2x128x64xf32, #tpu.memory_space<vmem>> -> memref<1x128x64xf32, #tpu.memory_space<vmem>>
    %dma_wait3A_309 = tpu.memref_squeeze %dma_wait3A_308 : memref<1x128x64xf32, #tpu.memory_space<vmem>> -> memref<128x64xf32, #tpu.memory_space<vmem>>
    %dma_wait3A_310 = arith.constant 0 : i32
    %dma_wait3A_311 = tpu.memref_slice %arg9[%dma_wait3A_304, %dma_wait3A_310] : memref<4x128xi32, #tpu.memory_space<vmem>> -> memref<1x128xi32, #tpu.memory_space<vmem>>
    %dma_wait3A_312 = tpu.memref_squeeze %dma_wait3A_311 : memref<1x128xi32, #tpu.memory_space<vmem>> -> memref<128xi32, #tpu.memory_space<vmem>>
    %dma_wait3A_313 = arith.constant 0 : i32
    %dma_wait3A_314 = arith.constant 0 : i32
    %dma_wait3A_315 = tpu.memref_slice %arg7[%dma_wait3A_313, %dma_wait3A_314] : memref<10240x64xf32, #tpu.memory_space<vmem_shared>> -> memref<10240x64xf32, #tpu.memory_space<vmem_shared>>
    tpu.wait_indirect_dma semaphore(%arg12 : memref<!tpu.dma_semaphore, #tpu.memory_space<semaphore_mem>>) src(%dma_wait3A_315 : memref<10240x64xf32, #tpu.memory_space<vmem_shared>>) dst(%dma_wait3A_309 : memref<128x64xf32, #tpu.memory_space<vmem>>)
    %run_scoped3A_316 = arith.constant 0 : i32
    %run_scoped3A_317 = arith.constant 2 : i32
    "tpu.region"() ({
      %run_scoped3A_333 = tpu.sem_alloc : memref<!tpu.dma_semaphore, #tpu.memory_space<semaphore_mem>>
      %dma_start3A_334 = arith.constant 0 : i32
      %dma_start3A_335 = arith.constant 0 : i32
      %dma_start3A_336 = tpu.memref_slice %arg11[%run_scoped3A_316, %dma_start3A_334, %dma_start3A_335] : memref<2x128x64xf32, #tpu.memory_space<vmem>> -> memref<1x128x64xf32, #tpu.memory_space<vmem>>
      %dma_start3A_337 = tpu.memref_squeeze %dma_start3A_336 : memref<1x128x64xf32, #tpu.memory_space<vmem>> -> memref<128x64xf32, #tpu.memory_space<vmem>>
      %dma_start3A_338 = arith.constant 0 : i32
      %dma_start3A_339 = tpu.memref_slice %arg10[%run_scoped3A_317, %dma_start3A_338] : memref<4x128xi32, #tpu.memory_space<vmem>> -> memref<1x128xi32, #tpu.memory_space<vmem>>
      %dma_start3A_340 = tpu.memref_squeeze %dma_start3A_339 : memref<1x128xi32, #tpu.memory_space<vmem>> -> memref<128xi32, #tpu.memory_space<vmem>>
      %dma_start3A_341 = arith.constant 0 : i32
      %dma_start3A_342 = arith.constant 0 : i32
      %dma_start3A_343 = tpu.memref_slice %arg8[%dma_start3A_341, %dma_start3A_342] : memref<10240x64xf32, #tpu.memory_space<vmem_shared>> -> memref<10240x64xf32, #tpu.memory_space<vmem_shared>>
      tpu.enqueue_indirect_dma source(%dma_start3A_337 : memref<128x64xf32, #tpu.memory_space<vmem>>) target(%dma_start3A_343 : memref<10240x64xf32, #tpu.memory_space<vmem_shared>>) offsets(%dma_start3A_340 : memref<128xi32, #tpu.memory_space<vmem>>) semaphore(%run_scoped3A_333 : memref<!tpu.dma_semaphore, #tpu.memory_space<semaphore_mem>>) {add = true}
      %dma_wait3A_344 = arith.constant 0 : i32
      %dma_wait3A_345 = arith.constant 0 : i32
      %dma_wait3A_346 = tpu.memref_slice %arg11[%run_scoped3A_316, %dma_wait3A_344, %dma_wait3A_345] : memref<2x128x64xf32, #tpu.memory_space<vmem>> -> memref<1x128x64xf32, #tpu.memory_space<vmem>>
      %dma_wait3A_347 = tpu.memref_squeeze %dma_wait3A_346 : memref<1x128x64xf32, #tpu.memory_space<vmem>> -> memref<128x64xf32, #tpu.memory_space<vmem>>
      %dma_wait3A_348 = arith.constant 0 : i32
      %dma_wait3A_349 = tpu.memref_slice %arg10[%run_scoped3A_317, %dma_wait3A_348] : memref<4x128xi32, #tpu.memory_space<vmem>> -> memref<1x128xi32, #tpu.memory_space<vmem>>
      %dma_wait3A_350 = tpu.memref_squeeze %dma_wait3A_349 : memref<1x128xi32, #tpu.memory_space<vmem>> -> memref<128xi32, #tpu.memory_space<vmem>>
      %dma_wait3A_351 = arith.constant 0 : i32
      %dma_wait3A_352 = arith.constant 0 : i32
      %dma_wait3A_353 = tpu.memref_slice %arg8[%dma_wait3A_351, %dma_wait3A_352] : memref<10240x64xf32, #tpu.memory_space<vmem_shared>> -> memref<10240x64xf32, #tpu.memory_space<vmem_shared>>
      tpu.wait_indirect_dma semaphore(%run_scoped3A_333 : memref<!tpu.dma_semaphore, #tpu.memory_space<semaphore_mem>>) src(%dma_wait3A_347 : memref<128x64xf32, #tpu.memory_space<vmem>>) dst(%dma_wait3A_353 : memref<10240x64xf32, #tpu.memory_space<vmem_shared>>)
      tpu.yield
    }) : () -> ()
    %dma_wait3A_318 = arith.constant 3 : i32
    %dma_wait3A_319 = arith.constant 1 : i32
    %dma_wait3A_320 = arith.constant 0 : i32
    %dma_wait3A_321 = arith.constant 0 : i32
    %dma_wait3A_322 = tpu.memref_slice %arg11[%dma_wait3A_319, %dma_wait3A_320, %dma_wait3A_321] : memref<2x128x64xf32, #tpu.memory_space<vmem>> -> memref<1x128x64xf32, #tpu.memory_space<vmem>>
    %dma_wait3A_323 = tpu.memref_squeeze %dma_wait3A_322 : memref<1x128x64xf32, #tpu.memory_space<vmem>> -> memref<128x64xf32, #tpu.memory_space<vmem>>
    %dma_wait3A_324 = arith.constant 0 : i32
    %dma_wait3A_325 = tpu.memref_slice %arg9[%dma_wait3A_318, %dma_wait3A_324] : memref<4x128xi32, #tpu.memory_space<vmem>> -> memref<1x128xi32, #tpu.memory_space<vmem>>
    %dma_wait3A_326 = tpu.memref_squeeze %dma_wait3A_325 : memref<1x128xi32, #tpu.memory_space<vmem>> -> memref<128xi32, #tpu.memory_space<vmem>>
    %dma_wait3A_327 = arith.constant 0 : i32
    %dma_wait3A_328 = arith.constant 0 : i32
    %dma_wait3A_329 = tpu.memref_slice %arg7[%dma_wait3A_327, %dma_wait3A_328] : memref<10240x64xf32, #tpu.memory_space<vmem_shared>> -> memref<10240x64xf32, #tpu.memory_space<vmem_shared>>
    tpu.wait_indirect_dma semaphore(%arg12 : memref<!tpu.dma_semaphore, #tpu.memory_space<semaphore_mem>>) src(%dma_wait3A_329 : memref<10240x64xf32, #tpu.memory_space<vmem_shared>>) dst(%dma_wait3A_323 : memref<128x64xf32, #tpu.memory_space<vmem>>)
    %run_scoped3A_330 = arith.constant 1 : i32
    %run_scoped3A_331 = arith.constant 3 : i32
    "tpu.region"() ({
      %run_scoped3A_333 = tpu.sem_alloc : memref<!tpu.dma_semaphore, #tpu.memory_space<semaphore_mem>>
      %dma_start3A_334 = arith.constant 0 : i32
      %dma_start3A_335 = arith.constant 0 : i32
      %dma_start3A_336 = tpu.memref_slice %arg11[%run_scoped3A_330, %dma_start3A_334, %dma_start3A_335] : memref<2x128x64xf32, #tpu.memory_space<vmem>> -> memref<1x128x64xf32, #tpu.memory_space<vmem>>
      %dma_start3A_337 = tpu.memref_squeeze %dma_start3A_336 : memref<1x128x64xf32, #tpu.memory_space<vmem>> -> memref<128x64xf32, #tpu.memory_space<vmem>>
      %dma_start3A_338 = arith.constant 0 : i32
      %dma_start3A_339 = tpu.memref_slice %arg10[%run_scoped3A_331, %dma_start3A_338] : memref<4x128xi32, #tpu.memory_space<vmem>> -> memref<1x128xi32, #tpu.memory_space<vmem>>
      %dma_start3A_340 = tpu.memref_squeeze %dma_start3A_339 : memref<1x128xi32, #tpu.memory_space<vmem>> -> memref<128xi32, #tpu.memory_space<vmem>>
      %dma_start3A_341 = arith.constant 0 : i32
      %dma_start3A_342 = arith.constant 0 : i32
      %dma_start3A_343 = tpu.memref_slice %arg8[%dma_start3A_341, %dma_start3A_342] : memref<10240x64xf32, #tpu.memory_space<vmem_shared>> -> memref<10240x64xf32, #tpu.memory_space<vmem_shared>>
      tpu.enqueue_indirect_dma source(%dma_start3A_337 : memref<128x64xf32, #tpu.memory_space<vmem>>) target(%dma_start3A_343 : memref<10240x64xf32, #tpu.memory_space<vmem_shared>>) offsets(%dma_start3A_340 : memref<128xi32, #tpu.memory_space<vmem>>) semaphore(%run_scoped3A_333 : memref<!tpu.dma_semaphore, #tpu.memory_space<semaphore_mem>>) {add = true}
      %dma_wait3A_344 = arith.constant 0 : i32
      %dma_wait3A_345 = arith.constant 0 : i32
      %dma_wait3A_346 = tpu.memref_slice %arg11[%run_scoped3A_330, %dma_wait3A_344, %dma_wait3A_345] : memref<2x128x64xf32, #tpu.memory_space<vmem>> -> memref<1x128x64xf32, #tpu.memory_space<vmem>>
      %dma_wait3A_347 = tpu.memref_squeeze %dma_wait3A_346 : memref<1x128x64xf32, #tpu.memory_space<vmem>> -> memref<128x64xf32, #tpu.memory_space<vmem>>
      %dma_wait3A_348 = arith.constant 0 : i32
      %dma_wait3A_349 = tpu.memref_slice %arg10[%run_scoped3A_331, %dma_wait3A_348] : memref<4x128xi32, #tpu.memory_space<vmem>> -> memref<1x128xi32, #tpu.memory_space<vmem>>
      %dma_wait3A_350 = tpu.memref_squeeze %dma_wait3A_349 : memref<1x128xi32, #tpu.memory_space<vmem>> -> memref<128xi32, #tpu.memory_space<vmem>>
      %dma_wait3A_351 = arith.constant 0 : i32
      %dma_wait3A_352 = arith.constant 0 : i32
      %dma_wait3A_353 = tpu.memref_slice %arg8[%dma_wait3A_351, %dma_wait3A_352] : memref<10240x64xf32, #tpu.memory_space<vmem_shared>> -> memref<10240x64xf32, #tpu.memory_space<vmem_shared>>
      tpu.wait_indirect_dma semaphore(%run_scoped3A_333 : memref<!tpu.dma_semaphore, #tpu.memory_space<semaphore_mem>>) src(%dma_wait3A_347 : memref<128x64xf32, #tpu.memory_space<vmem>>) dst(%dma_wait3A_353 : memref<10240x64xf32, #tpu.memory_space<vmem_shared>>)
      tpu.yield
    }) : () -> ()
    %barrier3A_332 = arith.constant 0 : index
    tpu.barrier barrier_id(%barrier3A_332)
    "tpu.region"() ({
      %run_scoped3A_333 = tpu.sem_alloc : memref<!tpu.dma_semaphore, #tpu.memory_space<semaphore_mem>>
      %dma_start3A_334 = tpu.memref_slice %arg6[%mul3A_0, %multiple_of3A] : memref<10240x128xf32, #tpu.memory_space<hbm>> -> memref<640x64xf32, #tpu.memory_space<hbm>>
      %dma_start3A_335 = arith.constant 0 : i32
      %dma_start3A_336 = tpu.memref_slice %arg8[%mul3A_0, %dma_start3A_335] : memref<10240x64xf32, #tpu.memory_space<vmem_shared>> -> memref<640x64xf32, #tpu.memory_space<vmem_shared>>
      tpu.enqueue_dma source(%dma_start3A_336 : memref<640x64xf32, #tpu.memory_space<vmem_shared>>) target(%dma_start3A_334 : memref<640x64xf32, #tpu.memory_space<hbm>>) target_semaphore(%run_scoped3A_333 : memref<!tpu.dma_semaphore, #tpu.memory_space<semaphore_mem>>)
      %dma_wait3A_337 = tpu.memref_slice %arg6[%mul3A_0, %multiple_of3A] : memref<10240x128xf32, #tpu.memory_space<hbm>> -> memref<640x64xf32, #tpu.memory_space<hbm>>
      %dma_wait3A_338 = arith.constant 0 : i32
      %dma_wait3A_339 = tpu.memref_slice %arg8[%mul3A_0, %dma_wait3A_338] : memref<10240x64xf32, #tpu.memory_space<vmem_shared>> -> memref<640x64xf32, #tpu.memory_space<vmem_shared>>
      tpu.wait_dma2 semaphore(%run_scoped3A_333 : memref<!tpu.dma_semaphore, #tpu.memory_space<semaphore_mem>>) src(%dma_wait3A_339 : memref<640x64xf32, #tpu.memory_space<vmem_shared>>) dst(%dma_wait3A_337 : memref<640x64xf32, #tpu.memory_space<hbm>>)
      tpu.yield
    }) : () -> ()
    return
  }
}

#map = affine_map<(d0, d1) -> (0, 0)>
#map1 = affine_map<(d0, d1) -> (0, 0, 0)>
module attributes {stable_mosaic.version = 14 : i64} {
  func.func @_sc_spmm(%arg0: i32, %arg1: i32, %arg2: memref<10240x128xf32, #tpu.memory_space<hbm>>, %arg3: memref<16x160x128xi32, #tpu.memory_space<hbm>>, %arg4: memref<16x160x128xi32, #tpu.memory_space<hbm>>, %arg5: memref<10240x64xf32, #tpu.memory_space<hbm>>, %arg6: memref<10240x128xf32, #tpu.memory_space<hbm>>, %arg7: memref<10240x64xf32, #tpu.memory_space<vmem_shared>>, %arg8: memref<10240x64xf32, #tpu.memory_space<vmem_shared>>, %arg9: memref<4x128xi32, #tpu.memory_space<vmem>>, %arg10: memref<4x128xi32, #tpu.memory_space<vmem>>, %arg11: memref<2x128x64xf32, #tpu.memory_space<vmem>>, %arg12: memref<!tpu.dma_semaphore, #tpu.memory_space<semaphore_mem>>, %arg13: memref<!tpu.dma_semaphore, #tpu.memory_space<semaphore_mem>>) attributes {dimension_semantics = [#tpu.dimension_semantics<core_parallel>, #tpu.dimension_semantics<subcore_parallel>], iteration_bounds = array<i64: 2, 16>, scalar_prefetch = 0 : i64, scratch_operands = 7 : i64, tpu.core_type = #tpu.core_type<sc_vector_subcore>, window_params = [{transform_indices = #map}, {transform_indices = #map1}, {transform_indices = #map1}, {transform_indices = #map}, {transform_indices = #map}]} {
    %mul3A = arith.constant 640 : i32
    %mul3A_0 = arith.muli %arg1, %mul3A : i32
    %mul3A_1 = arith.constant 64 : i32
    %mul3A_2 = arith.muli %arg0, %mul3A_1 : i32
    %multiple_of3A = tpu.assume_multiple %mul3A_2, 64 : i32
    "tpu.region"() ({
      %run_scoped3A_333 = tpu.sem_alloc : memref<!tpu.dma_semaphore, #tpu.memory_space<semaphore_mem>>
      %dma_start3A_334 = arith.constant 0 : i32
      %dma_start3A_335 = tpu.memref_slice %arg7[%mul3A_0, %dma_start3A_334] : memref<10240x64xf32, #tpu.memory_space<vmem_shared>> -> memref<640x64xf32, #tpu.memory_space<vmem_shared>>
      %dma_start3A_336 = tpu.memref_slice %arg2[%mul3A_0, %multiple_of3A] : memref<10240x128xf32, #tpu.memory_space<hbm>> -> memref<640x64xf32, #tpu.memory_space<hbm>>
      tpu.enqueue_dma source(%dma_start3A_336 : memref<640x64xf32, #tpu.memory_space<hbm>>) target(%dma_start3A_335 : memref<640x64xf32, #tpu.memory_space<vmem_shared>>) target_semaphore(%run_scoped3A_333 : memref<!tpu.dma_semaphore, #tpu.memory_space<semaphore_mem>>)
      %dma_wait3A_337 = arith.constant 0 : i32
      %dma_wait3A_338 = tpu.memref_slice %arg7[%mul3A_0, %dma_wait3A_337] : memref<10240x64xf32, #tpu.memory_space<vmem_shared>> -> memref<640x64xf32, #tpu.memory_space<vmem_shared>>
      %dma_wait3A_339 = tpu.memref_slice %arg2[%mul3A_0, %multiple_of3A] : memref<10240x128xf32, #tpu.memory_space<hbm>> -> memref<640x64xf32, #tpu.memory_space<hbm>>
      tpu.wait_dma2 semaphore(%run_scoped3A_333 : memref<!tpu.dma_semaphore, #tpu.memory_space<semaphore_mem>>) src(%dma_wait3A_339 : memref<640x64xf32, #tpu.memory_space<hbm>>) dst(%dma_wait3A_338 : memref<640x64xf32, #tpu.memory_space<vmem_shared>>)
      tpu.yield
    }) : () -> ()
    "tpu.region"() ({
      %run_scoped3A_333 = tpu.sem_alloc : memref<!tpu.dma_semaphore, #tpu.memory_space<semaphore_mem>>
      %dma_start3A_334 = arith.constant 0 : i32
      %dma_start3A_335 = tpu.memref_slice %arg8[%mul3A_0, %dma_start3A_334] : memref<10240x64xf32, #tpu.memory_space<vmem_shared>> -> memref<640x64xf32, #tpu.memory_space<vmem_shared>>
      %dma_start3A_336 = arith.constant 0 : i32
      %dma_start3A_337 = tpu.memref_slice %arg5[%mul3A_0, %dma_start3A_336] : memref<10240x64xf32, #tpu.memory_space<hbm>> -> memref<640x64xf32, #tpu.memory_space<hbm>>
      tpu.enqueue_dma source(%dma_start3A_337 : memref<640x64xf32, #tpu.memory_space<hbm>>) target(%dma_start3A_335 : memref<640x64xf32, #tpu.memory_space<vmem_shared>>) target_semaphore(%run_scoped3A_333 : memref<!tpu.dma_semaphore, #tpu.memory_space<semaphore_mem>>)
      %dma_wait3A_338 = arith.constant 0 : i32
      %dma_wait3A_339 = tpu.memref_slice %arg8[%mul3A_0, %dma_wait3A_338] : memref<10240x64xf32, #tpu.memory_space<vmem_shared>> -> memref<640x64xf32, #tpu.memory_space<vmem_shared>>
      %dma_wait3A_340 = arith.constant 0 : i32
      %dma_wait3A_341 = tpu.memref_slice %arg5[%mul3A_0, %dma_wait3A_340] : memref<10240x64xf32, #tpu.memory_space<hbm>> -> memref<640x64xf32, #tpu.memory_space<hbm>>
      tpu.wait_dma2 semaphore(%run_scoped3A_333 : memref<!tpu.dma_semaphore, #tpu.memory_space<semaphore_mem>>) src(%dma_wait3A_341 : memref<640x64xf32, #tpu.memory_space<hbm>>) dst(%dma_wait3A_339 : memref<640x64xf32, #tpu.memory_space<vmem_shared>>)
      tpu.yield
    }) : () -> ()
    %barrier3A = arith.constant 0 : index
    tpu.barrier barrier_id(%barrier3A)
    %dma_start3A = arith.constant 0 : i32
    %dma_start3A_3 = arith.constant 0 : i32
    %dma_start3A_4 = arith.constant 0 : i32
    %dma_start3A_5 = tpu.memref_slice %arg9[%dma_start3A_3, %dma_start3A_4] : memref<4x128xi32, #tpu.memory_space<vmem>> -> memref<1x128xi32, #tpu.memory_space<vmem>>
    %dma_start3A_6 = tpu.memref_squeeze %dma_start3A_5 : memref<1x128xi32, #tpu.memory_space<vmem>> -> memref<128xi32, #tpu.memory_space<vmem>>
    %dma_start3A_7 = arith.constant 0 : i32
    %dma_start3A_8 = tpu.memref_slice %arg3[%arg1, %dma_start3A, %dma_start3A_7] : memref<16x160x128xi32, #tpu.memory_space<hbm>> -> memref<1x1x128xi32, #tpu.memory_space<hbm>>
    %dma_start3A_9 = tpu.memref_squeeze %dma_start3A_8 : memref<1x1x128xi32, #tpu.memory_space<hbm>> -> memref<128xi32, #tpu.memory_space<hbm>>
    %dma_start3A_10 = arith.constant 0 : i32
    %dma_start3A_11 = tpu.memref_slice %arg9[%dma_start3A_3, %dma_start3A_10] : memref<4x128xi32, #tpu.memory_space<vmem>> -> memref<1x128xi32, #tpu.memory_space<vmem>>
    %dma_start3A_12 = tpu.memref_squeeze %dma_start3A_11 : memref<1x128xi32, #tpu.memory_space<vmem>> -> memref<128xi32, #tpu.memory_space<vmem>>
    %dma_start3A_13 = arith.constant 0 : i32
    %dma_start3A_14 = tpu.memref_slice %arg3[%arg1, %dma_start3A, %dma_start3A_13] : memref<16x160x128xi32, #tpu.memory_space<hbm>> -> memref<1x1x128xi32, #tpu.memory_space<hbm>>
    %dma_start3A_15 = tpu.memref_squeeze %dma_start3A_14 : memref<1x1x128xi32, #tpu.memory_space<hbm>> -> memref<128xi32, #tpu.memory_space<hbm>>
    tpu.enqueue_dma source(%dma_start3A_15 : memref<128xi32, #tpu.memory_space<hbm>>) target(%dma_start3A_12 : memref<128xi32, #tpu.memory_space<vmem>>) target_semaphore(%arg13 : memref<!tpu.dma_semaphore, #tpu.memory_space<semaphore_mem>>)
    %dma_start3A_16 = arith.constant 0 : i32
    %dma_start3A_17 = arith.constant 0 : i32
    %dma_start3A_18 = arith.constant 0 : i32
    %dma_start3A_19 = tpu.memref_slice %arg10[%dma_start3A_17, %dma_start3A_18] : memref<4x128xi32, #tpu.memory_space<vmem>> -> memref<1x128xi32, #tpu.memory_space<vmem>>
    %dma_start3A_20 = tpu.memref_squeeze %dma_start3A_19 : memref<1x128xi32, #tpu.memory_space<vmem>> -> memref<128xi32, #tpu.memory_space<vmem>>
    %dma_start3A_21 = arith.constant 0 : i32
    %dma_start3A_22 = tpu.memref_slice %arg4[%arg1, %dma_start3A_16, %dma_start3A_21] : memref<16x160x128xi32, #tpu.memory_space<hbm>> -> memref<1x1x128xi32, #tpu.memory_space<hbm>>
    %dma_start3A_23 = tpu.memref_squeeze %dma_start3A_22 : memref<1x1x128xi32, #tpu.memory_space<hbm>> -> memref<128xi32, #tpu.memory_space<hbm>>
    %dma_start3A_24 = arith.constant 0 : i32
    %dma_start3A_25 = tpu.memref_slice %arg10[%dma_start3A_17, %dma_start3A_24] : memref<4x128xi32, #tpu.memory_space<vmem>> -> memref<1x128xi32, #tpu.memory_space<vmem>>
    %dma_start3A_26 = tpu.memref_squeeze %dma_start3A_25 : memref<1x128xi32, #tpu.memory_space<vmem>> -> memref<128xi32, #tpu.memory_space<vmem>>
    %dma_start3A_27 = arith.constant 0 : i32
    %dma_start3A_28 = tpu.memref_slice %arg4[%arg1, %dma_start3A_16, %dma_start3A_27] : memref<16x160x128xi32, #tpu.memory_space<hbm>> -> memref<1x1x128xi32, #tpu.memory_space<hbm>>
    %dma_start3A_29 = tpu.memref_squeeze %dma_start3A_28 : memref<1x1x128xi32, #tpu.memory_space<hbm>> -> memref<128xi32, #tpu.memory_space<hbm>>
    tpu.enqueue_dma source(%dma_start3A_29 : memref<128xi32, #tpu.memory_space<hbm>>) target(%dma_start3A_26 : memref<128xi32, #tpu.memory_space<vmem>>) target_semaphore(%arg13 : memref<!tpu.dma_semaphore, #tpu.memory_space<semaphore_mem>>)
    %dma_start3A_30 = arith.constant 1 : i32
    %dma_start3A_31 = arith.constant 1 : i32
    %dma_start3A_32 = arith.constant 0 : i32
    %dma_start3A_33 = tpu.memref_slice %arg9[%dma_start3A_31, %dma_start3A_32] : memref<4x128xi32, #tpu.memory_space<vmem>> -> memref<1x128xi32, #tpu.memory_space<vmem>>
    %dma_start3A_34 = tpu.memref_squeeze %dma_start3A_33 : memref<1x128xi32, #tpu.memory_space<vmem>> -> memref<128xi32, #tpu.memory_space<vmem>>
    %dma_start3A_35 = arith.constant 0 : i32
    %dma_start3A_36 = tpu.memref_slice %arg3[%arg1, %dma_start3A_30, %dma_start3A_35] : memref<16x160x128xi32, #tpu.memory_space<hbm>> -> memref<1x1x128xi32, #tpu.memory_space<hbm>>
    %dma_start3A_37 = tpu.memref_squeeze %dma_start3A_36 : memref<1x1x128xi32, #tpu.memory_space<hbm>> -> memref<128xi32, #tpu.memory_space<hbm>>
    %dma_start3A_38 = arith.constant 0 : i32
    %dma_start3A_39 = tpu.memref_slice %arg9[%dma_start3A_31, %dma_start3A_38] : memref<4x128xi32, #tpu.memory_space<vmem>> -> memref<1x128xi32, #tpu.memory_space<vmem>>
    %dma_start3A_40 = tpu.memref_squeeze %dma_start3A_39 : memref<1x128xi32, #tpu.memory_space<vmem>> -> memref<128xi32, #tpu.memory_space<vmem>>
    %dma_start3A_41 = arith.constant 0 : i32
    %dma_start3A_42 = tpu.memref_slice %arg3[%arg1, %dma_start3A_30, %dma_start3A_41] : memref<16x160x128xi32, #tpu.memory_space<hbm>> -> memref<1x1x128xi32, #tpu.memory_space<hbm>>
    %dma_start3A_43 = tpu.memref_squeeze %dma_start3A_42 : memref<1x1x128xi32, #tpu.memory_space<hbm>> -> memref<128xi32, #tpu.memory_space<hbm>>
    tpu.enqueue_dma source(%dma_start3A_43 : memref<128xi32, #tpu.memory_space<hbm>>) target(%dma_start3A_40 : memref<128xi32, #tpu.memory_space<vmem>>) target_semaphore(%arg13 : memref<!tpu.dma_semaphore, #tpu.memory_space<semaphore_mem>>)
    %dma_start3A_44 = arith.constant 1 : i32
    %dma_start3A_45 = arith.constant 1 : i32
    %dma_start3A_46 = arith.constant 0 : i32
    %dma_start3A_47 = tpu.memref_slice %arg10[%dma_start3A_45, %dma_start3A_46] : memref<4x128xi32, #tpu.memory_space<vmem>> -> memref<1x128xi32, #tpu.memory_space<vmem>>
    %dma_start3A_48 = tpu.memref_squeeze %dma_start3A_47 : memref<1x128xi32, #tpu.memory_space<vmem>> -> memref<128xi32, #tpu.memory_space<vmem>>
    %dma_start3A_49 = arith.constant 0 : i32
    %dma_start3A_50 = tpu.memref_slice %arg4[%arg1, %dma_start3A_44, %dma_start3A_49] : memref<16x160x128xi32, #tpu.memory_space<hbm>> -> memref<1x1x128xi32, #tpu.memory_space<hbm>>
    %dma_start3A_51 = tpu.memref_squeeze %dma_start3A_50 : memref<1x1x128xi32, #tpu.memory_space<hbm>> -> memref<128xi32, #tpu.memory_space<hbm>>
    %dma_start3A_52 = arith.constant 0 : i32
    %dma_start3A_53 = tpu.memref_slice %arg10[%dma_start3A_45, %dma_start3A_52] : memref<4x128xi32, #tpu.memory_space<vmem>> -> memref<1x128xi32, #tpu.memory_space<vmem>>
    %dma_start3A_54 = tpu.memref_squeeze %dma_start3A_53 : memref<1x128xi32, #tpu.memory_space<vmem>> -> memref<128xi32, #tpu.memory_space<vmem>>
    %dma_start3A_55 = arith.constant 0 : i32
    %dma_start3A_56 = tpu.memref_slice %arg4[%arg1, %dma_start3A_44, %dma_start3A_55] : memref<16x160x128xi32, #tpu.memory_space<hbm>> -> memref<1x1x128xi32, #tpu.memory_space<hbm>>
    %dma_start3A_57 = tpu.memref_squeeze %dma_start3A_56 : memref<1x1x128xi32, #tpu.memory_space<hbm>> -> memref<128xi32, #tpu.memory_space<hbm>>
    tpu.enqueue_dma source(%dma_start3A_57 : memref<128xi32, #tpu.memory_space<hbm>>) target(%dma_start3A_54 : memref<128xi32, #tpu.memory_space<vmem>>) target_semaphore(%arg13 : memref<!tpu.dma_semaphore, #tpu.memory_space<semaphore_mem>>)
    %dma_start3A_58 = arith.constant 2 : i32
    %dma_start3A_59 = arith.constant 2 : i32
    %dma_start3A_60 = arith.constant 0 : i32
    %dma_start3A_61 = tpu.memref_slice %arg9[%dma_start3A_59, %dma_start3A_60] : memref<4x128xi32, #tpu.memory_space<vmem>> -> memref<1x128xi32, #tpu.memory_space<vmem>>
    %dma_start3A_62 = tpu.memref_squeeze %dma_start3A_61 : memref<1x128xi32, #tpu.memory_space<vmem>> -> memref<128xi32, #tpu.memory_space<vmem>>
    %dma_start3A_63 = arith.constant 0 : i32
    %dma_start3A_64 = tpu.memref_slice %arg3[%arg1, %dma_start3A_58, %dma_start3A_63] : memref<16x160x128xi32, #tpu.memory_space<hbm>> -> memref<1x1x128xi32, #tpu.memory_space<hbm>>
    %dma_start3A_65 = tpu.memref_squeeze %dma_start3A_64 : memref<1x1x128xi32, #tpu.memory_space<hbm>> -> memref<128xi32, #tpu.memory_space<hbm>>
    %dma_start3A_66 = arith.constant 0 : i32
    %dma_start3A_67 = tpu.memref_slice %arg9[%dma_start3A_59, %dma_start3A_66] : memref<4x128xi32, #tpu.memory_space<vmem>> -> memref<1x128xi32, #tpu.memory_space<vmem>>
    %dma_start3A_68 = tpu.memref_squeeze %dma_start3A_67 : memref<1x128xi32, #tpu.memory_space<vmem>> -> memref<128xi32, #tpu.memory_space<vmem>>
    %dma_start3A_69 = arith.constant 0 : i32
    %dma_start3A_70 = tpu.memref_slice %arg3[%arg1, %dma_start3A_58, %dma_start3A_69] : memref<16x160x128xi32, #tpu.memory_space<hbm>> -> memref<1x1x128xi32, #tpu.memory_space<hbm>>
    %dma_start3A_71 = tpu.memref_squeeze %dma_start3A_70 : memref<1x1x128xi32, #tpu.memory_space<hbm>> -> memref<128xi32, #tpu.memory_space<hbm>>
    tpu.enqueue_dma source(%dma_start3A_71 : memref<128xi32, #tpu.memory_space<hbm>>) target(%dma_start3A_68 : memref<128xi32, #tpu.memory_space<vmem>>) target_semaphore(%arg13 : memref<!tpu.dma_semaphore, #tpu.memory_space<semaphore_mem>>)
    %dma_start3A_72 = arith.constant 2 : i32
    %dma_start3A_73 = arith.constant 2 : i32
    %dma_start3A_74 = arith.constant 0 : i32
    %dma_start3A_75 = tpu.memref_slice %arg10[%dma_start3A_73, %dma_start3A_74] : memref<4x128xi32, #tpu.memory_space<vmem>> -> memref<1x128xi32, #tpu.memory_space<vmem>>
    %dma_start3A_76 = tpu.memref_squeeze %dma_start3A_75 : memref<1x128xi32, #tpu.memory_space<vmem>> -> memref<128xi32, #tpu.memory_space<vmem>>
    %dma_start3A_77 = arith.constant 0 : i32
    %dma_start3A_78 = tpu.memref_slice %arg4[%arg1, %dma_start3A_72, %dma_start3A_77] : memref<16x160x128xi32, #tpu.memory_space<hbm>> -> memref<1x1x128xi32, #tpu.memory_space<hbm>>
    %dma_start3A_79 = tpu.memref_squeeze %dma_start3A_78 : memref<1x1x128xi32, #tpu.memory_space<hbm>> -> memref<128xi32, #tpu.memory_space<hbm>>
    %dma_start3A_80 = arith.constant 0 : i32
    %dma_start3A_81 = tpu.memref_slice %arg10[%dma_start3A_73, %dma_start3A_80] : memref<4x128xi32, #tpu.memory_space<vmem>> -> memref<1x128xi32, #tpu.memory_space<vmem>>
    %dma_start3A_82 = tpu.memref_squeeze %dma_start3A_81 : memref<1x128xi32, #tpu.memory_space<vmem>> -> memref<128xi32, #tpu.memory_space<vmem>>
    %dma_start3A_83 = arith.constant 0 : i32
    %dma_start3A_84 = tpu.memref_slice %arg4[%arg1, %dma_start3A_72, %dma_start3A_83] : memref<16x160x128xi32, #tpu.memory_space<hbm>> -> memref<1x1x128xi32, #tpu.memory_space<hbm>>
    %dma_start3A_85 = tpu.memref_squeeze %dma_start3A_84 : memref<1x1x128xi32, #tpu.memory_space<hbm>> -> memref<128xi32, #tpu.memory_space<hbm>>
    tpu.enqueue_dma source(%dma_start3A_85 : memref<128xi32, #tpu.memory_space<hbm>>) target(%dma_start3A_82 : memref<128xi32, #tpu.memory_space<vmem>>) target_semaphore(%arg13 : memref<!tpu.dma_semaphore, #tpu.memory_space<semaphore_mem>>)
    %dma_start3A_86 = arith.constant 3 : i32
    %dma_start3A_87 = arith.constant 3 : i32
    %dma_start3A_88 = arith.constant 0 : i32
    %dma_start3A_89 = tpu.memref_slice %arg9[%dma_start3A_87, %dma_start3A_88] : memref<4x128xi32, #tpu.memory_space<vmem>> -> memref<1x128xi32, #tpu.memory_space<vmem>>
    %dma_start3A_90 = tpu.memref_squeeze %dma_start3A_89 : memref<1x128xi32, #tpu.memory_space<vmem>> -> memref<128xi32, #tpu.memory_space<vmem>>
    %dma_start3A_91 = arith.constant 0 : i32
    %dma_start3A_92 = tpu.memref_slice %arg3[%arg1, %dma_start3A_86, %dma_start3A_91] : memref<16x160x128xi32, #tpu.memory_space<hbm>> -> memref<1x1x128xi32, #tpu.memory_space<hbm>>
    %dma_start3A_93 = tpu.memref_squeeze %dma_start3A_92 : memref<1x1x128xi32, #tpu.memory_space<hbm>> -> memref<128xi32, #tpu.memory_space<hbm>>
    %dma_start3A_94 = arith.constant 0 : i32
    %dma_start3A_95 = tpu.memref_slice %arg9[%dma_start3A_87, %dma_start3A_94] : memref<4x128xi32, #tpu.memory_space<vmem>> -> memref<1x128xi32, #tpu.memory_space<vmem>>
    %dma_start3A_96 = tpu.memref_squeeze %dma_start3A_95 : memref<1x128xi32, #tpu.memory_space<vmem>> -> memref<128xi32, #tpu.memory_space<vmem>>
    %dma_start3A_97 = arith.constant 0 : i32
    %dma_start3A_98 = tpu.memref_slice %arg3[%arg1, %dma_start3A_86, %dma_start3A_97] : memref<16x160x128xi32, #tpu.memory_space<hbm>> -> memref<1x1x128xi32, #tpu.memory_space<hbm>>
    %dma_start3A_99 = tpu.memref_squeeze %dma_start3A_98 : memref<1x1x128xi32, #tpu.memory_space<hbm>> -> memref<128xi32, #tpu.memory_space<hbm>>
    tpu.enqueue_dma source(%dma_start3A_99 : memref<128xi32, #tpu.memory_space<hbm>>) target(%dma_start3A_96 : memref<128xi32, #tpu.memory_space<vmem>>) target_semaphore(%arg13 : memref<!tpu.dma_semaphore, #tpu.memory_space<semaphore_mem>>)
    %dma_start3A_100 = arith.constant 3 : i32
    %dma_start3A_101 = arith.constant 3 : i32
    %dma_start3A_102 = arith.constant 0 : i32
    %dma_start3A_103 = tpu.memref_slice %arg10[%dma_start3A_101, %dma_start3A_102] : memref<4x128xi32, #tpu.memory_space<vmem>> -> memref<1x128xi32, #tpu.memory_space<vmem>>
    %dma_start3A_104 = tpu.memref_squeeze %dma_start3A_103 : memref<1x128xi32, #tpu.memory_space<vmem>> -> memref<128xi32, #tpu.memory_space<vmem>>
    %dma_start3A_105 = arith.constant 0 : i32
    %dma_start3A_106 = tpu.memref_slice %arg4[%arg1, %dma_start3A_100, %dma_start3A_105] : memref<16x160x128xi32, #tpu.memory_space<hbm>> -> memref<1x1x128xi32, #tpu.memory_space<hbm>>
    %dma_start3A_107 = tpu.memref_squeeze %dma_start3A_106 : memref<1x1x128xi32, #tpu.memory_space<hbm>> -> memref<128xi32, #tpu.memory_space<hbm>>
    %dma_start3A_108 = arith.constant 0 : i32
    %dma_start3A_109 = tpu.memref_slice %arg10[%dma_start3A_101, %dma_start3A_108] : memref<4x128xi32, #tpu.memory_space<vmem>> -> memref<1x128xi32, #tpu.memory_space<vmem>>
    %dma_start3A_110 = tpu.memref_squeeze %dma_start3A_109 : memref<1x128xi32, #tpu.memory_space<vmem>> -> memref<128xi32, #tpu.memory_space<vmem>>
    %dma_start3A_111 = arith.constant 0 : i32
    %dma_start3A_112 = tpu.memref_slice %arg4[%arg1, %dma_start3A_100, %dma_start3A_111] : memref<16x160x128xi32, #tpu.memory_space<hbm>> -> memref<1x1x128xi32, #tpu.memory_space<hbm>>
    %dma_start3A_113 = tpu.memref_squeeze %dma_start3A_112 : memref<1x1x128xi32, #tpu.memory_space<hbm>> -> memref<128xi32, #tpu.memory_space<hbm>>
    tpu.enqueue_dma source(%dma_start3A_113 : memref<128xi32, #tpu.memory_space<hbm>>) target(%dma_start3A_110 : memref<128xi32, #tpu.memory_space<vmem>>) target_semaphore(%arg13 : memref<!tpu.dma_semaphore, #tpu.memory_space<semaphore_mem>>)
    %dma_wait3A = arith.constant 0 : i32
    %dma_wait3A_114 = arith.constant 0 : i32
    %dma_wait3A_115 = arith.constant 0 : i32
    %dma_wait3A_116 = tpu.memref_slice %arg9[%dma_wait3A_114, %dma_wait3A_115] : memref<4x128xi32, #tpu.memory_space<vmem>> -> memref<1x128xi32, #tpu.memory_space<vmem>>
    %dma_wait3A_117 = tpu.memref_squeeze %dma_wait3A_116 : memref<1x128xi32, #tpu.memory_space<vmem>> -> memref<128xi32, #tpu.memory_space<vmem>>
    %dma_wait3A_118 = arith.constant 0 : i32
    %dma_wait3A_119 = tpu.memref_slice %arg3[%arg1, %dma_wait3A, %dma_wait3A_118] : memref<16x160x128xi32, #tpu.memory_space<hbm>> -> memref<1x1x128xi32, #tpu.memory_space<hbm>>
    %dma_wait3A_120 = tpu.memref_squeeze %dma_wait3A_119 : memref<1x1x128xi32, #tpu.memory_space<hbm>> -> memref<128xi32, #tpu.memory_space<hbm>>
    %dma_wait3A_121 = arith.constant 0 : i32
    %dma_wait3A_122 = tpu.memref_slice %arg9[%dma_wait3A_114, %dma_wait3A_121] : memref<4x128xi32, #tpu.memory_space<vmem>> -> memref<1x128xi32, #tpu.memory_space<vmem>>
    %dma_wait3A_123 = tpu.memref_squeeze %dma_wait3A_122 : memref<1x128xi32, #tpu.memory_space<vmem>> -> memref<128xi32, #tpu.memory_space<vmem>>
    %dma_wait3A_124 = arith.constant 0 : i32
    %dma_wait3A_125 = tpu.memref_slice %arg3[%arg1, %dma_wait3A, %dma_wait3A_124] : memref<16x160x128xi32, #tpu.memory_space<hbm>> -> memref<1x1x128xi32, #tpu.memory_space<hbm>>
    %dma_wait3A_126 = tpu.memref_squeeze %dma_wait3A_125 : memref<1x1x128xi32, #tpu.memory_space<hbm>> -> memref<128xi32, #tpu.memory_space<hbm>>
    tpu.wait_dma2 semaphore(%arg13 : memref<!tpu.dma_semaphore, #tpu.memory_space<semaphore_mem>>) src(%dma_wait3A_126 : memref<128xi32, #tpu.memory_space<hbm>>) dst(%dma_wait3A_123 : memref<128xi32, #tpu.memory_space<vmem>>)
    %dma_wait3A_127 = arith.constant 0 : i32
    %dma_wait3A_128 = arith.constant 0 : i32
    %dma_wait3A_129 = arith.constant 0 : i32
    %dma_wait3A_130 = tpu.memref_slice %arg10[%dma_wait3A_128, %dma_wait3A_129] : memref<4x128xi32, #tpu.memory_space<vmem>> -> memref<1x128xi32, #tpu.memory_space<vmem>>
    %dma_wait3A_131 = tpu.memref_squeeze %dma_wait3A_130 : memref<1x128xi32, #tpu.memory_space<vmem>> -> memref<128xi32, #tpu.memory_space<vmem>>
    %dma_wait3A_132 = arith.constant 0 : i32
    %dma_wait3A_133 = tpu.memref_slice %arg4[%arg1, %dma_wait3A_127, %dma_wait3A_132] : memref<16x160x128xi32, #tpu.memory_space<hbm>> -> memref<1x1x128xi32, #tpu.memory_space<hbm>>
    %dma_wait3A_134 = tpu.memref_squeeze %dma_wait3A_133 : memref<1x1x128xi32, #tpu.memory_space<hbm>> -> memref<128xi32, #tpu.memory_space<hbm>>
    %dma_wait3A_135 = arith.constant 0 : i32
    %dma_wait3A_136 = tpu.memref_slice %arg10[%dma_wait3A_128, %dma_wait3A_135] : memref<4x128xi32, #tpu.memory_space<vmem>> -> memref<1x128xi32, #tpu.memory_space<vmem>>
    %dma_wait3A_137 = tpu.memref_squeeze %dma_wait3A_136 : memref<1x128xi32, #tpu.memory_space<vmem>> -> memref<128xi32, #tpu.memory_space<vmem>>
    %dma_wait3A_138 = arith.constant 0 : i32
    %dma_wait3A_139 = tpu.memref_slice %arg4[%arg1, %dma_wait3A_127, %dma_wait3A_138] : memref<16x160x128xi32, #tpu.memory_space<hbm>> -> memref<1x1x128xi32, #tpu.memory_space<hbm>>
    %dma_wait3A_140 = tpu.memref_squeeze %dma_wait3A_139 : memref<1x1x128xi32, #tpu.memory_space<hbm>> -> memref<128xi32, #tpu.memory_space<hbm>>
    tpu.wait_dma2 semaphore(%arg13 : memref<!tpu.dma_semaphore, #tpu.memory_space<semaphore_mem>>) src(%dma_wait3A_140 : memref<128xi32, #tpu.memory_space<hbm>>) dst(%dma_wait3A_137 : memref<128xi32, #tpu.memory_space<vmem>>)
    %dma_start3A_141 = arith.constant 0 : i32
    %dma_start3A_142 = arith.constant 0 : i32
    %dma_start3A_143 = arith.constant 0 : i32
    %dma_start3A_144 = arith.constant 0 : i32
    %dma_start3A_145 = tpu.memref_slice %arg11[%dma_start3A_142, %dma_start3A_143, %dma_start3A_144] : memref<2x128x64xf32, #tpu.memory_space<vmem>> -> memref<1x128x64xf32, #tpu.memory_space<vmem>>
    %dma_start3A_146 = tpu.memref_squeeze %dma_start3A_145 : memref<1x128x64xf32, #tpu.memory_space<vmem>> -> memref<128x64xf32, #tpu.memory_space<vmem>>
    %dma_start3A_147 = arith.constant 0 : i32
    %dma_start3A_148 = tpu.memref_slice %arg9[%dma_start3A_141, %dma_start3A_147] : memref<4x128xi32, #tpu.memory_space<vmem>> -> memref<1x128xi32, #tpu.memory_space<vmem>>
    %dma_start3A_149 = tpu.memref_squeeze %dma_start3A_148 : memref<1x128xi32, #tpu.memory_space<vmem>> -> memref<128xi32, #tpu.memory_space<vmem>>
    %dma_start3A_150 = arith.constant 0 : i32
    %dma_start3A_151 = arith.constant 0 : i32
    %dma_start3A_152 = tpu.memref_slice %arg7[%dma_start3A_150, %dma_start3A_151] : memref<10240x64xf32, #tpu.memory_space<vmem_shared>> -> memref<10240x64xf32, #tpu.memory_space<vmem_shared>>
    tpu.enqueue_indirect_dma source(%dma_start3A_152 : memref<10240x64xf32, #tpu.memory_space<vmem_shared>>) target(%dma_start3A_146 : memref<128x64xf32, #tpu.memory_space<vmem>>) offsets(%dma_start3A_149 : memref<128xi32, #tpu.memory_space<vmem>>) semaphore(%arg12 : memref<!tpu.dma_semaphore, #tpu.memory_space<semaphore_mem>>)
    %scan3A = arith.constant 0 : i32
    %scan3A_153 = arith.constant 39 : i32
    %scan3A_154 = arith.addi %scan3A, %scan3A_153 : i32
    %scan3A_155 = arith.constant 1 : i32
    scf.for %scan3A_333 = %scan3A to %scan3A_154 step %scan3A_155  : i32 {
      %mul3A_334 = arith.constant 1 : i32
      %mul3A_335 = arith.muli %scan3A_333, %mul3A_334 : i32
      %add3A = arith.constant 0 : i32
      %add3A_336 = arith.addi %add3A, %mul3A_335 : i32
      %mul3A_337 = arith.constant 4 : i32
      %mul3A_338 = arith.muli %add3A_336, %mul3A_337 : i32
      %add3A_339 = arith.constant 0 : i32
      %add3A_340 = arith.addi %mul3A_338, %add3A_339 : i32
      %add3A_341 = arith.constant 1 : i32
      %add3A_342 = arith.addi %add3A_340, %add3A_341 : i32
      %dma_wait3A_343 = arith.constant 1 : i32
      %dma_wait3A_344 = arith.constant 0 : i32
      %dma_wait3A_345 = tpu.memref_slice %arg9[%dma_wait3A_343, %dma_wait3A_344] : memref<4x128xi32, #tpu.memory_space<vmem>> -> memref<1x128xi32, #tpu.memory_space<vmem>>
      %dma_wait3A_346 = tpu.memref_squeeze %dma_wait3A_345 : memref<1x128xi32, #tpu.memory_space<vmem>> -> memref<128xi32, #tpu.memory_space<vmem>>
      %dma_wait3A_347 = arith.constant 0 : i32
      %dma_wait3A_348 = tpu.memref_slice %arg3[%arg1, %add3A_342, %dma_wait3A_347] : memref<16x160x128xi32, #tpu.memory_space<hbm>> -> memref<1x1x128xi32, #tpu.memory_space<hbm>>
      %dma_wait3A_349 = tpu.memref_squeeze %dma_wait3A_348 : memref<1x1x128xi32, #tpu.memory_space<hbm>> -> memref<128xi32, #tpu.memory_space<hbm>>
      %dma_wait3A_350 = arith.constant 0 : i32
      %dma_wait3A_351 = tpu.memref_slice %arg9[%dma_wait3A_343, %dma_wait3A_350] : memref<4x128xi32, #tpu.memory_space<vmem>> -> memref<1x128xi32, #tpu.memory_space<vmem>>
      %dma_wait3A_352 = tpu.memref_squeeze %dma_wait3A_351 : memref<1x128xi32, #tpu.memory_space<vmem>> -> memref<128xi32, #tpu.memory_space<vmem>>
      %dma_wait3A_353 = arith.constant 0 : i32
      %dma_wait3A_354 = tpu.memref_slice %arg3[%arg1, %add3A_342, %dma_wait3A_353] : memref<16x160x128xi32, #tpu.memory_space<hbm>> -> memref<1x1x128xi32, #tpu.memory_space<hbm>>
      %dma_wait3A_355 = tpu.memref_squeeze %dma_wait3A_354 : memref<1x1x128xi32, #tpu.memory_space<hbm>> -> memref<128xi32, #tpu.memory_space<hbm>>
      tpu.wait_dma2 semaphore(%arg13 : memref<!tpu.dma_semaphore, #tpu.memory_space<semaphore_mem>>) src(%dma_wait3A_355 : memref<128xi32, #tpu.memory_space<hbm>>) dst(%dma_wait3A_352 : memref<128xi32, #tpu.memory_space<vmem>>)
      %dma_wait3A_356 = arith.constant 1 : i32
      %dma_wait3A_357 = arith.constant 0 : i32
      %dma_wait3A_358 = tpu.memref_slice %arg10[%dma_wait3A_356, %dma_wait3A_357] : memref<4x128xi32, #tpu.memory_space<vmem>> -> memref<1x128xi32, #tpu.memory_space<vmem>>
      %dma_wait3A_359 = tpu.memref_squeeze %dma_wait3A_358 : memref<1x128xi32, #tpu.memory_space<vmem>> -> memref<128xi32, #tpu.memory_space<vmem>>
      %dma_wait3A_360 = arith.constant 0 : i32
      %dma_wait3A_361 = tpu.memref_slice %arg4[%arg1, %add3A_342, %dma_wait3A_360] : memref<16x160x128xi32, #tpu.memory_space<hbm>> -> memref<1x1x128xi32, #tpu.memory_space<hbm>>
      %dma_wait3A_362 = tpu.memref_squeeze %dma_wait3A_361 : memref<1x1x128xi32, #tpu.memory_space<hbm>> -> memref<128xi32, #tpu.memory_space<hbm>>
      %dma_wait3A_363 = arith.constant 0 : i32
      %dma_wait3A_364 = tpu.memref_slice %arg10[%dma_wait3A_356, %dma_wait3A_363] : memref<4x128xi32, #tpu.memory_space<vmem>> -> memref<1x128xi32, #tpu.memory_space<vmem>>
      %dma_wait3A_365 = tpu.memref_squeeze %dma_wait3A_364 : memref<1x128xi32, #tpu.memory_space<vmem>> -> memref<128xi32, #tpu.memory_space<vmem>>
      %dma_wait3A_366 = arith.constant 0 : i32
      %dma_wait3A_367 = tpu.memref_slice %arg4[%arg1, %add3A_342, %dma_wait3A_366] : memref<16x160x128xi32, #tpu.memory_space<hbm>> -> memref<1x1x128xi32, #tpu.memory_space<hbm>>
      %dma_wait3A_368 = tpu.memref_squeeze %dma_wait3A_367 : memref<1x1x128xi32, #tpu.memory_space<hbm>> -> memref<128xi32, #tpu.memory_space<hbm>>
      tpu.wait_dma2 semaphore(%arg13 : memref<!tpu.dma_semaphore, #tpu.memory_space<semaphore_mem>>) src(%dma_wait3A_368 : memref<128xi32, #tpu.memory_space<hbm>>) dst(%dma_wait3A_365 : memref<128xi32, #tpu.memory_space<vmem>>)
      %dma_start3A_369 = arith.constant 1 : i32
      %dma_start3A_370 = arith.constant 1 : i32
      %dma_start3A_371 = arith.constant 0 : i32
      %dma_start3A_372 = arith.constant 0 : i32
      %dma_start3A_373 = tpu.memref_slice %arg11[%dma_start3A_370, %dma_start3A_371, %dma_start3A_372] : memref<2x128x64xf32, #tpu.memory_space<vmem>> -> memref<1x128x64xf32, #tpu.memory_space<vmem>>
      %dma_start3A_374 = tpu.memref_squeeze %dma_start3A_373 : memref<1x128x64xf32, #tpu.memory_space<vmem>> -> memref<128x64xf32, #tpu.memory_space<vmem>>
      %dma_start3A_375 = arith.constant 0 : i32
      %dma_start3A_376 = tpu.memref_slice %arg9[%dma_start3A_369, %dma_start3A_375] : memref<4x128xi32, #tpu.memory_space<vmem>> -> memref<1x128xi32, #tpu.memory_space<vmem>>
      %dma_start3A_377 = tpu.memref_squeeze %dma_start3A_376 : memref<1x128xi32, #tpu.memory_space<vmem>> -> memref<128xi32, #tpu.memory_space<vmem>>
      %dma_start3A_378 = arith.constant 0 : i32
      %dma_start3A_379 = arith.constant 0 : i32
      %dma_start3A_380 = tpu.memref_slice %arg7[%dma_start3A_378, %dma_start3A_379] : memref<10240x64xf32, #tpu.memory_space<vmem_shared>> -> memref<10240x64xf32, #tpu.memory_space<vmem_shared>>
      tpu.enqueue_indirect_dma source(%dma_start3A_380 : memref<10240x64xf32, #tpu.memory_space<vmem_shared>>) target(%dma_start3A_374 : memref<128x64xf32, #tpu.memory_space<vmem>>) offsets(%dma_start3A_377 : memref<128xi32, #tpu.memory_space<vmem>>) semaphore(%arg12 : memref<!tpu.dma_semaphore, #tpu.memory_space<semaphore_mem>>)
      %dma_wait3A_381 = arith.constant 0 : i32
      %dma_wait3A_382 = arith.constant 0 : i32
      %dma_wait3A_383 = arith.constant 0 : i32
      %dma_wait3A_384 = arith.constant 0 : i32
      %dma_wait3A_385 = tpu.memref_slice %arg11[%dma_wait3A_382, %dma_wait3A_383, %dma_wait3A_384] : memref<2x128x64xf32, #tpu.memory_space<vmem>> -> memref<1x128x64xf32, #tpu.memory_space<vmem>>
      %dma_wait3A_386 = tpu.memref_squeeze %dma_wait3A_385 : memref<1x128x64xf32, #tpu.memory_space<vmem>> -> memref<128x64xf32, #tpu.memory_space<vmem>>
      %dma_wait3A_387 = arith.constant 0 : i32
      %dma_wait3A_388 = tpu.memref_slice %arg9[%dma_wait3A_381, %dma_wait3A_387] : memref<4x128xi32, #tpu.memory_space<vmem>> -> memref<1x128xi32, #tpu.memory_space<vmem>>
      %dma_wait3A_389 = tpu.memref_squeeze %dma_wait3A_388 : memref<1x128xi32, #tpu.memory_space<vmem>> -> memref<128xi32, #tpu.memory_space<vmem>>
      %dma_wait3A_390 = arith.constant 0 : i32
      %dma_wait3A_391 = arith.constant 0 : i32
      %dma_wait3A_392 = tpu.memref_slice %arg7[%dma_wait3A_390, %dma_wait3A_391] : memref<10240x64xf32, #tpu.memory_space<vmem_shared>> -> memref<10240x64xf32, #tpu.memory_space<vmem_shared>>
      tpu.wait_indirect_dma semaphore(%arg12 : memref<!tpu.dma_semaphore, #tpu.memory_space<semaphore_mem>>) src(%dma_wait3A_392 : memref<10240x64xf32, #tpu.memory_space<vmem_shared>>) dst(%dma_wait3A_386 : memref<128x64xf32, #tpu.memory_space<vmem>>)
      %run_scoped3A_393 = arith.constant 0 : i32
      %run_scoped3A_394 = arith.constant 0 : i32
      "tpu.region"() ({
        %run_scoped3A_683 = tpu.sem_alloc : memref<!tpu.dma_semaphore, #tpu.memory_space<semaphore_mem>>
        %dma_start3A_684 = arith.constant 0 : i32
        %dma_start3A_685 = arith.constant 0 : i32
        %dma_start3A_686 = tpu.memref_slice %arg11[%run_scoped3A_393, %dma_start3A_684, %dma_start3A_685] : memref<2x128x64xf32, #tpu.memory_space<vmem>> -> memref<1x128x64xf32, #tpu.memory_space<vmem>>
        %dma_start3A_687 = tpu.memref_squeeze %dma_start3A_686 : memref<1x128x64xf32, #tpu.memory_space<vmem>> -> memref<128x64xf32, #tpu.memory_space<vmem>>
        %dma_start3A_688 = arith.constant 0 : i32
        %dma_start3A_689 = tpu.memref_slice %arg10[%run_scoped3A_394, %dma_start3A_688] : memref<4x128xi32, #tpu.memory_space<vmem>> -> memref<1x128xi32, #tpu.memory_space<vmem>>
        %dma_start3A_690 = tpu.memref_squeeze %dma_start3A_689 : memref<1x128xi32, #tpu.memory_space<vmem>> -> memref<128xi32, #tpu.memory_space<vmem>>
        %dma_start3A_691 = arith.constant 0 : i32
        %dma_start3A_692 = arith.constant 0 : i32
        %dma_start3A_693 = tpu.memref_slice %arg8[%dma_start3A_691, %dma_start3A_692] : memref<10240x64xf32, #tpu.memory_space<vmem_shared>> -> memref<10240x64xf32, #tpu.memory_space<vmem_shared>>
        tpu.enqueue_indirect_dma source(%dma_start3A_687 : memref<128x64xf32, #tpu.memory_space<vmem>>) target(%dma_start3A_693 : memref<10240x64xf32, #tpu.memory_space<vmem_shared>>) offsets(%dma_start3A_690 : memref<128xi32, #tpu.memory_space<vmem>>) semaphore(%run_scoped3A_683 : memref<!tpu.dma_semaphore, #tpu.memory_space<semaphore_mem>>) {add = true}
        %dma_wait3A_694 = arith.constant 0 : i32
        %dma_wait3A_695 = arith.constant 0 : i32
        %dma_wait3A_696 = tpu.memref_slice %arg11[%run_scoped3A_393, %dma_wait3A_694, %dma_wait3A_695] : memref<2x128x64xf32, #tpu.memory_space<vmem>> -> memref<1x128x64xf32, #tpu.memory_space<vmem>>
        %dma_wait3A_697 = tpu.memref_squeeze %dma_wait3A_696 : memref<1x128x64xf32, #tpu.memory_space<vmem>> -> memref<128x64xf32, #tpu.memory_space<vmem>>
        %dma_wait3A_698 = arith.constant 0 : i32
        %dma_wait3A_699 = tpu.memref_slice %arg10[%run_scoped3A_394, %dma_wait3A_698] : memref<4x128xi32, #tpu.memory_space<vmem>> -> memref<1x128xi32, #tpu.memory_space<vmem>>
        %dma_wait3A_700 = tpu.memref_squeeze %dma_wait3A_699 : memref<1x128xi32, #tpu.memory_space<vmem>> -> memref<128xi32, #tpu.memory_space<vmem>>
        %dma_wait3A_701 = arith.constant 0 : i32
        %dma_wait3A_702 = arith.constant 0 : i32
        %dma_wait3A_703 = tpu.memref_slice %arg8[%dma_wait3A_701, %dma_wait3A_702] : memref<10240x64xf32, #tpu.memory_space<vmem_shared>> -> memref<10240x64xf32, #tpu.memory_space<vmem_shared>>
        tpu.wait_indirect_dma semaphore(%run_scoped3A_683 : memref<!tpu.dma_semaphore, #tpu.memory_space<semaphore_mem>>) src(%dma_wait3A_697 : memref<128x64xf32, #tpu.memory_space<vmem>>) dst(%dma_wait3A_703 : memref<10240x64xf32, #tpu.memory_space<vmem_shared>>)
        tpu.yield
      }) : () -> ()
      %add3A_395 = arith.constant 4 : i32
      %add3A_396 = arith.addi %add3A_340, %add3A_395 : i32
      %dma_start3A_397 = arith.constant 0 : i32
      %dma_start3A_398 = arith.constant 0 : i32
      %dma_start3A_399 = tpu.memref_slice %arg9[%dma_start3A_397, %dma_start3A_398] : memref<4x128xi32, #tpu.memory_space<vmem>> -> memref<1x128xi32, #tpu.memory_space<vmem>>
      %dma_start3A_400 = tpu.memref_squeeze %dma_start3A_399 : memref<1x128xi32, #tpu.memory_space<vmem>> -> memref<128xi32, #tpu.memory_space<vmem>>
      %dma_start3A_401 = arith.constant 0 : i32
      %dma_start3A_402 = tpu.memref_slice %arg3[%arg1, %add3A_396, %dma_start3A_401] : memref<16x160x128xi32, #tpu.memory_space<hbm>> -> memref<1x1x128xi32, #tpu.memory_space<hbm>>
      %dma_start3A_403 = tpu.memref_squeeze %dma_start3A_402 : memref<1x1x128xi32, #tpu.memory_space<hbm>> -> memref<128xi32, #tpu.memory_space<hbm>>
      %dma_start3A_404 = arith.constant 0 : i32
      %dma_start3A_405 = tpu.memref_slice %arg9[%dma_start3A_397, %dma_start3A_404] : memref<4x128xi32, #tpu.memory_space<vmem>> -> memref<1x128xi32, #tpu.memory_space<vmem>>
      %dma_start3A_406 = tpu.memref_squeeze %dma_start3A_405 : memref<1x128xi32, #tpu.memory_space<vmem>> -> memref<128xi32, #tpu.memory_space<vmem>>
      %dma_start3A_407 = arith.constant 0 : i32
      %dma_start3A_408 = tpu.memref_slice %arg3[%arg1, %add3A_396, %dma_start3A_407] : memref<16x160x128xi32, #tpu.memory_space<hbm>> -> memref<1x1x128xi32, #tpu.memory_space<hbm>>
      %dma_start3A_409 = tpu.memref_squeeze %dma_start3A_408 : memref<1x1x128xi32, #tpu.memory_space<hbm>> -> memref<128xi32, #tpu.memory_space<hbm>>
      tpu.enqueue_dma source(%dma_start3A_409 : memref<128xi32, #tpu.memory_space<hbm>>) target(%dma_start3A_406 : memref<128xi32, #tpu.memory_space<vmem>>) target_semaphore(%arg13 : memref<!tpu.dma_semaphore, #tpu.memory_space<semaphore_mem>>)
      %add3A_410 = arith.constant 4 : i32
      %add3A_411 = arith.addi %add3A_340, %add3A_410 : i32
      %dma_start3A_412 = arith.constant 0 : i32
      %dma_start3A_413 = arith.constant 0 : i32
      %dma_start3A_414 = tpu.memref_slice %arg10[%dma_start3A_412, %dma_start3A_413] : memref<4x128xi32, #tpu.memory_space<vmem>> -> memref<1x128xi32, #tpu.memory_space<vmem>>
      %dma_start3A_415 = tpu.memref_squeeze %dma_start3A_414 : memref<1x128xi32, #tpu.memory_space<vmem>> -> memref<128xi32, #tpu.memory_space<vmem>>
      %dma_start3A_416 = arith.constant 0 : i32
      %dma_start3A_417 = tpu.memref_slice %arg4[%arg1, %add3A_411, %dma_start3A_416] : memref<16x160x128xi32, #tpu.memory_space<hbm>> -> memref<1x1x128xi32, #tpu.memory_space<hbm>>
      %dma_start3A_418 = tpu.memref_squeeze %dma_start3A_417 : memref<1x1x128xi32, #tpu.memory_space<hbm>> -> memref<128xi32, #tpu.memory_space<hbm>>
      %dma_start3A_419 = arith.constant 0 : i32
      %dma_start3A_420 = tpu.memref_slice %arg10[%dma_start3A_412, %dma_start3A_419] : memref<4x128xi32, #tpu.memory_space<vmem>> -> memref<1x128xi32, #tpu.memory_space<vmem>>
      %dma_start3A_421 = tpu.memref_squeeze %dma_start3A_420 : memref<1x128xi32, #tpu.memory_space<vmem>> -> memref<128xi32, #tpu.memory_space<vmem>>
      %dma_start3A_422 = arith.constant 0 : i32
      %dma_start3A_423 = tpu.memref_slice %arg4[%arg1, %add3A_411, %dma_start3A_422] : memref<16x160x128xi32, #tpu.memory_space<hbm>> -> memref<1x1x128xi32, #tpu.memory_space<hbm>>
      %dma_start3A_424 = tpu.memref_squeeze %dma_start3A_423 : memref<1x1x128xi32, #tpu.memory_space<hbm>> -> memref<128xi32, #tpu.memory_space<hbm>>
      tpu.enqueue_dma source(%dma_start3A_424 : memref<128xi32, #tpu.memory_space<hbm>>) target(%dma_start3A_421 : memref<128xi32, #tpu.memory_space<vmem>>) target_semaphore(%arg13 : memref<!tpu.dma_semaphore, #tpu.memory_space<semaphore_mem>>)
      %add3A_425 = arith.constant 1 : i32
      %add3A_426 = arith.addi %mul3A_338, %add3A_425 : i32
      %add3A_427 = arith.constant 1 : i32
      %add3A_428 = arith.addi %add3A_426, %add3A_427 : i32
      %dma_wait3A_429 = arith.constant 2 : i32
      %dma_wait3A_430 = arith.constant 0 : i32
      %dma_wait3A_431 = tpu.memref_slice %arg9[%dma_wait3A_429, %dma_wait3A_430] : memref<4x128xi32, #tpu.memory_space<vmem>> -> memref<1x128xi32, #tpu.memory_space<vmem>>
      %dma_wait3A_432 = tpu.memref_squeeze %dma_wait3A_431 : memref<1x128xi32, #tpu.memory_space<vmem>> -> memref<128xi32, #tpu.memory_space<vmem>>
      %dma_wait3A_433 = arith.constant 0 : i32
      %dma_wait3A_434 = tpu.memref_slice %arg3[%arg1, %add3A_428, %dma_wait3A_433] : memref<16x160x128xi32, #tpu.memory_space<hbm>> -> memref<1x1x128xi32, #tpu.memory_space<hbm>>
      %dma_wait3A_435 = tpu.memref_squeeze %dma_wait3A_434 : memref<1x1x128xi32, #tpu.memory_space<hbm>> -> memref<128xi32, #tpu.memory_space<hbm>>
      %dma_wait3A_436 = arith.constant 0 : i32
      %dma_wait3A_437 = tpu.memref_slice %arg9[%dma_wait3A_429, %dma_wait3A_436] : memref<4x128xi32, #tpu.memory_space<vmem>> -> memref<1x128xi32, #tpu.memory_space<vmem>>
      %dma_wait3A_438 = tpu.memref_squeeze %dma_wait3A_437 : memref<1x128xi32, #tpu.memory_space<vmem>> -> memref<128xi32, #tpu.memory_space<vmem>>
      %dma_wait3A_439 = arith.constant 0 : i32
      %dma_wait3A_440 = tpu.memref_slice %arg3[%arg1, %add3A_428, %dma_wait3A_439] : memref<16x160x128xi32, #tpu.memory_space<hbm>> -> memref<1x1x128xi32, #tpu.memory_space<hbm>>
      %dma_wait3A_441 = tpu.memref_squeeze %dma_wait3A_440 : memref<1x1x128xi32, #tpu.memory_space<hbm>> -> memref<128xi32, #tpu.memory_space<hbm>>
      tpu.wait_dma2 semaphore(%arg13 : memref<!tpu.dma_semaphore, #tpu.memory_space<semaphore_mem>>) src(%dma_wait3A_441 : memref<128xi32, #tpu.memory_space<hbm>>) dst(%dma_wait3A_438 : memref<128xi32, #tpu.memory_space<vmem>>)
      %dma_wait3A_442 = arith.constant 2 : i32
      %dma_wait3A_443 = arith.constant 0 : i32
      %dma_wait3A_444 = tpu.memref_slice %arg10[%dma_wait3A_442, %dma_wait3A_443] : memref<4x128xi32, #tpu.memory_space<vmem>> -> memref<1x128xi32, #tpu.memory_space<vmem>>
      %dma_wait3A_445 = tpu.memref_squeeze %dma_wait3A_444 : memref<1x128xi32, #tpu.memory_space<vmem>> -> memref<128xi32, #tpu.memory_space<vmem>>
      %dma_wait3A_446 = arith.constant 0 : i32
      %dma_wait3A_447 = tpu.memref_slice %arg4[%arg1, %add3A_428, %dma_wait3A_446] : memref<16x160x128xi32, #tpu.memory_space<hbm>> -> memref<1x1x128xi32, #tpu.memory_space<hbm>>
      %dma_wait3A_448 = tpu.memref_squeeze %dma_wait3A_447 : memref<1x1x128xi32, #tpu.memory_space<hbm>> -> memref<128xi32, #tpu.memory_space<hbm>>
      %dma_wait3A_449 = arith.constant 0 : i32
      %dma_wait3A_450 = tpu.memref_slice %arg10[%dma_wait3A_442, %dma_wait3A_449] : memref<4x128xi32, #tpu.memory_space<vmem>> -> memref<1x128xi32, #tpu.memory_space<vmem>>
      %dma_wait3A_451 = tpu.memref_squeeze %dma_wait3A_450 : memref<1x128xi32, #tpu.memory_space<vmem>> -> memref<128xi32, #tpu.memory_space<vmem>>
      %dma_wait3A_452 = arith.constant 0 : i32
      %dma_wait3A_453 = tpu.memref_slice %arg4[%arg1, %add3A_428, %dma_wait3A_452] : memref<16x160x128xi32, #tpu.memory_space<hbm>> -> memref<1x1x128xi32, #tpu.memory_space<hbm>>
      %dma_wait3A_454 = tpu.memref_squeeze %dma_wait3A_453 : memref<1x1x128xi32, #tpu.memory_space<hbm>> -> memref<128xi32, #tpu.memory_space<hbm>>
      tpu.wait_dma2 semaphore(%arg13 : memref<!tpu.dma_semaphore, #tpu.memory_space<semaphore_mem>>) src(%dma_wait3A_454 : memref<128xi32, #tpu.memory_space<hbm>>) dst(%dma_wait3A_451 : memref<128xi32, #tpu.memory_space<vmem>>)
      %dma_start3A_455 = arith.constant 2 : i32
      %dma_start3A_456 = arith.constant 0 : i32
      %dma_start3A_457 = arith.constant 0 : i32
      %dma_start3A_458 = arith.constant 0 : i32
      %dma_start3A_459 = tpu.memref_slice %arg11[%dma_start3A_456, %dma_start3A_457, %dma_start3A_458] : memref<2x128x64xf32, #tpu.memory_space<vmem>> -> memref<1x128x64xf32, #tpu.memory_space<vmem>>
      %dma_start3A_460 = tpu.memref_squeeze %dma_start3A_459 : memref<1x128x64xf32, #tpu.memory_space<vmem>> -> memref<128x64xf32, #tpu.memory_space<vmem>>
      %dma_start3A_461 = arith.constant 0 : i32
      %dma_start3A_462 = tpu.memref_slice %arg9[%dma_start3A_455, %dma_start3A_461] : memref<4x128xi32, #tpu.memory_space<vmem>> -> memref<1x128xi32, #tpu.memory_space<vmem>>
      %dma_start3A_463 = tpu.memref_squeeze %dma_start3A_462 : memref<1x128xi32, #tpu.memory_space<vmem>> -> memref<128xi32, #tpu.memory_space<vmem>>
      %dma_start3A_464 = arith.constant 0 : i32
      %dma_start3A_465 = arith.constant 0 : i32
      %dma_start3A_466 = tpu.memref_slice %arg7[%dma_start3A_464, %dma_start3A_465] : memref<10240x64xf32, #tpu.memory_space<vmem_shared>> -> memref<10240x64xf32, #tpu.memory_space<vmem_shared>>
      tpu.enqueue_indirect_dma source(%dma_start3A_466 : memref<10240x64xf32, #tpu.memory_space<vmem_shared>>) target(%dma_start3A_460 : memref<128x64xf32, #tpu.memory_space<vmem>>) offsets(%dma_start3A_463 : memref<128xi32, #tpu.memory_space<vmem>>) semaphore(%arg12 : memref<!tpu.dma_semaphore, #tpu.memory_space<semaphore_mem>>)
      %dma_wait3A_467 = arith.constant 1 : i32
      %dma_wait3A_468 = arith.constant 1 : i32
      %dma_wait3A_469 = arith.constant 0 : i32
      %dma_wait3A_470 = arith.constant 0 : i32
      %dma_wait3A_471 = tpu.memref_slice %arg11[%dma_wait3A_468, %dma_wait3A_469, %dma_wait3A_470] : memref<2x128x64xf32, #tpu.memory_space<vmem>> -> memref<1x128x64xf32, #tpu.memory_space<vmem>>
      %dma_wait3A_472 = tpu.memref_squeeze %dma_wait3A_471 : memref<1x128x64xf32, #tpu.memory_space<vmem>> -> memref<128x64xf32, #tpu.memory_space<vmem>>
      %dma_wait3A_473 = arith.constant 0 : i32
      %dma_wait3A_474 = tpu.memref_slice %arg9[%dma_wait3A_467, %dma_wait3A_473] : memref<4x128xi32, #tpu.memory_space<vmem>> -> memref<1x128xi32, #tpu.memory_space<vmem>>
      %dma_wait3A_475 = tpu.memref_squeeze %dma_wait3A_474 : memref<1x128xi32, #tpu.memory_space<vmem>> -> memref<128xi32, #tpu.memory_space<vmem>>
      %dma_wait3A_476 = arith.constant 0 : i32
      %dma_wait3A_477 = arith.constant 0 : i32
      %dma_wait3A_478 = tpu.memref_slice %arg7[%dma_wait3A_476, %dma_wait3A_477] : memref<10240x64xf32, #tpu.memory_space<vmem_shared>> -> memref<10240x64xf32, #tpu.memory_space<vmem_shared>>
      tpu.wait_indirect_dma semaphore(%arg12 : memref<!tpu.dma_semaphore, #tpu.memory_space<semaphore_mem>>) src(%dma_wait3A_478 : memref<10240x64xf32, #tpu.memory_space<vmem_shared>>) dst(%dma_wait3A_472 : memref<128x64xf32, #tpu.memory_space<vmem>>)
      %run_scoped3A_479 = arith.constant 1 : i32
      %run_scoped3A_480 = arith.constant 1 : i32
      "tpu.region"() ({
        %run_scoped3A_683 = tpu.sem_alloc : memref<!tpu.dma_semaphore, #tpu.memory_space<semaphore_mem>>
        %dma_start3A_684 = arith.constant 0 : i32
        %dma_start3A_685 = arith.constant 0 : i32
        %dma_start3A_686 = tpu.memref_slice %arg11[%run_scoped3A_479, %dma_start3A_684, %dma_start3A_685] : memref<2x128x64xf32, #tpu.memory_space<vmem>> -> memref<1x128x64xf32, #tpu.memory_space<vmem>>
        %dma_start3A_687 = tpu.memref_squeeze %dma_start3A_686 : memref<1x128x64xf32, #tpu.memory_space<vmem>> -> memref<128x64xf32, #tpu.memory_space<vmem>>
        %dma_start3A_688 = arith.constant 0 : i32
        %dma_start3A_689 = tpu.memref_slice %arg10[%run_scoped3A_480, %dma_start3A_688] : memref<4x128xi32, #tpu.memory_space<vmem>> -> memref<1x128xi32, #tpu.memory_space<vmem>>
        %dma_start3A_690 = tpu.memref_squeeze %dma_start3A_689 : memref<1x128xi32, #tpu.memory_space<vmem>> -> memref<128xi32, #tpu.memory_space<vmem>>
        %dma_start3A_691 = arith.constant 0 : i32
        %dma_start3A_692 = arith.constant 0 : i32
        %dma_start3A_693 = tpu.memref_slice %arg8[%dma_start3A_691, %dma_start3A_692] : memref<10240x64xf32, #tpu.memory_space<vmem_shared>> -> memref<10240x64xf32, #tpu.memory_space<vmem_shared>>
        tpu.enqueue_indirect_dma source(%dma_start3A_687 : memref<128x64xf32, #tpu.memory_space<vmem>>) target(%dma_start3A_693 : memref<10240x64xf32, #tpu.memory_space<vmem_shared>>) offsets(%dma_start3A_690 : memref<128xi32, #tpu.memory_space<vmem>>) semaphore(%run_scoped3A_683 : memref<!tpu.dma_semaphore, #tpu.memory_space<semaphore_mem>>) {add = true}
        %dma_wait3A_694 = arith.constant 0 : i32
        %dma_wait3A_695 = arith.constant 0 : i32
        %dma_wait3A_696 = tpu.memref_slice %arg11[%run_scoped3A_479, %dma_wait3A_694, %dma_wait3A_695] : memref<2x128x64xf32, #tpu.memory_space<vmem>> -> memref<1x128x64xf32, #tpu.memory_space<vmem>>
        %dma_wait3A_697 = tpu.memref_squeeze %dma_wait3A_696 : memref<1x128x64xf32, #tpu.memory_space<vmem>> -> memref<128x64xf32, #tpu.memory_space<vmem>>
        %dma_wait3A_698 = arith.constant 0 : i32
        %dma_wait3A_699 = tpu.memref_slice %arg10[%run_scoped3A_480, %dma_wait3A_698] : memref<4x128xi32, #tpu.memory_space<vmem>> -> memref<1x128xi32, #tpu.memory_space<vmem>>
        %dma_wait3A_700 = tpu.memref_squeeze %dma_wait3A_699 : memref<1x128xi32, #tpu.memory_space<vmem>> -> memref<128xi32, #tpu.memory_space<vmem>>
        %dma_wait3A_701 = arith.constant 0 : i32
        %dma_wait3A_702 = arith.constant 0 : i32
        %dma_wait3A_703 = tpu.memref_slice %arg8[%dma_wait3A_701, %dma_wait3A_702] : memref<10240x64xf32, #tpu.memory_space<vmem_shared>> -> memref<10240x64xf32, #tpu.memory_space<vmem_shared>>
        tpu.wait_indirect_dma semaphore(%run_scoped3A_683 : memref<!tpu.dma_semaphore, #tpu.memory_space<semaphore_mem>>) src(%dma_wait3A_697 : memref<128x64xf32, #tpu.memory_space<vmem>>) dst(%dma_wait3A_703 : memref<10240x64xf32, #tpu.memory_space<vmem_shared>>)
        tpu.yield
      }) : () -> ()
      %add3A_481 = arith.constant 4 : i32
      %add3A_482 = arith.addi %add3A_426, %add3A_481 : i32
      %dma_start3A_483 = arith.constant 1 : i32
      %dma_start3A_484 = arith.constant 0 : i32
      %dma_start3A_485 = tpu.memref_slice %arg9[%dma_start3A_483, %dma_start3A_484] : memref<4x128xi32, #tpu.memory_space<vmem>> -> memref<1x128xi32, #tpu.memory_space<vmem>>
      %dma_start3A_486 = tpu.memref_squeeze %dma_start3A_485 : memref<1x128xi32, #tpu.memory_space<vmem>> -> memref<128xi32, #tpu.memory_space<vmem>>
      %dma_start3A_487 = arith.constant 0 : i32
      %dma_start3A_488 = tpu.memref_slice %arg3[%arg1, %add3A_482, %dma_start3A_487] : memref<16x160x128xi32, #tpu.memory_space<hbm>> -> memref<1x1x128xi32, #tpu.memory_space<hbm>>
      %dma_start3A_489 = tpu.memref_squeeze %dma_start3A_488 : memref<1x1x128xi32, #tpu.memory_space<hbm>> -> memref<128xi32, #tpu.memory_space<hbm>>
      %dma_start3A_490 = arith.constant 0 : i32
      %dma_start3A_491 = tpu.memref_slice %arg9[%dma_start3A_483, %dma_start3A_490] : memref<4x128xi32, #tpu.memory_space<vmem>> -> memref<1x128xi32, #tpu.memory_space<vmem>>
      %dma_start3A_492 = tpu.memref_squeeze %dma_start3A_491 : memref<1x128xi32, #tpu.memory_space<vmem>> -> memref<128xi32, #tpu.memory_space<vmem>>
      %dma_start3A_493 = arith.constant 0 : i32
      %dma_start3A_494 = tpu.memref_slice %arg3[%arg1, %add3A_482, %dma_start3A_493] : memref<16x160x128xi32, #tpu.memory_space<hbm>> -> memref<1x1x128xi32, #tpu.memory_space<hbm>>
      %dma_start3A_495 = tpu.memref_squeeze %dma_start3A_494 : memref<1x1x128xi32, #tpu.memory_space<hbm>> -> memref<128xi32, #tpu.memory_space<hbm>>
      tpu.enqueue_dma source(%dma_start3A_495 : memref<128xi32, #tpu.memory_space<hbm>>) target(%dma_start3A_492 : memref<128xi32, #tpu.memory_space<vmem>>) target_semaphore(%arg13 : memref<!tpu.dma_semaphore, #tpu.memory_space<semaphore_mem>>)
      %add3A_496 = arith.constant 4 : i32
      %add3A_497 = arith.addi %add3A_426, %add3A_496 : i32
      %dma_start3A_498 = arith.constant 1 : i32
      %dma_start3A_499 = arith.constant 0 : i32
      %dma_start3A_500 = tpu.memref_slice %arg10[%dma_start3A_498, %dma_start3A_499] : memref<4x128xi32, #tpu.memory_space<vmem>> -> memref<1x128xi32, #tpu.memory_space<vmem>>
      %dma_start3A_501 = tpu.memref_squeeze %dma_start3A_500 : memref<1x128xi32, #tpu.memory_space<vmem>> -> memref<128xi32, #tpu.memory_space<vmem>>
      %dma_start3A_502 = arith.constant 0 : i32
      %dma_start3A_503 = tpu.memref_slice %arg4[%arg1, %add3A_497, %dma_start3A_502] : memref<16x160x128xi32, #tpu.memory_space<hbm>> -> memref<1x1x128xi32, #tpu.memory_space<hbm>>
      %dma_start3A_504 = tpu.memref_squeeze %dma_start3A_503 : memref<1x1x128xi32, #tpu.memory_space<hbm>> -> memref<128xi32, #tpu.memory_space<hbm>>
      %dma_start3A_505 = arith.constant 0 : i32
      %dma_start3A_506 = tpu.memref_slice %arg10[%dma_start3A_498, %dma_start3A_505] : memref<4x128xi32, #tpu.memory_space<vmem>> -> memref<1x128xi32, #tpu.memory_space<vmem>>
      %dma_start3A_507 = tpu.memref_squeeze %dma_start3A_506 : memref<1x128xi32, #tpu.memory_space<vmem>> -> memref<128xi32, #tpu.memory_space<vmem>>
      %dma_start3A_508 = arith.constant 0 : i32
      %dma_start3A_509 = tpu.memref_slice %arg4[%arg1, %add3A_497, %dma_start3A_508] : memref<16x160x128xi32, #tpu.memory_space<hbm>> -> memref<1x1x128xi32, #tpu.memory_space<hbm>>
      %dma_start3A_510 = tpu.memref_squeeze %dma_start3A_509 : memref<1x1x128xi32, #tpu.memory_space<hbm>> -> memref<128xi32, #tpu.memory_space<hbm>>
      tpu.enqueue_dma source(%dma_start3A_510 : memref<128xi32, #tpu.memory_space<hbm>>) target(%dma_start3A_507 : memref<128xi32, #tpu.memory_space<vmem>>) target_semaphore(%arg13 : memref<!tpu.dma_semaphore, #tpu.memory_space<semaphore_mem>>)
      %add3A_511 = arith.constant 2 : i32
      %add3A_512 = arith.addi %mul3A_338, %add3A_511 : i32
      %add3A_513 = arith.constant 1 : i32
      %add3A_514 = arith.addi %add3A_512, %add3A_513 : i32
      %dma_wait3A_515 = arith.constant 3 : i32
      %dma_wait3A_516 = arith.constant 0 : i32
      %dma_wait3A_517 = tpu.memref_slice %arg9[%dma_wait3A_515, %dma_wait3A_516] : memref<4x128xi32, #tpu.memory_space<vmem>> -> memref<1x128xi32, #tpu.memory_space<vmem>>
      %dma_wait3A_518 = tpu.memref_squeeze %dma_wait3A_517 : memref<1x128xi32, #tpu.memory_space<vmem>> -> memref<128xi32, #tpu.memory_space<vmem>>
      %dma_wait3A_519 = arith.constant 0 : i32
      %dma_wait3A_520 = tpu.memref_slice %arg3[%arg1, %add3A_514, %dma_wait3A_519] : memref<16x160x128xi32, #tpu.memory_space<hbm>> -> memref<1x1x128xi32, #tpu.memory_space<hbm>>
      %dma_wait3A_521 = tpu.memref_squeeze %dma_wait3A_520 : memref<1x1x128xi32, #tpu.memory_space<hbm>> -> memref<128xi32, #tpu.memory_space<hbm>>
      %dma_wait3A_522 = arith.constant 0 : i32
      %dma_wait3A_523 = tpu.memref_slice %arg9[%dma_wait3A_515, %dma_wait3A_522] : memref<4x128xi32, #tpu.memory_space<vmem>> -> memref<1x128xi32, #tpu.memory_space<vmem>>
      %dma_wait3A_524 = tpu.memref_squeeze %dma_wait3A_523 : memref<1x128xi32, #tpu.memory_space<vmem>> -> memref<128xi32, #tpu.memory_space<vmem>>
      %dma_wait3A_525 = arith.constant 0 : i32
      %dma_wait3A_526 = tpu.memref_slice %arg3[%arg1, %add3A_514, %dma_wait3A_525] : memref<16x160x128xi32, #tpu.memory_space<hbm>> -> memref<1x1x128xi32, #tpu.memory_space<hbm>>
      %dma_wait3A_527 = tpu.memref_squeeze %dma_wait3A_526 : memref<1x1x128xi32, #tpu.memory_space<hbm>> -> memref<128xi32, #tpu.memory_space<hbm>>
      tpu.wait_dma2 semaphore(%arg13 : memref<!tpu.dma_semaphore, #tpu.memory_space<semaphore_mem>>) src(%dma_wait3A_527 : memref<128xi32, #tpu.memory_space<hbm>>) dst(%dma_wait3A_524 : memref<128xi32, #tpu.memory_space<vmem>>)
      %dma_wait3A_528 = arith.constant 3 : i32
      %dma_wait3A_529 = arith.constant 0 : i32
      %dma_wait3A_530 = tpu.memref_slice %arg10[%dma_wait3A_528, %dma_wait3A_529] : memref<4x128xi32, #tpu.memory_space<vmem>> -> memref<1x128xi32, #tpu.memory_space<vmem>>
      %dma_wait3A_531 = tpu.memref_squeeze %dma_wait3A_530 : memref<1x128xi32, #tpu.memory_space<vmem>> -> memref<128xi32, #tpu.memory_space<vmem>>
      %dma_wait3A_532 = arith.constant 0 : i32
      %dma_wait3A_533 = tpu.memref_slice %arg4[%arg1, %add3A_514, %dma_wait3A_532] : memref<16x160x128xi32, #tpu.memory_space<hbm>> -> memref<1x1x128xi32, #tpu.memory_space<hbm>>
      %dma_wait3A_534 = tpu.memref_squeeze %dma_wait3A_533 : memref<1x1x128xi32, #tpu.memory_space<hbm>> -> memref<128xi32, #tpu.memory_space<hbm>>
      %dma_wait3A_535 = arith.constant 0 : i32
      %dma_wait3A_536 = tpu.memref_slice %arg10[%dma_wait3A_528, %dma_wait3A_535] : memref<4x128xi32, #tpu.memory_space<vmem>> -> memref<1x128xi32, #tpu.memory_space<vmem>>
      %dma_wait3A_537 = tpu.memref_squeeze %dma_wait3A_536 : memref<1x128xi32, #tpu.memory_space<vmem>> -> memref<128xi32, #tpu.memory_space<vmem>>
      %dma_wait3A_538 = arith.constant 0 : i32
      %dma_wait3A_539 = tpu.memref_slice %arg4[%arg1, %add3A_514, %dma_wait3A_538] : memref<16x160x128xi32, #tpu.memory_space<hbm>> -> memref<1x1x128xi32, #tpu.memory_space<hbm>>
      %dma_wait3A_540 = tpu.memref_squeeze %dma_wait3A_539 : memref<1x1x128xi32, #tpu.memory_space<hbm>> -> memref<128xi32, #tpu.memory_space<hbm>>
      tpu.wait_dma2 semaphore(%arg13 : memref<!tpu.dma_semaphore, #tpu.memory_space<semaphore_mem>>) src(%dma_wait3A_540 : memref<128xi32, #tpu.memory_space<hbm>>) dst(%dma_wait3A_537 : memref<128xi32, #tpu.memory_space<vmem>>)
      %dma_start3A_541 = arith.constant 3 : i32
      %dma_start3A_542 = arith.constant 1 : i32
      %dma_start3A_543 = arith.constant 0 : i32
      %dma_start3A_544 = arith.constant 0 : i32
      %dma_start3A_545 = tpu.memref_slice %arg11[%dma_start3A_542, %dma_start3A_543, %dma_start3A_544] : memref<2x128x64xf32, #tpu.memory_space<vmem>> -> memref<1x128x64xf32, #tpu.memory_space<vmem>>
      %dma_start3A_546 = tpu.memref_squeeze %dma_start3A_545 : memref<1x128x64xf32, #tpu.memory_space<vmem>> -> memref<128x64xf32, #tpu.memory_space<vmem>>
      %dma_start3A_547 = arith.constant 0 : i32
      %dma_start3A_548 = tpu.memref_slice %arg9[%dma_start3A_541, %dma_start3A_547] : memref<4x128xi32, #tpu.memory_space<vmem>> -> memref<1x128xi32, #tpu.memory_space<vmem>>
      %dma_start3A_549 = tpu.memref_squeeze %dma_start3A_548 : memref<1x128xi32, #tpu.memory_space<vmem>> -> memref<128xi32, #tpu.memory_space<vmem>>
      %dma_start3A_550 = arith.constant 0 : i32
      %dma_start3A_551 = arith.constant 0 : i32
      %dma_start3A_552 = tpu.memref_slice %arg7[%dma_start3A_550, %dma_start3A_551] : memref<10240x64xf32, #tpu.memory_space<vmem_shared>> -> memref<10240x64xf32, #tpu.memory_space<vmem_shared>>
      tpu.enqueue_indirect_dma source(%dma_start3A_552 : memref<10240x64xf32, #tpu.memory_space<vmem_shared>>) target(%dma_start3A_546 : memref<128x64xf32, #tpu.memory_space<vmem>>) offsets(%dma_start3A_549 : memref<128xi32, #tpu.memory_space<vmem>>) semaphore(%arg12 : memref<!tpu.dma_semaphore, #tpu.memory_space<semaphore_mem>>)
      %dma_wait3A_553 = arith.constant 2 : i32
      %dma_wait3A_554 = arith.constant 0 : i32
      %dma_wait3A_555 = arith.constant 0 : i32
      %dma_wait3A_556 = arith.constant 0 : i32
      %dma_wait3A_557 = tpu.memref_slice %arg11[%dma_wait3A_554, %dma_wait3A_555, %dma_wait3A_556] : memref<2x128x64xf32, #tpu.memory_space<vmem>> -> memref<1x128x64xf32, #tpu.memory_space<vmem>>
      %dma_wait3A_558 = tpu.memref_squeeze %dma_wait3A_557 : memref<1x128x64xf32, #tpu.memory_space<vmem>> -> memref<128x64xf32, #tpu.memory_space<vmem>>
      %dma_wait3A_559 = arith.constant 0 : i32
      %dma_wait3A_560 = tpu.memref_slice %arg9[%dma_wait3A_553, %dma_wait3A_559] : memref<4x128xi32, #tpu.memory_space<vmem>> -> memref<1x128xi32, #tpu.memory_space<vmem>>
      %dma_wait3A_561 = tpu.memref_squeeze %dma_wait3A_560 : memref<1x128xi32, #tpu.memory_space<vmem>> -> memref<128xi32, #tpu.memory_space<vmem>>
      %dma_wait3A_562 = arith.constant 0 : i32
      %dma_wait3A_563 = arith.constant 0 : i32
      %dma_wait3A_564 = tpu.memref_slice %arg7[%dma_wait3A_562, %dma_wait3A_563] : memref<10240x64xf32, #tpu.memory_space<vmem_shared>> -> memref<10240x64xf32, #tpu.memory_space<vmem_shared>>
      tpu.wait_indirect_dma semaphore(%arg12 : memref<!tpu.dma_semaphore, #tpu.memory_space<semaphore_mem>>) src(%dma_wait3A_564 : memref<10240x64xf32, #tpu.memory_space<vmem_shared>>) dst(%dma_wait3A_558 : memref<128x64xf32, #tpu.memory_space<vmem>>)
      %run_scoped3A_565 = arith.constant 0 : i32
      %run_scoped3A_566 = arith.constant 2 : i32
      "tpu.region"() ({
        %run_scoped3A_683 = tpu.sem_alloc : memref<!tpu.dma_semaphore, #tpu.memory_space<semaphore_mem>>
        %dma_start3A_684 = arith.constant 0 : i32
        %dma_start3A_685 = arith.constant 0 : i32
        %dma_start3A_686 = tpu.memref_slice %arg11[%run_scoped3A_565, %dma_start3A_684, %dma_start3A_685] : memref<2x128x64xf32, #tpu.memory_space<vmem>> -> memref<1x128x64xf32, #tpu.memory_space<vmem>>
        %dma_start3A_687 = tpu.memref_squeeze %dma_start3A_686 : memref<1x128x64xf32, #tpu.memory_space<vmem>> -> memref<128x64xf32, #tpu.memory_space<vmem>>
        %dma_start3A_688 = arith.constant 0 : i32
        %dma_start3A_689 = tpu.memref_slice %arg10[%run_scoped3A_566, %dma_start3A_688] : memref<4x128xi32, #tpu.memory_space<vmem>> -> memref<1x128xi32, #tpu.memory_space<vmem>>
        %dma_start3A_690 = tpu.memref_squeeze %dma_start3A_689 : memref<1x128xi32, #tpu.memory_space<vmem>> -> memref<128xi32, #tpu.memory_space<vmem>>
        %dma_start3A_691 = arith.constant 0 : i32
        %dma_start3A_692 = arith.constant 0 : i32
        %dma_start3A_693 = tpu.memref_slice %arg8[%dma_start3A_691, %dma_start3A_692] : memref<10240x64xf32, #tpu.memory_space<vmem_shared>> -> memref<10240x64xf32, #tpu.memory_space<vmem_shared>>
        tpu.enqueue_indirect_dma source(%dma_start3A_687 : memref<128x64xf32, #tpu.memory_space<vmem>>) target(%dma_start3A_693 : memref<10240x64xf32, #tpu.memory_space<vmem_shared>>) offsets(%dma_start3A_690 : memref<128xi32, #tpu.memory_space<vmem>>) semaphore(%run_scoped3A_683 : memref<!tpu.dma_semaphore, #tpu.memory_space<semaphore_mem>>) {add = true}
        %dma_wait3A_694 = arith.constant 0 : i32
        %dma_wait3A_695 = arith.constant 0 : i32
        %dma_wait3A_696 = tpu.memref_slice %arg11[%run_scoped3A_565, %dma_wait3A_694, %dma_wait3A_695] : memref<2x128x64xf32, #tpu.memory_space<vmem>> -> memref<1x128x64xf32, #tpu.memory_space<vmem>>
        %dma_wait3A_697 = tpu.memref_squeeze %dma_wait3A_696 : memref<1x128x64xf32, #tpu.memory_space<vmem>> -> memref<128x64xf32, #tpu.memory_space<vmem>>
        %dma_wait3A_698 = arith.constant 0 : i32
        %dma_wait3A_699 = tpu.memref_slice %arg10[%run_scoped3A_566, %dma_wait3A_698] : memref<4x128xi32, #tpu.memory_space<vmem>> -> memref<1x128xi32, #tpu.memory_space<vmem>>
        %dma_wait3A_700 = tpu.memref_squeeze %dma_wait3A_699 : memref<1x128xi32, #tpu.memory_space<vmem>> -> memref<128xi32, #tpu.memory_space<vmem>>
        %dma_wait3A_701 = arith.constant 0 : i32
        %dma_wait3A_702 = arith.constant 0 : i32
        %dma_wait3A_703 = tpu.memref_slice %arg8[%dma_wait3A_701, %dma_wait3A_702] : memref<10240x64xf32, #tpu.memory_space<vmem_shared>> -> memref<10240x64xf32, #tpu.memory_space<vmem_shared>>
        tpu.wait_indirect_dma semaphore(%run_scoped3A_683 : memref<!tpu.dma_semaphore, #tpu.memory_space<semaphore_mem>>) src(%dma_wait3A_697 : memref<128x64xf32, #tpu.memory_space<vmem>>) dst(%dma_wait3A_703 : memref<10240x64xf32, #tpu.memory_space<vmem_shared>>)
        tpu.yield
      }) : () -> ()
      %add3A_567 = arith.constant 4 : i32
      %add3A_568 = arith.addi %add3A_512, %add3A_567 : i32
      %dma_start3A_569 = arith.constant 2 : i32
      %dma_start3A_570 = arith.constant 0 : i32
      %dma_start3A_571 = tpu.memref_slice %arg9[%dma_start3A_569, %dma_start3A_570] : memref<4x128xi32, #tpu.memory_space<vmem>> -> memref<1x128xi32, #tpu.memory_space<vmem>>
      %dma_start3A_572 = tpu.memref_squeeze %dma_start3A_571 : memref<1x128xi32, #tpu.memory_space<vmem>> -> memref<128xi32, #tpu.memory_space<vmem>>
      %dma_start3A_573 = arith.constant 0 : i32
      %dma_start3A_574 = tpu.memref_slice %arg3[%arg1, %add3A_568, %dma_start3A_573] : memref<16x160x128xi32, #tpu.memory_space<hbm>> -> memref<1x1x128xi32, #tpu.memory_space<hbm>>
      %dma_start3A_575 = tpu.memref_squeeze %dma_start3A_574 : memref<1x1x128xi32, #tpu.memory_space<hbm>> -> memref<128xi32, #tpu.memory_space<hbm>>
      %dma_start3A_576 = arith.constant 0 : i32
      %dma_start3A_577 = tpu.memref_slice %arg9[%dma_start3A_569, %dma_start3A_576] : memref<4x128xi32, #tpu.memory_space<vmem>> -> memref<1x128xi32, #tpu.memory_space<vmem>>
      %dma_start3A_578 = tpu.memref_squeeze %dma_start3A_577 : memref<1x128xi32, #tpu.memory_space<vmem>> -> memref<128xi32, #tpu.memory_space<vmem>>
      %dma_start3A_579 = arith.constant 0 : i32
      %dma_start3A_580 = tpu.memref_slice %arg3[%arg1, %add3A_568, %dma_start3A_579] : memref<16x160x128xi32, #tpu.memory_space<hbm>> -> memref<1x1x128xi32, #tpu.memory_space<hbm>>
      %dma_start3A_581 = tpu.memref_squeeze %dma_start3A_580 : memref<1x1x128xi32, #tpu.memory_space<hbm>> -> memref<128xi32, #tpu.memory_space<hbm>>
      tpu.enqueue_dma source(%dma_start3A_581 : memref<128xi32, #tpu.memory_space<hbm>>) target(%dma_start3A_578 : memref<128xi32, #tpu.memory_space<vmem>>) target_semaphore(%arg13 : memref<!tpu.dma_semaphore, #tpu.memory_space<semaphore_mem>>)
      %add3A_582 = arith.constant 4 : i32
      %add3A_583 = arith.addi %add3A_512, %add3A_582 : i32
      %dma_start3A_584 = arith.constant 2 : i32
      %dma_start3A_585 = arith.constant 0 : i32
      %dma_start3A_586 = tpu.memref_slice %arg10[%dma_start3A_584, %dma_start3A_585] : memref<4x128xi32, #tpu.memory_space<vmem>> -> memref<1x128xi32, #tpu.memory_space<vmem>>
      %dma_start3A_587 = tpu.memref_squeeze %dma_start3A_586 : memref<1x128xi32, #tpu.memory_space<vmem>> -> memref<128xi32, #tpu.memory_space<vmem>>
      %dma_start3A_588 = arith.constant 0 : i32
      %dma_start3A_589 = tpu.memref_slice %arg4[%arg1, %add3A_583, %dma_start3A_588] : memref<16x160x128xi32, #tpu.memory_space<hbm>> -> memref<1x1x128xi32, #tpu.memory_space<hbm>>
      %dma_start3A_590 = tpu.memref_squeeze %dma_start3A_589 : memref<1x1x128xi32, #tpu.memory_space<hbm>> -> memref<128xi32, #tpu.memory_space<hbm>>
      %dma_start3A_591 = arith.constant 0 : i32
      %dma_start3A_592 = tpu.memref_slice %arg10[%dma_start3A_584, %dma_start3A_591] : memref<4x128xi32, #tpu.memory_space<vmem>> -> memref<1x128xi32, #tpu.memory_space<vmem>>
      %dma_start3A_593 = tpu.memref_squeeze %dma_start3A_592 : memref<1x128xi32, #tpu.memory_space<vmem>> -> memref<128xi32, #tpu.memory_space<vmem>>
      %dma_start3A_594 = arith.constant 0 : i32
      %dma_start3A_595 = tpu.memref_slice %arg4[%arg1, %add3A_583, %dma_start3A_594] : memref<16x160x128xi32, #tpu.memory_space<hbm>> -> memref<1x1x128xi32, #tpu.memory_space<hbm>>
      %dma_start3A_596 = tpu.memref_squeeze %dma_start3A_595 : memref<1x1x128xi32, #tpu.memory_space<hbm>> -> memref<128xi32, #tpu.memory_space<hbm>>
      tpu.enqueue_dma source(%dma_start3A_596 : memref<128xi32, #tpu.memory_space<hbm>>) target(%dma_start3A_593 : memref<128xi32, #tpu.memory_space<vmem>>) target_semaphore(%arg13 : memref<!tpu.dma_semaphore, #tpu.memory_space<semaphore_mem>>)
      %add3A_597 = arith.constant 3 : i32
      %add3A_598 = arith.addi %mul3A_338, %add3A_597 : i32
      %add3A_599 = arith.constant 1 : i32
      %add3A_600 = arith.addi %add3A_598, %add3A_599 : i32
      %dma_wait3A_601 = arith.constant 0 : i32
      %dma_wait3A_602 = arith.constant 0 : i32
      %dma_wait3A_603 = tpu.memref_slice %arg9[%dma_wait3A_601, %dma_wait3A_602] : memref<4x128xi32, #tpu.memory_space<vmem>> -> memref<1x128xi32, #tpu.memory_space<vmem>>
      %dma_wait3A_604 = tpu.memref_squeeze %dma_wait3A_603 : memref<1x128xi32, #tpu.memory_space<vmem>> -> memref<128xi32, #tpu.memory_space<vmem>>
      %dma_wait3A_605 = arith.constant 0 : i32
      %dma_wait3A_606 = tpu.memref_slice %arg3[%arg1, %add3A_600, %dma_wait3A_605] : memref<16x160x128xi32, #tpu.memory_space<hbm>> -> memref<1x1x128xi32, #tpu.memory_space<hbm>>
      %dma_wait3A_607 = tpu.memref_squeeze %dma_wait3A_606 : memref<1x1x128xi32, #tpu.memory_space<hbm>> -> memref<128xi32, #tpu.memory_space<hbm>>
      %dma_wait3A_608 = arith.constant 0 : i32
      %dma_wait3A_609 = tpu.memref_slice %arg9[%dma_wait3A_601, %dma_wait3A_608] : memref<4x128xi32, #tpu.memory_space<vmem>> -> memref<1x128xi32, #tpu.memory_space<vmem>>
      %dma_wait3A_610 = tpu.memref_squeeze %dma_wait3A_609 : memref<1x128xi32, #tpu.memory_space<vmem>> -> memref<128xi32, #tpu.memory_space<vmem>>
      %dma_wait3A_611 = arith.constant 0 : i32
      %dma_wait3A_612 = tpu.memref_slice %arg3[%arg1, %add3A_600, %dma_wait3A_611] : memref<16x160x128xi32, #tpu.memory_space<hbm>> -> memref<1x1x128xi32, #tpu.memory_space<hbm>>
      %dma_wait3A_613 = tpu.memref_squeeze %dma_wait3A_612 : memref<1x1x128xi32, #tpu.memory_space<hbm>> -> memref<128xi32, #tpu.memory_space<hbm>>
      tpu.wait_dma2 semaphore(%arg13 : memref<!tpu.dma_semaphore, #tpu.memory_space<semaphore_mem>>) src(%dma_wait3A_613 : memref<128xi32, #tpu.memory_space<hbm>>) dst(%dma_wait3A_610 : memref<128xi32, #tpu.memory_space<vmem>>)
      %dma_wait3A_614 = arith.constant 0 : i32
      %dma_wait3A_615 = arith.constant 0 : i32
      %dma_wait3A_616 = tpu.memref_slice %arg10[%dma_wait3A_614, %dma_wait3A_615] : memref<4x128xi32, #tpu.memory_space<vmem>> -> memref<1x128xi32, #tpu.memory_space<vmem>>
      %dma_wait3A_617 = tpu.memref_squeeze %dma_wait3A_616 : memref<1x128xi32, #tpu.memory_space<vmem>> -> memref<128xi32, #tpu.memory_space<vmem>>
      %dma_wait3A_618 = arith.constant 0 : i32
      %dma_wait3A_619 = tpu.memref_slice %arg4[%arg1, %add3A_600, %dma_wait3A_618] : memref<16x160x128xi32, #tpu.memory_space<hbm>> -> memref<1x1x128xi32, #tpu.memory_space<hbm>>
      %dma_wait3A_620 = tpu.memref_squeeze %dma_wait3A_619 : memref<1x1x128xi32, #tpu.memory_space<hbm>> -> memref<128xi32, #tpu.memory_space<hbm>>
      %dma_wait3A_621 = arith.constant 0 : i32
      %dma_wait3A_622 = tpu.memref_slice %arg10[%dma_wait3A_614, %dma_wait3A_621] : memref<4x128xi32, #tpu.memory_space<vmem>> -> memref<1x128xi32, #tpu.memory_space<vmem>>
      %dma_wait3A_623 = tpu.memref_squeeze %dma_wait3A_622 : memref<1x128xi32, #tpu.memory_space<vmem>> -> memref<128xi32, #tpu.memory_space<vmem>>
      %dma_wait3A_624 = arith.constant 0 : i32
      %dma_wait3A_625 = tpu.memref_slice %arg4[%arg1, %add3A_600, %dma_wait3A_624] : memref<16x160x128xi32, #tpu.memory_space<hbm>> -> memref<1x1x128xi32, #tpu.memory_space<hbm>>
      %dma_wait3A_626 = tpu.memref_squeeze %dma_wait3A_625 : memref<1x1x128xi32, #tpu.memory_space<hbm>> -> memref<128xi32, #tpu.memory_space<hbm>>
      tpu.wait_dma2 semaphore(%arg13 : memref<!tpu.dma_semaphore, #tpu.memory_space<semaphore_mem>>) src(%dma_wait3A_626 : memref<128xi32, #tpu.memory_space<hbm>>) dst(%dma_wait3A_623 : memref<128xi32, #tpu.memory_space<vmem>>)
      %dma_start3A_627 = arith.constant 0 : i32
      %dma_start3A_628 = arith.constant 0 : i32
      %dma_start3A_629 = arith.constant 0 : i32
      %dma_start3A_630 = arith.constant 0 : i32
      %dma_start3A_631 = tpu.memref_slice %arg11[%dma_start3A_628, %dma_start3A_629, %dma_start3A_630] : memref<2x128x64xf32, #tpu.memory_space<vmem>> -> memref<1x128x64xf32, #tpu.memory_space<vmem>>
      %dma_start3A_632 = tpu.memref_squeeze %dma_start3A_631 : memref<1x128x64xf32, #tpu.memory_space<vmem>> -> memref<128x64xf32, #tpu.memory_space<vmem>>
      %dma_start3A_633 = arith.constant 0 : i32
      %dma_start3A_634 = tpu.memref_slice %arg9[%dma_start3A_627, %dma_start3A_633] : memref<4x128xi32, #tpu.memory_space<vmem>> -> memref<1x128xi32, #tpu.memory_space<vmem>>
      %dma_start3A_635 = tpu.memref_squeeze %dma_start3A_634 : memref<1x128xi32, #tpu.memory_space<vmem>> -> memref<128xi32, #tpu.memory_space<vmem>>
      %dma_start3A_636 = arith.constant 0 : i32
      %dma_start3A_637 = arith.constant 0 : i32
      %dma_start3A_638 = tpu.memref_slice %arg7[%dma_start3A_636, %dma_start3A_637] : memref<10240x64xf32, #tpu.memory_space<vmem_shared>> -> memref<10240x64xf32, #tpu.memory_space<vmem_shared>>
      tpu.enqueue_indirect_dma source(%dma_start3A_638 : memref<10240x64xf32, #tpu.memory_space<vmem_shared>>) target(%dma_start3A_632 : memref<128x64xf32, #tpu.memory_space<vmem>>) offsets(%dma_start3A_635 : memref<128xi32, #tpu.memory_space<vmem>>) semaphore(%arg12 : memref<!tpu.dma_semaphore, #tpu.memory_space<semaphore_mem>>)
      %dma_wait3A_639 = arith.constant 3 : i32
      %dma_wait3A_640 = arith.constant 1 : i32
      %dma_wait3A_641 = arith.constant 0 : i32
      %dma_wait3A_642 = arith.constant 0 : i32
      %dma_wait3A_643 = tpu.memref_slice %arg11[%dma_wait3A_640, %dma_wait3A_641, %dma_wait3A_642] : memref<2x128x64xf32, #tpu.memory_space<vmem>> -> memref<1x128x64xf32, #tpu.memory_space<vmem>>
      %dma_wait3A_644 = tpu.memref_squeeze %dma_wait3A_643 : memref<1x128x64xf32, #tpu.memory_space<vmem>> -> memref<128x64xf32, #tpu.memory_space<vmem>>
      %dma_wait3A_645 = arith.constant 0 : i32
      %dma_wait3A_646 = tpu.memref_slice %arg9[%dma_wait3A_639, %dma_wait3A_645] : memref<4x128xi32, #tpu.memory_space<vmem>> -> memref<1x128xi32, #tpu.memory_space<vmem>>
      %dma_wait3A_647 = tpu.memref_squeeze %dma_wait3A_646 : memref<1x128xi32, #tpu.memory_space<vmem>> -> memref<128xi32, #tpu.memory_space<vmem>>
      %dma_wait3A_648 = arith.constant 0 : i32
      %dma_wait3A_649 = arith.constant 0 : i32
      %dma_wait3A_650 = tpu.memref_slice %arg7[%dma_wait3A_648, %dma_wait3A_649] : memref<10240x64xf32, #tpu.memory_space<vmem_shared>> -> memref<10240x64xf32, #tpu.memory_space<vmem_shared>>
      tpu.wait_indirect_dma semaphore(%arg12 : memref<!tpu.dma_semaphore, #tpu.memory_space<semaphore_mem>>) src(%dma_wait3A_650 : memref<10240x64xf32, #tpu.memory_space<vmem_shared>>) dst(%dma_wait3A_644 : memref<128x64xf32, #tpu.memory_space<vmem>>)
      %run_scoped3A_651 = arith.constant 1 : i32
      %run_scoped3A_652 = arith.constant 3 : i32
      "tpu.region"() ({
        %run_scoped3A_683 = tpu.sem_alloc : memref<!tpu.dma_semaphore, #tpu.memory_space<semaphore_mem>>
        %dma_start3A_684 = arith.constant 0 : i32
        %dma_start3A_685 = arith.constant 0 : i32
        %dma_start3A_686 = tpu.memref_slice %arg11[%run_scoped3A_651, %dma_start3A_684, %dma_start3A_685] : memref<2x128x64xf32, #tpu.memory_space<vmem>> -> memref<1x128x64xf32, #tpu.memory_space<vmem>>
        %dma_start3A_687 = tpu.memref_squeeze %dma_start3A_686 : memref<1x128x64xf32, #tpu.memory_space<vmem>> -> memref<128x64xf32, #tpu.memory_space<vmem>>
        %dma_start3A_688 = arith.constant 0 : i32
        %dma_start3A_689 = tpu.memref_slice %arg10[%run_scoped3A_652, %dma_start3A_688] : memref<4x128xi32, #tpu.memory_space<vmem>> -> memref<1x128xi32, #tpu.memory_space<vmem>>
        %dma_start3A_690 = tpu.memref_squeeze %dma_start3A_689 : memref<1x128xi32, #tpu.memory_space<vmem>> -> memref<128xi32, #tpu.memory_space<vmem>>
        %dma_start3A_691 = arith.constant 0 : i32
        %dma_start3A_692 = arith.constant 0 : i32
        %dma_start3A_693 = tpu.memref_slice %arg8[%dma_start3A_691, %dma_start3A_692] : memref<10240x64xf32, #tpu.memory_space<vmem_shared>> -> memref<10240x64xf32, #tpu.memory_space<vmem_shared>>
        tpu.enqueue_indirect_dma source(%dma_start3A_687 : memref<128x64xf32, #tpu.memory_space<vmem>>) target(%dma_start3A_693 : memref<10240x64xf32, #tpu.memory_space<vmem_shared>>) offsets(%dma_start3A_690 : memref<128xi32, #tpu.memory_space<vmem>>) semaphore(%run_scoped3A_683 : memref<!tpu.dma_semaphore, #tpu.memory_space<semaphore_mem>>) {add = true}
        %dma_wait3A_694 = arith.constant 0 : i32
        %dma_wait3A_695 = arith.constant 0 : i32
        %dma_wait3A_696 = tpu.memref_slice %arg11[%run_scoped3A_651, %dma_wait3A_694, %dma_wait3A_695] : memref<2x128x64xf32, #tpu.memory_space<vmem>> -> memref<1x128x64xf32, #tpu.memory_space<vmem>>
        %dma_wait3A_697 = tpu.memref_squeeze %dma_wait3A_696 : memref<1x128x64xf32, #tpu.memory_space<vmem>> -> memref<128x64xf32, #tpu.memory_space<vmem>>
        %dma_wait3A_698 = arith.constant 0 : i32
        %dma_wait3A_699 = tpu.memref_slice %arg10[%run_scoped3A_652, %dma_wait3A_698] : memref<4x128xi32, #tpu.memory_space<vmem>> -> memref<1x128xi32, #tpu.memory_space<vmem>>
        %dma_wait3A_700 = tpu.memref_squeeze %dma_wait3A_699 : memref<1x128xi32, #tpu.memory_space<vmem>> -> memref<128xi32, #tpu.memory_space<vmem>>
        %dma_wait3A_701 = arith.constant 0 : i32
        %dma_wait3A_702 = arith.constant 0 : i32
        %dma_wait3A_703 = tpu.memref_slice %arg8[%dma_wait3A_701, %dma_wait3A_702] : memref<10240x64xf32, #tpu.memory_space<vmem_shared>> -> memref<10240x64xf32, #tpu.memory_space<vmem_shared>>
        tpu.wait_indirect_dma semaphore(%run_scoped3A_683 : memref<!tpu.dma_semaphore, #tpu.memory_space<semaphore_mem>>) src(%dma_wait3A_697 : memref<128x64xf32, #tpu.memory_space<vmem>>) dst(%dma_wait3A_703 : memref<10240x64xf32, #tpu.memory_space<vmem_shared>>)
        tpu.yield
      }) : () -> ()
      %add3A_653 = arith.constant 4 : i32
      %add3A_654 = arith.addi %add3A_598, %add3A_653 : i32
      %dma_start3A_655 = arith.constant 3 : i32
      %dma_start3A_656 = arith.constant 0 : i32
      %dma_start3A_657 = tpu.memref_slice %arg9[%dma_start3A_655, %dma_start3A_656] : memref<4x128xi32, #tpu.memory_space<vmem>> -> memref<1x128xi32, #tpu.memory_space<vmem>>
      %dma_start3A_658 = tpu.memref_squeeze %dma_start3A_657 : memref<1x128xi32, #tpu.memory_space<vmem>> -> memref<128xi32, #tpu.memory_space<vmem>>
      %dma_start3A_659 = arith.constant 0 : i32
      %dma_start3A_660 = tpu.memref_slice %arg3[%arg1, %add3A_654, %dma_start3A_659] : memref<16x160x128xi32, #tpu.memory_space<hbm>> -> memref<1x1x128xi32, #tpu.memory_space<hbm>>
      %dma_start3A_661 = tpu.memref_squeeze %dma_start3A_660 : memref<1x1x128xi32, #tpu.memory_space<hbm>> -> memref<128xi32, #tpu.memory_space<hbm>>
      %dma_start3A_662 = arith.constant 0 : i32
      %dma_start3A_663 = tpu.memref_slice %arg9[%dma_start3A_655, %dma_start3A_662] : memref<4x128xi32, #tpu.memory_space<vmem>> -> memref<1x128xi32, #tpu.memory_space<vmem>>
      %dma_start3A_664 = tpu.memref_squeeze %dma_start3A_663 : memref<1x128xi32, #tpu.memory_space<vmem>> -> memref<128xi32, #tpu.memory_space<vmem>>
      %dma_start3A_665 = arith.constant 0 : i32
      %dma_start3A_666 = tpu.memref_slice %arg3[%arg1, %add3A_654, %dma_start3A_665] : memref<16x160x128xi32, #tpu.memory_space<hbm>> -> memref<1x1x128xi32, #tpu.memory_space<hbm>>
      %dma_start3A_667 = tpu.memref_squeeze %dma_start3A_666 : memref<1x1x128xi32, #tpu.memory_space<hbm>> -> memref<128xi32, #tpu.memory_space<hbm>>
      tpu.enqueue_dma source(%dma_start3A_667 : memref<128xi32, #tpu.memory_space<hbm>>) target(%dma_start3A_664 : memref<128xi32, #tpu.memory_space<vmem>>) target_semaphore(%arg13 : memref<!tpu.dma_semaphore, #tpu.memory_space<semaphore_mem>>)
      %add3A_668 = arith.constant 4 : i32
      %add3A_669 = arith.addi %add3A_598, %add3A_668 : i32
      %dma_start3A_670 = arith.constant 3 : i32
      %dma_start3A_671 = arith.constant 0 : i32
      %dma_start3A_672 = tpu.memref_slice %arg10[%dma_start3A_670, %dma_start3A_671] : memref<4x128xi32, #tpu.memory_space<vmem>> -> memref<1x128xi32, #tpu.memory_space<vmem>>
      %dma_start3A_673 = tpu.memref_squeeze %dma_start3A_672 : memref<1x128xi32, #tpu.memory_space<vmem>> -> memref<128xi32, #tpu.memory_space<vmem>>
      %dma_start3A_674 = arith.constant 0 : i32
      %dma_start3A_675 = tpu.memref_slice %arg4[%arg1, %add3A_669, %dma_start3A_674] : memref<16x160x128xi32, #tpu.memory_space<hbm>> -> memref<1x1x128xi32, #tpu.memory_space<hbm>>
      %dma_start3A_676 = tpu.memref_squeeze %dma_start3A_675 : memref<1x1x128xi32, #tpu.memory_space<hbm>> -> memref<128xi32, #tpu.memory_space<hbm>>
      %dma_start3A_677 = arith.constant 0 : i32
      %dma_start3A_678 = tpu.memref_slice %arg10[%dma_start3A_670, %dma_start3A_677] : memref<4x128xi32, #tpu.memory_space<vmem>> -> memref<1x128xi32, #tpu.memory_space<vmem>>
      %dma_start3A_679 = tpu.memref_squeeze %dma_start3A_678 : memref<1x128xi32, #tpu.memory_space<vmem>> -> memref<128xi32, #tpu.memory_space<vmem>>
      %dma_start3A_680 = arith.constant 0 : i32
      %dma_start3A_681 = tpu.memref_slice %arg4[%arg1, %add3A_669, %dma_start3A_680] : memref<16x160x128xi32, #tpu.memory_space<hbm>> -> memref<1x1x128xi32, #tpu.memory_space<hbm>>
      %dma_start3A_682 = tpu.memref_squeeze %dma_start3A_681 : memref<1x1x128xi32, #tpu.memory_space<hbm>> -> memref<128xi32, #tpu.memory_space<hbm>>
      tpu.enqueue_dma source(%dma_start3A_682 : memref<128xi32, #tpu.memory_space<hbm>>) target(%dma_start3A_679 : memref<128xi32, #tpu.memory_space<vmem>>) target_semaphore(%arg13 : memref<!tpu.dma_semaphore, #tpu.memory_space<semaphore_mem>>)
    }
    %scan3A_156 = arith.constant 39 : i32
    %dma_wait3A_157 = arith.constant 157 : i32
    %dma_wait3A_158 = arith.constant 1 : i32
    %dma_wait3A_159 = arith.constant 0 : i32
    %dma_wait3A_160 = tpu.memref_slice %arg9[%dma_wait3A_158, %dma_wait3A_159] : memref<4x128xi32, #tpu.memory_space<vmem>> -> memref<1x128xi32, #tpu.memory_space<vmem>>
    %dma_wait3A_161 = tpu.memref_squeeze %dma_wait3A_160 : memref<1x128xi32, #tpu.memory_space<vmem>> -> memref<128xi32, #tpu.memory_space<vmem>>
    %dma_wait3A_162 = arith.constant 0 : i32
    %dma_wait3A_163 = tpu.memref_slice %arg3[%arg1, %dma_wait3A_157, %dma_wait3A_162] : memref<16x160x128xi32, #tpu.memory_space<hbm>> -> memref<1x1x128xi32, #tpu.memory_space<hbm>>
    %dma_wait3A_164 = tpu.memref_squeeze %dma_wait3A_163 : memref<1x1x128xi32, #tpu.memory_space<hbm>> -> memref<128xi32, #tpu.memory_space<hbm>>
    %dma_wait3A_165 = arith.constant 0 : i32
    %dma_wait3A_166 = tpu.memref_slice %arg9[%dma_wait3A_158, %dma_wait3A_165] : memref<4x128xi32, #tpu.memory_space<vmem>> -> memref<1x128xi32, #tpu.memory_space<vmem>>
    %dma_wait3A_167 = tpu.memref_squeeze %dma_wait3A_166 : memref<1x128xi32, #tpu.memory_space<vmem>> -> memref<128xi32, #tpu.memory_space<vmem>>
    %dma_wait3A_168 = arith.constant 0 : i32
    %dma_wait3A_169 = tpu.memref_slice %arg3[%arg1, %dma_wait3A_157, %dma_wait3A_168] : memref<16x160x128xi32, #tpu.memory_space<hbm>> -> memref<1x1x128xi32, #tpu.memory_space<hbm>>
    %dma_wait3A_170 = tpu.memref_squeeze %dma_wait3A_169 : memref<1x1x128xi32, #tpu.memory_space<hbm>> -> memref<128xi32, #tpu.memory_space<hbm>>
    tpu.wait_dma2 semaphore(%arg13 : memref<!tpu.dma_semaphore, #tpu.memory_space<semaphore_mem>>) src(%dma_wait3A_170 : memref<128xi32, #tpu.memory_space<hbm>>) dst(%dma_wait3A_167 : memref<128xi32, #tpu.memory_space<vmem>>)
    %dma_wait3A_171 = arith.constant 157 : i32
    %dma_wait3A_172 = arith.constant 1 : i32
    %dma_wait3A_173 = arith.constant 0 : i32
    %dma_wait3A_174 = tpu.memref_slice %arg10[%dma_wait3A_172, %dma_wait3A_173] : memref<4x128xi32, #tpu.memory_space<vmem>> -> memref<1x128xi32, #tpu.memory_space<vmem>>
    %dma_wait3A_175 = tpu.memref_squeeze %dma_wait3A_174 : memref<1x128xi32, #tpu.memory_space<vmem>> -> memref<128xi32, #tpu.memory_space<vmem>>
    %dma_wait3A_176 = arith.constant 0 : i32
    %dma_wait3A_177 = tpu.memref_slice %arg4[%arg1, %dma_wait3A_171, %dma_wait3A_176] : memref<16x160x128xi32, #tpu.memory_space<hbm>> -> memref<1x1x128xi32, #tpu.memory_space<hbm>>
    %dma_wait3A_178 = tpu.memref_squeeze %dma_wait3A_177 : memref<1x1x128xi32, #tpu.memory_space<hbm>> -> memref<128xi32, #tpu.memory_space<hbm>>
    %dma_wait3A_179 = arith.constant 0 : i32
    %dma_wait3A_180 = tpu.memref_slice %arg10[%dma_wait3A_172, %dma_wait3A_179] : memref<4x128xi32, #tpu.memory_space<vmem>> -> memref<1x128xi32, #tpu.memory_space<vmem>>
    %dma_wait3A_181 = tpu.memref_squeeze %dma_wait3A_180 : memref<1x128xi32, #tpu.memory_space<vmem>> -> memref<128xi32, #tpu.memory_space<vmem>>
    %dma_wait3A_182 = arith.constant 0 : i32
    %dma_wait3A_183 = tpu.memref_slice %arg4[%arg1, %dma_wait3A_171, %dma_wait3A_182] : memref<16x160x128xi32, #tpu.memory_space<hbm>> -> memref<1x1x128xi32, #tpu.memory_space<hbm>>
    %dma_wait3A_184 = tpu.memref_squeeze %dma_wait3A_183 : memref<1x1x128xi32, #tpu.memory_space<hbm>> -> memref<128xi32, #tpu.memory_space<hbm>>
    tpu.wait_dma2 semaphore(%arg13 : memref<!tpu.dma_semaphore, #tpu.memory_space<semaphore_mem>>) src(%dma_wait3A_184 : memref<128xi32, #tpu.memory_space<hbm>>) dst(%dma_wait3A_181 : memref<128xi32, #tpu.memory_space<vmem>>)
    %dma_start3A_185 = arith.constant 1 : i32
    %dma_start3A_186 = arith.constant 1 : i32
    %dma_start3A_187 = arith.constant 0 : i32
    %dma_start3A_188 = arith.constant 0 : i32
    %dma_start3A_189 = tpu.memref_slice %arg11[%dma_start3A_186, %dma_start3A_187, %dma_start3A_188] : memref<2x128x64xf32, #tpu.memory_space<vmem>> -> memref<1x128x64xf32, #tpu.memory_space<vmem>>
    %dma_start3A_190 = tpu.memref_squeeze %dma_start3A_189 : memref<1x128x64xf32, #tpu.memory_space<vmem>> -> memref<128x64xf32, #tpu.memory_space<vmem>>
    %dma_start3A_191 = arith.constant 0 : i32
    %dma_start3A_192 = tpu.memref_slice %arg9[%dma_start3A_185, %dma_start3A_191] : memref<4x128xi32, #tpu.memory_space<vmem>> -> memref<1x128xi32, #tpu.memory_space<vmem>>
    %dma_start3A_193 = tpu.memref_squeeze %dma_start3A_192 : memref<1x128xi32, #tpu.memory_space<vmem>> -> memref<128xi32, #tpu.memory_space<vmem>>
    %dma_start3A_194 = arith.constant 0 : i32
    %dma_start3A_195 = arith.constant 0 : i32
    %dma_start3A_196 = tpu.memref_slice %arg7[%dma_start3A_194, %dma_start3A_195] : memref<10240x64xf32, #tpu.memory_space<vmem_shared>> -> memref<10240x64xf32, #tpu.memory_space<vmem_shared>>
    tpu.enqueue_indirect_dma source(%dma_start3A_196 : memref<10240x64xf32, #tpu.memory_space<vmem_shared>>) target(%dma_start3A_190 : memref<128x64xf32, #tpu.memory_space<vmem>>) offsets(%dma_start3A_193 : memref<128xi32, #tpu.memory_space<vmem>>) semaphore(%arg12 : memref<!tpu.dma_semaphore, #tpu.memory_space<semaphore_mem>>)
    %dma_wait3A_197 = arith.constant 0 : i32
    %dma_wait3A_198 = arith.constant 0 : i32
    %dma_wait3A_199 = arith.constant 0 : i32
    %dma_wait3A_200 = arith.constant 0 : i32
    %dma_wait3A_201 = tpu.memref_slice %arg11[%dma_wait3A_198, %dma_wait3A_199, %dma_wait3A_200] : memref<2x128x64xf32, #tpu.memory_space<vmem>> -> memref<1x128x64xf32, #tpu.memory_space<vmem>>
    %dma_wait3A_202 = tpu.memref_squeeze %dma_wait3A_201 : memref<1x128x64xf32, #tpu.memory_space<vmem>> -> memref<128x64xf32, #tpu.memory_space<vmem>>
    %dma_wait3A_203 = arith.constant 0 : i32
    %dma_wait3A_204 = tpu.memref_slice %arg9[%dma_wait3A_197, %dma_wait3A_203] : memref<4x128xi32, #tpu.memory_space<vmem>> -> memref<1x128xi32, #tpu.memory_space<vmem>>
    %dma_wait3A_205 = tpu.memref_squeeze %dma_wait3A_204 : memref<1x128xi32, #tpu.memory_space<vmem>> -> memref<128xi32, #tpu.memory_space<vmem>>
    %dma_wait3A_206 = arith.constant 0 : i32
    %dma_wait3A_207 = arith.constant 0 : i32
    %dma_wait3A_208 = tpu.memref_slice %arg7[%dma_wait3A_206, %dma_wait3A_207] : memref<10240x64xf32, #tpu.memory_space<vmem_shared>> -> memref<10240x64xf32, #tpu.memory_space<vmem_shared>>
    tpu.wait_indirect_dma semaphore(%arg12 : memref<!tpu.dma_semaphore, #tpu.memory_space<semaphore_mem>>) src(%dma_wait3A_208 : memref<10240x64xf32, #tpu.memory_space<vmem_shared>>) dst(%dma_wait3A_202 : memref<128x64xf32, #tpu.memory_space<vmem>>)
    %run_scoped3A = arith.constant 0 : i32
    %run_scoped3A_209 = arith.constant 0 : i32
    "tpu.region"() ({
      %run_scoped3A_333 = tpu.sem_alloc : memref<!tpu.dma_semaphore, #tpu.memory_space<semaphore_mem>>
      %dma_start3A_334 = arith.constant 0 : i32
      %dma_start3A_335 = arith.constant 0 : i32
      %dma_start3A_336 = tpu.memref_slice %arg11[%run_scoped3A, %dma_start3A_334, %dma_start3A_335] : memref<2x128x64xf32, #tpu.memory_space<vmem>> -> memref<1x128x64xf32, #tpu.memory_space<vmem>>
      %dma_start3A_337 = tpu.memref_squeeze %dma_start3A_336 : memref<1x128x64xf32, #tpu.memory_space<vmem>> -> memref<128x64xf32, #tpu.memory_space<vmem>>
      %dma_start3A_338 = arith.constant 0 : i32
      %dma_start3A_339 = tpu.memref_slice %arg10[%run_scoped3A_209, %dma_start3A_338] : memref<4x128xi32, #tpu.memory_space<vmem>> -> memref<1x128xi32, #tpu.memory_space<vmem>>
      %dma_start3A_340 = tpu.memref_squeeze %dma_start3A_339 : memref<1x128xi32, #tpu.memory_space<vmem>> -> memref<128xi32, #tpu.memory_space<vmem>>
      %dma_start3A_341 = arith.constant 0 : i32
      %dma_start3A_342 = arith.constant 0 : i32
      %dma_start3A_343 = tpu.memref_slice %arg8[%dma_start3A_341, %dma_start3A_342] : memref<10240x64xf32, #tpu.memory_space<vmem_shared>> -> memref<10240x64xf32, #tpu.memory_space<vmem_shared>>
      tpu.enqueue_indirect_dma source(%dma_start3A_337 : memref<128x64xf32, #tpu.memory_space<vmem>>) target(%dma_start3A_343 : memref<10240x64xf32, #tpu.memory_space<vmem_shared>>) offsets(%dma_start3A_340 : memref<128xi32, #tpu.memory_space<vmem>>) semaphore(%run_scoped3A_333 : memref<!tpu.dma_semaphore, #tpu.memory_space<semaphore_mem>>) {add = true}
      %dma_wait3A_344 = arith.constant 0 : i32
      %dma_wait3A_345 = arith.constant 0 : i32
      %dma_wait3A_346 = tpu.memref_slice %arg11[%run_scoped3A, %dma_wait3A_344, %dma_wait3A_345] : memref<2x128x64xf32, #tpu.memory_space<vmem>> -> memref<1x128x64xf32, #tpu.memory_space<vmem>>
      %dma_wait3A_347 = tpu.memref_squeeze %dma_wait3A_346 : memref<1x128x64xf32, #tpu.memory_space<vmem>> -> memref<128x64xf32, #tpu.memory_space<vmem>>
      %dma_wait3A_348 = arith.constant 0 : i32
      %dma_wait3A_349 = tpu.memref_slice %arg10[%run_scoped3A_209, %dma_wait3A_348] : memref<4x128xi32, #tpu.memory_space<vmem>> -> memref<1x128xi32, #tpu.memory_space<vmem>>
      %dma_wait3A_350 = tpu.memref_squeeze %dma_wait3A_349 : memref<1x128xi32, #tpu.memory_space<vmem>> -> memref<128xi32, #tpu.memory_space<vmem>>
      %dma_wait3A_351 = arith.constant 0 : i32
      %dma_wait3A_352 = arith.constant 0 : i32
      %dma_wait3A_353 = tpu.memref_slice %arg8[%dma_wait3A_351, %dma_wait3A_352] : memref<10240x64xf32, #tpu.memory_space<vmem_shared>> -> memref<10240x64xf32, #tpu.memory_space<vmem_shared>>
      tpu.wait_indirect_dma semaphore(%run_scoped3A_333 : memref<!tpu.dma_semaphore, #tpu.memory_space<semaphore_mem>>) src(%dma_wait3A_347 : memref<128x64xf32, #tpu.memory_space<vmem>>) dst(%dma_wait3A_353 : memref<10240x64xf32, #tpu.memory_space<vmem_shared>>)
      tpu.yield
    }) : () -> ()
    %dma_wait3A_210 = arith.constant 158 : i32
    %dma_wait3A_211 = arith.constant 2 : i32
    %dma_wait3A_212 = arith.constant 0 : i32
    %dma_wait3A_213 = tpu.memref_slice %arg9[%dma_wait3A_211, %dma_wait3A_212] : memref<4x128xi32, #tpu.memory_space<vmem>> -> memref<1x128xi32, #tpu.memory_space<vmem>>
    %dma_wait3A_214 = tpu.memref_squeeze %dma_wait3A_213 : memref<1x128xi32, #tpu.memory_space<vmem>> -> memref<128xi32, #tpu.memory_space<vmem>>
    %dma_wait3A_215 = arith.constant 0 : i32
    %dma_wait3A_216 = tpu.memref_slice %arg3[%arg1, %dma_wait3A_210, %dma_wait3A_215] : memref<16x160x128xi32, #tpu.memory_space<hbm>> -> memref<1x1x128xi32, #tpu.memory_space<hbm>>
    %dma_wait3A_217 = tpu.memref_squeeze %dma_wait3A_216 : memref<1x1x128xi32, #tpu.memory_space<hbm>> -> memref<128xi32, #tpu.memory_space<hbm>>
    %dma_wait3A_218 = arith.constant 0 : i32
    %dma_wait3A_219 = tpu.memref_slice %arg9[%dma_wait3A_211, %dma_wait3A_218] : memref<4x128xi32, #tpu.memory_space<vmem>> -> memref<1x128xi32, #tpu.memory_space<vmem>>
    %dma_wait3A_220 = tpu.memref_squeeze %dma_wait3A_219 : memref<1x128xi32, #tpu.memory_space<vmem>> -> memref<128xi32, #tpu.memory_space<vmem>>
    %dma_wait3A_221 = arith.constant 0 : i32
    %dma_wait3A_222 = tpu.memref_slice %arg3[%arg1, %dma_wait3A_210, %dma_wait3A_221] : memref<16x160x128xi32, #tpu.memory_space<hbm>> -> memref<1x1x128xi32, #tpu.memory_space<hbm>>
    %dma_wait3A_223 = tpu.memref_squeeze %dma_wait3A_222 : memref<1x1x128xi32, #tpu.memory_space<hbm>> -> memref<128xi32, #tpu.memory_space<hbm>>
    tpu.wait_dma2 semaphore(%arg13 : memref<!tpu.dma_semaphore, #tpu.memory_space<semaphore_mem>>) src(%dma_wait3A_223 : memref<128xi32, #tpu.memory_space<hbm>>) dst(%dma_wait3A_220 : memref<128xi32, #tpu.memory_space<vmem>>)
    %dma_wait3A_224 = arith.constant 158 : i32
    %dma_wait3A_225 = arith.constant 2 : i32
    %dma_wait3A_226 = arith.constant 0 : i32
    %dma_wait3A_227 = tpu.memref_slice %arg10[%dma_wait3A_225, %dma_wait3A_226] : memref<4x128xi32, #tpu.memory_space<vmem>> -> memref<1x128xi32, #tpu.memory_space<vmem>>
    %dma_wait3A_228 = tpu.memref_squeeze %dma_wait3A_227 : memref<1x128xi32, #tpu.memory_space<vmem>> -> memref<128xi32, #tpu.memory_space<vmem>>
    %dma_wait3A_229 = arith.constant 0 : i32
    %dma_wait3A_230 = tpu.memref_slice %arg4[%arg1, %dma_wait3A_224, %dma_wait3A_229] : memref<16x160x128xi32, #tpu.memory_space<hbm>> -> memref<1x1x128xi32, #tpu.memory_space<hbm>>
    %dma_wait3A_231 = tpu.memref_squeeze %dma_wait3A_230 : memref<1x1x128xi32, #tpu.memory_space<hbm>> -> memref<128xi32, #tpu.memory_space<hbm>>
    %dma_wait3A_232 = arith.constant 0 : i32
    %dma_wait3A_233 = tpu.memref_slice %arg10[%dma_wait3A_225, %dma_wait3A_232] : memref<4x128xi32, #tpu.memory_space<vmem>> -> memref<1x128xi32, #tpu.memory_space<vmem>>
    %dma_wait3A_234 = tpu.memref_squeeze %dma_wait3A_233 : memref<1x128xi32, #tpu.memory_space<vmem>> -> memref<128xi32, #tpu.memory_space<vmem>>
    %dma_wait3A_235 = arith.constant 0 : i32
    %dma_wait3A_236 = tpu.memref_slice %arg4[%arg1, %dma_wait3A_224, %dma_wait3A_235] : memref<16x160x128xi32, #tpu.memory_space<hbm>> -> memref<1x1x128xi32, #tpu.memory_space<hbm>>
    %dma_wait3A_237 = tpu.memref_squeeze %dma_wait3A_236 : memref<1x1x128xi32, #tpu.memory_space<hbm>> -> memref<128xi32, #tpu.memory_space<hbm>>
    tpu.wait_dma2 semaphore(%arg13 : memref<!tpu.dma_semaphore, #tpu.memory_space<semaphore_mem>>) src(%dma_wait3A_237 : memref<128xi32, #tpu.memory_space<hbm>>) dst(%dma_wait3A_234 : memref<128xi32, #tpu.memory_space<vmem>>)
    %dma_start3A_238 = arith.constant 2 : i32
    %dma_start3A_239 = arith.constant 0 : i32
    %dma_start3A_240 = arith.constant 0 : i32
    %dma_start3A_241 = arith.constant 0 : i32
    %dma_start3A_242 = tpu.memref_slice %arg11[%dma_start3A_239, %dma_start3A_240, %dma_start3A_241] : memref<2x128x64xf32, #tpu.memory_space<vmem>> -> memref<1x128x64xf32, #tpu.memory_space<vmem>>
    %dma_start3A_243 = tpu.memref_squeeze %dma_start3A_242 : memref<1x128x64xf32, #tpu.memory_space<vmem>> -> memref<128x64xf32, #tpu.memory_space<vmem>>
    %dma_start3A_244 = arith.constant 0 : i32
    %dma_start3A_245 = tpu.memref_slice %arg9[%dma_start3A_238, %dma_start3A_244] : memref<4x128xi32, #tpu.memory_space<vmem>> -> memref<1x128xi32, #tpu.memory_space<vmem>>
    %dma_start3A_246 = tpu.memref_squeeze %dma_start3A_245 : memref<1x128xi32, #tpu.memory_space<vmem>> -> memref<128xi32, #tpu.memory_space<vmem>>
    %dma_start3A_247 = arith.constant 0 : i32
    %dma_start3A_248 = arith.constant 0 : i32
    %dma_start3A_249 = tpu.memref_slice %arg7[%dma_start3A_247, %dma_start3A_248] : memref<10240x64xf32, #tpu.memory_space<vmem_shared>> -> memref<10240x64xf32, #tpu.memory_space<vmem_shared>>
    tpu.enqueue_indirect_dma source(%dma_start3A_249 : memref<10240x64xf32, #tpu.memory_space<vmem_shared>>) target(%dma_start3A_243 : memref<128x64xf32, #tpu.memory_space<vmem>>) offsets(%dma_start3A_246 : memref<128xi32, #tpu.memory_space<vmem>>) semaphore(%arg12 : memref<!tpu.dma_semaphore, #tpu.memory_space<semaphore_mem>>)
    %dma_wait3A_250 = arith.constant 1 : i32
    %dma_wait3A_251 = arith.constant 1 : i32
    %dma_wait3A_252 = arith.constant 0 : i32
    %dma_wait3A_253 = arith.constant 0 : i32
    %dma_wait3A_254 = tpu.memref_slice %arg11[%dma_wait3A_251, %dma_wait3A_252, %dma_wait3A_253] : memref<2x128x64xf32, #tpu.memory_space<vmem>> -> memref<1x128x64xf32, #tpu.memory_space<vmem>>
    %dma_wait3A_255 = tpu.memref_squeeze %dma_wait3A_254 : memref<1x128x64xf32, #tpu.memory_space<vmem>> -> memref<128x64xf32, #tpu.memory_space<vmem>>
    %dma_wait3A_256 = arith.constant 0 : i32
    %dma_wait3A_257 = tpu.memref_slice %arg9[%dma_wait3A_250, %dma_wait3A_256] : memref<4x128xi32, #tpu.memory_space<vmem>> -> memref<1x128xi32, #tpu.memory_space<vmem>>
    %dma_wait3A_258 = tpu.memref_squeeze %dma_wait3A_257 : memref<1x128xi32, #tpu.memory_space<vmem>> -> memref<128xi32, #tpu.memory_space<vmem>>
    %dma_wait3A_259 = arith.constant 0 : i32
    %dma_wait3A_260 = arith.constant 0 : i32
    %dma_wait3A_261 = tpu.memref_slice %arg7[%dma_wait3A_259, %dma_wait3A_260] : memref<10240x64xf32, #tpu.memory_space<vmem_shared>> -> memref<10240x64xf32, #tpu.memory_space<vmem_shared>>
    tpu.wait_indirect_dma semaphore(%arg12 : memref<!tpu.dma_semaphore, #tpu.memory_space<semaphore_mem>>) src(%dma_wait3A_261 : memref<10240x64xf32, #tpu.memory_space<vmem_shared>>) dst(%dma_wait3A_255 : memref<128x64xf32, #tpu.memory_space<vmem>>)
    %run_scoped3A_262 = arith.constant 1 : i32
    %run_scoped3A_263 = arith.constant 1 : i32
    "tpu.region"() ({
      %run_scoped3A_333 = tpu.sem_alloc : memref<!tpu.dma_semaphore, #tpu.memory_space<semaphore_mem>>
      %dma_start3A_334 = arith.constant 0 : i32
      %dma_start3A_335 = arith.constant 0 : i32
      %dma_start3A_336 = tpu.memref_slice %arg11[%run_scoped3A_262, %dma_start3A_334, %dma_start3A_335] : memref<2x128x64xf32, #tpu.memory_space<vmem>> -> memref<1x128x64xf32, #tpu.memory_space<vmem>>
      %dma_start3A_337 = tpu.memref_squeeze %dma_start3A_336 : memref<1x128x64xf32, #tpu.memory_space<vmem>> -> memref<128x64xf32, #tpu.memory_space<vmem>>
      %dma_start3A_338 = arith.constant 0 : i32
      %dma_start3A_339 = tpu.memref_slice %arg10[%run_scoped3A_263, %dma_start3A_338] : memref<4x128xi32, #tpu.memory_space<vmem>> -> memref<1x128xi32, #tpu.memory_space<vmem>>
      %dma_start3A_340 = tpu.memref_squeeze %dma_start3A_339 : memref<1x128xi32, #tpu.memory_space<vmem>> -> memref<128xi32, #tpu.memory_space<vmem>>
      %dma_start3A_341 = arith.constant 0 : i32
      %dma_start3A_342 = arith.constant 0 : i32
      %dma_start3A_343 = tpu.memref_slice %arg8[%dma_start3A_341, %dma_start3A_342] : memref<10240x64xf32, #tpu.memory_space<vmem_shared>> -> memref<10240x64xf32, #tpu.memory_space<vmem_shared>>
      tpu.enqueue_indirect_dma source(%dma_start3A_337 : memref<128x64xf32, #tpu.memory_space<vmem>>) target(%dma_start3A_343 : memref<10240x64xf32, #tpu.memory_space<vmem_shared>>) offsets(%dma_start3A_340 : memref<128xi32, #tpu.memory_space<vmem>>) semaphore(%run_scoped3A_333 : memref<!tpu.dma_semaphore, #tpu.memory_space<semaphore_mem>>) {add = true}
      %dma_wait3A_344 = arith.constant 0 : i32
      %dma_wait3A_345 = arith.constant 0 : i32
      %dma_wait3A_346 = tpu.memref_slice %arg11[%run_scoped3A_262, %dma_wait3A_344, %dma_wait3A_345] : memref<2x128x64xf32, #tpu.memory_space<vmem>> -> memref<1x128x64xf32, #tpu.memory_space<vmem>>
      %dma_wait3A_347 = tpu.memref_squeeze %dma_wait3A_346 : memref<1x128x64xf32, #tpu.memory_space<vmem>> -> memref<128x64xf32, #tpu.memory_space<vmem>>
      %dma_wait3A_348 = arith.constant 0 : i32
      %dma_wait3A_349 = tpu.memref_slice %arg10[%run_scoped3A_263, %dma_wait3A_348] : memref<4x128xi32, #tpu.memory_space<vmem>> -> memref<1x128xi32, #tpu.memory_space<vmem>>
      %dma_wait3A_350 = tpu.memref_squeeze %dma_wait3A_349 : memref<1x128xi32, #tpu.memory_space<vmem>> -> memref<128xi32, #tpu.memory_space<vmem>>
      %dma_wait3A_351 = arith.constant 0 : i32
      %dma_wait3A_352 = arith.constant 0 : i32
      %dma_wait3A_353 = tpu.memref_slice %arg8[%dma_wait3A_351, %dma_wait3A_352] : memref<10240x64xf32, #tpu.memory_space<vmem_shared>> -> memref<10240x64xf32, #tpu.memory_space<vmem_shared>>
      tpu.wait_indirect_dma semaphore(%run_scoped3A_333 : memref<!tpu.dma_semaphore, #tpu.memory_space<semaphore_mem>>) src(%dma_wait3A_347 : memref<128x64xf32, #tpu.memory_space<vmem>>) dst(%dma_wait3A_353 : memref<10240x64xf32, #tpu.memory_space<vmem_shared>>)
      tpu.yield
    }) : () -> ()
    %dma_wait3A_264 = arith.constant 159 : i32
    %dma_wait3A_265 = arith.constant 3 : i32
    %dma_wait3A_266 = arith.constant 0 : i32
    %dma_wait3A_267 = tpu.memref_slice %arg9[%dma_wait3A_265, %dma_wait3A_266] : memref<4x128xi32, #tpu.memory_space<vmem>> -> memref<1x128xi32, #tpu.memory_space<vmem>>
    %dma_wait3A_268 = tpu.memref_squeeze %dma_wait3A_267 : memref<1x128xi32, #tpu.memory_space<vmem>> -> memref<128xi32, #tpu.memory_space<vmem>>
    %dma_wait3A_269 = arith.constant 0 : i32
    %dma_wait3A_270 = tpu.memref_slice %arg3[%arg1, %dma_wait3A_264, %dma_wait3A_269] : memref<16x160x128xi32, #tpu.memory_space<hbm>> -> memref<1x1x128xi32, #tpu.memory_space<hbm>>
    %dma_wait3A_271 = tpu.memref_squeeze %dma_wait3A_270 : memref<1x1x128xi32, #tpu.memory_space<hbm>> -> memref<128xi32, #tpu.memory_space<hbm>>
    %dma_wait3A_272 = arith.constant 0 : i32
    %dma_wait3A_273 = tpu.memref_slice %arg9[%dma_wait3A_265, %dma_wait3A_272] : memref<4x128xi32, #tpu.memory_space<vmem>> -> memref<1x128xi32, #tpu.memory_space<vmem>>
    %dma_wait3A_274 = tpu.memref_squeeze %dma_wait3A_273 : memref<1x128xi32, #tpu.memory_space<vmem>> -> memref<128xi32, #tpu.memory_space<vmem>>
    %dma_wait3A_275 = arith.constant 0 : i32
    %dma_wait3A_276 = tpu.memref_slice %arg3[%arg1, %dma_wait3A_264, %dma_wait3A_275] : memref<16x160x128xi32, #tpu.memory_space<hbm>> -> memref<1x1x128xi32, #tpu.memory_space<hbm>>
    %dma_wait3A_277 = tpu.memref_squeeze %dma_wait3A_276 : memref<1x1x128xi32, #tpu.memory_space<hbm>> -> memref<128xi32, #tpu.memory_space<hbm>>
    tpu.wait_dma2 semaphore(%arg13 : memref<!tpu.dma_semaphore, #tpu.memory_space<semaphore_mem>>) src(%dma_wait3A_277 : memref<128xi32, #tpu.memory_space<hbm>>) dst(%dma_wait3A_274 : memref<128xi32, #tpu.memory_space<vmem>>)
    %dma_wait3A_278 = arith.constant 159 : i32
    %dma_wait3A_279 = arith.constant 3 : i32
    %dma_wait3A_280 = arith.constant 0 : i32
    %dma_wait3A_281 = tpu.memref_slice %arg10[%dma_wait3A_279, %dma_wait3A_280] : memref<4x128xi32, #tpu.memory_space<vmem>> -> memref<1x128xi32, #tpu.memory_space<vmem>>
    %dma_wait3A_282 = tpu.memref_squeeze %dma_wait3A_281 : memref<1x128xi32, #tpu.memory_space<vmem>> -> memref<128xi32, #tpu.memory_space<vmem>>
    %dma_wait3A_283 = arith.constant 0 : i32
    %dma_wait3A_284 = tpu.memref_slice %arg4[%arg1, %dma_wait3A_278, %dma_wait3A_283] : memref<16x160x128xi32, #tpu.memory_space<hbm>> -> memref<1x1x128xi32, #tpu.memory_space<hbm>>
    %dma_wait3A_285 = tpu.memref_squeeze %dma_wait3A_284 : memref<1x1x128xi32, #tpu.memory_space<hbm>> -> memref<128xi32, #tpu.memory_space<hbm>>
    %dma_wait3A_286 = arith.constant 0 : i32
    %dma_wait3A_287 = tpu.memref_slice %arg10[%dma_wait3A_279, %dma_wait3A_286] : memref<4x128xi32, #tpu.memory_space<vmem>> -> memref<1x128xi32, #tpu.memory_space<vmem>>
    %dma_wait3A_288 = tpu.memref_squeeze %dma_wait3A_287 : memref<1x128xi32, #tpu.memory_space<vmem>> -> memref<128xi32, #tpu.memory_space<vmem>>
    %dma_wait3A_289 = arith.constant 0 : i32
    %dma_wait3A_290 = tpu.memref_slice %arg4[%arg1, %dma_wait3A_278, %dma_wait3A_289] : memref<16x160x128xi32, #tpu.memory_space<hbm>> -> memref<1x1x128xi32, #tpu.memory_space<hbm>>
    %dma_wait3A_291 = tpu.memref_squeeze %dma_wait3A_290 : memref<1x1x128xi32, #tpu.memory_space<hbm>> -> memref<128xi32, #tpu.memory_space<hbm>>
    tpu.wait_dma2 semaphore(%arg13 : memref<!tpu.dma_semaphore, #tpu.memory_space<semaphore_mem>>) src(%dma_wait3A_291 : memref<128xi32, #tpu.memory_space<hbm>>) dst(%dma_wait3A_288 : memref<128xi32, #tpu.memory_space<vmem>>)
    %dma_start3A_292 = arith.constant 3 : i32
    %dma_start3A_293 = arith.constant 1 : i32
    %dma_start3A_294 = arith.constant 0 : i32
    %dma_start3A_295 = arith.constant 0 : i32
    %dma_start3A_296 = tpu.memref_slice %arg11[%dma_start3A_293, %dma_start3A_294, %dma_start3A_295] : memref<2x128x64xf32, #tpu.memory_space<vmem>> -> memref<1x128x64xf32, #tpu.memory_space<vmem>>
    %dma_start3A_297 = tpu.memref_squeeze %dma_start3A_296 : memref<1x128x64xf32, #tpu.memory_space<vmem>> -> memref<128x64xf32, #tpu.memory_space<vmem>>
    %dma_start3A_298 = arith.constant 0 : i32
    %dma_start3A_299 = tpu.memref_slice %arg9[%dma_start3A_292, %dma_start3A_298] : memref<4x128xi32, #tpu.memory_space<vmem>> -> memref<1x128xi32, #tpu.memory_space<vmem>>
    %dma_start3A_300 = tpu.memref_squeeze %dma_start3A_299 : memref<1x128xi32, #tpu.memory_space<vmem>> -> memref<128xi32, #tpu.memory_space<vmem>>
    %dma_start3A_301 = arith.constant 0 : i32
    %dma_start3A_302 = arith.constant 0 : i32
    %dma_start3A_303 = tpu.memref_slice %arg7[%dma_start3A_301, %dma_start3A_302] : memref<10240x64xf32, #tpu.memory_space<vmem_shared>> -> memref<10240x64xf32, #tpu.memory_space<vmem_shared>>
    tpu.enqueue_indirect_dma source(%dma_start3A_303 : memref<10240x64xf32, #tpu.memory_space<vmem_shared>>) target(%dma_start3A_297 : memref<128x64xf32, #tpu.memory_space<vmem>>) offsets(%dma_start3A_300 : memref<128xi32, #tpu.memory_space<vmem>>) semaphore(%arg12 : memref<!tpu.dma_semaphore, #tpu.memory_space<semaphore_mem>>)
    %dma_wait3A_304 = arith.constant 2 : i32
    %dma_wait3A_305 = arith.constant 0 : i32
    %dma_wait3A_306 = arith.constant 0 : i32
    %dma_wait3A_307 = arith.constant 0 : i32
    %dma_wait3A_308 = tpu.memref_slice %arg11[%dma_wait3A_305, %dma_wait3A_306, %dma_wait3A_307] : memref<2x128x64xf32, #tpu.memory_space<vmem>> -> memref<1x128x64xf32, #tpu.memory_space<vmem>>
    %dma_wait3A_309 = tpu.memref_squeeze %dma_wait3A_308 : memref<1x128x64xf32, #tpu.memory_space<vmem>> -> memref<128x64xf32, #tpu.memory_space<vmem>>
    %dma_wait3A_310 = arith.constant 0 : i32
    %dma_wait3A_311 = tpu.memref_slice %arg9[%dma_wait3A_304, %dma_wait3A_310] : memref<4x128xi32, #tpu.memory_space<vmem>> -> memref<1x128xi32, #tpu.memory_space<vmem>>
    %dma_wait3A_312 = tpu.memref_squeeze %dma_wait3A_311 : memref<1x128xi32, #tpu.memory_space<vmem>> -> memref<128xi32, #tpu.memory_space<vmem>>
    %dma_wait3A_313 = arith.constant 0 : i32
    %dma_wait3A_314 = arith.constant 0 : i32
    %dma_wait3A_315 = tpu.memref_slice %arg7[%dma_wait3A_313, %dma_wait3A_314] : memref<10240x64xf32, #tpu.memory_space<vmem_shared>> -> memref<10240x64xf32, #tpu.memory_space<vmem_shared>>
    tpu.wait_indirect_dma semaphore(%arg12 : memref<!tpu.dma_semaphore, #tpu.memory_space<semaphore_mem>>) src(%dma_wait3A_315 : memref<10240x64xf32, #tpu.memory_space<vmem_shared>>) dst(%dma_wait3A_309 : memref<128x64xf32, #tpu.memory_space<vmem>>)
    %run_scoped3A_316 = arith.constant 0 : i32
    %run_scoped3A_317 = arith.constant 2 : i32
    "tpu.region"() ({
      %run_scoped3A_333 = tpu.sem_alloc : memref<!tpu.dma_semaphore, #tpu.memory_space<semaphore_mem>>
      %dma_start3A_334 = arith.constant 0 : i32
      %dma_start3A_335 = arith.constant 0 : i32
      %dma_start3A_336 = tpu.memref_slice %arg11[%run_scoped3A_316, %dma_start3A_334, %dma_start3A_335] : memref<2x128x64xf32, #tpu.memory_space<vmem>> -> memref<1x128x64xf32, #tpu.memory_space<vmem>>
      %dma_start3A_337 = tpu.memref_squeeze %dma_start3A_336 : memref<1x128x64xf32, #tpu.memory_space<vmem>> -> memref<128x64xf32, #tpu.memory_space<vmem>>
      %dma_start3A_338 = arith.constant 0 : i32
      %dma_start3A_339 = tpu.memref_slice %arg10[%run_scoped3A_317, %dma_start3A_338] : memref<4x128xi32, #tpu.memory_space<vmem>> -> memref<1x128xi32, #tpu.memory_space<vmem>>
      %dma_start3A_340 = tpu.memref_squeeze %dma_start3A_339 : memref<1x128xi32, #tpu.memory_space<vmem>> -> memref<128xi32, #tpu.memory_space<vmem>>
      %dma_start3A_341 = arith.constant 0 : i32
      %dma_start3A_342 = arith.constant 0 : i32
      %dma_start3A_343 = tpu.memref_slice %arg8[%dma_start3A_341, %dma_start3A_342] : memref<10240x64xf32, #tpu.memory_space<vmem_shared>> -> memref<10240x64xf32, #tpu.memory_space<vmem_shared>>
      tpu.enqueue_indirect_dma source(%dma_start3A_337 : memref<128x64xf32, #tpu.memory_space<vmem>>) target(%dma_start3A_343 : memref<10240x64xf32, #tpu.memory_space<vmem_shared>>) offsets(%dma_start3A_340 : memref<128xi32, #tpu.memory_space<vmem>>) semaphore(%run_scoped3A_333 : memref<!tpu.dma_semaphore, #tpu.memory_space<semaphore_mem>>) {add = true}
      %dma_wait3A_344 = arith.constant 0 : i32
      %dma_wait3A_345 = arith.constant 0 : i32
      %dma_wait3A_346 = tpu.memref_slice %arg11[%run_scoped3A_316, %dma_wait3A_344, %dma_wait3A_345] : memref<2x128x64xf32, #tpu.memory_space<vmem>> -> memref<1x128x64xf32, #tpu.memory_space<vmem>>
      %dma_wait3A_347 = tpu.memref_squeeze %dma_wait3A_346 : memref<1x128x64xf32, #tpu.memory_space<vmem>> -> memref<128x64xf32, #tpu.memory_space<vmem>>
      %dma_wait3A_348 = arith.constant 0 : i32
      %dma_wait3A_349 = tpu.memref_slice %arg10[%run_scoped3A_317, %dma_wait3A_348] : memref<4x128xi32, #tpu.memory_space<vmem>> -> memref<1x128xi32, #tpu.memory_space<vmem>>
      %dma_wait3A_350 = tpu.memref_squeeze %dma_wait3A_349 : memref<1x128xi32, #tpu.memory_space<vmem>> -> memref<128xi32, #tpu.memory_space<vmem>>
      %dma_wait3A_351 = arith.constant 0 : i32
      %dma_wait3A_352 = arith.constant 0 : i32
      %dma_wait3A_353 = tpu.memref_slice %arg8[%dma_wait3A_351, %dma_wait3A_352] : memref<10240x64xf32, #tpu.memory_space<vmem_shared>> -> memref<10240x64xf32, #tpu.memory_space<vmem_shared>>
      tpu.wait_indirect_dma semaphore(%run_scoped3A_333 : memref<!tpu.dma_semaphore, #tpu.memory_space<semaphore_mem>>) src(%dma_wait3A_347 : memref<128x64xf32, #tpu.memory_space<vmem>>) dst(%dma_wait3A_353 : memref<10240x64xf32, #tpu.memory_space<vmem_shared>>)
      tpu.yield
    }) : () -> ()
    %dma_wait3A_318 = arith.constant 3 : i32
    %dma_wait3A_319 = arith.constant 1 : i32
    %dma_wait3A_320 = arith.constant 0 : i32
    %dma_wait3A_321 = arith.constant 0 : i32
    %dma_wait3A_322 = tpu.memref_slice %arg11[%dma_wait3A_319, %dma_wait3A_320, %dma_wait3A_321] : memref<2x128x64xf32, #tpu.memory_space<vmem>> -> memref<1x128x64xf32, #tpu.memory_space<vmem>>
    %dma_wait3A_323 = tpu.memref_squeeze %dma_wait3A_322 : memref<1x128x64xf32, #tpu.memory_space<vmem>> -> memref<128x64xf32, #tpu.memory_space<vmem>>
    %dma_wait3A_324 = arith.constant 0 : i32
    %dma_wait3A_325 = tpu.memref_slice %arg9[%dma_wait3A_318, %dma_wait3A_324] : memref<4x128xi32, #tpu.memory_space<vmem>> -> memref<1x128xi32, #tpu.memory_space<vmem>>
    %dma_wait3A_326 = tpu.memref_squeeze %dma_wait3A_325 : memref<1x128xi32, #tpu.memory_space<vmem>> -> memref<128xi32, #tpu.memory_space<vmem>>
    %dma_wait3A_327 = arith.constant 0 : i32
    %dma_wait3A_328 = arith.constant 0 : i32
    %dma_wait3A_329 = tpu.memref_slice %arg7[%dma_wait3A_327, %dma_wait3A_328] : memref<10240x64xf32, #tpu.memory_space<vmem_shared>> -> memref<10240x64xf32, #tpu.memory_space<vmem_shared>>
    tpu.wait_indirect_dma semaphore(%arg12 : memref<!tpu.dma_semaphore, #tpu.memory_space<semaphore_mem>>) src(%dma_wait3A_329 : memref<10240x64xf32, #tpu.memory_space<vmem_shared>>) dst(%dma_wait3A_323 : memref<128x64xf32, #tpu.memory_space<vmem>>)
    %run_scoped3A_330 = arith.constant 1 : i32
    %run_scoped3A_331 = arith.constant 3 : i32
    "tpu.region"() ({
      %run_scoped3A_333 = tpu.sem_alloc : memref<!tpu.dma_semaphore, #tpu.memory_space<semaphore_mem>>
      %dma_start3A_334 = arith.constant 0 : i32
      %dma_start3A_335 = arith.constant 0 : i32
      %dma_start3A_336 = tpu.memref_slice %arg11[%run_scoped3A_330, %dma_start3A_334, %dma_start3A_335] : memref<2x128x64xf32, #tpu.memory_space<vmem>> -> memref<1x128x64xf32, #tpu.memory_space<vmem>>
      %dma_start3A_337 = tpu.memref_squeeze %dma_start3A_336 : memref<1x128x64xf32, #tpu.memory_space<vmem>> -> memref<128x64xf32, #tpu.memory_space<vmem>>
      %dma_start3A_338 = arith.constant 0 : i32
      %dma_start3A_339 = tpu.memref_slice %arg10[%run_scoped3A_331, %dma_start3A_338] : memref<4x128xi32, #tpu.memory_space<vmem>> -> memref<1x128xi32, #tpu.memory_space<vmem>>
      %dma_start3A_340 = tpu.memref_squeeze %dma_start3A_339 : memref<1x128xi32, #tpu.memory_space<vmem>> -> memref<128xi32, #tpu.memory_space<vmem>>
      %dma_start3A_341 = arith.constant 0 : i32
      %dma_start3A_342 = arith.constant 0 : i32
      %dma_start3A_343 = tpu.memref_slice %arg8[%dma_start3A_341, %dma_start3A_342] : memref<10240x64xf32, #tpu.memory_space<vmem_shared>> -> memref<10240x64xf32, #tpu.memory_space<vmem_shared>>
      tpu.enqueue_indirect_dma source(%dma_start3A_337 : memref<128x64xf32, #tpu.memory_space<vmem>>) target(%dma_start3A_343 : memref<10240x64xf32, #tpu.memory_space<vmem_shared>>) offsets(%dma_start3A_340 : memref<128xi32, #tpu.memory_space<vmem>>) semaphore(%run_scoped3A_333 : memref<!tpu.dma_semaphore, #tpu.memory_space<semaphore_mem>>) {add = true}
      %dma_wait3A_344 = arith.constant 0 : i32
      %dma_wait3A_345 = arith.constant 0 : i32
      %dma_wait3A_346 = tpu.memref_slice %arg11[%run_scoped3A_330, %dma_wait3A_344, %dma_wait3A_345] : memref<2x128x64xf32, #tpu.memory_space<vmem>> -> memref<1x128x64xf32, #tpu.memory_space<vmem>>
      %dma_wait3A_347 = tpu.memref_squeeze %dma_wait3A_346 : memref<1x128x64xf32, #tpu.memory_space<vmem>> -> memref<128x64xf32, #tpu.memory_space<vmem>>
      %dma_wait3A_348 = arith.constant 0 : i32
      %dma_wait3A_349 = tpu.memref_slice %arg10[%run_scoped3A_331, %dma_wait3A_348] : memref<4x128xi32, #tpu.memory_space<vmem>> -> memref<1x128xi32, #tpu.memory_space<vmem>>
      %dma_wait3A_350 = tpu.memref_squeeze %dma_wait3A_349 : memref<1x128xi32, #tpu.memory_space<vmem>> -> memref<128xi32, #tpu.memory_space<vmem>>
      %dma_wait3A_351 = arith.constant 0 : i32
      %dma_wait3A_352 = arith.constant 0 : i32
      %dma_wait3A_353 = tpu.memref_slice %arg8[%dma_wait3A_351, %dma_wait3A_352] : memref<10240x64xf32, #tpu.memory_space<vmem_shared>> -> memref<10240x64xf32, #tpu.memory_space<vmem_shared>>
      tpu.wait_indirect_dma semaphore(%run_scoped3A_333 : memref<!tpu.dma_semaphore, #tpu.memory_space<semaphore_mem>>) src(%dma_wait3A_347 : memref<128x64xf32, #tpu.memory_space<vmem>>) dst(%dma_wait3A_353 : memref<10240x64xf32, #tpu.memory_space<vmem_shared>>)
      tpu.yield
    }) : () -> ()
    %barrier3A_332 = arith.constant 0 : index
    tpu.barrier barrier_id(%barrier3A_332)
    "tpu.region"() ({
      %run_scoped3A_333 = tpu.sem_alloc : memref<!tpu.dma_semaphore, #tpu.memory_space<semaphore_mem>>
      %dma_start3A_334 = tpu.memref_slice %arg6[%mul3A_0, %multiple_of3A] : memref<10240x128xf32, #tpu.memory_space<hbm>> -> memref<640x64xf32, #tpu.memory_space<hbm>>
      %dma_start3A_335 = arith.constant 0 : i32
      %dma_start3A_336 = tpu.memref_slice %arg8[%mul3A_0, %dma_start3A_335] : memref<10240x64xf32, #tpu.memory_space<vmem_shared>> -> memref<640x64xf32, #tpu.memory_space<vmem_shared>>
      tpu.enqueue_dma source(%dma_start3A_336 : memref<640x64xf32, #tpu.memory_space<vmem_shared>>) target(%dma_start3A_334 : memref<640x64xf32, #tpu.memory_space<hbm>>) target_semaphore(%run_scoped3A_333 : memref<!tpu.dma_semaphore, #tpu.memory_space<semaphore_mem>>)
      %dma_wait3A_337 = tpu.memref_slice %arg6[%mul3A_0, %multiple_of3A] : memref<10240x128xf32, #tpu.memory_space<hbm>> -> memref<640x64xf32, #tpu.memory_space<hbm>>
      %dma_wait3A_338 = arith.constant 0 : i32
      %dma_wait3A_339 = tpu.memref_slice %arg8[%mul3A_0, %dma_wait3A_338] : memref<10240x64xf32, #tpu.memory_space<vmem_shared>> -> memref<640x64xf32, #tpu.memory_space<vmem_shared>>
      tpu.wait_dma2 semaphore(%run_scoped3A_333 : memref<!tpu.dma_semaphore, #tpu.memory_space<semaphore_mem>>) src(%dma_wait3A_339 : memref<640x64xf32, #tpu.memory_space<vmem_shared>>) dst(%dma_wait3A_337 : memref<640x64xf32, #tpu.memory_space<hbm>>)
      tpu.yield
    }) : () -> ()
    return
  }
}

module attributes {stable_mosaic.version = 14 : i64} {
  func.func @_tc_scale_body(%arg0: i32, %arg1: memref<1024x2xf32, #tpu.memory_space<vmem>>, %arg2: memref<1024x128xf32, #tpu.memory_space<vmem>>, %arg3: memref<1024x128xf32, #tpu.memory_space<vmem>>) attributes {dimension_semantics = [#tpu.dimension_semantics<arbitrary>], iteration_bounds = array<i64: 10>, scalar_prefetch = 0 : i64, scratch_operands = 0 : i64, tpu.core_type = #tpu.core_type<tc>, window_params = [{transform_indices = @transform_0, window_bounds = array<i64: 1024, 2>}, {transform_indices = @transform_1, window_bounds = array<i64: 1024, 128>}, {transform_indices = @transform_2, window_bounds = array<i64: 1024, 128>}]} {
    %get3A = arith.constant 0 : index
    %get3A_0 = arith.constant 0 : index
    %get3A_1 = vector.load %arg2[%get3A, %get3A_0] : memref<1024x128xf32, #tpu.memory_space<vmem>>, vector<1024x128xf32>
    %get3A_2 = arith.constant 0 : index
    %get3A_3 = arith.constant 0 : index
    %get3A_4 = vector.load %arg1[%get3A_2, %get3A_3] : memref<1024x2xf32, #tpu.memory_space<vmem>>, vector<1024x2xf32>
    %slice3A = vector.extract_strided_slice %get3A_4 {offsets = [0, 0], sizes = [1024, 1], strides = [1, 1]} : vector<1024x2xf32> to vector<1024x1xf32>
    %slice3A_5 = vector.extract_strided_slice %get3A_4 {offsets = [0, 1], sizes = [1024, 1], strides = [1, 1]} : vector<1024x2xf32> to vector<1024x1xf32>
    %add3A = arith.addf %slice3A, %slice3A_5 : vector<1024x1xf32>
    %add3A_6 = arith.constant 1.000000e+00 : f32
    %add3A_7 = vector.broadcast %add3A_6 : f32 to vector<1024x1xf32>
    %add3A_8 = arith.addf %add3A, %add3A_7 : vector<1024x1xf32>
    %rsqrt3A = math.rsqrt %add3A_8 : vector<1024x1xf32>
    %mul3A = vector.broadcast %rsqrt3A : vector<1024x1xf32> to vector<1024x128xf32>
    %mul3A_9 = arith.mulf %get3A_1, %mul3A : vector<1024x128xf32>
    %swap3A = arith.constant 0 : index
    %swap3A_10 = arith.constant 0 : index
    %swap3A_11 = vector.load %arg3[%swap3A, %swap3A_10] : memref<1024x128xf32, #tpu.memory_space<vmem>>, vector<1024x128xf32>
    tpu.vector_store %arg3[%swap3A, %swap3A_10], %mul3A_9 {strides = array<i32>} : memref<1024x128xf32, #tpu.memory_space<vmem>>, vector<1024x128xf32>,
    return
  }
  func.func @transform_0(%arg0: i32) -> (i32, i32) {
    %c0_i32 = arith.constant 0 : i32
    %c0_i32_0 = arith.constant 0 : i32
    return %arg0, %c0_i32 : i32, i32
  }
  func.func @transform_1(%arg0: i32) -> (i32, i32) {
    %c0_i32 = arith.constant 0 : i32
    %c0_i32_0 = arith.constant 0 : i32
    return %arg0, %c0_i32 : i32, i32
  }
  func.func @transform_2(%arg0: i32) -> (i32, i32) {
    %c0_i32 = arith.constant 0 : i32
    %c0_i32_0 = arith.constant 0 : i32
    return %arg0, %c0_i32 : i32, i32
  }
}

module attributes {stable_mosaic.version = 14 : i64} {
  func.func @_tc_layer1_body(%arg0: i32, %arg1: memref<1024x128xf32, #tpu.memory_space<vmem>>, %arg2: memref<1024x2xf32, #tpu.memory_space<vmem>>, %arg3: memref<1024x128xf32, #tpu.memory_space<vmem>>, %arg4: memref<2x1024x128xf32, #tpu.memory_space<vmem>>, %arg5: memref<128x128xf32, #tpu.memory_space<vmem>>, %arg6: memref<128x128xf32, #tpu.memory_space<vmem>>, %arg7: memref<1x128xf32, #tpu.memory_space<vmem>>, %arg8: memref<128x128xf32, #tpu.memory_space<vmem>>, %arg9: memref<1x128xf32, #tpu.memory_space<vmem>>, %arg10: memref<128x128xf32, #tpu.memory_space<vmem>>, %arg11: memref<128x128xf32, #tpu.memory_space<vmem>>, %arg12: memref<1x128xf32, #tpu.memory_space<vmem>>, %arg13: memref<128x128xf32, #tpu.memory_space<vmem>>, %arg14: memref<1024x128xf32, #tpu.memory_space<vmem>>, %arg15: memref<1024x128xf32, #tpu.memory_space<vmem>>, %arg16: memref<128x128xf32, #tpu.memory_space<vmem>>, %arg17: memref<128x128xf32, #tpu.memory_space<vmem>>) attributes {dimension_semantics = [#tpu.dimension_semantics<arbitrary>], iteration_bounds = array<i64: 10>, scalar_prefetch = 0 : i64, scratch_operands = 1 : i64, tpu.core_type = #tpu.core_type<tc>, window_params = [{transform_indices = @transform_0, window_bounds = array<i64: 1024, 128>}, {transform_indices = @transform_1, window_bounds = array<i64: 1024, 2>}, {transform_indices = @transform_2, window_bounds = array<i64: 1024, 128>}, {transform_indices = @transform_3, window_bounds = array<i64: 2, 1024, 128>}, {pipeline_mode = #tpu.pipeline_mode<synchronous>, transform_indices = @transform_4, window_bounds = array<i64: 128, 128>}, {pipeline_mode = #tpu.pipeline_mode<synchronous>, transform_indices = @transform_5, window_bounds = array<i64: 128, 128>}, {pipeline_mode = #tpu.pipeline_mode<synchronous>, transform_indices = @transform_6, window_bounds = array<i64: 1, 128>}, {pipeline_mode = #tpu.pipeline_mode<synchronous>, transform_indices = @transform_7, window_bounds = array<i64: 128, 128>}, {pipeline_mode = #tpu.pipeline_mode<synchronous>, transform_indices = @transform_8, window_bounds = array<i64: 1, 128>}, {pipeline_mode = #tpu.pipeline_mode<synchronous>, transform_indices = @transform_9, window_bounds = array<i64: 128, 128>}, {pipeline_mode = #tpu.pipeline_mode<synchronous>, transform_indices = @transform_10, window_bounds = array<i64: 128, 128>}, {pipeline_mode = #tpu.pipeline_mode<synchronous>, transform_indices = @transform_11, window_bounds = array<i64: 1, 128>}, {pipeline_mode = #tpu.pipeline_mode<synchronous>, transform_indices = @transform_12, window_bounds = array<i64: 128, 128>}, {transform_indices = @transform_13, window_bounds = array<i64: 1024, 128>}, {transform_indices = @transform_14, window_bounds = array<i64: 1024, 128>}, {pipeline_mode = #tpu.pipeline_mode<synchronous>, transform_indices = @transform_15, window_bounds = array<i64: 128, 128>}]} {
    %get3A = arith.constant 0 : index
    %get3A_0 = arith.constant 0 : index
    %get3A_1 = vector.load %arg1[%get3A, %get3A_0] : memref<1024x128xf32, #tpu.memory_space<vmem>>, vector<1024x128xf32>
    %get3A_2 = arith.constant 0 : index
    %get3A_3 = arith.constant 0 : index
    %get3A_4 = vector.load %arg2[%get3A_2, %get3A_3] : memref<1024x2xf32, #tpu.memory_space<vmem>>, vector<1024x2xf32>
    %slice3A = vector.extract_strided_slice %get3A_4 {offsets = [0, 0], sizes = [1024, 1], strides = [1, 1]} : vector<1024x2xf32> to vector<1024x1xf32>
    %slice3A_5 = vector.extract_strided_slice %get3A_4 {offsets = [0, 1], sizes = [1024, 1], strides = [1, 1]} : vector<1024x2xf32> to vector<1024x1xf32>
    %add3A = arith.addf %slice3A, %slice3A_5 : vector<1024x1xf32>
    %add3A_6 = arith.constant 1.000000e+00 : f32
    %add3A_7 = vector.broadcast %add3A_6 : f32 to vector<1024x1xf32>
    %add3A_8 = arith.addf %add3A, %add3A_7 : vector<1024x1xf32>
    %rsqrt3A = math.rsqrt %add3A_8 : vector<1024x1xf32>
    %get3A_9 = arith.constant 0 : index
    %get3A_10 = arith.constant 0 : index
    %get3A_11 = vector.load %arg3[%get3A_9, %get3A_10] : memref<1024x128xf32, #tpu.memory_space<vmem>>, vector<1024x128xf32>
    %get3A_12 = arith.constant 0 : index
    %get3A_13 = arith.constant 0 : index
    %get3A_14 = arith.constant 0 : index
    %get3A_15 = vector.load %arg4[%get3A_12, %get3A_13, %get3A_14] : memref<2x1024x128xf32, #tpu.memory_space<vmem>>, vector<2x1024x128xf32>
    %slice3A_16 = vector.extract_strided_slice %get3A_15 {offsets = [0, 0, 0], sizes = [1, 1024, 128], strides = [1, 1, 1]} : vector<2x1024x128xf32> to vector<1x1024x128xf32>
    %squeeze3A = vector.shape_cast %slice3A_16 : vector<1x1024x128xf32> to vector<1024x128xf32>
    %slice3A_17 = vector.extract_strided_slice %get3A_15 {offsets = [1, 0, 0], sizes = [1, 1024, 128], strides = [1, 1, 1]} : vector<2x1024x128xf32> to vector<1x1024x128xf32>
    %squeeze3A_18 = vector.shape_cast %slice3A_17 : vector<1x1024x128xf32> to vector<1024x128xf32>
    %add3A_19 = arith.addf %squeeze3A, %squeeze3A_18 : vector<1024x128xf32>
    %get3A_20 = arith.constant 0 : index
    %get3A_21 = arith.constant 0 : index
    %get3A_22 = vector.load %arg5[%get3A_20, %get3A_21] : memref<128x128xf32, #tpu.memory_space<vmem>>, vector<128x128xf32>
    %mul3A = vector.broadcast %rsqrt3A : vector<1024x1xf32> to vector<1024x128xf32>
    %mul3A_23 = arith.mulf %mul3A, %get3A_1 : vector<1024x128xf32>
    %mul3A_24 = arith.mulf %rsqrt3A, %rsqrt3A : vector<1024x1xf32>
    %mul3A_25 = vector.broadcast %mul3A_24 : vector<1024x1xf32> to vector<1024x128xf32>
    %mul3A_26 = arith.mulf %mul3A_25, %get3A_11 : vector<1024x128xf32>
    %add3A_27 = arith.addf %mul3A_23, %mul3A_26 : vector<1024x128xf32>
    %get3A_28 = arith.constant 0 : index
    %get3A_29 = arith.constant 0 : index
    %get3A_30 = vector.load %arg6[%get3A_28, %get3A_29] : memref<128x128xf32, #tpu.memory_space<vmem>>, vector<128x128xf32>
    %dot_general3A = arith.constant dense<0.000000e+00> : vector<1024x128xf32>
    %dot_general3A_31 = tpu.matmul %add3A_27, %get3A_30, %dot_general3A {dimension_numbers = #tpu.dot_dimension_numbers<[1], [0], [0], [1], [0, 0, 1, 1], [], []>, transpose_lhs_hint = false} : vector<1024x128xf32>, vector<128x128xf32>, vector<1024x128xf32> -> vector<1024x128xf32>
    %get3A_32 = arith.constant 0 : index
    %get3A_33 = arith.constant 0 : index
    %get3A_34 = vector.load %arg7[%get3A_32, %get3A_33] : memref<1x128xf32, #tpu.memory_space<vmem>>, vector<1x128xf32>
    %add3A_35 = vector.broadcast %get3A_34 : vector<1x128xf32> to vector<1024x128xf32>
    %add3A_36 = arith.addf %dot_general3A_31, %add3A_35 : vector<1024x128xf32>
    %dot_general3A_37 = arith.constant dense<0.000000e+00> : vector<1024x128xf32>
    %dot_general3A_38 = tpu.matmul %add3A_19, %get3A_22, %dot_general3A_37 {dimension_numbers = #tpu.dot_dimension_numbers<[1], [0], [0], [1], [0, 0, 1, 1], [], []>, transpose_lhs_hint = false} : vector<1024x128xf32>, vector<128x128xf32>, vector<1024x128xf32> -> vector<1024x128xf32>
    %get3A_39 = arith.constant 0 : index
    %get3A_40 = arith.constant 0 : index
    %get3A_41 = vector.load %arg8[%get3A_39, %get3A_40] : memref<128x128xf32, #tpu.memory_space<vmem>>, vector<128x128xf32>
    %dot_general3A_42 = arith.constant dense<0.000000e+00> : vector<1024x128xf32>
    %dot_general3A_43 = tpu.matmul %dot_general3A_38, %get3A_41, %dot_general3A_42 {dimension_numbers = #tpu.dot_dimension_numbers<[1], [0], [0], [1], [0, 0, 1, 1], [], []>, transpose_lhs_hint = false} : vector<1024x128xf32>, vector<128x128xf32>, vector<1024x128xf32> -> vector<1024x128xf32>
    %get3A_44 = arith.constant 0 : index
    %get3A_45 = arith.constant 0 : index
    %get3A_46 = vector.load %arg9[%get3A_44, %get3A_45] : memref<1x128xf32, #tpu.memory_space<vmem>>, vector<1x128xf32>
    %add3A_47 = vector.broadcast %get3A_46 : vector<1x128xf32> to vector<1024x128xf32>
    %add3A_48 = arith.addf %dot_general3A_43, %add3A_47 : vector<1024x128xf32>
    %get3A_49 = arith.constant 0 : index
    %get3A_50 = arith.constant 0 : index
    %get3A_51 = vector.load %arg10[%get3A_49, %get3A_50] : memref<128x128xf32, #tpu.memory_space<vmem>>, vector<128x128xf32>
    %dot_general3A_52 = arith.constant dense<0.000000e+00> : vector<1024x128xf32>
    %dot_general3A_53 = tpu.matmul %get3A_11, %get3A_51, %dot_general3A_52 {dimension_numbers = #tpu.dot_dimension_numbers<[1], [0], [0], [1], [0, 0, 1, 1], [], []>, transpose_lhs_hint = false} : vector<1024x128xf32>, vector<128x128xf32>, vector<1024x128xf32> -> vector<1024x128xf32>
    %add3A_54 = arith.addf %add3A_48, %dot_general3A_53 : vector<1024x128xf32>
    %add3A_55 = arith.addf %add3A_36, %add3A_54 : vector<1024x128xf32>
    %mul3A_56 = arith.constant 5.000000e-01 : f32
    %mul3A_57 = vector.broadcast %mul3A_56 : f32 to vector<1024x128xf32>
    %mul3A_58 = arith.mulf %mul3A_57, %add3A_55 : vector<1024x128xf32>
    %max3A = arith.constant 0.000000e+00 : f32
    %max3A_59 = vector.broadcast %max3A : f32 to vector<1024x128xf32>
    %max3A_60 = arith.maximumf %mul3A_58, %max3A_59 : vector<1024x128xf32>
    %iota3A = tpu.iota {dimensions = array<i32: 0>} : vector<1024x1xi32>
    %mul3A_61 = arith.constant 1024 : i32
    %mul3A_62 = arith.muli %arg0, %mul3A_61 : i32
    %add3A_63 = vector.broadcast %mul3A_62 : i32 to vector<1024x1xi32>
    %add3A_64 = arith.addi %iota3A, %add3A_63 : vector<1024x1xi32>
    %lt3A = arith.constant 10000 : i32
    %lt3A_65 = vector.broadcast %lt3A : i32 to vector<1024x1xi32>
    %lt3A_66 = arith.cmpi slt, %add3A_64, %lt3A_65 : vector<1024x1xi32>
    %jit3A = arith.constant 0.000000e+00 : f32
    %broadcast_in_dim3A = vector.shape_cast %lt3A_66 : vector<1024x1xi1> to vector<1024x1xi1>
    %broadcast_in_dim3A_67 = vector.broadcast %broadcast_in_dim3A : vector<1024x1xi1> to vector<1024x128xi1>
    %broadcast_in_dim3A_68 = vector.broadcast %jit3A : f32 to vector<1024x128xf32>
    %select_n3A = arith.select %broadcast_in_dim3A_67, %max3A_60, %broadcast_in_dim3A_68 : vector<1024x128xi1>, vector<1024x128xf32>
    %swap3A = arith.constant 0 : index
    %swap3A_69 = arith.constant 0 : index
    %swap3A_70 = vector.load %arg14[%swap3A, %swap3A_69] : memref<1024x128xf32, #tpu.memory_space<vmem>>, vector<1024x128xf32>
    tpu.vector_store %arg14[%swap3A, %swap3A_69], %select_n3A {strides = array<i32>} : memref<1024x128xf32, #tpu.memory_space<vmem>>, vector<1024x128xf32>,
    %mul3A_71 = vector.broadcast %rsqrt3A : vector<1024x1xf32> to vector<1024x128xf32>
    %mul3A_72 = arith.mulf %select_n3A, %mul3A_71 : vector<1024x128xf32>
    %swap3A_73 = arith.constant 0 : index
    %swap3A_74 = arith.constant 0 : index
    %swap3A_75 = vector.load %arg15[%swap3A_73, %swap3A_74] : memref<1024x128xf32, #tpu.memory_space<vmem>>, vector<1024x128xf32>
    tpu.vector_store %arg15[%swap3A_73, %swap3A_74], %mul3A_72 {strides = array<i32>} : memref<1024x128xf32, #tpu.memory_space<vmem>>, vector<1024x128xf32>,
    %eq3A = arith.constant 0 : i32
    %eq3A_76 = arith.cmpi eq, %arg0, %eq3A : i32
    %convert_element_type3A = arith.extui %eq3A_76 : i1 to i32
    %cond3A = arith.constant 0 : i32
    %cond3A_77 = arith.cmpi ne, %convert_element_type3A, %cond3A : i32
    scf.if %cond3A_77 {
      %broadcast_in_dim3A_92 = arith.constant 0.000000e+00 : f32
      %broadcast_in_dim3A_93 = vector.broadcast %broadcast_in_dim3A_92 : f32 to vector<128x128xf32>
      %swap3A_94 = arith.constant 0 : index
      %swap3A_95 = arith.constant 0 : index
      %swap3A_96 = vector.load %arg17[%swap3A_94, %swap3A_95] : memref<128x128xf32, #tpu.memory_space<vmem>>, vector<128x128xf32>
      tpu.vector_store %arg17[%swap3A_94, %swap3A_95], %broadcast_in_dim3A_93 {strides = array<i32>} : memref<128x128xf32, #tpu.memory_space<vmem>>, vector<128x128xf32>,
    } else {
    }
    %get3A_78 = arith.constant 0 : index
    %get3A_79 = arith.constant 0 : index
    %get3A_80 = vector.load %arg17[%get3A_78, %get3A_79] : memref<128x128xf32, #tpu.memory_space<vmem>>, vector<128x128xf32>
    %dot_general3A_81 = arith.constant dense<0.000000e+00> : vector<128x128xf32>
    %dot_general3A_82 = tpu.matmul %add3A_19, %get3A_11, %dot_general3A_81 {dimension_numbers = #tpu.dot_dimension_numbers<[0], [0], [1], [1], [0, 1, 1, 1], [], []>, transpose_lhs_hint = false} : vector<1024x128xf32>, vector<1024x128xf32>, vector<128x128xf32> -> vector<128x128xf32>
    %add3A_83 = arith.addf %get3A_80, %dot_general3A_82 : vector<128x128xf32>
    %swap3A_84 = arith.constant 0 : index
    %swap3A_85 = arith.constant 0 : index
    %swap3A_86 = vector.load %arg17[%swap3A_84, %swap3A_85] : memref<128x128xf32, #tpu.memory_space<vmem>>, vector<128x128xf32>
    tpu.vector_store %arg17[%swap3A_84, %swap3A_85], %add3A_83 {strides = array<i32>} : memref<128x128xf32, #tpu.memory_space<vmem>>, vector<128x128xf32>,
    %eq3A_87 = arith.constant 9 : i32
    %eq3A_88 = arith.cmpi eq, %arg0, %eq3A_87 : i32
    %convert_element_type3A_89 = arith.extui %eq3A_88 : i1 to i32
    %cond3A_90 = arith.constant 0 : i32
    %cond3A_91 = arith.cmpi ne, %convert_element_type3A_89, %cond3A_90 : i32
    scf.if %cond3A_91 {
      %get3A_92 = arith.constant 0 : index
      %get3A_93 = arith.constant 0 : index
      %get3A_94 = vector.load %arg17[%get3A_92, %get3A_93] : memref<128x128xf32, #tpu.memory_space<vmem>>, vector<128x128xf32>
      %get3A_95 = arith.constant 0 : index
      %get3A_96 = arith.constant 0 : index
      %get3A_97 = vector.load %arg11[%get3A_95, %get3A_96] : memref<128x128xf32, #tpu.memory_space<vmem>>, vector<128x128xf32>
      %dot_general3A_98 = arith.constant dense<0.000000e+00> : vector<128x128xf32>
      %dot_general3A_99 = tpu.matmul %get3A_94, %get3A_97, %dot_general3A_98 {dimension_numbers = #tpu.dot_dimension_numbers<[1], [0], [0], [1], [0, 0, 1, 1], [], []>, transpose_lhs_hint = false} : vector<128x128xf32>, vector<128x128xf32>, vector<128x128xf32> -> vector<128x128xf32>
      %get3A_100 = arith.constant 0 : index
      %get3A_101 = arith.constant 0 : index
      %get3A_102 = vector.load %arg12[%get3A_100, %get3A_101] : memref<1x128xf32, #tpu.memory_space<vmem>>, vector<1x128xf32>
      %add3A_103 = vector.broadcast %get3A_102 : vector<1x128xf32> to vector<128x128xf32>
      %add3A_104 = arith.addf %dot_general3A_99, %add3A_103 : vector<128x128xf32>
      %get3A_105 = arith.constant 0 : index
      %get3A_106 = arith.constant 0 : index
      %get3A_107 = vector.load %arg13[%get3A_105, %get3A_106] : memref<128x128xf32, #tpu.memory_space<vmem>>, vector<128x128xf32>
      %dot_general3A_108 = arith.constant dense<0.000000e+00> : vector<128x128xf32>
      %dot_general3A_109 = tpu.matmul %get3A_22, %get3A_107, %dot_general3A_108 {dimension_numbers = #tpu.dot_dimension_numbers<[1], [0], [0], [1], [0, 0, 1, 1], [], []>, transpose_lhs_hint = false} : vector<128x128xf32>, vector<128x128xf32>, vector<128x128xf32> -> vector<128x128xf32>
      %add3A_110 = arith.addf %add3A_104, %dot_general3A_109 : vector<128x128xf32>
      %max3A_111 = arith.constant 0.000000e+00 : f32
      %max3A_112 = vector.broadcast %max3A_111 : f32 to vector<128x128xf32>
      %max3A_113 = arith.maximumf %add3A_110, %max3A_112 : vector<128x128xf32>
      %swap3A_114 = arith.constant 0 : index
      %swap3A_115 = arith.constant 0 : index
      %swap3A_116 = vector.load %arg16[%swap3A_114, %swap3A_115] : memref<128x128xf32, #tpu.memory_space<vmem>>, vector<128x128xf32>
      tpu.vector_store %arg16[%swap3A_114, %swap3A_115], %max3A_113 {strides = array<i32>} : memref<128x128xf32, #tpu.memory_space<vmem>>, vector<128x128xf32>,
    } else {
    }
    return
  }
  func.func @transform_0(%arg0: i32) -> (i32, i32) {
    %c0_i32 = arith.constant 0 : i32
    %c0_i32_0 = arith.constant 0 : i32
    return %arg0, %c0_i32 : i32, i32
  }
  func.func @transform_1(%arg0: i32) -> (i32, i32) {
    %c0_i32 = arith.constant 0 : i32
    %c0_i32_0 = arith.constant 0 : i32
    return %arg0, %c0_i32 : i32, i32
  }
  func.func @transform_2(%arg0: i32) -> (i32, i32) {
    %c0_i32 = arith.constant 0 : i32
    %c0_i32_0 = arith.constant 0 : i32
    return %arg0, %c0_i32 : i32, i32
  }
  func.func @transform_3(%arg0: i32) -> (i32, i32, i32) {
    %c0_i32 = arith.constant 0 : i32
    %c0_i32_0 = arith.constant 0 : i32
    %c0_i32_1 = arith.constant 0 : i32
    return %c0_i32, %arg0, %c0_i32_0 : i32, i32, i32
  }
  func.func @transform_4(%arg0: i32) -> (i32, i32) {
    %c0_i32 = arith.constant 0 : i32
    %c0_i32_0 = arith.constant 0 : i32
    %c0_i32_1 = arith.constant 0 : i32
    return %c0_i32, %c0_i32_0 : i32, i32
  }
  func.func @transform_5(%arg0: i32) -> (i32, i32) {
    %c0_i32 = arith.constant 0 : i32
    %c0_i32_0 = arith.constant 0 : i32
    %c0_i32_1 = arith.constant 0 : i32
    return %c0_i32, %c0_i32_0 : i32, i32
  }
  func.func @transform_6(%arg0: i32) -> (i32, i32) {
    %c0_i32 = arith.constant 0 : i32
    %c0_i32_0 = arith.constant 0 : i32
    %c0_i32_1 = arith.constant 0 : i32
    return %c0_i32, %c0_i32_0 : i32, i32
  }
  func.func @transform_7(%arg0: i32) -> (i32, i32) {
    %c0_i32 = arith.constant 0 : i32
    %c0_i32_0 = arith.constant 0 : i32
    %c0_i32_1 = arith.constant 0 : i32
    return %c0_i32, %c0_i32_0 : i32, i32
  }
  func.func @transform_8(%arg0: i32) -> (i32, i32) {
    %c0_i32 = arith.constant 0 : i32
    %c0_i32_0 = arith.constant 0 : i32
    %c0_i32_1 = arith.constant 0 : i32
    return %c0_i32, %c0_i32_0 : i32, i32
  }
  func.func @transform_9(%arg0: i32) -> (i32, i32) {
    %c0_i32 = arith.constant 0 : i32
    %c0_i32_0 = arith.constant 0 : i32
    %c0_i32_1 = arith.constant 0 : i32
    return %c0_i32, %c0_i32_0 : i32, i32
  }
  func.func @transform_10(%arg0: i32) -> (i32, i32) {
    %c0_i32 = arith.constant 0 : i32
    %c0_i32_0 = arith.constant 0 : i32
    %c0_i32_1 = arith.constant 0 : i32
    return %c0_i32, %c0_i32_0 : i32, i32
  }
  func.func @transform_11(%arg0: i32) -> (i32, i32) {
    %c0_i32 = arith.constant 0 : i32
    %c0_i32_0 = arith.constant 0 : i32
    %c0_i32_1 = arith.constant 0 : i32
    return %c0_i32, %c0_i32_0 : i32, i32
  }
  func.func @transform_12(%arg0: i32) -> (i32, i32) {
    %c0_i32 = arith.constant 0 : i32
    %c0_i32_0 = arith.constant 0 : i32
    %c0_i32_1 = arith.constant 0 : i32
    return %c0_i32, %c0_i32_0 : i32, i32
  }
  func.func @transform_13(%arg0: i32) -> (i32, i32) {
    %c0_i32 = arith.constant 0 : i32
    %c0_i32_0 = arith.constant 0 : i32
    return %arg0, %c0_i32 : i32, i32
  }
  func.func @transform_14(%arg0: i32) -> (i32, i32) {
    %c0_i32 = arith.constant 0 : i32
    %c0_i32_0 = arith.constant 0 : i32
    return %arg0, %c0_i32 : i32, i32
  }
  func.func @transform_15(%arg0: i32) -> (i32, i32) {
    %c0_i32 = arith.constant 0 : i32
    %c0_i32_0 = arith.constant 0 : i32
    %c0_i32_1 = arith.constant 0 : i32
    return %c0_i32, %c0_i32_0 : i32, i32
  }
}

module attributes {stable_mosaic.version = 14 : i64} {
  func.func @_tc_layer2_body(%arg0: i32, %arg1: memref<1024x128xf32, #tpu.memory_space<vmem>>, %arg2: memref<1024x2xf32, #tpu.memory_space<vmem>>, %arg3: memref<1024x128xf32, #tpu.memory_space<vmem>>, %arg4: memref<2x1024x128xf32, #tpu.memory_space<vmem>>, %arg5: memref<128x128xf32, #tpu.memory_space<vmem>>, %arg6: memref<128x64xf32, #tpu.memory_space<vmem>>, %arg7: memref<1x64xf32, #tpu.memory_space<vmem>>, %arg8: memref<128x64xf32, #tpu.memory_space<vmem>>, %arg9: memref<1x64xf32, #tpu.memory_space<vmem>>, %arg10: memref<128x64xf32, #tpu.memory_space<vmem>>, %arg11: memref<128x64xf32, #tpu.memory_space<vmem>>, %arg12: memref<1x64xf32, #tpu.memory_space<vmem>>, %arg13: memref<128x64xf32, #tpu.memory_space<vmem>>, %arg14: memref<1024x64xf32, #tpu.memory_space<vmem>>, %arg15: memref<128x64xf32, #tpu.memory_space<vmem>>, %arg16: memref<128x128xf32, #tpu.memory_space<vmem>>) attributes {dimension_semantics = [#tpu.dimension_semantics<arbitrary>], iteration_bounds = array<i64: 10>, scalar_prefetch = 0 : i64, scratch_operands = 1 : i64, tpu.core_type = #tpu.core_type<tc>, window_params = [{transform_indices = @transform_0, window_bounds = array<i64: 1024, 128>}, {transform_indices = @transform_1, window_bounds = array<i64: 1024, 2>}, {transform_indices = @transform_2, window_bounds = array<i64: 1024, 128>}, {transform_indices = @transform_3, window_bounds = array<i64: 2, 1024, 128>}, {pipeline_mode = #tpu.pipeline_mode<synchronous>, transform_indices = @transform_4, window_bounds = array<i64: 128, 128>}, {pipeline_mode = #tpu.pipeline_mode<synchronous>, transform_indices = @transform_5, window_bounds = array<i64: 128, 64>}, {pipeline_mode = #tpu.pipeline_mode<synchronous>, transform_indices = @transform_6, window_bounds = array<i64: 1, 64>}, {pipeline_mode = #tpu.pipeline_mode<synchronous>, transform_indices = @transform_7, window_bounds = array<i64: 128, 64>}, {pipeline_mode = #tpu.pipeline_mode<synchronous>, transform_indices = @transform_8, window_bounds = array<i64: 1, 64>}, {pipeline_mode = #tpu.pipeline_mode<synchronous>, transform_indices = @transform_9, window_bounds = array<i64: 128, 64>}, {pipeline_mode = #tpu.pipeline_mode<synchronous>, transform_indices = @transform_10, window_bounds = array<i64: 128, 64>}, {pipeline_mode = #tpu.pipeline_mode<synchronous>, transform_indices = @transform_11, window_bounds = array<i64: 1, 64>}, {pipeline_mode = #tpu.pipeline_mode<synchronous>, transform_indices = @transform_12, window_bounds = array<i64: 128, 64>}, {transform_indices = @transform_13, window_bounds = array<i64: 1024, 64>}, {pipeline_mode = #tpu.pipeline_mode<synchronous>, transform_indices = @transform_14, window_bounds = array<i64: 128, 64>}]} {
    %get3A = arith.constant 0 : index
    %get3A_0 = arith.constant 0 : index
    %get3A_1 = vector.load %arg1[%get3A, %get3A_0] : memref<1024x128xf32, #tpu.memory_space<vmem>>, vector<1024x128xf32>
    %get3A_2 = arith.constant 0 : index
    %get3A_3 = arith.constant 0 : index
    %get3A_4 = vector.load %arg2[%get3A_2, %get3A_3] : memref<1024x2xf32, #tpu.memory_space<vmem>>, vector<1024x2xf32>
    %slice3A = vector.extract_strided_slice %get3A_4 {offsets = [0, 0], sizes = [1024, 1], strides = [1, 1]} : vector<1024x2xf32> to vector<1024x1xf32>
    %slice3A_5 = vector.extract_strided_slice %get3A_4 {offsets = [0, 1], sizes = [1024, 1], strides = [1, 1]} : vector<1024x2xf32> to vector<1024x1xf32>
    %add3A = arith.addf %slice3A, %slice3A_5 : vector<1024x1xf32>
    %add3A_6 = arith.constant 1.000000e+00 : f32
    %add3A_7 = vector.broadcast %add3A_6 : f32 to vector<1024x1xf32>
    %add3A_8 = arith.addf %add3A, %add3A_7 : vector<1024x1xf32>
    %rsqrt3A = math.rsqrt %add3A_8 : vector<1024x1xf32>
    %get3A_9 = arith.constant 0 : index
    %get3A_10 = arith.constant 0 : index
    %get3A_11 = vector.load %arg3[%get3A_9, %get3A_10] : memref<1024x128xf32, #tpu.memory_space<vmem>>, vector<1024x128xf32>
    %get3A_12 = arith.constant 0 : index
    %get3A_13 = arith.constant 0 : index
    %get3A_14 = arith.constant 0 : index
    %get3A_15 = vector.load %arg4[%get3A_12, %get3A_13, %get3A_14] : memref<2x1024x128xf32, #tpu.memory_space<vmem>>, vector<2x1024x128xf32>
    %slice3A_16 = vector.extract_strided_slice %get3A_15 {offsets = [0, 0, 0], sizes = [1, 1024, 128], strides = [1, 1, 1]} : vector<2x1024x128xf32> to vector<1x1024x128xf32>
    %squeeze3A = vector.shape_cast %slice3A_16 : vector<1x1024x128xf32> to vector<1024x128xf32>
    %slice3A_17 = vector.extract_strided_slice %get3A_15 {offsets = [1, 0, 0], sizes = [1, 1024, 128], strides = [1, 1, 1]} : vector<2x1024x128xf32> to vector<1x1024x128xf32>
    %squeeze3A_18 = vector.shape_cast %slice3A_17 : vector<1x1024x128xf32> to vector<1024x128xf32>
    %add3A_19 = arith.addf %squeeze3A, %squeeze3A_18 : vector<1024x128xf32>
    %get3A_20 = arith.constant 0 : index
    %get3A_21 = arith.constant 0 : index
    %get3A_22 = vector.load %arg5[%get3A_20, %get3A_21] : memref<128x128xf32, #tpu.memory_space<vmem>>, vector<128x128xf32>
    %mul3A = vector.broadcast %rsqrt3A : vector<1024x1xf32> to vector<1024x128xf32>
    %mul3A_23 = arith.mulf %mul3A, %get3A_1 : vector<1024x128xf32>
    %mul3A_24 = arith.mulf %rsqrt3A, %rsqrt3A : vector<1024x1xf32>
    %mul3A_25 = vector.broadcast %mul3A_24 : vector<1024x1xf32> to vector<1024x128xf32>
    %mul3A_26 = arith.mulf %mul3A_25, %get3A_11 : vector<1024x128xf32>
    %add3A_27 = arith.addf %mul3A_23, %mul3A_26 : vector<1024x128xf32>
    %get3A_28 = arith.constant 0 : index
    %get3A_29 = arith.constant 0 : index
    %get3A_30 = vector.load %arg6[%get3A_28, %get3A_29] : memref<128x64xf32, #tpu.memory_space<vmem>>, vector<128x64xf32>
    %dot_general3A = arith.constant dense<0.000000e+00> : vector<1024x64xf32>
    %dot_general3A_31 = tpu.matmul %add3A_27, %get3A_30, %dot_general3A {dimension_numbers = #tpu.dot_dimension_numbers<[1], [0], [0], [1], [0, 0, 1, 1], [], []>, transpose_lhs_hint = false} : vector<1024x128xf32>, vector<128x64xf32>, vector<1024x64xf32> -> vector<1024x64xf32>
    %get3A_32 = arith.constant 0 : index
    %get3A_33 = arith.constant 0 : index
    %get3A_34 = vector.load %arg7[%get3A_32, %get3A_33] : memref<1x64xf32, #tpu.memory_space<vmem>>, vector<1x64xf32>
    %add3A_35 = vector.broadcast %get3A_34 : vector<1x64xf32> to vector<1024x64xf32>
    %add3A_36 = arith.addf %dot_general3A_31, %add3A_35 : vector<1024x64xf32>
    %dot_general3A_37 = arith.constant dense<0.000000e+00> : vector<1024x128xf32>
    %dot_general3A_38 = tpu.matmul %add3A_19, %get3A_22, %dot_general3A_37 {dimension_numbers = #tpu.dot_dimension_numbers<[1], [0], [0], [1], [0, 0, 1, 1], [], []>, transpose_lhs_hint = false} : vector<1024x128xf32>, vector<128x128xf32>, vector<1024x128xf32> -> vector<1024x128xf32>
    %get3A_39 = arith.constant 0 : index
    %get3A_40 = arith.constant 0 : index
    %get3A_41 = vector.load %arg8[%get3A_39, %get3A_40] : memref<128x64xf32, #tpu.memory_space<vmem>>, vector<128x64xf32>
    %dot_general3A_42 = arith.constant dense<0.000000e+00> : vector<1024x64xf32>
    %dot_general3A_43 = tpu.matmul %dot_general3A_38, %get3A_41, %dot_general3A_42 {dimension_numbers = #tpu.dot_dimension_numbers<[1], [0], [0], [1], [0, 0, 1, 1], [], []>, transpose_lhs_hint = false} : vector<1024x128xf32>, vector<128x64xf32>, vector<1024x64xf32> -> vector<1024x64xf32>
    %get3A_44 = arith.constant 0 : index
    %get3A_45 = arith.constant 0 : index
    %get3A_46 = vector.load %arg9[%get3A_44, %get3A_45] : memref<1x64xf32, #tpu.memory_space<vmem>>, vector<1x64xf32>
    %add3A_47 = vector.broadcast %get3A_46 : vector<1x64xf32> to vector<1024x64xf32>
    %add3A_48 = arith.addf %dot_general3A_43, %add3A_47 : vector<1024x64xf32>
    %get3A_49 = arith.constant 0 : index
    %get3A_50 = arith.constant 0 : index
    %get3A_51 = vector.load %arg10[%get3A_49, %get3A_50] : memref<128x64xf32, #tpu.memory_space<vmem>>, vector<128x64xf32>
    %dot_general3A_52 = arith.constant dense<0.000000e+00> : vector<1024x64xf32>
    %dot_general3A_53 = tpu.matmul %get3A_11, %get3A_51, %dot_general3A_52 {dimension_numbers = #tpu.dot_dimension_numbers<[1], [0], [0], [1], [0, 0, 1, 1], [], []>, transpose_lhs_hint = false} : vector<1024x128xf32>, vector<128x64xf32>, vector<1024x64xf32> -> vector<1024x64xf32>
    %add3A_54 = arith.addf %add3A_48, %dot_general3A_53 : vector<1024x64xf32>
    %add3A_55 = arith.addf %add3A_36, %add3A_54 : vector<1024x64xf32>
    %mul3A_56 = arith.constant 5.000000e-01 : f32
    %mul3A_57 = vector.broadcast %mul3A_56 : f32 to vector<1024x64xf32>
    %mul3A_58 = arith.mulf %mul3A_57, %add3A_55 : vector<1024x64xf32>
    %swap3A = arith.constant 0 : index
    %swap3A_59 = arith.constant 0 : index
    %swap3A_60 = vector.load %arg14[%swap3A, %swap3A_59] : memref<1024x64xf32, #tpu.memory_space<vmem>>, vector<1024x64xf32>
    tpu.vector_store %arg14[%swap3A, %swap3A_59], %mul3A_58 {strides = array<i32>} : memref<1024x64xf32, #tpu.memory_space<vmem>>, vector<1024x64xf32>,
    %eq3A = arith.constant 0 : i32
    %eq3A_61 = arith.cmpi eq, %arg0, %eq3A : i32
    %convert_element_type3A = arith.extui %eq3A_61 : i1 to i32
    %cond3A = arith.constant 0 : i32
    %cond3A_62 = arith.cmpi ne, %convert_element_type3A, %cond3A : i32
    scf.if %cond3A_62 {
      %broadcast_in_dim3A = arith.constant 0.000000e+00 : f32
      %broadcast_in_dim3A_77 = vector.broadcast %broadcast_in_dim3A : f32 to vector<128x128xf32>
      %swap3A_78 = arith.constant 0 : index
      %swap3A_79 = arith.constant 0 : index
      %swap3A_80 = vector.load %arg16[%swap3A_78, %swap3A_79] : memref<128x128xf32, #tpu.memory_space<vmem>>, vector<128x128xf32>
      tpu.vector_store %arg16[%swap3A_78, %swap3A_79], %broadcast_in_dim3A_77 {strides = array<i32>} : memref<128x128xf32, #tpu.memory_space<vmem>>, vector<128x128xf32>,
    } else {
    }
    %get3A_63 = arith.constant 0 : index
    %get3A_64 = arith.constant 0 : index
    %get3A_65 = vector.load %arg16[%get3A_63, %get3A_64] : memref<128x128xf32, #tpu.memory_space<vmem>>, vector<128x128xf32>
    %dot_general3A_66 = arith.constant dense<0.000000e+00> : vector<128x128xf32>
    %dot_general3A_67 = tpu.matmul %add3A_19, %get3A_11, %dot_general3A_66 {dimension_numbers = #tpu.dot_dimension_numbers<[0], [0], [1], [1], [0, 1, 1, 1], [], []>, transpose_lhs_hint = false} : vector<1024x128xf32>, vector<1024x128xf32>, vector<128x128xf32> -> vector<128x128xf32>
    %add3A_68 = arith.addf %get3A_65, %dot_general3A_67 : vector<128x128xf32>
    %swap3A_69 = arith.constant 0 : index
    %swap3A_70 = arith.constant 0 : index
    %swap3A_71 = vector.load %arg16[%swap3A_69, %swap3A_70] : memref<128x128xf32, #tpu.memory_space<vmem>>, vector<128x128xf32>
    tpu.vector_store %arg16[%swap3A_69, %swap3A_70], %add3A_68 {strides = array<i32>} : memref<128x128xf32, #tpu.memory_space<vmem>>, vector<128x128xf32>,
    %eq3A_72 = arith.constant 9 : i32
    %eq3A_73 = arith.cmpi eq, %arg0, %eq3A_72 : i32
    %convert_element_type3A_74 = arith.extui %eq3A_73 : i1 to i32
    %cond3A_75 = arith.constant 0 : i32
    %cond3A_76 = arith.cmpi ne, %convert_element_type3A_74, %cond3A_75 : i32
    scf.if %cond3A_76 {
      %get3A_77 = arith.constant 0 : index
      %get3A_78 = arith.constant 0 : index
      %get3A_79 = vector.load %arg16[%get3A_77, %get3A_78] : memref<128x128xf32, #tpu.memory_space<vmem>>, vector<128x128xf32>
      %get3A_80 = arith.constant 0 : index
      %get3A_81 = arith.constant 0 : index
      %get3A_82 = vector.load %arg11[%get3A_80, %get3A_81] : memref<128x64xf32, #tpu.memory_space<vmem>>, vector<128x64xf32>
      %dot_general3A_83 = arith.constant dense<0.000000e+00> : vector<128x64xf32>
      %dot_general3A_84 = tpu.matmul %get3A_79, %get3A_82, %dot_general3A_83 {dimension_numbers = #tpu.dot_dimension_numbers<[1], [0], [0], [1], [0, 0, 1, 1], [], []>, transpose_lhs_hint = false} : vector<128x128xf32>, vector<128x64xf32>, vector<128x64xf32> -> vector<128x64xf32>
      %get3A_85 = arith.constant 0 : index
      %get3A_86 = arith.constant 0 : index
      %get3A_87 = vector.load %arg12[%get3A_85, %get3A_86] : memref<1x64xf32, #tpu.memory_space<vmem>>, vector<1x64xf32>
      %add3A_88 = vector.broadcast %get3A_87 : vector<1x64xf32> to vector<128x64xf32>
      %add3A_89 = arith.addf %dot_general3A_84, %add3A_88 : vector<128x64xf32>
      %get3A_90 = arith.constant 0 : index
      %get3A_91 = arith.constant 0 : index
      %get3A_92 = vector.load %arg13[%get3A_90, %get3A_91] : memref<128x64xf32, #tpu.memory_space<vmem>>, vector<128x64xf32>
      %dot_general3A_93 = arith.constant dense<0.000000e+00> : vector<128x64xf32>
      %dot_general3A_94 = tpu.matmul %get3A_22, %get3A_92, %dot_general3A_93 {dimension_numbers = #tpu.dot_dimension_numbers<[1], [0], [0], [1], [0, 0, 1, 1], [], []>, transpose_lhs_hint = false} : vector<128x128xf32>, vector<128x64xf32>, vector<128x64xf32> -> vector<128x64xf32>
      %add3A_95 = arith.addf %add3A_89, %dot_general3A_94 : vector<128x64xf32>
      %swap3A_96 = arith.constant 0 : index
      %swap3A_97 = arith.constant 0 : index
      %swap3A_98 = vector.load %arg15[%swap3A_96, %swap3A_97] : memref<128x64xf32, #tpu.memory_space<vmem>>, vector<128x64xf32>
      tpu.vector_store %arg15[%swap3A_96, %swap3A_97], %add3A_95 {strides = array<i32>} : memref<128x64xf32, #tpu.memory_space<vmem>>, vector<128x64xf32>,
    } else {
    }
    return
  }
  func.func @transform_0(%arg0: i32) -> (i32, i32) {
    %c0_i32 = arith.constant 0 : i32
    %c0_i32_0 = arith.constant 0 : i32
    return %arg0, %c0_i32 : i32, i32
  }
  func.func @transform_1(%arg0: i32) -> (i32, i32) {
    %c0_i32 = arith.constant 0 : i32
    %c0_i32_0 = arith.constant 0 : i32
    return %arg0, %c0_i32 : i32, i32
  }
  func.func @transform_2(%arg0: i32) -> (i32, i32) {
    %c0_i32 = arith.constant 0 : i32
    %c0_i32_0 = arith.constant 0 : i32
    return %arg0, %c0_i32 : i32, i32
  }
  func.func @transform_3(%arg0: i32) -> (i32, i32, i32) {
    %c0_i32 = arith.constant 0 : i32
    %c0_i32_0 = arith.constant 0 : i32
    %c0_i32_1 = arith.constant 0 : i32
    return %c0_i32, %arg0, %c0_i32_0 : i32, i32, i32
  }
  func.func @transform_4(%arg0: i32) -> (i32, i32) {
    %c0_i32 = arith.constant 0 : i32
    %c0_i32_0 = arith.constant 0 : i32
    %c0_i32_1 = arith.constant 0 : i32
    return %c0_i32, %c0_i32_0 : i32, i32
  }
  func.func @transform_5(%arg0: i32) -> (i32, i32) {
    %c0_i32 = arith.constant 0 : i32
    %c0_i32_0 = arith.constant 0 : i32
    %c0_i32_1 = arith.constant 0 : i32
    return %c0_i32, %c0_i32_0 : i32, i32
  }
  func.func @transform_6(%arg0: i32) -> (i32, i32) {
    %c0_i32 = arith.constant 0 : i32
    %c0_i32_0 = arith.constant 0 : i32
    %c0_i32_1 = arith.constant 0 : i32
    return %c0_i32, %c0_i32_0 : i32, i32
  }
  func.func @transform_7(%arg0: i32) -> (i32, i32) {
    %c0_i32 = arith.constant 0 : i32
    %c0_i32_0 = arith.constant 0 : i32
    %c0_i32_1 = arith.constant 0 : i32
    return %c0_i32, %c0_i32_0 : i32, i32
  }
  func.func @transform_8(%arg0: i32) -> (i32, i32) {
    %c0_i32 = arith.constant 0 : i32
    %c0_i32_0 = arith.constant 0 : i32
    %c0_i32_1 = arith.constant 0 : i32
    return %c0_i32, %c0_i32_0 : i32, i32
  }
  func.func @transform_9(%arg0: i32) -> (i32, i32) {
    %c0_i32 = arith.constant 0 : i32
    %c0_i32_0 = arith.constant 0 : i32
    %c0_i32_1 = arith.constant 0 : i32
    return %c0_i32, %c0_i32_0 : i32, i32
  }
  func.func @transform_10(%arg0: i32) -> (i32, i32) {
    %c0_i32 = arith.constant 0 : i32
    %c0_i32_0 = arith.constant 0 : i32
    %c0_i32_1 = arith.constant 0 : i32
    return %c0_i32, %c0_i32_0 : i32, i32
  }
  func.func @transform_11(%arg0: i32) -> (i32, i32) {
    %c0_i32 = arith.constant 0 : i32
    %c0_i32_0 = arith.constant 0 : i32
    %c0_i32_1 = arith.constant 0 : i32
    return %c0_i32, %c0_i32_0 : i32, i32
  }
  func.func @transform_12(%arg0: i32) -> (i32, i32) {
    %c0_i32 = arith.constant 0 : i32
    %c0_i32_0 = arith.constant 0 : i32
    %c0_i32_1 = arith.constant 0 : i32
    return %c0_i32, %c0_i32_0 : i32, i32
  }
  func.func @transform_13(%arg0: i32) -> (i32, i32) {
    %c0_i32 = arith.constant 0 : i32
    %c0_i32_0 = arith.constant 0 : i32
    return %arg0, %c0_i32 : i32, i32
  }
  func.func @transform_14(%arg0: i32) -> (i32, i32) {
    %c0_i32 = arith.constant 0 : i32
    %c0_i32_0 = arith.constant 0 : i32
    %c0_i32_1 = arith.constant 0 : i32
    return %c0_i32, %c0_i32_0 : i32, i32
  }
}

</mosaic_0001>

<sc_bundles>
// kernel: kernel.11.cloned.1.call-start
scs
__scs_entry_jumppad:
0x0: {  	(pc) =	sbr.rel $0x88, $3  }
0x1: {  	(tag) =	ssettag $0x0;
	lr =	simm.s32 $0x1  }
0x2: {  	[smem:$0x3F8C] =	sst lr;
	_ =	strace $0xD0000000  }
0x3: {  	_ = 	snop  }
0x4: {  	_ = 	snop  }
0x5: {  	_ = 	snop  }
0x6: {  	_ = 	snop  }
0x7: {  	_ = 	snop  }
__scs_overlays_trampoline_lowered:
0x8: {  	[smem:$0x3F9B] =	sst s0  }
0x9: {  	[smem:$0x3F9C] =	sst s1  }
0xa: {  	[smem:$0x3F9D] =	sst s2  }
0xb: {  	[smem:$0x3F9E] =	sst s3  }
0xc: {  	[smem:$0x3F9F] =	sst s4  }
0xd: {  	[smem:$0x3FA0] =	sst s5  }
0xe: {  	[smem:$0x3FA1] =	sst s6  }
0xf: {  	[smem:$0x3FA2] =	sst s7  }
0x10: {  	[smem:$0x3FA3] =	sst s8  }
0x11: {  	[smem:$0x3FA4] =	sst s9;
	s0 =	simm.s32 @!p0 $0x0  }
0x12: {  	s1 =	sld [smem:$0x3F8A];
	s0 =	simm.s32 @p0 $0x1  }
0x13: {  	[smem:$0x3FA5] =	sst s0;
	s0 =	simm.s32 @!p1 $0x0  }
0x14: {  	s2 =	sld [smem:$0x3F89];
	s0 =	simm.s32 @p1 $0x1  }
0x15: {  	[smem:$0x3FA6] =	sst s0;
	s0 =	simm.s32 @!p2 $0x0  }
0x16: {  	s3 =	sld [smem:$0x3FDB];
	s0 =	simm.s32 @p2 $0x1  }
0x17: {  	s4 =	simm.s32 $0x1BF5;
	[smem:$0x3FA8] =	sst s0  }
0x18: {  	s0 =	sld [smem:$0x3F8B];
	_ =	swait.ge [sflag:s4], $0x0  }
0x19: {  	s7 =	sld [smem:$0x3F8C]  }
0x1a: {  	s8 =	sadd.s32 $0xFFFFE003, lr  }
0x1b: {  	s9 =	sadd.s32 $0xFFFFFEF7, lr;
	s5 =	simm.s32 $0xFFFFFFFF;
	p2 =	slt.u32 s8, $0xFFFFF086  }
0x1c: {  	p1 =	slt.u32 s9, $0xF7A;
	s5 =	simm.s32 @!p2 $0x0  }
0x1d: {  	s5 =	simm.s32 @p1 $0x1;
	p0 =	seq.s32 s7, s2  }
0x1e: {  	s7 =	smul.u32 @!p0 $0xF7A, s2;
	p2 =	seq.s32 @!p0 s5, $0x0  }
0x1f: {  	s9 =	smul.u32 $0xF7A, s1;
	s8 =	simm.s32 @!p0 $0x1BF5;
	p2 =	por !p2, p0  }
0x20: {  	[sflag:s8] =	ssyncset.s32 @!p0 $0xFFFFF086;
	s6 =	sadd.s32 @!p0 s3, s7;
	s7 =	simm.s32 @!p0 $0x108  }
0x21: {  	s3 =	sadd.s32 s3, s9;
	s6 =	sadd.s32 @!p0 $0x88, s6;
	s7 =	simm.s32 @p2 $0x1082  }
0x22: {  	[simem:s7], [sflag:s8] =	dma.local @!p0 [hbm:s6], $0xF7A  }
0x23: {  	s9 =	sor.u32 $0xD0000000, s2;
	s6 =	simm.s32 $0x108;
	_ =	swait.ge @!p0 [sflag:s8], $0x0  }
0x24: {  	s3 =	sadd.s32 $0x88, s3;
	s6 =	simm.s32 @!p1 $0x1082;
	[sflag:s4] =	ssyncset.s32 $0xFFFFF086  }
0x25: {  	[simem:s6], [sflag:s4] =	dma.local [hbm:s3], $0xF7A  }
0x26: {  	[smem:$0x3F8C] =	sst s1;
	(tag) =	ssettag s2;
	_ =	strace s9  }
0x27: {  	s1 =	sld [smem:$0x3F9C]  }
0x28: {  	s2 =	sld [smem:$0x3F9D]  }
0x29: {  	s4 =	sld [smem:$0x3F9F]  }
0x2a: {  	p0 =	seq.s32 s5, $0x0;
	s5 =	sld [smem:$0x3FA0]  }
0x2b: {  	s6 =	sld [smem:$0x3FA1]  }
0x2c: {  	s7 =	sld [smem:$0x3FA2]  }
0x2d: {  	s3 =	simm.s32 $0x108;
	s8 =	sld [smem:$0x3FA3]  }
0x2e: {  	s3 =	simm.s32 @!p0 $0x1082;
	s9 =	sld [smem:$0x3FA4]  }
0x2f: {  	lr =	sadd.s32 s0, s3;
	s0 =	sld [smem:$0x3F9B]  }
0x30: {  	s3 =	sld [smem:$0x3F9E]  }
0x31: {  	[smem:$0x3FA7] =	sst s10  }
0x32: {  	s10 =	sld [smem:$0x3FA5];
	_ =	sdelay $0x3  }
0x33: {  	p0 =	seq.s32 s10, $0x1;
	s10 =	sld [smem:$0x3FA7];
	_ =	sdelay $0x3  }
0x34: {  	[smem:$0x3FA7] =	sst s10  }
0x35: {  	s10 =	sld [smem:$0x3FA6];
	_ =	sdelay $0x3  }
0x36: {  	p1 =	seq.s32 s10, $0x1;
	s10 =	sld [smem:$0x3FA7];
	_ =	sdelay $0x3  }
0x37: {  	[smem:$0x3FA7] =	sst s10  }
0x38: {  	s10 =	sld [smem:$0x3FA8]  }
0x39: {  	_ = 	snop;
	(pc) =	sbr.ind lr, $3  }
0x3a: {  	_ = 	snop  }
0x3b: {  	_ = 	snop  }
0x3c: {  	p2 =	seq.s32 s10, $0x1;
	s10 =	sld [smem:$0x3FA7]  }
0x3d: {  	_ =	shalt  }
0x3e: {  	_ =	shalt  }
0x3f: {  	_ =	shalt  }
0x40: {  	_ =	shalt  }
0x41: {  	_ =	shalt  }
0x42: {  	_ =	shalt  }
0x43: {  	_ =	shalt  }
0x44: {  	_ =	shalt  }
0x45: {  	_ =	shalt  }
0x46: {  	_ =	shalt  }
0x47: {  	_ =	shalt  }
0x48: {  	_ =	shalt  }
0x49: {  	_ =	shalt  }
0x4a: {  	_ =	shalt  }
0x4b: {  	_ =	shalt  }
0x4c: {  	_ =	shalt  }
0x4d: {  	_ =	shalt  }
0x4e: {  	_ =	shalt  }
0x4f: {  	_ =	shalt  }
0x50: {  	_ =	shalt  }
0x51: {  	_ =	shalt  }
0x52: {  	_ =	shalt  }
0x53: {  	_ =	shalt  }
0x54: {  	_ =	shalt  }
0x55: {  	_ =	shalt  }
0x56: {  	_ =	shalt  }
0x57: {  	_ =	shalt  }
0x58: {  	_ =	shalt  }
0x59: {  	_ =	shalt  }
0x5a: {  	_ =	shalt  }
0x5b: {  	_ =	shalt  }
0x5c: {  	_ =	shalt  }
0x5d: {  	_ =	shalt  }
0x5e: {  	_ =	shalt  }
0x5f: {  	_ =	shalt  }
0x60: {  	_ =	shalt  }
0x61: {  	_ =	shalt  }
0x62: {  	_ =	shalt  }
0x63: {  	_ =	shalt  }
0x64: {  	_ =	shalt  }
0x65: {  	_ =	shalt  }
0x66: {  	_ =	shalt  }
0x67: {  	_ =	shalt  }
0x68: {  	_ =	shalt  }
0x69: {  	_ =	shalt  }
0x6a: {  	_ =	shalt  }
0x6b: {  	_ =	shalt  }
0x6c: {  	_ =	shalt  }
0x6d: {  	_ =	shalt  }
0x6e: {  	_ =	shalt  }
0x6f: {  	_ =	shalt  }
0x70: {  	_ =	shalt  }
0x71: {  	_ =	shalt  }
0x72: {  	_ =	shalt  }
0x73: {  	_ =	shalt  }
0x74: {  	_ =	shalt  }
0x75: {  	_ =	shalt  }
0x76: {  	_ =	shalt  }
0x77: {  	_ =	shalt  }
0x78: {  	_ =	shalt  }
0x79: {  	_ =	shalt  }
0x7a: {  	_ =	shalt  }
0x7b: {  	_ =	shalt  }
0x7c: {  	_ =	shalt  }
0x7d: {  	_ =	shalt  }
0x7e: {  	_ =	shalt  }
0x7f: {  	_ =	shalt  }
0x80: {  	_ =	shalt  }
0x81: {  	_ =	shalt  }
0x82: {  	_ =	shalt  }
0x83: {  	_ =	shalt  }
0x84: {  	_ =	shalt  }
0x85: {  	_ =	shalt  }
0x86: {  	_ =	shalt  }
0x87: {  	_ =	shalt  }
.Lfunc_end0:
.L_simem_size_0:
called_computation.1_lowered:
.L_overlay_start_0:
0x88: {  	s2 =	sld [smem:$0x3FD9]  }
0x89: {  	s3 =	sld [smem:$0x3FFE];
	_ =	sdelay $0x1  }
0x8a: {  	s1 =	srdreg.scid  }
0x8b: {  	s0 =	sand.u32 $0x1, s1  }
0x8c: {  	s14 =	sshll.u32 s0, $0xA;
	s2 =	sadd.s32 s3, s2  }
0x8d: {  	s2 =	sadd.s32 s2, s14  }
0x8e: {  	[smem:$0x3FB3] =	sst s2  }
0x8f: {  	_ = 	snop  }
0x90: {  	s2 =	sld [smem:$0x3FD0];
	_ =	sdelay $0x2  }
0x91: {  	s15 =	simm.s32 $0xA;
	s4 =	simm.s32 $0x10  }
0x92: {  	[smem:s4], [sflag:s15] =	dma.local [hbm:s2], $0x1  }
0x93: {  	_ =	swait.eq [sflag:s15], $0x1  }
0x94: {  	[sflag:s15] =	ssyncset.done $0x0  }
0x95: {  	[sflag:s15] =	ssyncadd.s32 $0xFFFFFFFF  }
0x96: {  	s16 =	sld [smem:$0x10];
	(tm) =	ssettm $0x1  }
0x97: {  	s17 =	sld [smem:$0x3FFB];
	_ =	sdelay $0x3  }
0x98: {  	_ =	strace s17  }
0x99: {  	s3 =	sld [smem:$0x3FFC];
	_ =	sdelay $0x3  }
0x9a: {  	_ =	strace s3  }
0x9b: {  	s3 =	sld [smem:$0x3FFD];
	_ =	sdelay $0x3  }
0x9c: {  	_ =	strace s3  }
0x9d: {  	_ =	strace $0x8FFFFFFF  }
0x9e: {  	s18 =	sld [smem:$0x3FDB];
	_ =	sdelay $0x1  }
0x9f: {  	s19 =	simm.s32 $_scs_section_size  }
0xa0: {  	s5 =	simm.s32 $_size__tile_overlayer_lowered;
	s6 =	simm.s32 $_tile_overlayer_lowered  }
0xa1: {  	s22 =	simm.s32 $0x1BFF;
	s21 =	sshll.u32 s6, $0x1;
	s3 =	sadd.s32 s19, s18  }
0xa2: {  	s7 =	simm.s32 $0x0;
	s20 =	sshll.u32 s5, $0x1;
	s5 =	sadd.s32 s21, s3  }
0xa3: {  	[timem:s7], [sflag:s22] =	dma.local [hbm:s5], s20  }
0xa4: {  	_ =	swait.ge [sflag:s22], s20  }
0xa5: {  	s4 =	ssub.s32 $0x0, s20;
	[sflag:s22] =	ssyncset.done $0x0  }
0xa6: {  	[sflag:s22] =	ssyncadd.s32 s4;
	_ =	sdelay $0x1  }
0xa7: {  	s23 =	simm.s32 $0x1B8B  }
0xa8: {  	_ =	swait.ge [sflag:s23], $0x1  }
0xa9: {  	[sflag:s23] =	ssyncset.done $0x0  }
0xaa: {  	s25 =	simm.s32 $0x1B8E;
	s24 =	sld [smem:$0x3FFE];
	[sflag:s23] =	ssyncadd.s32 $0xFFFFFFFF  }
0xab: {  	s26 =	simm.s32 $execute0_lowered;
	[smem:$0x3FD2] =	sst s25  }
0xac: {  	s5 =	sshll.u32 s26, $0x1;
	_ =	strace $0x80000049;
	[dreg:$0x1] =	wrdreg $0xFFFFFFFF  }
0xad: {  	s28 =	simm.s32 $_size_execute0_lowered;
	s3 =	sadd.s32 s3, s5;
	[dreg:$0x0] =	wrdreg $0x0  }
0xae: {  	s5 =	sshll.u32 s28, $0x1;
	[dreg:$0x2] =	wrdreg s3  }
0xaf: {  	[dreg:$0x3] =	wrdreg s5  }
0xb0: {  	[dreg:$0x4] =	wrdreg $0xC0  }
0xb1: {  	_ =	task [dreg:s7], $0x5FFFF  }
0xb2: {  	[dreg:$0x1] =	wrdreg $0xFFFFFFFF  }
0xb3: {  	[dreg:$0x0] =	wrdreg $0x60  }
0xb4: {  	[dreg:$0x2] =	wrdreg s24  }
0xb5: {  	[dreg:$0x3] =	wrdreg s16  }
0xb6: {  	[dreg:$0x4] =	wrdreg $0x0  }
0xb7: {  	[dreg:$0x5] =	wrdreg $0xA0000  }
0xb8: {  	[dreg:$0x6] =	wrdreg $0x9  }
0xb9: {  	_ =	task.clear_ibuf [dreg:s7], $0x7FFFF;
	_ =	strace $0x90000049  }
0xba: {  	s29 =	simm.s32 $0x9;
	_ =	strace $0x8000004B  }
0xbb: {  	_ =	swait.ge [sflag:s29], $0x1  }
0xbc: {  	[sflag:s29] =	ssyncadd.s32 $0xFFFFFFFF  }
0xbd: {  	_ =	strace $0x9000004B  }
0xbe: {  	_ =	sfence  }
0xbf: {  	s30 =	sld [smem:$0x0];
	_ =	sdelay $0x2  }
0xc0: {  	s31 =	sshll.u32 s1, $0xD;
	s1 =	sshrl.u32 s1, $0x2  }
0xc1: {  	s3 =	sand.u32 $0x4000, s31;
	s1 =	sadd.s32 s1, s30  }
0xc2: {  	s0 =	sor.u32 s3, s0;
	s1 =	sshll.u32 s1, $0x11  }
0xc3: {  	s0 =	sor.u32 s1, s0  }
0xc4: {  	s0 =	sadd.s32 $0x8F2B, s0  }
0xc5: {  	[sflag:s0] =	ssyncadd.remote.s32 $0x1  }
0xc6: {  	_ =	sfence.sel $0xFFFF  }
0xc7: {  	[dreg:$0x0] =	wrdreg $0xFFFFFFFF;
	(pc) =	sbr.abs _section_cstart, $3  }
0xc8: {  	[dreg:$0x1] =	wrdreg $0xFFFFFFFF  }
0xc9: {  	_ =	task.clear_ibuf [dreg:s7], $0x2FFFF;
	_ =	strace $0x9FFFFFFF  }
0xca: {  	(tm) =	ssettm $0x7FFFFFFF  }
0xcb: {  	_ =	shalt  }
tec
execute0_lowered:
.L_overlay_start_1:
0x0: {  	(tag) =	ssettag $0x1  }
0x1: {  	s0 =	rddreg [dreg:$0x0]  }
0x2: {  	s1 =	rddreg [dreg:$0x1]  }
0x3: {  	s2 =	rddreg [dreg:$0x2]  }
0x4: {  	s3 =	rddreg [dreg:$0x3];
	s12 =	stileid.u32;
	s4 =	simm.s32 $0x0  }
0x5: {  	s6 =	srdreg.scid;
	s28 =	simm.s32 $0x14200;
	s29 =	simm.s32 $0x14080  }
0x6: {  	s30 =	simm.s32 $0x14280;
	s31 =	simm.s32 $0x14100;
	s5 =	smul.u32 $0xA000, s12  }
0x7: {  	[smem:$0x7FF] =	sst s4;
	s6 =	sand.u32 $0x1, s6;
	s7 =	smul.u32 $0x14000, s12  }
0x8: {  	s9 =	sadd.s32 $0xA7000, s0;
	s15 =	smul.u32 $0x5000, s12;
	s16 =	sshll.u32 s12, $0x6  }
0x9: {  	_ =	strace $0x8000004A;
	s8 =	sshll.u32 s6, $0x6;
	s6 =	ssub.s32 $0x2, s6  }
0xa: {  	s10 =	sshrl.u32 s5, $0x3;
	s7 =	sor.u32 s8, s7;
	s14 =	sshrl.u32 s6, $0x1  }
0xb: {  	s11 =	sadd.s32 s5, s2;
	s5 =	sadd.s32 s5, s3;
	s8 =	simm.s32 $0x80  }
0xc: {  	s26 =	sadd.s32 s10, s0;
	s7 =	sshrl.u32 s7, $0x3;
	s10 =	sshrl.u32 s15, $0x3  }
0xd: {  	[dreg:$0x6] =	wrdreg s5;
	s0 =	sadd.s32 s7, s0;
	s7 =	ssub.s32 s6, s14  }
0xe: {  	s6 =	sor.u32 $0x1C03, s16;
	s17 =	sadd.s32 $0xB1000, s26;
	s18 =	sadd.s32 s9, s10  }
0xf: {  	s19 =	sadd.s32 s1, s10;
	s20 =	sor.u32 $0x10, s10;
	[dreg:$0x7] =	wrdreg s17  }
0x10: {  	s21 =	sor.u32 $0x20, s10;
	s25 =	sor.u32 $0x30, s10;
	[dreg:$0x8] =	wrdreg s18  }
0x11: {  	s26 =	smul.u32 $0xA00, s12;
	s13 =	sadd.s32 $0x5000, s0;
	[dreg:$0x9] =	wrdreg s19  }
0x12: {  	s22 =	sadd.s32 s9, s20;
	s5 =	sadd.s32 s1, s20;
	[dreg:$0x5] =	wrdreg s13  }
0x13: {  	s23 =	sadd.s32 s9, s21;
	s24 =	sadd.s32 s1, s21;
	[dreg:$0xa] =	wrdreg s22  }
0x14: {  	s10 =	sadd.s32 s9, s25;
	s17 =	sadd.s32 $0xC5000, s0;
	[dreg:$0xb] =	wrdreg s5  }
0x15: {  	s18 =	smax.u32 s7, $0x1;
	s21 =	sshrl.u32 s11, $0x3;
	[dreg:$0xc] =	wrdreg s23  }
0x16: {  	s0 =	simm.s32 $0x14300;
	s7 =	simm.s32 $0x2;
	[dreg:$0xd] =	wrdreg s24  }
0x17: {  	s11 =	simm.s32 $0x0;
	[dreg:$0xe] =	wrdreg s10;
	s5 =	sadd.s32 s1, s25  }
0x18: {  	s19 =	sadd.s32 s26, s1;
	s20 =	sadd.s32 s26, s9;
	s22 =	simm.s32 $0x1  }
0x19: {  	s23 =	simm.s32 $0x8;
	s24 =	simm.s32 $0x10;
	s25 =	simm.s32 $0x3  }
0x1a: {  	s26 =	simm.s32 $0x14000;
	s1 =	simm.s32 $0x14180;
	s9 =	simm.s32 $0x14400  }
0x1b: {  	s10 =	simm.s32 $0x16400;
	[dreg:$0xf] =	wrdreg s5;
	s5 =	simm.s32 $0x14380  }
.LBB2_1:
0x1c: {  	s12 =	rddreg [dreg:$0x5]  }
0x1d: {  	[spmem:s21@s23], [sflag:s6] =	dma.strided [hbm:s12@s24], $0x1400, s22, $0x8   }
0x1e: {  	_ =	swait.ge [sflag:s25], $0x1400  }
0x1f: {  	[sflag:s25] =	ssyncset.done $0x0;
	s13 =	rddreg [dreg:$0x6]  }
0x20: {  	[sflag:s25] =	ssyncadd.s32 $0xFFFFEC00;
	s12 =	sshrl.u32 s13, $0x3;
	s13 =	rddreg [dreg:$0x7]  }
0x21: {  	[spmem:s12], [sflag:s6] =	dma.local [hbm:s13], $0x1400  }
0x22: {  	_ =	swait.ge [sflag:s25], $0x1400  }
0x23: {  	[sflag:s25] =	ssyncset.done $0x0  }
0x24: {  	[sflag:s25] =	ssyncadd.s32 $0xFFFFEC00  }
0x25: {  	[bflag:$0x0] =	sbarrier.arrive $0xFFFF  }
0x26: {  	s14 =	rddreg [dreg:$0x8]  }
0x27: {  	[tilespmem:s26], [sflag:$0x2] =	stream.linear.gather [hbm4b:s14+s4], $0x80, $0x38;
	[tilespmem:$0x18400] =	vst v63  }
0x28: {  	s15 =	rddreg [dreg:$0x9]  }
0x29: {  	[tilespmem:s28], [sflag:$0x2] =	stream.linear.gather [hbm4b:s15+s4], $0x80, $0x38;
	[tilespmem:$0x18400] =	vst v63  }
0x2a: {  	s16 =	rddreg [dreg:$0xa]  }
0x2b: {  	[tilespmem:s29], [sflag:$0x2] =	stream.linear.gather [hbm4b:s16+s4], $0x80, $0x38;
	[tilespmem:$0x18400] =	vst v63  }
0x2c: {  	s14 =	rddreg [dreg:$0xb]  }
0x2d: {  	[tilespmem:s30], [sflag:$0x2] =	stream.linear.gather [hbm4b:s14+s4], $0x80, $0x38;
	[tilespmem:$0x18400] =	vst v63  }
0x2e: {  	s15 =	rddreg [dreg:$0xc]  }
0x2f: {  	[tilespmem:s31], [sflag:$0x2] =	stream.linear.gather [hbm4b:s15+s4], $0x80, $0x38;
	[tilespmem:$0x18400] =	vst v63  }
0x30: {  	s16 =	rddreg [dreg:$0xd]  }
0x31: {  	[tilespmem:s0], [sflag:$0x2] =	stream.linear.gather [hbm4b:s16+s4], $0x80, $0x38;
	[tilespmem:$0x18400] =	vst v63  }
0x32: {  	s14 =	rddreg [dreg:$0xe]  }
0x33: {  	[tilespmem:s1], [sflag:$0x2] =	stream.linear.gather [hbm4b:s14+s4], $0x80, $0x38;
	[tilespmem:$0x18400] =	vst v63  }
0x34: {  	s15 =	rddreg [dreg:$0xf]  }
0x35: {  	[tilespmem:s5], [sflag:$0x2] =	stream.linear.gather [hbm4b:s15+s4], $0x80, $0x38;
	[tilespmem:$0x18400] =	vst v63  }
0x36: {  	_ =	swait.ge [sflag:s7], $0x80  }
0x37: {  	[sflag:s7] =	ssyncset.done $0x0  }
0x38: {  	[sflag:s7] =	ssyncadd.s32 $0xFFFFFF80  }
0x39: {  	_ =	swait.ge [sflag:s7], $0x80  }
0x3a: {  	[sflag:s7] =	ssyncset.done $0x0  }
0x3b: {  	[sflag:s7] =	ssyncadd.s32 $0xFFFFFF80  }
0x3c: {  	[tilespmem:s9], [sflag:$0x1] =	stream.indirect.gather [spmem:s2], $0x40, s26, s8, $0xb8;
	[tilespmem:$0x18400] =	vst v63  }
0x3d: {  	_ =	swait.ge [sflag:s7], $0x80  }
0x3e: {  	[sflag:s7] =	ssyncset.done $0x0  }
0x3f: {  	[sflag:s7] =	ssyncadd.s32 $0xFFFFFF80  }
0x40: {  	_ =	swait.ge [sflag:s7], $0x80  }
0x41: {  	[sflag:s7] =	ssyncset.done $0x0  }
0x42: {  	[sflag:s7] =	ssyncadd.s32 $0xFFFFFF80  }
0x43: {  	[tilespmem:s10], [sflag:$0x1] =	stream.indirect.gather [spmem:s2], $0x40, s29, s8, $0xb8;
	[tilespmem:$0x18400] =	vst v63  }
0x44: {  	_ =	swait.ge [sflag:s22], $0x2000  }
0x45: {  	[sflag:s22] =	ssyncset.done $0x0  }
0x46: {  	[sflag:s22] =	ssyncadd.s32 $0xFFFFE000  }
0x47: {  	[spmem:s3] =	stream.indirect.scatter.add.f32 [tilespmem:s9], [sflag:$0x3], $0x40, s28, s8, $0xb8;
	[tilespmem:$0x18400] =	vst v63  }
0x48: {  	_ =	swait.ge [sflag:s25], $0x2000  }
0x49: {  	s13 =	sadd.s32 $0x0, s20;
	[sflag:s25] =	ssyncset.done $0x0  }
0x4a: {  	s14 =	sadd.s32 $0x40, s13;
	s15 =	sadd.s32 $0x0, s19;
	[sflag:s25] =	ssyncadd.s32 $0xFFFFE000  }
0x4b: {  	[tilespmem:s26], [sflag:$0x2] =	stream.linear.gather [hbm4b:s14+s4], $0x80, $0x38;
	[tilespmem:$0x18400] =	vst v63  }
0x4c: {  	s16 =	sadd.s32 $0x40, s15  }
0x4d: {  	[tilespmem:s28], [sflag:$0x2] =	stream.linear.gather [hbm4b:s16+s4], $0x80, $0x38;
	[tilespmem:$0x18400] =	vst v63  }
0x4e: {  	_ =	swait.ge [sflag:s7], $0x80  }
0x4f: {  	[sflag:s7] =	ssyncset.done $0x0  }
0x50: {  	[sflag:s7] =	ssyncadd.s32 $0xFFFFFF80  }
0x51: {  	_ =	swait.ge [sflag:s7], $0x80  }
0x52: {  	[sflag:s7] =	ssyncset.done $0x0  }
0x53: {  	[sflag:s7] =	ssyncadd.s32 $0xFFFFFF80  }
0x54: {  	[tilespmem:s9], [sflag:$0x1] =	stream.indirect.gather [spmem:s2], $0x40, s31, s8, $0xb8;
	[tilespmem:$0x18400] =	vst v63  }
0x55: {  	_ =	swait.ge [sflag:s22], $0x2000  }
0x56: {  	[sflag:s22] =	ssyncset.done $0x0  }
0x57: {  	[sflag:s22] =	ssyncadd.s32 $0xFFFFE000  }
0x58: {  	[spmem:s3] =	stream.indirect.scatter.add.f32 [tilespmem:s10], [sflag:$0x3], $0x40, s30, s8, $0xb8;
	[tilespmem:$0x18400] =	vst v63  }
0x59: {  	_ =	swait.ge [sflag:s25], $0x2000  }
0x5a: {  	[sflag:s25] =	ssyncset.done $0x0  }
0x5b: {  	s16 =	sadd.s32 $0x50, s13;
	[sflag:s25] =	ssyncadd.s32 $0xFFFFE000  }
0x5c: {  	[tilespmem:s29], [sflag:$0x2] =	stream.linear.gather [hbm4b:s16+s4], $0x80, $0x38;
	[tilespmem:$0x18400] =	vst v63  }
0x5d: {  	s16 =	sadd.s32 $0x50, s15  }
0x5e: {  	[tilespmem:s30], [sflag:$0x2] =	stream.linear.gather [hbm4b:s16+s4], $0x80, $0x38;
	[tilespmem:$0x18400] =	vst v63  }
0x5f: {  	_ =	swait.ge [sflag:s7], $0x80  }
0x60: {  	[sflag:s7] =	ssyncset.done $0x0  }
0x61: {  	[sflag:s7] =	ssyncadd.s32 $0xFFFFFF80  }
0x62: {  	_ =	swait.ge [sflag:s7], $0x80  }
0x63: {  	[sflag:s7] =	ssyncset.done $0x0  }
0x64: {  	[sflag:s7] =	ssyncadd.s32 $0xFFFFFF80  }
0x65: {  	[tilespmem:s10], [sflag:$0x1] =	stream.indirect.gather [spmem:s2], $0x40, s1, s8, $0xb8;
	[tilespmem:$0x18400] =	vst v63  }
0x66: {  	_ =	swait.ge [sflag:s22], $0x2000  }
0x67: {  	[sflag:s22] =	ssyncset.done $0x0  }
0x68: {  	[sflag:s22] =	ssyncadd.s32 $0xFFFFE000  }
0x69: {  	[spmem:s3] =	stream.indirect.scatter.add.f32 [tilespmem:s9], [sflag:$0x3], $0x40, s0, s8, $0xb8;
	[tilespmem:$0x18400] =	vst v63  }
0x6a: {  	_ =	swait.ge [sflag:s25], $0x2000  }
0x6b: {  	[sflag:s25] =	ssyncset.done $0x0  }
0x6c: {  	s16 =	sadd.s32 $0x60, s13;
	[sflag:s25] =	ssyncadd.s32 $0xFFFFE000  }
0x6d: {  	[tilespmem:s31], [sflag:$0x2] =	stream.linear.gather [hbm4b:s16+s4], $0x80, $0x38;
	[tilespmem:$0x18400] =	vst v63  }
0x6e: {  	s16 =	sadd.s32 $0x60, s15  }
0x6f: {  	[tilespmem:s0], [sflag:$0x2] =	stream.linear.gather [hbm4b:s16+s4], $0x80, $0x38;
	[tilespmem:$0x18400] =	vst v63  }
0x70: {  	_ =	swait.ge [sflag:s7], $0x80  }
0x71: {  	[sflag:s7] =	ssyncset.done $0x0  }
0x72: {  	[sflag:s7] =	ssyncadd.s32 $0xFFFFFF80  }
0x73: {  	_ =	swait.ge [sflag:s7], $0x80  }
0x74: {  	[sflag:s7] =	ssyncset.done $0x0  }
0x75: {  	[sflag:s7] =	ssyncadd.s32 $0xFFFFFF80  }
0x76: {  	[tilespmem:s9], [sflag:$0x1] =	stream.indirect.gather [spmem:s2], $0x40, s26, s8, $0xb8;
	[tilespmem:$0x18400] =	vst v63  }
0x77: {  	_ =	swait.ge [sflag:s22], $0x2000  }
0x78: {  	[sflag:s22] =	ssyncset.done $0x0  }
0x79: {  	[sflag:s22] =	ssyncadd.s32 $0xFFFFE000  }
0x7a: {  	[spmem:s3] =	stream.indirect.scatter.add.f32 [tilespmem:s10], [sflag:$0x3], $0x40, s5, s8, $0xb8;
	[tilespmem:$0x18400] =	vst v63  }
0x7b: {  	_ =	swait.ge [sflag:s25], $0x2000  }
0x7c: {  	[sflag:s25] =	ssyncset.done $0x0  }
0x7d: {  	s13 =	sadd.s32 $0x70, s13;
	[sflag:s25] =	ssyncadd.s32 $0xFFFFE000  }
0x7e: {  	[tilespmem:s1], [sflag:$0x2] =	stream.linear.gather [hbm4b:s13+s4], $0x80, $0x38;
	[tilespmem:$0x18400] =	vst v63  }
0x7f: {  	s14 =	sadd.s32 $0x70, s15;
	s13 =	simm.s32 $0x40  }
.LBB2_2:
0x80: {  	[tilespmem:s5], [sflag:$0x2] =	stream.linear.gather [hbm4b:s14+s4], $0x80, $0x38;
	[tilespmem:$0x18400] =	vst v63  }
0x81: {  	s15 =	smov.u32 s13  }
0x82: {  	p0 =	sne.s32 s13, $0x980;
	s13 =	sadd.s32 $0x40, s13;
	_ =	swait.ge [sflag:s7], $0x80  }
0x83: {  	[sflag:s7] =	ssyncset.done $0x0  }
0x84: {  	[sflag:s7] =	ssyncadd.s32 $0xFFFFFF80  }
0x85: {  	_ =	swait.ge [sflag:s7], $0x80  }
0x86: {  	[sflag:s7] =	ssyncset.done $0x0  }
0x87: {  	[sflag:s7] =	ssyncadd.s32 $0xFFFFFF80  }
0x88: {  	[tilespmem:s10], [sflag:$0x1] =	stream.indirect.gather [spmem:s2], $0x40, s29, s8, $0xb8;
	[tilespmem:$0x18400] =	vst v63  }
0x89: {  	_ =	swait.ge [sflag:s22], $0x2000  }
0x8a: {  	[sflag:s22] =	ssyncset.done $0x0  }
0x8b: {  	[sflag:s22] =	ssyncadd.s32 $0xFFFFE000  }
0x8c: {  	[spmem:s3] =	stream.indirect.scatter.add.f32 [tilespmem:s9], [sflag:$0x3], $0x40, s28, s8, $0xb8;
	[tilespmem:$0x18400] =	vst v63  }
0x8d: {  	_ =	swait.ge [sflag:s25], $0x2000  }
0x8e: {  	s14 =	sadd.s32 s15, s20;
	[sflag:s25] =	ssyncset.done $0x0  }
0x8f: {  	s15 =	sadd.s32 s15, s19;
	s16 =	sadd.s32 $0x40, s14;
	[sflag:s25] =	ssyncadd.s32 $0xFFFFE000  }
0x90: {  	[tilespmem:s26], [sflag:$0x2] =	stream.linear.gather [hbm4b:s16+s4], $0x80, $0x38;
	[tilespmem:$0x18400] =	vst v63  }
0x91: {  	s16 =	sadd.s32 $0x40, s15  }
0x92: {  	[tilespmem:s28], [sflag:$0x2] =	stream.linear.gather [hbm4b:s16+s4], $0x80, $0x38;
	[tilespmem:$0x18400] =	vst v63  }
0x93: {  	_ =	swait.ge [sflag:s7], $0x80  }
0x94: {  	[sflag:s7] =	ssyncset.done $0x0  }
0x95: {  	[sflag:s7] =	ssyncadd.s32 $0xFFFFFF80  }
0x96: {  	_ =	swait.ge [sflag:s7], $0x80  }
0x97: {  	[sflag:s7] =	ssyncset.done $0x0  }
0x98: {  	[sflag:s7] =	ssyncadd.s32 $0xFFFFFF80  }
0x99: {  	[tilespmem:s9], [sflag:$0x1] =	stream.indirect.gather [spmem:s2], $0x40, s31, s8, $0xb8;
	[tilespmem:$0x18400] =	vst v63  }
0x9a: {  	_ =	swait.ge [sflag:s22], $0x2000  }
0x9b: {  	[sflag:s22] =	ssyncset.done $0x0  }
0x9c: {  	[sflag:s22] =	ssyncadd.s32 $0xFFFFE000  }
0x9d: {  	[spmem:s3] =	stream.indirect.scatter.add.f32 [tilespmem:s10], [sflag:$0x3], $0x40, s30, s8, $0xb8;
	[tilespmem:$0x18400] =	vst v63  }
0x9e: {  	_ =	swait.ge [sflag:s25], $0x2000  }
0x9f: {  	[sflag:s25] =	ssyncset.done $0x0  }
0xa0: {  	s16 =	sadd.s32 $0x50, s14;
	[sflag:s25] =	ssyncadd.s32 $0xFFFFE000  }
0xa1: {  	[tilespmem:s29], [sflag:$0x2] =	stream.linear.gather [hbm4b:s16+s4], $0x80, $0x38;
	[tilespmem:$0x18400] =	vst v63  }
0xa2: {  	s16 =	sadd.s32 $0x50, s15  }
0xa3: {  	[tilespmem:s30], [sflag:$0x2] =	stream.linear.gather [hbm4b:s16+s4], $0x80, $0x38;
	[tilespmem:$0x18400] =	vst v63  }
0xa4: {  	_ =	swait.ge [sflag:s7], $0x80  }
0xa5: {  	[sflag:s7] =	ssyncset.done $0x0  }
0xa6: {  	[sflag:s7] =	ssyncadd.s32 $0xFFFFFF80  }
0xa7: {  	_ =	swait.ge [sflag:s7], $0x80  }
0xa8: {  	[sflag:s7] =	ssyncset.done $0x0  }
0xa9: {  	[sflag:s7] =	ssyncadd.s32 $0xFFFFFF80  }
0xaa: {  	[tilespmem:s10], [sflag:$0x1] =	stream.indirect.gather [spmem:s2], $0x40, s1, s8, $0xb8;
	[tilespmem:$0x18400] =	vst v63  }
0xab: {  	_ =	swait.ge [sflag:s22], $0x2000  }
0xac: {  	[sflag:s22] =	ssyncset.done $0x0  }
0xad: {  	[sflag:s22] =	ssyncadd.s32 $0xFFFFE000  }
0xae: {  	[spmem:s3] =	stream.indirect.scatter.add.f32 [tilespmem:s9], [sflag:$0x3], $0x40, s0, s8, $0xb8;
	[tilespmem:$0x18400] =	vst v63  }
0xaf: {  	_ =	swait.ge [sflag:s25], $0x2000  }
0xb0: {  	[sflag:s25] =	ssyncset.done $0x0  }
0xb1: {  	s16 =	sadd.s32 $0x60, s14;
	[sflag:s25] =	ssyncadd.s32 $0xFFFFE000  }
0xb2: {  	[tilespmem:s31], [sflag:$0x2] =	stream.linear.gather [hbm4b:s16+s4], $0x80, $0x38;
	[tilespmem:$0x18400] =	vst v63  }
0xb3: {  	s16 =	sadd.s32 $0x60, s15  }
0xb4: {  	[tilespmem:s0], [sflag:$0x2] =	stream.linear.gather [hbm4b:s16+s4], $0x80, $0x38;
	[tilespmem:$0x18400] =	vst v63  }
0xb5: {  	_ =	swait.ge [sflag:s7], $0x80  }
0xb6: {  	[sflag:s7] =	ssyncset.done $0x0  }
0xb7: {  	[sflag:s7] =	ssyncadd.s32 $0xFFFFFF80  }
0xb8: {  	_ =	swait.ge [sflag:s7], $0x80  }
0xb9: {  	[sflag:s7] =	ssyncset.done $0x0  }
0xba: {  	[sflag:s7] =	ssyncadd.s32 $0xFFFFFF80  }
0xbb: {  	[tilespmem:s9], [sflag:$0x1] =	stream.indirect.gather [spmem:s2], $0x40, s26, s8, $0xb8;
	[tilespmem:$0x18400] =	vst v63  }
0xbc: {  	_ =	swait.ge [sflag:s22], $0x2000  }
0xbd: {  	[sflag:s22] =	ssyncset.done $0x0  }
0xbe: {  	[sflag:s22] =	ssyncadd.s32 $0xFFFFE000  }
0xbf: {  	[spmem:s3] =	stream.indirect.scatter.add.f32 [tilespmem:s10], [sflag:$0x3], $0x40, s5, s8, $0xb8;
	[tilespmem:$0x18400] =	vst v63  }
.Ltmp0:
0xc0: {  	_ =	swait.ge [sflag:s25], $0x2000;
	(pc) =	sbr.rel @p0 .LBB2_2-.Ltmp0, $4  }
0xc1: {  	[sflag:s25] =	ssyncset.done $0x0  }
0xc2: {  	s14 =	sadd.s32 $0x70, s14;
	[sflag:s25] =	ssyncadd.s32 $0xFFFFE000  }
0xc3: {  	[tilespmem:s1], [sflag:$0x2] =	stream.linear.gather [hbm4b:s14+s4], $0x80, $0x38;
	[tilespmem:$0x18400] =	vst v63  }
0xc4: {  	s14 =	sadd.s32 $0x70, s15  }
0xc5: {  	[tilespmem:s5], [sflag:$0x2] =	stream.linear.gather [hbm4b:s14+s4], $0x80, $0x38;
	[tilespmem:$0x18400] =	vst v63  }
0xc6: {  	_ =	swait.ge [sflag:s7], $0x80  }
0xc7: {  	[sflag:s7] =	ssyncset.done $0x0  }
0xc8: {  	[sflag:s7] =	ssyncadd.s32 $0xFFFFFF80  }
0xc9: {  	_ =	swait.ge [sflag:s7], $0x80  }
0xca: {  	[sflag:s7] =	ssyncset.done $0x0  }
0xcb: {  	[sflag:s7] =	ssyncadd.s32 $0xFFFFFF80  }
0xcc: {  	[tilespmem:s10], [sflag:$0x1] =	stream.indirect.gather [spmem:s2], $0x40, s29, s8, $0xb8;
	[tilespmem:$0x18400] =	vst v63  }
0xcd: {  	_ =	swait.ge [sflag:s22], $0x2000  }
0xce: {  	[sflag:s22] =	ssyncset.done $0x0  }
0xcf: {  	[sflag:s22] =	ssyncadd.s32 $0xFFFFE000  }
0xd0: {  	[spmem:s3] =	stream.indirect.scatter.add.f32 [tilespmem:s9], [sflag:$0x3], $0x40, s28, s8, $0xb8;
	[tilespmem:$0x18400] =	vst v63  }
0xd1: {  	_ =	swait.ge [sflag:s25], $0x2000  }
0xd2: {  	[sflag:s25] =	ssyncset.done $0x0  }
0xd3: {  	[sflag:s25] =	ssyncadd.s32 $0xFFFFE000  }
0xd4: {  	_ =	swait.ge [sflag:s7], $0x80  }
0xd5: {  	[sflag:s7] =	ssyncset.done $0x0  }
0xd6: {  	[sflag:s7] =	ssyncadd.s32 $0xFFFFFF80  }
0xd7: {  	_ =	swait.ge [sflag:s7], $0x80  }
0xd8: {  	[sflag:s7] =	ssyncset.done $0x0  }
0xd9: {  	[sflag:s7] =	ssyncadd.s32 $0xFFFFFF80  }
0xda: {  	[tilespmem:s9], [sflag:$0x1] =	stream.indirect.gather [spmem:s2], $0x40, s31, s8, $0xb8;
	[tilespmem:$0x18400] =	vst v63  }
0xdb: {  	_ =	swait.ge [sflag:s22], $0x2000  }
0xdc: {  	[sflag:s22] =	ssyncset.done $0x0  }
0xdd: {  	[sflag:s22] =	ssyncadd.s32 $0xFFFFE000  }
0xde: {  	[spmem:s3] =	stream.indirect.scatter.add.f32 [tilespmem:s10], [sflag:$0x3], $0x40, s30, s8, $0xb8;
	[tilespmem:$0x18400] =	vst v63  }
0xdf: {  	_ =	swait.ge [sflag:s25], $0x2000  }
0xe0: {  	[sflag:s25] =	ssyncset.done $0x0  }
0xe1: {  	[sflag:s25] =	ssyncadd.s32 $0xFFFFE000  }
0xe2: {  	_ =	swait.ge [sflag:s7], $0x80  }
0xe3: {  	[sflag:s7] =	ssyncset.done $0x0  }
0xe4: {  	[sflag:s7] =	ssyncadd.s32 $0xFFFFFF80  }
0xe5: {  	_ =	swait.ge [sflag:s7], $0x80  }
0xe6: {  	[sflag:s7] =	ssyncset.done $0x0  }
0xe7: {  	[sflag:s7] =	ssyncadd.s32 $0xFFFFFF80  }
0xe8: {  	[tilespmem:s10], [sflag:$0x1] =	stream.indirect.gather [spmem:s2], $0x40, s1, s8, $0xb8;
	[tilespmem:$0x18400] =	vst v63  }
0xe9: {  	_ =	swait.ge [sflag:s22], $0x2000  }
0xea: {  	[sflag:s22] =	ssyncset.done $0x0  }
0xeb: {  	[sflag:s22] =	ssyncadd.s32 $0xFFFFE000  }
0xec: {  	[spmem:s3] =	stream.indirect.scatter.add.f32 [tilespmem:s9], [sflag:$0x3], $0x40, s0, s8, $0xb8;
	[tilespmem:$0x18400] =	vst v63  }
0xed: {  	_ =	swait.ge [sflag:s25], $0x2000  }
0xee: {  	[sflag:s25] =	ssyncset.done $0x0  }
0xef: {  	[sflag:s25] =	ssyncadd.s32 $0xFFFFE000  }
0xf0: {  	_ =	swait.ge [sflag:s22], $0x2000  }
0xf1: {  	[sflag:s22] =	ssyncset.done $0x0  }
0xf2: {  	[sflag:s22] =	ssyncadd.s32 $0xFFFFE000  }
0xf3: {  	[spmem:s3] =	stream.indirect.scatter.add.f32 [tilespmem:s10], [sflag:$0x3], $0x40, s5, s8, $0xb8;
	[tilespmem:$0x18400] =	vst v63  }
0xf4: {  	_ =	swait.ge [sflag:s25], $0x2000  }
0xf5: {  	s11 =	sadd.s32 $0x1, s11;
	[sflag:s25] =	ssyncset.done $0x0  }
0xf6: {  	p0 =	sne.s32 s11, s18;
	[sflag:s25] =	ssyncadd.s32 $0xFFFFE000  }
.Ltmp1:
0xf7: {  	[bflag:$0x0] =	sbarrier.arrive $0xFFFF;
	(pc) =	sbr.rel @p0 .LBB2_1-.Ltmp1, $4  }
0xf8: {  	[hbm:s17@s24], [sflag:s6] =	dma.strided [spmem:s12@s23], $0x1400, s22, $0x8   }
0xf9: {  	_ =	swait.ge [sflag:s25], $0x1400  }
0xfa: {  	[sflag:s25] =	ssyncset.done $0x0  }
0xfb: {  	[sflag:s25] =	ssyncadd.s32 $0xFFFFEC00  }
0xfc: {  	_ =	sfence.sel $0x180000  }
0xfd: {  	[bflag:$0x0] =	sbarrier.arrive $0xFFFF  }
0xfe: {  	_ =	strace $0x9000004A  }
0xff: {  	s0 =	stileid.u32;
	[bflag:$0x2] =	sbarrier.arrive $0xFFFF  }
0x100: {  	p0 =	sne.s32 s0, $0x0;
	s0 =	rddreg [dreg:$0x4]  }
0x101: {  	s0 =	sadd.s32 @!p0 $0x100000, s0  }
0x102: {  	[sflag:s0] =	ssyncadd.tile.s32 @!p0 $0x1;
	_ =	shalt  }
.Lfunc_end2:
_tile_overlayer_lowered:
.L_overlay_start_2:
0x103: {  	(tag) =	ssettag $0x2  }
0x104: {  	s0 =	rddreg [dreg:$0x0];
	s2 =	stileid.u32  }
0x105: {  	s1 =	rddreg [dreg:$0x1];
	p0 =	sne.s32 s2, $0x0  }
0x106: {  	s3 =	rddreg [dreg:$0x2];
	[bflag:$0x3] =	sbarrier.arrive $0xFFFF;
	s2 =	simm.s32 @!p0 $0x1C03  }
0x107: {  	[timem:s3], [sflag:s2] =	dma.local @!p0 [hbm:s0], s1  }
0x108: {  	s0 =	simm.s32 @!p0 $0x3  }
0x109: {  	_ =	swait.ge @!p0 [sflag:s0], s1  }
0x10a: {  	s1 =	ssub.s32 @!p0 $0x0, s1;
	[sflag:s0] =	ssyncset.done @!p0 $0x0  }
0x10b: {  	[sflag:s0] =	ssyncadd.s32 @!p0 s1  }
0x10c: {  	[bflag:$0x3] =	sbarrier.arrive $0xFFFF  }
0x10d: {  	_ =	shalt  }

// kernel: kernel.14.cloned.1.call-start
scs
__scs_entry_jumppad:
0x0: {  	(pc) =	sbr.rel $0x88, $3  }
0x1: {  	(tag) =	ssettag $0x0;
	lr =	simm.s32 $0x1  }
0x2: {  	[smem:$0x3F8C] =	sst lr;
	_ =	strace $0xD0000000  }
0x3: {  	_ = 	snop  }
0x4: {  	_ = 	snop  }
0x5: {  	_ = 	snop  }
0x6: {  	_ = 	snop  }
0x7: {  	_ = 	snop  }
__scs_overlays_trampoline_lowered:
0x8: {  	[smem:$0x3F9B] =	sst s0  }
0x9: {  	[smem:$0x3F9C] =	sst s1  }
0xa: {  	[smem:$0x3F9D] =	sst s2  }
0xb: {  	[smem:$0x3F9E] =	sst s3  }
0xc: {  	[smem:$0x3F9F] =	sst s4  }
0xd: {  	[smem:$0x3FA0] =	sst s5  }
0xe: {  	[smem:$0x3FA1] =	sst s6  }
0xf: {  	[smem:$0x3FA2] =	sst s7  }
0x10: {  	[smem:$0x3FA3] =	sst s8  }
0x11: {  	[smem:$0x3FA4] =	sst s9;
	s0 =	simm.s32 @!p0 $0x0  }
0x12: {  	s1 =	sld [smem:$0x3F8A];
	s0 =	simm.s32 @p0 $0x1  }
0x13: {  	[smem:$0x3FA5] =	sst s0;
	s0 =	simm.s32 @!p1 $0x0  }
0x14: {  	s2 =	sld [smem:$0x3F89];
	s0 =	simm.s32 @p1 $0x1  }
0x15: {  	[smem:$0x3FA6] =	sst s0;
	s0 =	simm.s32 @!p2 $0x0  }
0x16: {  	s3 =	sld [smem:$0x3FDB];
	s0 =	simm.s32 @p2 $0x1  }
0x17: {  	s4 =	simm.s32 $0x1BF5;
	[smem:$0x3FA8] =	sst s0  }
0x18: {  	s0 =	sld [smem:$0x3F8B];
	_ =	swait.ge [sflag:s4], $0x0  }
0x19: {  	s7 =	sld [smem:$0x3F8C]  }
0x1a: {  	s8 =	sadd.s32 $0xFFFFE003, lr  }
0x1b: {  	s9 =	sadd.s32 $0xFFFFFEF7, lr;
	s5 =	simm.s32 $0xFFFFFFFF;
	p2 =	slt.u32 s8, $0xFFFFF086  }
0x1c: {  	p1 =	slt.u32 s9, $0xF7A;
	s5 =	simm.s32 @!p2 $0x0  }
0x1d: {  	s5 =	simm.s32 @p1 $0x1;
	p0 =	seq.s32 s7, s2  }
0x1e: {  	s7 =	smul.u32 @!p0 $0xF7A, s2;
	p2 =	seq.s32 @!p0 s5, $0x0  }
0x1f: {  	s9 =	smul.u32 $0xF7A, s1;
	s8 =	simm.s32 @!p0 $0x1BF5;
	p2 =	por !p2, p0  }
0x20: {  	[sflag:s8] =	ssyncset.s32 @!p0 $0xFFFFF086;
	s6 =	sadd.s32 @!p0 s3, s7;
	s7 =	simm.s32 @!p0 $0x108  }
0x21: {  	s3 =	sadd.s32 s3, s9;
	s6 =	sadd.s32 @!p0 $0x88, s6;
	s7 =	simm.s32 @p2 $0x1082  }
0x22: {  	[simem:s7], [sflag:s8] =	dma.local @!p0 [hbm:s6], $0xF7A  }
0x23: {  	s9 =	sor.u32 $0xD0000000, s2;
	s6 =	simm.s32 $0x108;
	_ =	swait.ge @!p0 [sflag:s8], $0x0  }
0x24: {  	s3 =	sadd.s32 $0x88, s3;
	s6 =	simm.s32 @!p1 $0x1082;
	[sflag:s4] =	ssyncset.s32 $0xFFFFF086  }
0x25: {  	[simem:s6], [sflag:s4] =	dma.local [hbm:s3], $0xF7A  }
0x26: {  	[smem:$0x3F8C] =	sst s1;
	(tag) =	ssettag s2;
	_ =	strace s9  }
0x27: {  	s1 =	sld [smem:$0x3F9C]  }
0x28: {  	s2 =	sld [smem:$0x3F9D]  }
0x29: {  	s4 =	sld [smem:$0x3F9F]  }
0x2a: {  	p0 =	seq.s32 s5, $0x0;
	s5 =	sld [smem:$0x3FA0]  }
0x2b: {  	s6 =	sld [smem:$0x3FA1]  }
0x2c: {  	s7 =	sld [smem:$0x3FA2]  }
0x2d: {  	s3 =	simm.s32 $0x108;
	s8 =	sld [smem:$0x3FA3]  }
0x2e: {  	s3 =	simm.s32 @!p0 $0x1082;
	s9 =	sld [smem:$0x3FA4]  }
0x2f: {  	lr =	sadd.s32 s0, s3;
	s0 =	sld [smem:$0x3F9B]  }
0x30: {  	s3 =	sld [smem:$0x3F9E]  }
0x31: {  	[smem:$0x3FA7] =	sst s10  }
0x32: {  	s10 =	sld [smem:$0x3FA5];
	_ =	sdelay $0x3  }
0x33: {  	p0 =	seq.s32 s10, $0x1;
	s10 =	sld [smem:$0x3FA7];
	_ =	sdelay $0x3  }
0x34: {  	[smem:$0x3FA7] =	sst s10  }
0x35: {  	s10 =	sld [smem:$0x3FA6];
	_ =	sdelay $0x3  }
0x36: {  	p1 =	seq.s32 s10, $0x1;
	s10 =	sld [smem:$0x3FA7];
	_ =	sdelay $0x3  }
0x37: {  	[smem:$0x3FA7] =	sst s10  }
0x38: {  	s10 =	sld [smem:$0x3FA8]  }
0x39: {  	_ = 	snop;
	(pc) =	sbr.ind lr, $3  }
0x3a: {  	_ = 	snop  }
0x3b: {  	_ = 	snop  }
0x3c: {  	p2 =	seq.s32 s10, $0x1;
	s10 =	sld [smem:$0x3FA7]  }
0x3d: {  	_ =	shalt  }
0x3e: {  	_ =	shalt  }
0x3f: {  	_ =	shalt  }
0x40: {  	_ =	shalt  }
0x41: {  	_ =	shalt  }
0x42: {  	_ =	shalt  }
0x43: {  	_ =	shalt  }
0x44: {  	_ =	shalt  }
0x45: {  	_ =	shalt  }
0x46: {  	_ =	shalt  }
0x47: {  	_ =	shalt  }
0x48: {  	_ =	shalt  }
0x49: {  	_ =	shalt  }
0x4a: {  	_ =	shalt  }
0x4b: {  	_ =	shalt  }
0x4c: {  	_ =	shalt  }
0x4d: {  	_ =	shalt  }
0x4e: {  	_ =	shalt  }
0x4f: {  	_ =	shalt  }
0x50: {  	_ =	shalt  }
0x51: {  	_ =	shalt  }
0x52: {  	_ =	shalt  }
0x53: {  	_ =	shalt  }
0x54: {  	_ =	shalt  }
0x55: {  	_ =	shalt  }
0x56: {  	_ =	shalt  }
0x57: {  	_ =	shalt  }
0x58: {  	_ =	shalt  }
0x59: {  	_ =	shalt  }
0x5a: {  	_ =	shalt  }
0x5b: {  	_ =	shalt  }
0x5c: {  	_ =	shalt  }
0x5d: {  	_ =	shalt  }
0x5e: {  	_ =	shalt  }
0x5f: {  	_ =	shalt  }
0x60: {  	_ =	shalt  }
0x61: {  	_ =	shalt  }
0x62: {  	_ =	shalt  }
0x63: {  	_ =	shalt  }
0x64: {  	_ =	shalt  }
0x65: {  	_ =	shalt  }
0x66: {  	_ =	shalt  }
0x67: {  	_ =	shalt  }
0x68: {  	_ =	shalt  }
0x69: {  	_ =	shalt  }
0x6a: {  	_ =	shalt  }
0x6b: {  	_ =	shalt  }
0x6c: {  	_ =	shalt  }
0x6d: {  	_ =	shalt  }
0x6e: {  	_ =	shalt  }
0x6f: {  	_ =	shalt  }
0x70: {  	_ =	shalt  }
0x71: {  	_ =	shalt  }
0x72: {  	_ =	shalt  }
0x73: {  	_ =	shalt  }
0x74: {  	_ =	shalt  }
0x75: {  	_ =	shalt  }
0x76: {  	_ =	shalt  }
0x77: {  	_ =	shalt  }
0x78: {  	_ =	shalt  }
0x79: {  	_ =	shalt  }
0x7a: {  	_ =	shalt  }
0x7b: {  	_ =	shalt  }
0x7c: {  	_ =	shalt  }
0x7d: {  	_ =	shalt  }
0x7e: {  	_ =	shalt  }
0x7f: {  	_ =	shalt  }
0x80: {  	_ =	shalt  }
0x81: {  	_ =	shalt  }
0x82: {  	_ =	shalt  }
0x83: {  	_ =	shalt  }
0x84: {  	_ =	shalt  }
0x85: {  	_ =	shalt  }
0x86: {  	_ =	shalt  }
0x87: {  	_ =	shalt  }
.Lfunc_end0:
.L_simem_size_0:
called_computation.2_lowered:
.L_overlay_start_0:
0x88: {  	s2 =	sld [smem:$0x3FD9]  }
0x89: {  	s3 =	sld [smem:$0x3FFE];
	_ =	sdelay $0x1  }
0x8a: {  	s1 =	srdreg.scid  }
0x8b: {  	s0 =	sand.u32 $0x1, s1  }
0x8c: {  	s14 =	sshll.u32 s0, $0xA;
	s2 =	sadd.s32 s3, s2  }
0x8d: {  	s2 =	sadd.s32 s2, s14  }
0x8e: {  	[smem:$0x3FB3] =	sst s2  }
0x8f: {  	_ = 	snop  }
0x90: {  	s2 =	sld [smem:$0x3FD0];
	_ =	sdelay $0x2  }
0x91: {  	s15 =	simm.s32 $0xA;
	s4 =	simm.s32 $0x10  }
0x92: {  	[smem:s4], [sflag:s15] =	dma.local [hbm:s2], $0x1  }
0x93: {  	_ =	swait.eq [sflag:s15], $0x1  }
0x94: {  	[sflag:s15] =	ssyncset.done $0x0  }
0x95: {  	[sflag:s15] =	ssyncadd.s32 $0xFFFFFFFF  }
0x96: {  	s16 =	sld [smem:$0x10];
	(tm) =	ssettm $0x1  }
0x97: {  	s17 =	sld [smem:$0x3FFB];
	_ =	sdelay $0x3  }
0x98: {  	_ =	strace s17  }
0x99: {  	s3 =	sld [smem:$0x3FFC];
	_ =	sdelay $0x3  }
0x9a: {  	_ =	strace s3  }
0x9b: {  	s3 =	sld [smem:$0x3FFD];
	_ =	sdelay $0x3  }
0x9c: {  	_ =	strace s3  }
0x9d: {  	_ =	strace $0x8FFFFFFF  }
0x9e: {  	s18 =	sld [smem:$0x3FDB];
	_ =	sdelay $0x1  }
0x9f: {  	s19 =	simm.s32 $_scs_section_size  }
0xa0: {  	s5 =	simm.s32 $_size__tile_overlayer_lowered;
	s6 =	simm.s32 $_tile_overlayer_lowered  }
0xa1: {  	s22 =	simm.s32 $0x1BFF;
	s21 =	sshll.u32 s6, $0x1;
	s3 =	sadd.s32 s19, s18  }
0xa2: {  	s7 =	simm.s32 $0x0;
	s20 =	sshll.u32 s5, $0x1;
	s5 =	sadd.s32 s21, s3  }
0xa3: {  	[timem:s7], [sflag:s22] =	dma.local [hbm:s5], s20  }
0xa4: {  	_ =	swait.ge [sflag:s22], s20  }
0xa5: {  	s4 =	ssub.s32 $0x0, s20;
	[sflag:s22] =	ssyncset.done $0x0  }
0xa6: {  	[sflag:s22] =	ssyncadd.s32 s4;
	_ =	sdelay $0x1  }
0xa7: {  	s23 =	simm.s32 $0x1B8B  }
0xa8: {  	_ =	swait.ge [sflag:s23], $0x1  }
0xa9: {  	[sflag:s23] =	ssyncset.done $0x0  }
0xaa: {  	s25 =	simm.s32 $0x1B8E;
	s24 =	sld [smem:$0x3FFE];
	[sflag:s23] =	ssyncadd.s32 $0xFFFFFFFF  }
0xab: {  	s26 =	simm.s32 $execute0_lowered;
	[smem:$0x3FD2] =	sst s25  }
0xac: {  	s5 =	sshll.u32 s26, $0x1;
	_ =	strace $0x8000004C;
	[dreg:$0x1] =	wrdreg $0xFFFFFFFF  }
0xad: {  	s28 =	simm.s32 $_size_execute0_lowered;
	s3 =	sadd.s32 s3, s5;
	[dreg:$0x0] =	wrdreg $0x0  }
0xae: {  	s5 =	sshll.u32 s28, $0x1;
	[dreg:$0x2] =	wrdreg s3  }
0xaf: {  	[dreg:$0x3] =	wrdreg s5  }
0xb0: {  	[dreg:$0x4] =	wrdreg $0xC0  }
0xb1: {  	_ =	task [dreg:s7], $0x5FFFF  }
0xb2: {  	[dreg:$0x1] =	wrdreg $0xFFFFFFFF  }
0xb3: {  	[dreg:$0x0] =	wrdreg $0x60  }
0xb4: {  	[dreg:$0x2] =	wrdreg s24  }
0xb5: {  	[dreg:$0x3] =	wrdreg s16  }
0xb6: {  	[dreg:$0x4] =	wrdreg $0x0  }
0xb7: {  	[dreg:$0x5] =	wrdreg $0xA0000  }
0xb8: {  	[dreg:$0x6] =	wrdreg $0x9  }
0xb9: {  	_ =	task.clear_ibuf [dreg:s7], $0x7FFFF;
	_ =	strace $0x9000004C  }
0xba: {  	s29 =	simm.s32 $0x9;
	_ =	strace $0x8000004E  }
0xbb: {  	_ =	swait.ge [sflag:s29], $0x1  }
0xbc: {  	[sflag:s29] =	ssyncadd.s32 $0xFFFFFFFF  }
0xbd: {  	_ =	strace $0x9000004E  }
0xbe: {  	_ =	sfence  }
0xbf: {  	s30 =	sld [smem:$0x0];
	_ =	sdelay $0x2  }
0xc0: {  	s31 =	sshll.u32 s1, $0xD;
	s1 =	sshrl.u32 s1, $0x2  }
0xc1: {  	s3 =	sand.u32 $0x4000, s31;
	s1 =	sadd.s32 s1, s30  }
0xc2: {  	s0 =	sor.u32 s3, s0;
	s1 =	sshll.u32 s1, $0x11  }
0xc3: {  	s0 =	sor.u32 s1, s0  }
0xc4: {  	s0 =	sadd.s32 $0x8F2B, s0  }
0xc5: {  	[sflag:s0] =	ssyncadd.remote.s32 $0x1  }
0xc6: {  	_ =	sfence.sel $0xFFFF  }
0xc7: {  	[dreg:$0x0] =	wrdreg $0xFFFFFFFF;
	(pc) =	sbr.abs _section_cstart, $3  }
0xc8: {  	[dreg:$0x1] =	wrdreg $0xFFFFFFFF  }
0xc9: {  	_ =	task.clear_ibuf [dreg:s7], $0x2FFFF;
	_ =	strace $0x9FFFFFFF  }
0xca: {  	(tm) =	ssettm $0x7FFFFFFF  }
0xcb: {  	_ =	shalt  }
tec
execute0_lowered:
.L_overlay_start_1:
0x0: {  	(tag) =	ssettag $0x1  }
0x1: {  	s0 =	rddreg [dreg:$0x0]  }
0x2: {  	s1 =	rddreg [dreg:$0x1]  }
0x3: {  	s2 =	rddreg [dreg:$0x2]  }
0x4: {  	s3 =	rddreg [dreg:$0x3];
	s12 =	stileid.u32;
	s4 =	simm.s32 $0x0  }
0x5: {  	s6 =	srdreg.scid;
	s28 =	simm.s32 $0x14200;
	s29 =	simm.s32 $0x14080  }
0x6: {  	s30 =	simm.s32 $0x14280;
	s31 =	simm.s32 $0x14100;
	s5 =	smul.u32 $0xA000, s12  }
0x7: {  	[smem:$0x7FF] =	sst s4;
	s6 =	sand.u32 $0x1, s6;
	s7 =	smul.u32 $0x14000, s12  }
0x8: {  	s9 =	sadd.s32 $0xA7000, s0;
	s15 =	smul.u32 $0x5000, s12;
	s16 =	sshll.u32 s12, $0x6  }
0x9: {  	_ =	strace $0x8000004D;
	s8 =	sshll.u32 s6, $0x6;
	s6 =	ssub.s32 $0x2, s6  }
0xa: {  	s10 =	sshrl.u32 s5, $0x3;
	s7 =	sor.u32 s8, s7;
	s14 =	sshrl.u32 s6, $0x1  }
0xb: {  	s11 =	sadd.s32 s5, s2;
	s5 =	sadd.s32 s5, s3;
	s8 =	simm.s32 $0x80  }
0xc: {  	s26 =	sadd.s32 s10, s0;
	s7 =	sshrl.u32 s7, $0x3;
	s10 =	sshrl.u32 s15, $0x3  }
0xd: {  	[dreg:$0x6] =	wrdreg s5;
	s0 =	sadd.s32 s7, s0;
	s7 =	ssub.s32 s6, s14  }
0xe: {  	s6 =	sor.u32 $0x1C03, s16;
	s17 =	sadd.s32 $0xB1000, s26;
	s18 =	sadd.s32 s9, s10  }
0xf: {  	s19 =	sadd.s32 s1, s10;
	s20 =	sor.u32 $0x10, s10;
	[dreg:$0x7] =	wrdreg s17  }
0x10: {  	s21 =	sor.u32 $0x20, s10;
	s25 =	sor.u32 $0x30, s10;
	[dreg:$0x8] =	wrdreg s18  }
0x11: {  	s26 =	smul.u32 $0xA00, s12;
	s13 =	sadd.s32 $0x5000, s0;
	[dreg:$0x9] =	wrdreg s19  }
0x12: {  	s22 =	sadd.s32 s9, s20;
	s5 =	sadd.s32 s1, s20;
	[dreg:$0x5] =	wrdreg s13  }
0x13: {  	s23 =	sadd.s32 s9, s21;
	s24 =	sadd.s32 s1, s21;
	[dreg:$0xa] =	wrdreg s22  }
0x14: {  	s10 =	sadd.s32 s9, s25;
	s17 =	sadd.s32 $0x7D000, s0;
	[dreg:$0xb] =	wrdreg s5  }
0x15: {  	s18 =	smax.u32 s7, $0x1;
	s21 =	sshrl.u32 s11, $0x3;
	[dreg:$0xc] =	wrdreg s23  }
0x16: {  	s0 =	simm.s32 $0x14300;
	s7 =	simm.s32 $0x2;
	[dreg:$0xd] =	wrdreg s24  }
0x17: {  	s11 =	simm.s32 $0x0;
	[dreg:$0xe] =	wrdreg s10;
	s5 =	sadd.s32 s1, s25  }
0x18: {  	s19 =	sadd.s32 s26, s1;
	s20 =	sadd.s32 s26, s9;
	s22 =	simm.s32 $0x1  }
0x19: {  	s23 =	simm.s32 $0x8;
	s24 =	simm.s32 $0x10;
	s25 =	simm.s32 $0x3  }
0x1a: {  	s26 =	simm.s32 $0x14000;
	s1 =	simm.s32 $0x14180;
	s9 =	simm.s32 $0x14400  }
0x1b: {  	s10 =	simm.s32 $0x16400;
	[dreg:$0xf] =	wrdreg s5;
	s5 =	simm.s32 $0x14380  }
.LBB2_1:
0x1c: {  	s12 =	rddreg [dreg:$0x5]  }
0x1d: {  	[spmem:s21@s23], [sflag:s6] =	dma.strided [hbm:s12@s24], $0x1400, s22, $0x8   }
0x1e: {  	_ =	swait.ge [sflag:s25], $0x1400  }
0x1f: {  	[sflag:s25] =	ssyncset.done $0x0;
	s13 =	rddreg [dreg:$0x6]  }
0x20: {  	[sflag:s25] =	ssyncadd.s32 $0xFFFFEC00;
	s12 =	sshrl.u32 s13, $0x3;
	s13 =	rddreg [dreg:$0x7]  }
0x21: {  	[spmem:s12], [sflag:s6] =	dma.local [hbm:s13], $0x1400  }
0x22: {  	_ =	swait.ge [sflag:s25], $0x1400  }
0x23: {  	[sflag:s25] =	ssyncset.done $0x0  }
0x24: {  	[sflag:s25] =	ssyncadd.s32 $0xFFFFEC00  }
0x25: {  	[bflag:$0x0] =	sbarrier.arrive $0xFFFF  }
0x26: {  	s14 =	rddreg [dreg:$0x8]  }
0x27: {  	[tilespmem:s26], [sflag:$0x2] =	stream.linear.gather [hbm4b:s14+s4], $0x80, $0x38;
	[tilespmem:$0x18400] =	vst v63  }
0x28: {  	s15 =	rddreg [dreg:$0x9]  }
0x29: {  	[tilespmem:s28], [sflag:$0x2] =	stream.linear.gather [hbm4b:s15+s4], $0x80, $0x38;
	[tilespmem:$0x18400] =	vst v63  }
0x2a: {  	s16 =	rddreg [dreg:$0xa]  }
0x2b: {  	[tilespmem:s29], [sflag:$0x2] =	stream.linear.gather [hbm4b:s16+s4], $0x80, $0x38;
	[tilespmem:$0x18400] =	vst v63  }
0x2c: {  	s14 =	rddreg [dreg:$0xb]  }
0x2d: {  	[tilespmem:s30], [sflag:$0x2] =	stream.linear.gather [hbm4b:s14+s4], $0x80, $0x38;
	[tilespmem:$0x18400] =	vst v63  }
0x2e: {  	s15 =	rddreg [dreg:$0xc]  }
0x2f: {  	[tilespmem:s31], [sflag:$0x2] =	stream.linear.gather [hbm4b:s15+s4], $0x80, $0x38;
	[tilespmem:$0x18400] =	vst v63  }
0x30: {  	s16 =	rddreg [dreg:$0xd]  }
0x31: {  	[tilespmem:s0], [sflag:$0x2] =	stream.linear.gather [hbm4b:s16+s4], $0x80, $0x38;
	[tilespmem:$0x18400] =	vst v63  }
0x32: {  	s14 =	rddreg [dreg:$0xe]  }
0x33: {  	[tilespmem:s1], [sflag:$0x2] =	stream.linear.gather [hbm4b:s14+s4], $0x80, $0x38;
	[tilespmem:$0x18400] =	vst v63  }
0x34: {  	s15 =	rddreg [dreg:$0xf]  }
0x35: {  	[tilespmem:s5], [sflag:$0x2] =	stream.linear.gather [hbm4b:s15+s4], $0x80, $0x38;
	[tilespmem:$0x18400] =	vst v63  }
0x36: {  	_ =	swait.ge [sflag:s7], $0x80  }
0x37: {  	[sflag:s7] =	ssyncset.done $0x0  }
0x38: {  	[sflag:s7] =	ssyncadd.s32 $0xFFFFFF80  }
0x39: {  	_ =	swait.ge [sflag:s7], $0x80  }
0x3a: {  	[sflag:s7] =	ssyncset.done $0x0  }
0x3b: {  	[sflag:s7] =	ssyncadd.s32 $0xFFFFFF80  }
0x3c: {  	[tilespmem:s9], [sflag:$0x1] =	stream.indirect.gather [spmem:s2], $0x40, s26, s8, $0xb8;
	[tilespmem:$0x18400] =	vst v63  }
0x3d: {  	_ =	swait.ge [sflag:s7], $0x80  }
0x3e: {  	[sflag:s7] =	ssyncset.done $0x0  }
0x3f: {  	[sflag:s7] =	ssyncadd.s32 $0xFFFFFF80  }
0x40: {  	_ =	swait.ge [sflag:s7], $0x80  }
0x41: {  	[sflag:s7] =	ssyncset.done $0x0  }
0x42: {  	[sflag:s7] =	ssyncadd.s32 $0xFFFFFF80  }
0x43: {  	[tilespmem:s10], [sflag:$0x1] =	stream.indirect.gather [spmem:s2], $0x40, s29, s8, $0xb8;
	[tilespmem:$0x18400] =	vst v63  }
0x44: {  	_ =	swait.ge [sflag:s22], $0x2000  }
0x45: {  	[sflag:s22] =	ssyncset.done $0x0  }
0x46: {  	[sflag:s22] =	ssyncadd.s32 $0xFFFFE000  }
0x47: {  	[spmem:s3] =	stream.indirect.scatter.add.f32 [tilespmem:s9], [sflag:$0x3], $0x40, s28, s8, $0xb8;
	[tilespmem:$0x18400] =	vst v63  }
0x48: {  	_ =	swait.ge [sflag:s25], $0x2000  }
0x49: {  	s13 =	sadd.s32 $0x0, s20;
	[sflag:s25] =	ssyncset.done $0x0  }
0x4a: {  	s14 =	sadd.s32 $0x40, s13;
	s15 =	sadd.s32 $0x0, s19;
	[sflag:s25] =	ssyncadd.s32 $0xFFFFE000  }
0x4b: {  	[tilespmem:s26], [sflag:$0x2] =	stream.linear.gather [hbm4b:s14+s4], $0x80, $0x38;
	[tilespmem:$0x18400] =	vst v63  }
0x4c: {  	s16 =	sadd.s32 $0x40, s15  }
0x4d: {  	[tilespmem:s28], [sflag:$0x2] =	stream.linear.gather [hbm4b:s16+s4], $0x80, $0x38;
	[tilespmem:$0x18400] =	vst v63  }
0x4e: {  	_ =	swait.ge [sflag:s7], $0x80  }
0x4f: {  	[sflag:s7] =	ssyncset.done $0x0  }
0x50: {  	[sflag:s7] =	ssyncadd.s32 $0xFFFFFF80  }
0x51: {  	_ =	swait.ge [sflag:s7], $0x80  }
0x52: {  	[sflag:s7] =	ssyncset.done $0x0  }
0x53: {  	[sflag:s7] =	ssyncadd.s32 $0xFFFFFF80  }
0x54: {  	[tilespmem:s9], [sflag:$0x1] =	stream.indirect.gather [spmem:s2], $0x40, s31, s8, $0xb8;
	[tilespmem:$0x18400] =	vst v63  }
0x55: {  	_ =	swait.ge [sflag:s22], $0x2000  }
0x56: {  	[sflag:s22] =	ssyncset.done $0x0  }
0x57: {  	[sflag:s22] =	ssyncadd.s32 $0xFFFFE000  }
0x58: {  	[spmem:s3] =	stream.indirect.scatter.add.f32 [tilespmem:s10], [sflag:$0x3], $0x40, s30, s8, $0xb8;
	[tilespmem:$0x18400] =	vst v63  }
0x59: {  	_ =	swait.ge [sflag:s25], $0x2000  }
0x5a: {  	[sflag:s25] =	ssyncset.done $0x0  }
0x5b: {  	s16 =	sadd.s32 $0x50, s13;
	[sflag:s25] =	ssyncadd.s32 $0xFFFFE000  }
0x5c: {  	[tilespmem:s29], [sflag:$0x2] =	stream.linear.gather [hbm4b:s16+s4], $0x80, $0x38;
	[tilespmem:$0x18400] =	vst v63  }
0x5d: {  	s16 =	sadd.s32 $0x50, s15  }
0x5e: {  	[tilespmem:s30], [sflag:$0x2] =	stream.linear.gather [hbm4b:s16+s4], $0x80, $0x38;
	[tilespmem:$0x18400] =	vst v63  }
0x5f: {  	_ =	swait.ge [sflag:s7], $0x80  }
0x60: {  	[sflag:s7] =	ssyncset.done $0x0  }
0x61: {  	[sflag:s7] =	ssyncadd.s32 $0xFFFFFF80  }
0x62: {  	_ =	swait.ge [sflag:s7], $0x80  }
0x63: {  	[sflag:s7] =	ssyncset.done $0x0  }
0x64: {  	[sflag:s7] =	ssyncadd.s32 $0xFFFFFF80  }
0x65: {  	[tilespmem:s10], [sflag:$0x1] =	stream.indirect.gather [spmem:s2], $0x40, s1, s8, $0xb8;
	[tilespmem:$0x18400] =	vst v63  }
0x66: {  	_ =	swait.ge [sflag:s22], $0x2000  }
0x67: {  	[sflag:s22] =	ssyncset.done $0x0  }
0x68: {  	[sflag:s22] =	ssyncadd.s32 $0xFFFFE000  }
0x69: {  	[spmem:s3] =	stream.indirect.scatter.add.f32 [tilespmem:s9], [sflag:$0x3], $0x40, s0, s8, $0xb8;
	[tilespmem:$0x18400] =	vst v63  }
0x6a: {  	_ =	swait.ge [sflag:s25], $0x2000  }
0x6b: {  	[sflag:s25] =	ssyncset.done $0x0  }
0x6c: {  	s16 =	sadd.s32 $0x60, s13;
	[sflag:s25] =	ssyncadd.s32 $0xFFFFE000  }
0x6d: {  	[tilespmem:s31], [sflag:$0x2] =	stream.linear.gather [hbm4b:s16+s4], $0x80, $0x38;
	[tilespmem:$0x18400] =	vst v63  }
0x6e: {  	s16 =	sadd.s32 $0x60, s15  }
0x6f: {  	[tilespmem:s0], [sflag:$0x2] =	stream.linear.gather [hbm4b:s16+s4], $0x80, $0x38;
	[tilespmem:$0x18400] =	vst v63  }
0x70: {  	_ =	swait.ge [sflag:s7], $0x80  }
0x71: {  	[sflag:s7] =	ssyncset.done $0x0  }
0x72: {  	[sflag:s7] =	ssyncadd.s32 $0xFFFFFF80  }
0x73: {  	_ =	swait.ge [sflag:s7], $0x80  }
0x74: {  	[sflag:s7] =	ssyncset.done $0x0  }
0x75: {  	[sflag:s7] =	ssyncadd.s32 $0xFFFFFF80  }
0x76: {  	[tilespmem:s9], [sflag:$0x1] =	stream.indirect.gather [spmem:s2], $0x40, s26, s8, $0xb8;
	[tilespmem:$0x18400] =	vst v63  }
0x77: {  	_ =	swait.ge [sflag:s22], $0x2000  }
0x78: {  	[sflag:s22] =	ssyncset.done $0x0  }
0x79: {  	[sflag:s22] =	ssyncadd.s32 $0xFFFFE000  }
0x7a: {  	[spmem:s3] =	stream.indirect.scatter.add.f32 [tilespmem:s10], [sflag:$0x3], $0x40, s5, s8, $0xb8;
	[tilespmem:$0x18400] =	vst v63  }
0x7b: {  	_ =	swait.ge [sflag:s25], $0x2000  }
0x7c: {  	[sflag:s25] =	ssyncset.done $0x0  }
0x7d: {  	s13 =	sadd.s32 $0x70, s13;
	[sflag:s25] =	ssyncadd.s32 $0xFFFFE000  }
0x7e: {  	[tilespmem:s1], [sflag:$0x2] =	stream.linear.gather [hbm4b:s13+s4], $0x80, $0x38;
	[tilespmem:$0x18400] =	vst v63  }
0x7f: {  	s14 =	sadd.s32 $0x70, s15;
	s13 =	simm.s32 $0x40  }
.LBB2_2:
0x80: {  	[tilespmem:s5], [sflag:$0x2] =	stream.linear.gather [hbm4b:s14+s4], $0x80, $0x38;
	[tilespmem:$0x18400] =	vst v63  }
0x81: {  	s15 =	smov.u32 s13  }
0x82: {  	p0 =	sne.s32 s13, $0x980;
	s13 =	sadd.s32 $0x40, s13;
	_ =	swait.ge [sflag:s7], $0x80  }
0x83: {  	[sflag:s7] =	ssyncset.done $0x0  }
0x84: {  	[sflag:s7] =	ssyncadd.s32 $0xFFFFFF80  }
0x85: {  	_ =	swait.ge [sflag:s7], $0x80  }
0x86: {  	[sflag:s7] =	ssyncset.done $0x0  }
0x87: {  	[sflag:s7] =	ssyncadd.s32 $0xFFFFFF80  }
0x88: {  	[tilespmem:s10], [sflag:$0x1] =	stream.indirect.gather [spmem:s2], $0x40, s29, s8, $0xb8;
	[tilespmem:$0x18400] =	vst v63  }
0x89: {  	_ =	swait.ge [sflag:s22], $0x2000  }
0x8a: {  	[sflag:s22] =	ssyncset.done $0x0  }
0x8b: {  	[sflag:s22] =	ssyncadd.s32 $0xFFFFE000  }
0x8c: {  	[spmem:s3] =	stream.indirect.scatter.add.f32 [tilespmem:s9], [sflag:$0x3], $0x40, s28, s8, $0xb8;
	[tilespmem:$0x18400] =	vst v63  }
0x8d: {  	_ =	swait.ge [sflag:s25], $0x2000  }
0x8e: {  	s14 =	sadd.s32 s15, s20;
	[sflag:s25] =	ssyncset.done $0x0  }
0x8f: {  	s15 =	sadd.s32 s15, s19;
	s16 =	sadd.s32 $0x40, s14;
	[sflag:s25] =	ssyncadd.s32 $0xFFFFE000  }
0x90: {  	[tilespmem:s26], [sflag:$0x2] =	stream.linear.gather [hbm4b:s16+s4], $0x80, $0x38;
	[tilespmem:$0x18400] =	vst v63  }
0x91: {  	s16 =	sadd.s32 $0x40, s15  }
0x92: {  	[tilespmem:s28], [sflag:$0x2] =	stream.linear.gather [hbm4b:s16+s4], $0x80, $0x38;
	[tilespmem:$0x18400] =	vst v63  }
0x93: {  	_ =	swait.ge [sflag:s7], $0x80  }
0x94: {  	[sflag:s7] =	ssyncset.done $0x0  }
0x95: {  	[sflag:s7] =	ssyncadd.s32 $0xFFFFFF80  }
0x96: {  	_ =	swait.ge [sflag:s7], $0x80  }
0x97: {  	[sflag:s7] =	ssyncset.done $0x0  }
0x98: {  	[sflag:s7] =	ssyncadd.s32 $0xFFFFFF80  }
0x99: {  	[tilespmem:s9], [sflag:$0x1] =	stream.indirect.gather [spmem:s2], $0x40, s31, s8, $0xb8;
	[tilespmem:$0x18400] =	vst v63  }
0x9a: {  	_ =	swait.ge [sflag:s22], $0x2000  }
0x9b: {  	[sflag:s22] =	ssyncset.done $0x0  }
0x9c: {  	[sflag:s22] =	ssyncadd.s32 $0xFFFFE000  }
0x9d: {  	[spmem:s3] =	stream.indirect.scatter.add.f32 [tilespmem:s10], [sflag:$0x3], $0x40, s30, s8, $0xb8;
	[tilespmem:$0x18400] =	vst v63  }
0x9e: {  	_ =	swait.ge [sflag:s25], $0x2000  }
0x9f: {  	[sflag:s25] =	ssyncset.done $0x0  }
0xa0: {  	s16 =	sadd.s32 $0x50, s14;
	[sflag:s25] =	ssyncadd.s32 $0xFFFFE000  }
0xa1: {  	[tilespmem:s29], [sflag:$0x2] =	stream.linear.gather [hbm4b:s16+s4], $0x80, $0x38;
	[tilespmem:$0x18400] =	vst v63  }
0xa2: {  	s16 =	sadd.s32 $0x50, s15  }
0xa3: {  	[tilespmem:s30], [sflag:$0x2] =	stream.linear.gather [hbm4b:s16+s4], $0x80, $0x38;
	[tilespmem:$0x18400] =	vst v63  }
0xa4: {  	_ =	swait.ge [sflag:s7], $0x80  }
0xa5: {  	[sflag:s7] =	ssyncset.done $0x0  }
0xa6: {  	[sflag:s7] =	ssyncadd.s32 $0xFFFFFF80  }
0xa7: {  	_ =	swait.ge [sflag:s7], $0x80  }
0xa8: {  	[sflag:s7] =	ssyncset.done $0x0  }
0xa9: {  	[sflag:s7] =	ssyncadd.s32 $0xFFFFFF80  }
0xaa: {  	[tilespmem:s10], [sflag:$0x1] =	stream.indirect.gather [spmem:s2], $0x40, s1, s8, $0xb8;
	[tilespmem:$0x18400] =	vst v63  }
0xab: {  	_ =	swait.ge [sflag:s22], $0x2000  }
0xac: {  	[sflag:s22] =	ssyncset.done $0x0  }
0xad: {  	[sflag:s22] =	ssyncadd.s32 $0xFFFFE000  }
0xae: {  	[spmem:s3] =	stream.indirect.scatter.add.f32 [tilespmem:s9], [sflag:$0x3], $0x40, s0, s8, $0xb8;
	[tilespmem:$0x18400] =	vst v63  }
0xaf: {  	_ =	swait.ge [sflag:s25], $0x2000  }
0xb0: {  	[sflag:s25] =	ssyncset.done $0x0  }
0xb1: {  	s16 =	sadd.s32 $0x60, s14;
	[sflag:s25] =	ssyncadd.s32 $0xFFFFE000  }
0xb2: {  	[tilespmem:s31], [sflag:$0x2] =	stream.linear.gather [hbm4b:s16+s4], $0x80, $0x38;
	[tilespmem:$0x18400] =	vst v63  }
0xb3: {  	s16 =	sadd.s32 $0x60, s15  }
0xb4: {  	[tilespmem:s0], [sflag:$0x2] =	stream.linear.gather [hbm4b:s16+s4], $0x80, $0x38;
	[tilespmem:$0x18400] =	vst v63  }
0xb5: {  	_ =	swait.ge [sflag:s7], $0x80  }
0xb6: {  	[sflag:s7] =	ssyncset.done $0x0  }
0xb7: {  	[sflag:s7] =	ssyncadd.s32 $0xFFFFFF80  }
0xb8: {  	_ =	swait.ge [sflag:s7], $0x80  }
0xb9: {  	[sflag:s7] =	ssyncset.done $0x0  }
0xba: {  	[sflag:s7] =	ssyncadd.s32 $0xFFFFFF80  }
0xbb: {  	[tilespmem:s9], [sflag:$0x1] =	stream.indirect.gather [spmem:s2], $0x40, s26, s8, $0xb8;
	[tilespmem:$0x18400] =	vst v63  }
0xbc: {  	_ =	swait.ge [sflag:s22], $0x2000  }
0xbd: {  	[sflag:s22] =	ssyncset.done $0x0  }
0xbe: {  	[sflag:s22] =	ssyncadd.s32 $0xFFFFE000  }
0xbf: {  	[spmem:s3] =	stream.indirect.scatter.add.f32 [tilespmem:s10], [sflag:$0x3], $0x40, s5, s8, $0xb8;
	[tilespmem:$0x18400] =	vst v63  }
.Ltmp0:
0xc0: {  	_ =	swait.ge [sflag:s25], $0x2000;
	(pc) =	sbr.rel @p0 .LBB2_2-.Ltmp0, $4  }
0xc1: {  	[sflag:s25] =	ssyncset.done $0x0  }
0xc2: {  	s14 =	sadd.s32 $0x70, s14;
	[sflag:s25] =	ssyncadd.s32 $0xFFFFE000  }
0xc3: {  	[tilespmem:s1], [sflag:$0x2] =	stream.linear.gather [hbm4b:s14+s4], $0x80, $0x38;
	[tilespmem:$0x18400] =	vst v63  }
0xc4: {  	s14 =	sadd.s32 $0x70, s15  }
0xc5: {  	[tilespmem:s5], [sflag:$0x2] =	stream.linear.gather [hbm4b:s14+s4], $0x80, $0x38;
	[tilespmem:$0x18400] =	vst v63  }
0xc6: {  	_ =	swait.ge [sflag:s7], $0x80  }
0xc7: {  	[sflag:s7] =	ssyncset.done $0x0  }
0xc8: {  	[sflag:s7] =	ssyncadd.s32 $0xFFFFFF80  }
0xc9: {  	_ =	swait.ge [sflag:s7], $0x80  }
0xca: {  	[sflag:s7] =	ssyncset.done $0x0  }
0xcb: {  	[sflag:s7] =	ssyncadd.s32 $0xFFFFFF80  }
0xcc: {  	[tilespmem:s10], [sflag:$0x1] =	stream.indirect.gather [spmem:s2], $0x40, s29, s8, $0xb8;
	[tilespmem:$0x18400] =	vst v63  }
0xcd: {  	_ =	swait.ge [sflag:s22], $0x2000  }
0xce: {  	[sflag:s22] =	ssyncset.done $0x0  }
0xcf: {  	[sflag:s22] =	ssyncadd.s32 $0xFFFFE000  }
0xd0: {  	[spmem:s3] =	stream.indirect.scatter.add.f32 [tilespmem:s9], [sflag:$0x3], $0x40, s28, s8, $0xb8;
	[tilespmem:$0x18400] =	vst v63  }
0xd1: {  	_ =	swait.ge [sflag:s25], $0x2000  }
0xd2: {  	[sflag:s25] =	ssyncset.done $0x0  }
0xd3: {  	[sflag:s25] =	ssyncadd.s32 $0xFFFFE000  }
0xd4: {  	_ =	swait.ge [sflag:s7], $0x80  }
0xd5: {  	[sflag:s7] =	ssyncset.done $0x0  }
0xd6: {  	[sflag:s7] =	ssyncadd.s32 $0xFFFFFF80  }
0xd7: {  	_ =	swait.ge [sflag:s7], $0x80  }
0xd8: {  	[sflag:s7] =	ssyncset.done $0x0  }
0xd9: {  	[sflag:s7] =	ssyncadd.s32 $0xFFFFFF80  }
0xda: {  	[tilespmem:s9], [sflag:$0x1] =	stream.indirect.gather [spmem:s2], $0x40, s31, s8, $0xb8;
	[tilespmem:$0x18400] =	vst v63  }
0xdb: {  	_ =	swait.ge [sflag:s22], $0x2000  }
0xdc: {  	[sflag:s22] =	ssyncset.done $0x0  }
0xdd: {  	[sflag:s22] =	ssyncadd.s32 $0xFFFFE000  }
0xde: {  	[spmem:s3] =	stream.indirect.scatter.add.f32 [tilespmem:s10], [sflag:$0x3], $0x40, s30, s8, $0xb8;
	[tilespmem:$0x18400] =	vst v63  }
0xdf: {  	_ =	swait.ge [sflag:s25], $0x2000  }
0xe0: {  	[sflag:s25] =	ssyncset.done $0x0  }
0xe1: {  	[sflag:s25] =	ssyncadd.s32 $0xFFFFE000  }
0xe2: {  	_ =	swait.ge [sflag:s7], $0x80  }
0xe3: {  	[sflag:s7] =	ssyncset.done $0x0  }
0xe4: {  	[sflag:s7] =	ssyncadd.s32 $0xFFFFFF80  }
0xe5: {  	_ =	swait.ge [sflag:s7], $0x80  }
0xe6: {  	[sflag:s7] =	ssyncset.done $0x0  }
0xe7: {  	[sflag:s7] =	ssyncadd.s32 $0xFFFFFF80  }
0xe8: {  	[tilespmem:s10], [sflag:$0x1] =	stream.indirect.gather [spmem:s2], $0x40, s1, s8, $0xb8;
	[tilespmem:$0x18400] =	vst v63  }
0xe9: {  	_ =	swait.ge [sflag:s22], $0x2000  }
0xea: {  	[sflag:s22] =	ssyncset.done $0x0  }
0xeb: {  	[sflag:s22] =	ssyncadd.s32 $0xFFFFE000  }
0xec: {  	[spmem:s3] =	stream.indirect.scatter.add.f32 [tilespmem:s9], [sflag:$0x3], $0x40, s0, s8, $0xb8;
	[tilespmem:$0x18400] =	vst v63  }
0xed: {  	_ =	swait.ge [sflag:s25], $0x2000  }
0xee: {  	[sflag:s25] =	ssyncset.done $0x0  }
0xef: {  	[sflag:s25] =	ssyncadd.s32 $0xFFFFE000  }
0xf0: {  	_ =	swait.ge [sflag:s22], $0x2000  }
0xf1: {  	[sflag:s22] =	ssyncset.done $0x0  }
0xf2: {  	[sflag:s22] =	ssyncadd.s32 $0xFFFFE000  }
0xf3: {  	[spmem:s3] =	stream.indirect.scatter.add.f32 [tilespmem:s10], [sflag:$0x3], $0x40, s5, s8, $0xb8;
	[tilespmem:$0x18400] =	vst v63  }
0xf4: {  	_ =	swait.ge [sflag:s25], $0x2000  }
0xf5: {  	s11 =	sadd.s32 $0x1, s11;
	[sflag:s25] =	ssyncset.done $0x0  }
0xf6: {  	p0 =	sne.s32 s11, s18;
	[sflag:s25] =	ssyncadd.s32 $0xFFFFE000  }
.Ltmp1:
0xf7: {  	[bflag:$0x0] =	sbarrier.arrive $0xFFFF;
	(pc) =	sbr.rel @p0 .LBB2_1-.Ltmp1, $4  }
0xf8: {  	[hbm:s17@s24], [sflag:s6] =	dma.strided [spmem:s12@s23], $0x1400, s22, $0x8   }
0xf9: {  	_ =	swait.ge [sflag:s25], $0x1400  }
0xfa: {  	[sflag:s25] =	ssyncset.done $0x0  }
0xfb: {  	[sflag:s25] =	ssyncadd.s32 $0xFFFFEC00  }
0xfc: {  	_ =	sfence.sel $0x180000  }
0xfd: {  	[bflag:$0x0] =	sbarrier.arrive $0xFFFF  }
0xfe: {  	_ =	strace $0x9000004D  }
0xff: {  	s0 =	stileid.u32;
	[bflag:$0x2] =	sbarrier.arrive $0xFFFF  }
0x100: {  	p0 =	sne.s32 s0, $0x0;
	s0 =	rddreg [dreg:$0x4]  }
0x101: {  	s0 =	sadd.s32 @!p0 $0x100000, s0  }
0x102: {  	[sflag:s0] =	ssyncadd.tile.s32 @!p0 $0x1;
	_ =	shalt  }
.Lfunc_end2:
_tile_overlayer_lowered:
.L_overlay_start_2:
0x103: {  	(tag) =	ssettag $0x2  }
0x104: {  	s0 =	rddreg [dreg:$0x0];
	s2 =	stileid.u32  }
0x105: {  	s1 =	rddreg [dreg:$0x1];
	p0 =	sne.s32 s2, $0x0  }
0x106: {  	s3 =	rddreg [dreg:$0x2];
	[bflag:$0x3] =	sbarrier.arrive $0xFFFF;
	s2 =	simm.s32 @!p0 $0x1C03  }
0x107: {  	[timem:s3], [sflag:s2] =	dma.local @!p0 [hbm:s0], s1  }
0x108: {  	s0 =	simm.s32 @!p0 $0x3  }
0x109: {  	_ =	swait.ge @!p0 [sflag:s0], s1  }
0x10a: {  	s1 =	ssub.s32 @!p0 $0x0, s1;
	[sflag:s0] =	ssyncset.done @!p0 $0x0  }
0x10b: {  	[sflag:s0] =	ssyncadd.s32 @!p0 s1  }
0x10c: {  	[bflag:$0x3] =	sbarrier.arrive $0xFFFF  }
0x10d: {  	_ =	shalt  }

// kernel: kernel.8.cloned.1.call-start
scs
__scs_entry_jumppad:
0x0: {  	(pc) =	sbr.rel $0x88, $3  }
0x1: {  	(tag) =	ssettag $0x0;
	lr =	simm.s32 $0x1  }
0x2: {  	[smem:$0x3F8C] =	sst lr;
	_ =	strace $0xD0000000  }
0x3: {  	_ = 	snop  }
0x4: {  	_ = 	snop  }
0x5: {  	_ = 	snop  }
0x6: {  	_ = 	snop  }
0x7: {  	_ = 	snop  }
__scs_overlays_trampoline_lowered:
0x8: {  	[smem:$0x3F9B] =	sst s0  }
0x9: {  	[smem:$0x3F9C] =	sst s1  }
0xa: {  	[smem:$0x3F9D] =	sst s2  }
0xb: {  	[smem:$0x3F9E] =	sst s3  }
0xc: {  	[smem:$0x3F9F] =	sst s4  }
0xd: {  	[smem:$0x3FA0] =	sst s5  }
0xe: {  	[smem:$0x3FA1] =	sst s6  }
0xf: {  	[smem:$0x3FA2] =	sst s7  }
0x10: {  	[smem:$0x3FA3] =	sst s8  }
0x11: {  	[smem:$0x3FA4] =	sst s9;
	s0 =	simm.s32 @!p0 $0x0  }
0x12: {  	s1 =	sld [smem:$0x3F8A];
	s0 =	simm.s32 @p0 $0x1  }
0x13: {  	[smem:$0x3FA5] =	sst s0;
	s0 =	simm.s32 @!p1 $0x0  }
0x14: {  	s2 =	sld [smem:$0x3F89];
	s0 =	simm.s32 @p1 $0x1  }
0x15: {  	[smem:$0x3FA6] =	sst s0;
	s0 =	simm.s32 @!p2 $0x0  }
0x16: {  	s3 =	sld [smem:$0x3FDB];
	s0 =	simm.s32 @p2 $0x1  }
0x17: {  	s4 =	simm.s32 $0x1BF5;
	[smem:$0x3FA8] =	sst s0  }
0x18: {  	s0 =	sld [smem:$0x3F8B];
	_ =	swait.ge [sflag:s4], $0x0  }
0x19: {  	s7 =	sld [smem:$0x3F8C]  }
0x1a: {  	s8 =	sadd.s32 $0xFFFFE003, lr  }
0x1b: {  	s9 =	sadd.s32 $0xFFFFFEF7, lr;
	s5 =	simm.s32 $0xFFFFFFFF;
	p2 =	slt.u32 s8, $0xFFFFF086  }
0x1c: {  	p1 =	slt.u32 s9, $0xF7A;
	s5 =	simm.s32 @!p2 $0x0  }
0x1d: {  	s5 =	simm.s32 @p1 $0x1;
	p0 =	seq.s32 s7, s2  }
0x1e: {  	s7 =	smul.u32 @!p0 $0xF7A, s2;
	p2 =	seq.s32 @!p0 s5, $0x0  }
0x1f: {  	s9 =	smul.u32 $0xF7A, s1;
	s8 =	simm.s32 @!p0 $0x1BF5;
	p2 =	por !p2, p0  }
0x20: {  	[sflag:s8] =	ssyncset.s32 @!p0 $0xFFFFF086;
	s6 =	sadd.s32 @!p0 s3, s7;
	s7 =	simm.s32 @!p0 $0x108  }
0x21: {  	s3 =	sadd.s32 s3, s9;
	s6 =	sadd.s32 @!p0 $0x88, s6;
	s7 =	simm.s32 @p2 $0x1082  }
0x22: {  	[simem:s7], [sflag:s8] =	dma.local @!p0 [hbm:s6], $0xF7A  }
0x23: {  	s9 =	sor.u32 $0xD0000000, s2;
	s6 =	simm.s32 $0x108;
	_ =	swait.ge @!p0 [sflag:s8], $0x0  }
0x24: {  	s3 =	sadd.s32 $0x88, s3;
	s6 =	simm.s32 @!p1 $0x1082;
	[sflag:s4] =	ssyncset.s32 $0xFFFFF086  }
0x25: {  	[simem:s6], [sflag:s4] =	dma.local [hbm:s3], $0xF7A  }
0x26: {  	[smem:$0x3F8C] =	sst s1;
	(tag) =	ssettag s2;
	_ =	strace s9  }
0x27: {  	s1 =	sld [smem:$0x3F9C]  }
0x28: {  	s2 =	sld [smem:$0x3F9D]  }
0x29: {  	s4 =	sld [smem:$0x3F9F]  }
0x2a: {  	p0 =	seq.s32 s5, $0x0;
	s5 =	sld [smem:$0x3FA0]  }
0x2b: {  	s6 =	sld [smem:$0x3FA1]  }
0x2c: {  	s7 =	sld [smem:$0x3FA2]  }
0x2d: {  	s3 =	simm.s32 $0x108;
	s8 =	sld [smem:$0x3FA3]  }
0x2e: {  	s3 =	simm.s32 @!p0 $0x1082;
	s9 =	sld [smem:$0x3FA4]  }
0x2f: {  	lr =	sadd.s32 s0, s3;
	s0 =	sld [smem:$0x3F9B]  }
0x30: {  	s3 =	sld [smem:$0x3F9E]  }
0x31: {  	[smem:$0x3FA7] =	sst s10  }
0x32: {  	s10 =	sld [smem:$0x3FA5];
	_ =	sdelay $0x3  }
0x33: {  	p0 =	seq.s32 s10, $0x1;
	s10 =	sld [smem:$0x3FA7];
	_ =	sdelay $0x3  }
0x34: {  	[smem:$0x3FA7] =	sst s10  }
0x35: {  	s10 =	sld [smem:$0x3FA6];
	_ =	sdelay $0x3  }
0x36: {  	p1 =	seq.s32 s10, $0x1;
	s10 =	sld [smem:$0x3FA7];
	_ =	sdelay $0x3  }
0x37: {  	[smem:$0x3FA7] =	sst s10  }
0x38: {  	s10 =	sld [smem:$0x3FA8]  }
0x39: {  	_ = 	snop;
	(pc) =	sbr.ind lr, $3  }
0x3a: {  	_ = 	snop  }
0x3b: {  	_ = 	snop  }
0x3c: {  	p2 =	seq.s32 s10, $0x1;
	s10 =	sld [smem:$0x3FA7]  }
0x3d: {  	_ =	shalt  }
0x3e: {  	_ =	shalt  }
0x3f: {  	_ =	shalt  }
0x40: {  	_ =	shalt  }
0x41: {  	_ =	shalt  }
0x42: {  	_ =	shalt  }
0x43: {  	_ =	shalt  }
0x44: {  	_ =	shalt  }
0x45: {  	_ =	shalt  }
0x46: {  	_ =	shalt  }
0x47: {  	_ =	shalt  }
0x48: {  	_ =	shalt  }
0x49: {  	_ =	shalt  }
0x4a: {  	_ =	shalt  }
0x4b: {  	_ =	shalt  }
0x4c: {  	_ =	shalt  }
0x4d: {  	_ =	shalt  }
0x4e: {  	_ =	shalt  }
0x4f: {  	_ =	shalt  }
0x50: {  	_ =	shalt  }
0x51: {  	_ =	shalt  }
0x52: {  	_ =	shalt  }
0x53: {  	_ =	shalt  }
0x54: {  	_ =	shalt  }
0x55: {  	_ =	shalt  }
0x56: {  	_ =	shalt  }
0x57: {  	_ =	shalt  }
0x58: {  	_ =	shalt  }
0x59: {  	_ =	shalt  }
0x5a: {  	_ =	shalt  }
0x5b: {  	_ =	shalt  }
0x5c: {  	_ =	shalt  }
0x5d: {  	_ =	shalt  }
0x5e: {  	_ =	shalt  }
0x5f: {  	_ =	shalt  }
0x60: {  	_ =	shalt  }
0x61: {  	_ =	shalt  }
0x62: {  	_ =	shalt  }
0x63: {  	_ =	shalt  }
0x64: {  	_ =	shalt  }
0x65: {  	_ =	shalt  }
0x66: {  	_ =	shalt  }
0x67: {  	_ =	shalt  }
0x68: {  	_ =	shalt  }
0x69: {  	_ =	shalt  }
0x6a: {  	_ =	shalt  }
0x6b: {  	_ =	shalt  }
0x6c: {  	_ =	shalt  }
0x6d: {  	_ =	shalt  }
0x6e: {  	_ =	shalt  }
0x6f: {  	_ =	shalt  }
0x70: {  	_ =	shalt  }
0x71: {  	_ =	shalt  }
0x72: {  	_ =	shalt  }
0x73: {  	_ =	shalt  }
0x74: {  	_ =	shalt  }
0x75: {  	_ =	shalt  }
0x76: {  	_ =	shalt  }
0x77: {  	_ =	shalt  }
0x78: {  	_ =	shalt  }
0x79: {  	_ =	shalt  }
0x7a: {  	_ =	shalt  }
0x7b: {  	_ =	shalt  }
0x7c: {  	_ =	shalt  }
0x7d: {  	_ =	shalt  }
0x7e: {  	_ =	shalt  }
0x7f: {  	_ =	shalt  }
0x80: {  	_ =	shalt  }
0x81: {  	_ =	shalt  }
0x82: {  	_ =	shalt  }
0x83: {  	_ =	shalt  }
0x84: {  	_ =	shalt  }
0x85: {  	_ =	shalt  }
0x86: {  	_ =	shalt  }
0x87: {  	_ =	shalt  }
.Lfunc_end0:
.L_simem_size_0:
called_computation_lowered:
.L_overlay_start_0:
0x88: {  	s2 =	sld [smem:$0x3FD9]  }
0x89: {  	s3 =	sld [smem:$0x3FFE];
	_ =	sdelay $0x1  }
0x8a: {  	s1 =	srdreg.scid  }
0x8b: {  	s0 =	sand.u32 $0x1, s1  }
0x8c: {  	s14 =	sshll.u32 s0, $0xA;
	s2 =	sadd.s32 s3, s2  }
0x8d: {  	s2 =	sadd.s32 s2, s14  }
0x8e: {  	[smem:$0x3FB3] =	sst s2  }
0x8f: {  	_ = 	snop  }
0x90: {  	s2 =	sld [smem:$0x3FD0];
	_ =	sdelay $0x2  }
0x91: {  	s15 =	simm.s32 $0xA;
	s4 =	simm.s32 $0x10  }
0x92: {  	[smem:s4], [sflag:s15] =	dma.local [hbm:s2], $0x1  }
0x93: {  	_ =	swait.eq [sflag:s15], $0x1  }
0x94: {  	[sflag:s15] =	ssyncset.done $0x0  }
0x95: {  	s16 =	sld [smem:$0x10];
	[sflag:s15] =	ssyncadd.s32 $0xFFFFFFFF  }
0x96: {  	s17 =	sld [smem:$0x11];
	(tm) =	ssettm $0x1  }
0x97: {  	s18 =	sld [smem:$0x3FFB];
	_ =	sdelay $0x3  }
0x98: {  	_ =	strace s18  }
0x99: {  	s4 =	sld [smem:$0x3FFC];
	_ =	sdelay $0x3  }
0x9a: {  	_ =	strace s4  }
0x9b: {  	s4 =	sld [smem:$0x3FFD];
	_ =	sdelay $0x3  }
0x9c: {  	_ =	strace s4  }
0x9d: {  	_ =	strace $0x8FFFFFFF  }
0x9e: {  	s19 =	sld [smem:$0x3FDB];
	_ =	sdelay $0x1  }
0x9f: {  	s5 =	simm.s32 $_scs_section_size  }
0xa0: {  	s6 =	simm.s32 $_size__tile_overlayer_lowered;
	s7 =	simm.s32 $_tile_overlayer_lowered  }
0xa1: {  	s22 =	simm.s32 $0x1BFF;
	s21 =	sshll.u32 s7, $0x1;
	s4 =	sadd.s32 s5, s19  }
0xa2: {  	s8 =	simm.s32 $0x0;
	s20 =	sshll.u32 s6, $0x1;
	s6 =	sadd.s32 s21, s4  }
0xa3: {  	[timem:s8], [sflag:s22] =	dma.local [hbm:s6], s20  }
0xa4: {  	_ =	swait.ge [sflag:s22], s20  }
0xa5: {  	s5 =	ssub.s32 $0x0, s20;
	[sflag:s22] =	ssyncset.done $0x0  }
0xa6: {  	[sflag:s22] =	ssyncadd.s32 s5;
	_ =	sdelay $0x1  }
0xa7: {  	s23 =	simm.s32 $0x1B8B  }
0xa8: {  	_ =	swait.ge [sflag:s23], $0x1  }
0xa9: {  	[sflag:s23] =	ssyncset.done $0x0  }
0xaa: {  	s25 =	simm.s32 $0x1B8E;
	s24 =	sld [smem:$0x3FFE];
	[sflag:s23] =	ssyncadd.s32 $0xFFFFFFFF  }
0xab: {  	s26 =	simm.s32 $execute0_lowered;
	[smem:$0x3FD2] =	sst s25  }
0xac: {  	s6 =	sshll.u32 s26, $0x1;
	_ =	strace $0x80000046;
	[dreg:$0x1] =	wrdreg $0xFFFFFFFF  }
0xad: {  	s28 =	simm.s32 $_size_execute0_lowered;
	s4 =	sadd.s32 s4, s6;
	[dreg:$0x0] =	wrdreg $0x0  }
0xae: {  	s6 =	sshll.u32 s28, $0x1;
	[dreg:$0x2] =	wrdreg s4  }
0xaf: {  	[dreg:$0x3] =	wrdreg s6  }
0xb0: {  	[dreg:$0x4] =	wrdreg $0xC0  }
0xb1: {  	_ =	task [dreg:s8], $0x5FFFF  }
0xb2: {  	[dreg:$0x1] =	wrdreg $0xFFFFFFFF  }
0xb3: {  	[dreg:$0x0] =	wrdreg $0x60  }
0xb4: {  	[dreg:$0x2] =	wrdreg s16  }
0xb5: {  	[dreg:$0x3] =	wrdreg s24  }
0xb6: {  	[dreg:$0x4] =	wrdreg s17  }
0xb7: {  	[dreg:$0x5] =	wrdreg $0x2800  }
0xb8: {  	[dreg:$0x6] =	wrdreg $0x0  }
0xb9: {  	[dreg:$0x7] =	wrdreg $0x9  }
0xba: {  	_ =	task.clear_ibuf [dreg:s8], $0x8FFFF;
	_ =	strace $0x90000046  }
0xbb: {  	s29 =	simm.s32 $0x9;
	_ =	strace $0x80000048  }
0xbc: {  	_ =	swait.ge [sflag:s29], $0x1  }
0xbd: {  	[sflag:s29] =	ssyncadd.s32 $0xFFFFFFFF  }
0xbe: {  	_ =	strace $0x90000048  }
0xbf: {  	_ =	sfence  }
0xc0: {  	s30 =	sld [smem:$0x0];
	_ =	sdelay $0x2  }
0xc1: {  	s31 =	sshll.u32 s1, $0xD;
	s1 =	sshrl.u32 s1, $0x2  }
0xc2: {  	s3 =	sand.u32 $0x4000, s31;
	s1 =	sadd.s32 s1, s30  }
0xc3: {  	s0 =	sor.u32 s3, s0;
	s1 =	sshll.u32 s1, $0x11  }
0xc4: {  	s0 =	sor.u32 s1, s0  }
0xc5: {  	s0 =	sadd.s32 $0x8F2B, s0  }
0xc6: {  	[sflag:s0] =	ssyncadd.remote.s32 $0x1  }
0xc7: {  	_ =	sfence.sel $0xFFFF  }
0xc8: {  	[dreg:$0x0] =	wrdreg $0xFFFFFFFF;
	(pc) =	sbr.abs _section_cstart, $3  }
0xc9: {  	[dreg:$0x1] =	wrdreg $0xFFFFFFFF  }
0xca: {  	_ =	task.clear_ibuf [dreg:s8], $0x2FFFF;
	_ =	strace $0x9FFFFFFF  }
0xcb: {  	(tm) =	ssettm $0x7FFFFFFF  }
tec
execute0_lowered:
.L_overlay_start_1:
0x0: {  	(tag) =	ssettag $0x1  }
0x1: {  	s0 =	rddreg [dreg:$0x0]  }
0x2: {  	s1 =	rddreg [dreg:$0x1]  }
0x3: {  	s2 =	rddreg [dreg:$0x3]  }
0x4: {  	s3 =	rddreg [dreg:$0x4];
	s4 =	srdreg.scid;
	s5 =	simm.s32 $0x0  }
0x5: {  	s14 =	stileid.u32;
	s17 =	simm.s32 $0x2;
	s28 =	simm.s32 $0x16F00  }
0x6: {  	s29 =	simm.s32 $0x19900;
	s30 =	simm.s32 $0x16F80;
	s8 =	smul.u32 $0x500, s14  }
0x7: {  	s31 =	simm.s32 $0x19980;
	s19 =	simm.s32 $0x0;
	s10 =	smul.u32 $0x28000, s14  }
0x8: {  	s4 =	sand.u32 $0x1, s4;
	[smem:$0x7FF] =	sst s5;
	s20 =	smul.u32 $0x14000, s14  }
0x9: {  	s11 =	sadd.s32 $0x6000, s1;
	s22 =	smul.u32 $0x280, s14;
	s24 =	sshll.u32 s14, $0x6  }
0xa: {  	s6 =	sshll.u32 s4, $0x4;
	_ =	strace $0x80000047;
	s9 =	sshll.u32 s4, $0x7  }
0xb: {  	s4 =	ssub.s32 $0x2, s4;
	s7 =	sor.u32 s14, s6;
	s8 =	sor.u32 s9, s8  }
0xc: {  	s9 =	sor.u32 s9, s10;
	s21 =	sshrl.u32 s4, $0x1;
	s16 =	sadd.s32 s20, s2  }
0xd: {  	s23 =	sshrl.u32 s20, $0x3;
	s26 =	sshrl.u32 s22, $0x3;
	s18 =	sadd.s32 s22, s3  }
0xe: {  	s6 =	sshll.u32 s7, $0x6;
	s8 =	sshrl.u32 s8, $0x3;
	s9 =	sshrl.u32 s9, $0x3  }
0xf: {  	s4 =	ssub.s32 s4, s21;
	s25 =	smul.u32 $0x500, s7;
	s7 =	sadd.s32 s11, s23  }
0x10: {  	s16 =	sshrl.u32 s16, $0x3;
	s18 =	sshrl.u32 s18, $0x3;
	s23 =	simm.s32 $0x19880  }
0x11: {  	s12 =	sadd.s32 s6, s1;
	s6 =	sadd.s32 $0x2E000, s1;
	s13 =	sadd.s32 s8, s1  }
0x12: {  	s1 =	sadd.s32 s9, s1;
	s8 =	sor.u32 $0x1C02, s24;
	s9 =	sadd.s32 s11, s26  }
0x13: {  	s15 =	smax.u32 s4, $0x1;
	s24 =	simm.s32 $0x80;
	s26 =	simm.s32 $0x16E80  }
0x14: {  	s4 =	simm.s32 $0x20;
	s10 =	sadd.s32 s0, s25;
	s11 =	sadd.s32 $0x5000, s12  }
0x15: {  	s12 =	sadd.s32 $0x5800, s12;
	s13 =	sadd.s32 $0x2E600, s13;
	s14 =	sadd.s32 $0x2F000, s1  }
0x16: {  	s25 =	simm.s32 $0x70;
	s0 =	simm.s32 $0x1;
	s1 =	simm.s32 $0x10  }
.LBB2_1:
0x17: {  	[spmem:s16], [sflag:s8] =	dma.local [hbm:s7], $0x2800  }
0x18: {  	_ =	swait.ge [sflag:s17], $0x2800  }
0x19: {  	[sflag:s17] =	ssyncset.done $0x0  }
0x1a: {  	[sflag:s17] =	ssyncadd.s32 $0xFFFFD800  }
0x1b: {  	[spmem:s18], [sflag:s8] =	dma.local [hbm:s9], $0x50  }
0x1c: {  	_ =	swait.ge [sflag:s17], $0x50  }
0x1d: {  	[sflag:s17] =	ssyncset.done $0x0  }
0x1e: {  	s20 =	simm.s32 $0x14280;
	[sflag:s17] =	ssyncadd.s32 $0xFFFFFFB0  }
0x1f: {  	[tilespmem:s20], [sflag:$0x2] =	stream.linear.gather [hbm4b:s10+s5], $0x2800, $0x38;
	[tilespmem:$0x19A80] =	vst v63  }
0x20: {  	_ =	swait.ge [sflag:s17], $0x2800  }
0x21: {  	[sflag:s17] =	ssyncset.done $0x0  }
0x22: {  	s21 =	simm.s32 $0x16A80;
	[sflag:s17] =	ssyncadd.s32 $0xFFFFD800  }
0x23: {  	[tilespmem:s21], [sflag:$0x2] =	stream.linear.gather [hbm4b:s11+s5], $0x180, $0x38;
	[tilespmem:$0x19A80] =	vst v63  }
0x24: {  	_ =	swait.ge [sflag:s17], $0x180  }
0x25: {  	[sflag:s17] =	ssyncset.done $0x0  }
0x26: {  	s22 =	simm.s32 $0x16C80;
	[sflag:s17] =	ssyncadd.s32 $0xFFFFFE80  }
0x27: {  	[tilespmem:s22], [sflag:$0x2] =	stream.linear.gather [hbm4b:s12+s5], $0x180, $0x38;
	[tilespmem:$0x19A80] =	vst v63  }
0x28: {  	_ =	swait.ge [sflag:s17], $0x180  }
0x29: {  	[sflag:s17] =	ssyncset.done $0x0  }
0x2a: {  	s21 =	simm.s32 $0x17080;
	[sflag:s17] =	ssyncadd.s32 $0xFFFFFE80  }
0x2b: {  	[tilespmem:s21], [sflag:$0x2] =	stream.linear.gather [hbm4b:s6+s5], $0x2800, $0x38;
	[tilespmem:$0x19A80] =	vst v63  }
0x2c: {  	_ =	swait.ge [sflag:s17], $0x2800  }
0x2d: {  	[sflag:s17] =	ssyncset.done $0x0  }
0x2e: {  	[sflag:s17] =	ssyncadd.s32 $0xFFFFD800  }
0x2f: {  	s22 =	rddreg [dreg:$0x2]  }
0x30: {  	[tilespmem:s23], [sflag:$0x2] =	stream.linear.gather [hbm4b:s22+s5], $0x180, $0x38;
	[tilespmem:$0x19A80] =	vst v63  }
0x31: {  	_ =	swait.ge [sflag:s17], $0x180  }
0x32: {  	[sflag:s17] =	ssyncset.done $0x0  }
0x33: {  	s20 =	simm.s32 $0x200;
	[sflag:s17] =	ssyncadd.s32 $0xFFFFFE80  }
0x34: {  	s21 =	simm.s32 $0x17080;
	s22 =	simm.s32 $0x14280;
	[bflag:$0x0] =	sbarrier.arrive $0xFFFF  }
.LBB2_2:
0x35: {  	[spmem:s3] =	stream.indirect.scatter.add.f32 [tilespmem:s21], [sflag:$0x1], $0x1, s22, s24, $0xb8;
	[tilespmem:$0x19A80] =	vst v63  }
0x36: {  	s21 =	smov.u32 s20;
	p0 =	sne.s32 s20, $0x9E00  }
.Ltmp0:
0x37: {  	s20 =	sadd.s32 $0x200, s20;
	(pc) =	sbr.rel @p0 .LBB2_2-.Ltmp0, $3  }
0x38: {  	_ =	sdelay $0x1  }
0x39: {  	s22 =	sshra.s32 s21, $0x2  }
0x3a: {  	s21 =	sadd.s32 $0x17080, s22;
	s22 =	sadd.s32 $0x14280, s22  }
0x3b: {  	[spmem:s3] =	stream.indirect.scatter.add.f32 [tilespmem:s21], [sflag:$0x1], $0x1, s22, s24, $0xb8;
	[tilespmem:$0x19A80] =	vst v63  }
0x3c: {  	v0 =	vld [tilespmem:$0x16A80]  }
0x3d: {  	v1 =	vld [tilespmem:$0x16C80]  }
0x3e: {  	v2 =	vld [tilespmem:$0x16A90]  }
0x3f: {  	v3 =	vld [tilespmem:$0x16C90]  }
0x40: {  	v4 =	vld [tilespmem:$0x16AA0]  }
0x41: {  	v5 =	vld [tilespmem:$0x16CA0]  }
0x42: {  	v6 =	vld [tilespmem:$0x16AB0]  }
0x43: {  	v7 =	vld [tilespmem:$0x16CB0]  }
0x44: {  	v8 =	vld [tilespmem:$0x16AC0]  }
0x45: {  	v9 =	vld [tilespmem:$0x16CC0]  }
0x46: {  	v10 =	vld [tilespmem:$0x16AD0]  }
0x47: {  	v11 =	vld [tilespmem:$0x16CD0];
	v0 =	vshll.u32 v0, $0x7  }
0x48: {  	v59 =	vld [tilespmem:$0x16AE0];
	v58 =	vshll.u32 v2, $0x7;
	v0 =	vadd.s32 v1, v0  }
0x49: {  	v62 =	vld [tilespmem:$0x16CE0];
	v61 =	vshll.u32 v4, $0x7;
	v60 =	vadd.s32 v3, v58;
	[tilespmem:$0x16E80] =	vst v0  }
0x4a: {  	v4 =	vshll.u32 v6, $0x7;
	v63 =	vadd.s32 v5, v61;
	[tilespmem:$0x16E90] =	vst v60  }
0x4b: {  	v6 =	vshll.u32 v8, $0x7;
	v5 =	vadd.s32 v7, v4;
	[tilespmem:$0x16EA0] =	vst v63  }
0x4c: {  	v8 =	vshll.u32 v10, $0x7;
	v7 =	vadd.s32 v9, v6;
	[tilespmem:$0x16EB0] =	vst v5  }
0x4d: {  	v10 =	vshll.u32 v59, $0x7;
	v9 =	vadd.s32 v11, v8;
	[tilespmem:$0x16EC0] =	vst v7  }
0x4e: {  	v11 =	vadd.s32 v62, v10;
	[tilespmem:$0x16ED0] =	vst v9  }
0x4f: {  	[tilespmem:$0x16EE0] =	vst v11  }
0x50: {  	[spmem:s2] =	stream.indirect.scatter.add.f32 [tilespmem:s23], [sflag:$0x1], $0x1, s26, s25, $0xb8;
	[tilespmem:$0x19A80] =	vst v63  }
0x51: {  	v12 =	vld [tilespmem:$0x16B00]  }
0x52: {  	v13 =	vld [tilespmem:$0x16D00]  }
0x53: {  	v14 =	vld [tilespmem:$0x16B10]  }
0x54: {  	v15 =	vld [tilespmem:$0x16D10]  }
0x55: {  	v16 =	vld [tilespmem:$0x16B20]  }
0x56: {  	v17 =	vld [tilespmem:$0x16D20]  }
0x57: {  	v18 =	vld [tilespmem:$0x16B30]  }
0x58: {  	v19 =	vld [tilespmem:$0x16D30]  }
0x59: {  	v20 =	vld [tilespmem:$0x16B40]  }
0x5a: {  	v21 =	vld [tilespmem:$0x16D40]  }
0x5b: {  	v22 =	vld [tilespmem:$0x16B50]  }
0x5c: {  	v23 =	vld [tilespmem:$0x16D50];
	v0 =	vshll.u32 v12, $0x7  }
0x5d: {  	v25 =	vld [tilespmem:$0x16B60];
	v24 =	vshll.u32 v14, $0x7;
	v0 =	vadd.s32 v13, v0  }
0x5e: {  	v28 =	vld [tilespmem:$0x16D60];
	v27 =	vshll.u32 v16, $0x7;
	v26 =	vadd.s32 v15, v24;
	[tilespmem:$0x16F00] =	vst v0  }
0x5f: {  	v30 =	vshll.u32 v18, $0x7;
	v29 =	vadd.s32 v17, v27;
	[tilespmem:$0x16F10] =	vst v26  }
0x60: {  	v32 =	vshll.u32 v20, $0x7;
	v31 =	vadd.s32 v19, v30;
	[tilespmem:$0x16F20] =	vst v29  }
0x61: {  	v34 =	vshll.u32 v22, $0x7;
	v33 =	vadd.s32 v21, v32;
	[tilespmem:$0x16F30] =	vst v31  }
0x62: {  	v36 =	vshll.u32 v25, $0x7;
	v35 =	vadd.s32 v23, v34;
	[tilespmem:$0x16F40] =	vst v33  }
0x63: {  	v37 =	vadd.s32 v28, v36;
	[tilespmem:$0x16F50] =	vst v35  }
0x64: {  	[tilespmem:$0x16F60] =	vst v37  }
0x65: {  	[spmem:s2] =	stream.indirect.scatter.add.f32 [tilespmem:s29], [sflag:$0x1], $0x1, s28, s25, $0xb8;
	[tilespmem:$0x19A80] =	vst v63  }
0x66: {  	v38 =	vld [tilespmem:$0x16B80]  }
0x67: {  	v39 =	vld [tilespmem:$0x16D80]  }
0x68: {  	v40 =	vld [tilespmem:$0x16B90]  }
0x69: {  	v41 =	vld [tilespmem:$0x16D90]  }
0x6a: {  	v42 =	vld [tilespmem:$0x16BA0]  }
0x6b: {  	v43 =	vld [tilespmem:$0x16DA0]  }
0x6c: {  	v44 =	vld [tilespmem:$0x16BB0]  }
0x6d: {  	v45 =	vld [tilespmem:$0x16DB0]  }
0x6e: {  	v46 =	vld [tilespmem:$0x16BC0]  }
0x6f: {  	v47 =	vld [tilespmem:$0x16DC0]  }
0x70: {  	v48 =	vld [tilespmem:$0x16BD0]  }
0x71: {  	v49 =	vld [tilespmem:$0x16DD0];
	v0 =	vshll.u32 v38, $0x7  }
0x72: {  	v51 =	vld [tilespmem:$0x16BE0];
	v50 =	vshll.u32 v40, $0x7;
	v0 =	vadd.s32 v39, v0  }
0x73: {  	v54 =	vld [tilespmem:$0x16DE0];
	v53 =	vshll.u32 v42, $0x7;
	v52 =	vadd.s32 v41, v50;
	[tilespmem:$0x16F80] =	vst v0  }
0x74: {  	v56 =	vshll.u32 v44, $0x7;
	v55 =	vadd.s32 v43, v53;
	[tilespmem:$0x16F90] =	vst v52  }
0x75: {  	v58 =	vshll.u32 v46, $0x7;
	v57 =	vadd.s32 v45, v56;
	[tilespmem:$0x16FA0] =	vst v55  }
0x76: {  	v60 =	vshll.u32 v48, $0x7;
	v59 =	vadd.s32 v47, v58;
	[tilespmem:$0x16FB0] =	vst v57  }
0x77: {  	v62 =	vshll.u32 v51, $0x7;
	v61 =	vadd.s32 v49, v60;
	[tilespmem:$0x16FC0] =	vst v59  }
0x78: {  	v63 =	vadd.s32 v54, v62;
	[tilespmem:$0x16FD0] =	vst v61  }
0x79: {  	[tilespmem:$0x16FE0] =	vst v63  }
0x7a: {  	[spmem:s2] =	stream.indirect.scatter.add.f32 [tilespmem:s31], [sflag:$0x1], $0x1, s30, s25, $0xb8;
	[tilespmem:$0x19A80] =	vst v63  }
0x7b: {  	_ =	swait.ge [sflag:s0], $0x80  }
0x7c: {  	s20 =	simm.s32 $0x4F;
	[sflag:s0] =	ssyncset.done $0x0  }
.LBB2_4:
0x7d: {  	p0 =	sne.s32 s20, $0x1;
	s20 =	sadd.s32 $0xFFFFFFFF, s20;
	[sflag:s0] =	ssyncadd.s32 $0xFFFFFF80  }
.Ltmp1:
0x7e: {  	(pc) =	sbr.rel @p0 .LBB2_4-.Ltmp1, $3  }
0x7f: {  	_ =	sdelay $0x1  }
0x80: {  	_ =	swait.ge [sflag:s0], $0x80  }
0x81: {  	[sflag:s0] =	ssyncset.done $0x0  }
0x82: {  	[sflag:s0] =	ssyncadd.s32 $0xFFFFFF80  }
0x83: {  	_ =	swait.ge [sflag:s0], $0x70  }
0x84: {  	[sflag:s0] =	ssyncset.done $0x0  }
0x85: {  	[sflag:s0] =	ssyncadd.s32 $0xFFFFFF90  }
0x86: {  	_ =	swait.ge [sflag:s0], $0x70  }
0x87: {  	[sflag:s0] =	ssyncset.done $0x0  }
0x88: {  	[sflag:s0] =	ssyncadd.s32 $0xFFFFFF90  }
0x89: {  	_ =	swait.ge [sflag:s0], $0x70  }
0x8a: {  	[sflag:s0] =	ssyncset.done $0x0  }
0x8b: {  	[sflag:s0] =	ssyncadd.s32 $0xFFFFFF90  }
0x8c: {  	[bflag:$0x0] =	sbarrier.arrive $0xFFFF  }
0x8d: {  	[hbm:s13@s4], [sflag:s8] =	dma.strided [spmem:s18@s1], $0x50, s0, $0x10   }
0x8e: {  	s19 =	sadd.s32 $0x1, s19;
	_ =	swait.ge [sflag:s17], $0x50  }
0x8f: {  	p0 =	sne.s32 s19, s15;
	[sflag:s17] =	ssyncset.done $0x0  }
.Ltmp2:
0x90: {  	[sflag:s17] =	ssyncadd.s32 $0xFFFFFFB0;
	(pc) =	sbr.rel @p0 .LBB2_1-.Ltmp2, $4  }
0x91: {  	[hbm:s14@s4], [sflag:s8] =	dma.strided [spmem:s16@s1], $0x2800, s0, $0x10   }
0x92: {  	_ =	swait.ge [sflag:s17], $0x2800  }
0x93: {  	[sflag:s17] =	ssyncset.done $0x0  }
0x94: {  	[sflag:s17] =	ssyncadd.s32 $0xFFFFD800  }
0x95: {  	_ =	sfence.sel $0x180000  }
0x96: {  	[bflag:$0x0] =	sbarrier.arrive $0xFFFF  }
0x97: {  	_ =	strace $0x90000047  }
0x98: {  	s0 =	stileid.u32;
	[bflag:$0x2] =	sbarrier.arrive $0xFFFF  }
0x99: {  	p0 =	sne.s32 s0, $0x0;
	s0 =	rddreg [dreg:$0x5]  }
0x9a: {  	s0 =	sadd.s32 @!p0 $0x100000, s0  }
0x9b: {  	[sflag:s0] =	ssyncadd.tile.s32 @!p0 $0x1;
	_ =	shalt  }
.Lfunc_end2:
_tile_overlayer_lowered:
.L_overlay_start_2:
0x9c: {  	(tag) =	ssettag $0x2  }
0x9d: {  	s0 =	rddreg [dreg:$0x0];
	s2 =	stileid.u32  }
0x9e: {  	s1 =	rddreg [dreg:$0x1];
	p0 =	sne.s32 s2, $0x0  }
0x9f: {  	s3 =	rddreg [dreg:$0x2];
	[bflag:$0x3] =	sbarrier.arrive $0xFFFF;
	s2 =	simm.s32 @!p0 $0x1C02  }
0xa0: {  	[timem:s3], [sflag:s2] =	dma.local @!p0 [hbm:s0], s1  }
0xa1: {  	s0 =	simm.s32 @!p0 $0x2  }
0xa2: {  	_ =	swait.ge @!p0 [sflag:s0], s1  }
0xa3: {  	s1 =	ssub.s32 @!p0 $0x0, s1;
	[sflag:s0] =	ssyncset.done @!p0 $0x0  }
0xa4: {  	[sflag:s0] =	ssyncadd.s32 @!p0 s1  }
0xa5: {  	[bflag:$0x3] =	sbarrier.arrive $0xFFFF  }
0xa6: {  	_ =	shalt  }

</sc_bundles>
